<compile_context>
chip_gen: v7x
topology: tpu7x:2x2x1
jax: 0.10.2.dev20260603
libtpu: 0.0.44.dev20260713+nightly
codegen_flags: <defaults>
</compile_context>

<pallas_src>
import functools

import jax
import jax.numpy as jnp
from jax import lax
from jax.experimental import pallas as pl
from jax.experimental.pallas import tpu as pltpu
from jax.experimental.pallas import tpu_sc as plsc

A_THRESH = 30000
N_ROWS = 50000
D_IN = 300
NCB = 6
CBW = 64
D_PAD = NCB * CBW
B_NODES = 10000
E_EDGES = 160000
EPT = 10240
E_PAD = 16 * EPT
ECH = 128
NCH = EPT // ECH
B_PAD = 10240
SPT = B_PAD // 16
SCH = SPT // ECH
ACC_ROWS = 16 * 1264
RPT = ACC_ROWS // 16


def _sc_body(xr, nodes_h, esrc_h, edst_h, sums_h, selfo_h,
             nodes_v, src_v, dst_v, slot1d, slotbuf, gb0, acc, sem0):
    c = lax.axis_index("c")
    s = lax.axis_index("s")
    ebase = s * EPT
    sbase = s * SPT
    zrow = s * RPT

    pltpu.sync_copy(nodes_h, nodes_v)
    pltpu.sync_copy(esrc_h.at[pl.ds(ebase, EPT)], src_v)
    pltpu.sync_copy(edst_h.at[pl.ds(ebase, EPT)], dst_v)

    def mk_idx(j, carry):
        for l in range(8):
            off = j * 128 + l * 16
            src16 = src_v[pl.ds(off, 16)]
            dst16 = dst_v[pl.ds(off, 16)]
            nd = jnp.minimum(dst16, B_NODES - 1)
            nval = plsc.load_gather(nodes_v, [nd])
            sa = ((src16 - A_THRESH) >> 31) & 1
            na = ((nval - A_THRESH) >> 31) & 1
            t16 = sa ^ na
            valid = ((dst16 - B_NODES) >> 31) & 1
            slot = valid * (dst16 + t16 * B_NODES - 2 * B_NODES) \
                + 2 * B_NODES
            slot1d[pl.ds(off, 16)] = slot
            src_v[pl.ds(off, 16)] = src16 * NCB
        return carry

    lax.fori_loop(0, NCH, mk_idx, 0)

    def mk_sidx(j, carry):
        for l in range(8):
            off = j * 128 + l * 16
            nv = nodes_v[pl.ds(sbase + off, 16)]
            nodes_v[pl.ds(off, 16)] = nv * NCB
        return carry

    lax.fori_loop(0, SCH, mk_sidx, 0)

    zero16 = jnp.zeros((16,), jnp.float32)

    for p in range(3):
        cb = 3 * c + p

        def mk_gidx(j, carry):
            for l in range(8):
                off = j * 128 + l * 16
                dst_v[pl.ds(off, 16)] = src_v[pl.ds(off, 16)] + cb
            return carry

        lax.fori_loop(0, NCH, mk_gidx, 0)

        def mk_gsidx(j, carry):
            for l in range(8):
                off = j * 128 + l * 16
                nodes_v[pl.ds(SPT + off, 16)] = nodes_v[pl.ds(off, 16)] + cb
            return carry

        lax.fori_loop(0, SCH, mk_gsidx, 0)

        def mk_zero(r, carry):
            for cc in range(CBW // 16):
                gb0[r, pl.ds(cc * 16, 16)] = zero16
            return carry

        lax.fori_loop(0, ECH, mk_zero, 0)

        def do_zero(k, carry):
            pltpu.sync_copy(gb0, acc.at[pl.ds(zrow + k * ECH, ECH)])
            return carry

        lax.fori_loop(0, RPT // ECH, do_zero, 0)
        pltpu.sync_copy(gb0.at[pl.ds(0, RPT % ECH)],
                        acc.at[pl.ds(zrow + (RPT // ECH) * ECH, RPT % ECH)])
        plsc.subcore_barrier()

        def edge_chunk(j, carry):
            for l in range(8):
                slotbuf[0, pl.ds(l * 16, 16)] = \
                    slot1d[pl.ds(j * ECH + l * 16, 16)]
            pltpu.async_copy(xr.at[dst_v.at[pl.ds(j * ECH, ECH)]], gb0,
                             sem0).wait()
            pltpu.sync_copy(gb0, acc.at[slotbuf.at[0]], add=True)
            return carry

        lax.fori_loop(0, NCH, edge_chunk, 0)
        plsc.subcore_barrier()

        def writeout(k, carry):
            pltpu.sync_copy(acc.at[pl.ds(zrow + k * ECH, ECH)],
                            sums_h.at[cb, pl.ds(zrow + k * ECH, ECH)])
            return carry

        lax.fori_loop(0, RPT // ECH, writeout, 0)
        pltpu.sync_copy(
            acc.at[pl.ds(zrow + (RPT // ECH) * ECH, RPT % ECH)],
            sums_h.at[cb, pl.ds(zrow + (RPT // ECH) * ECH, RPT % ECH)])

        def self_chunk(j, carry):
            pltpu.async_copy(
                xr.at[nodes_v.at[pl.ds(SPT + j * ECH, ECH)]], gb0,
                sem0).wait()
            pltpu.sync_copy(gb0, selfo_h.at[cb, pl.ds(sbase + j * ECH, ECH)])
            return carry

        lax.fori_loop(0, SCH, self_chunk, 0)


@functools.cache
def _get_sc_encoder():
    return functools.partial(
        pl.kernel,
        out_type=[
            jax.ShapeDtypeStruct((NCB, ACC_ROWS, CBW), jnp.float32),
            jax.ShapeDtypeStruct((NCB, B_PAD, CBW), jnp.float32),
        ],
        mesh=plsc.VectorSubcoreMesh(core_axis_name="c",
                                    subcore_axis_name="s"),
        compiler_params=pltpu.CompilerParams(needs_layout_passes=False,
                                             use_tc_tiling_on_sc=False),
        scratch_types=[
            pltpu.VMEM((B_PAD,), jnp.int32),
            pltpu.VMEM((EPT,), jnp.int32),
            pltpu.VMEM((EPT,), jnp.int32),
            pltpu.VMEM((EPT,), jnp.int32),
            pltpu.VMEM((1, ECH), jnp.int32),
            pltpu.VMEM((ECH, CBW), jnp.float32),
            pltpu.VMEM_SHARED((ACC_ROWS, CBW), jnp.float32),
            pltpu.SemaphoreType.DMA,
        ],
    )(_sc_body)


def _tc_body(self_ref, s1_ref, s2_ref, w_ref, b_ref, out_ref):
    sf = self_ref[:, :D_IN]

    def feat(ref):
        v = ref[...]
        cnt = v[:, D_IN:D_IN + 1]
        return jnp.where(cnt > 0.0, v[:, :D_IN] / jnp.maximum(cnt, 1.0), 1.0)

    f1 = feat(s1_ref)
    f2 = feat(s2_ref)
    acc = jnp.dot(sf, w_ref[0], preferred_element_type=jnp.float32)
    acc = acc + jnp.dot(f1, w_ref[1], preferred_element_type=jnp.float32)
    acc = acc + jnp.dot(f2, w_ref[2], preferred_element_type=jnp.float32)
    out_ref[...] = acc + b_ref[...]


def _tc_call(selfr, sums, W1r, b1r):
    R = 1000
    grid = B_NODES // R
    return pl.pallas_call(
        _tc_body,
        grid=(grid,),
        in_specs=[
            pl.BlockSpec((R, D_PAD), lambda i: (i, 0)),
            pl.BlockSpec((R, D_PAD), lambda i: (i, 0)),
            pl.BlockSpec((R, D_PAD), lambda i: (i + grid, 0)),
            pl.BlockSpec((3, D_IN, D_IN), lambda i: (0, 0, 0)),
            pl.BlockSpec((1, D_IN), lambda i: (0, 0)),
        ],
        out_specs=pl.BlockSpec((R, D_IN), lambda i: (i, 0)),
        out_shape=jax.ShapeDtypeStruct((B_NODES, D_IN), jnp.float32),
    )(selfr, sums, sums, W1r, b1r)


def kernel(x, W1, b1, nodes, edge_dst, edge_src):
    x = x.astype(jnp.float32)
    nodes = nodes.astype(jnp.int32)
    edge_dst = edge_dst.astype(jnp.int32)
    edge_src = edge_src.astype(jnp.int32)

    xp = jnp.concatenate(
        [x, jnp.ones((N_ROWS, 1), jnp.float32),
         jnp.zeros((N_ROWS, D_PAD - D_IN - 1), jnp.float32)], axis=1)
    xr = xp.reshape(N_ROWS * NCB, CBW)

    nodes_pad = jnp.pad(nodes, (0, B_PAD - B_NODES))
    esrc_pad = jnp.pad(edge_src, (0, E_PAD - E_EDGES))
    edst_pad = jnp.pad(edge_dst, (0, E_PAD - E_EDGES),
                       constant_values=2 * B_NODES)

    sums6, self6 = _get_sc_encoder()(xr, nodes_pad, esrc_pad, edst_pad)
    sums = jnp.transpose(sums6[:, :2 * B_NODES], (1, 0, 2)).reshape(
        2 * B_NODES, D_PAD)
    selfr = jnp.transpose(self6, (1, 0, 2)).reshape(B_PAD, D_PAD)

    W1r = W1.astype(jnp.float32).reshape(3, D_IN, D_IN)
    b1r = b1.astype(jnp.float32).reshape(1, D_IN)
    return _tc_call(selfr, sums, W1r, b1r)

# --- scband reference (transcript-rebuilt; emitter-appended) ---
"""Pipeline reference for scband-encoder-20822001451484 (READ-ONLY COPY).

The authoritative reference and input builder live on the scoring server;
editing this copy changes nothing except your own understanding.
"""

import jax, jax.numpy as jnp
import numpy as np

NUM_AUTHOR = 30000
N_TOTAL = 50000
EMBED_DIM = 300
B = 10000
E = 160000


def setup_inputs(seed: int = 0) -> dict:
    key = jax.random.key(seed)
    k1, k2, k3, k4, k5 = jax.random.split(key, 5)
    x = jax.random.normal(k1, (N_TOTAL, EMBED_DIM), dtype=jnp.float32)
    W1 = jax.random.normal(k2, (3 * EMBED_DIM, EMBED_DIM), dtype=jnp.float32) / np.sqrt(3 * EMBED_DIM)
    b1 = jnp.zeros((EMBED_DIM,), dtype=jnp.float32)
    nodes = jax.random.randint(k3, (B,), 0, N_TOTAL, dtype=jnp.int64) if jax.config.jax_enable_x64 else jax.random.randint(k3, (B,), 0, N_TOTAL).astype(jnp.int32)
    edge_dst = jnp.sort(jax.random.randint(k4, (E,), 0, B).astype(jnp.int32))
    edge_src = jax.random.randint(k5, (E,), 0, N_TOTAL).astype(jnp.int32)
    return {"x": x, "W1": W1, "b1": b1, "nodes": nodes, "edge_dst": edge_dst, "edge_src": edge_src}


def reference(x, W1, b1, nodes, edge_dst, edge_src):
    # Faithful vectorized translation of Encoder.forward:
    # for each query node, neighbors split into same-type (type_1) and
    # cross-type (type_2) by the author/paper index threshold; each group is
    # mean-pooled (ones vector if empty); concat [self, type1, type2] -> linear1.
    Bn = nodes.shape[0]
    node_is_author = (nodes < NUM_AUTHOR)                      # [B]
    nb_is_author = (edge_src < NUM_AUTHOR)                     # [E]
    center_is_author = jnp.take(node_is_author, edge_dst)      # [E]
    same_type = (nb_is_author == center_is_author)             # [E] -> type_1 membership
    nb_feat = jnp.take(x, edge_src, axis=0)                    # [E, d] gather
    w1 = same_type.astype(x.dtype)[:, None]
    w2 = 1.0 - w1
    sum1 = jax.ops.segment_sum(nb_feat * w1, edge_dst, num_segments=Bn)
    sum2 = jax.ops.segment_sum(nb_feat * w2, edge_dst, num_segments=Bn)
    cnt1 = jax.ops.segment_sum(w1[:, 0], edge_dst, num_segments=Bn)
    cnt2 = jax.ops.segment_sum(w2[:, 0], edge_dst, num_segments=Bn)
    ones = jnp.ones((Bn, EMBED_DIM), dtype=x.dtype)
    type1_feat = jnp.where((cnt1 > 0)[:, None], sum1 / jnp.maximum(cnt1, 1.0)[:, None], ones)
    type2_feat = jnp.where((cnt2 > 0)[:, None], sum2 / jnp.maximum(cnt2, 1.0)[:, None], ones)
    self_feats = jnp.take(x, nodes, axis=0)                    # [B, d]
    combined = jnp.concatenate([self_feats, type1_feat, type2_feat], axis=1)  # [B, 3d]
    out = combined @ W1 + b1                                   # linear1
    return out


if False:  # reference __main__ guard neutralized (emitter)
    inp = setup_inputs()
    out = reference(**inp)
    print(out.shape, out.dtype)

if __name__ == "__main__":
    import jax
    _d = setup_inputs()
    print(jax.jit(kernel)(*tuple(_d.values())))

</pallas_src>

<mosaic_0001>
#map = affine_map<(d0, d1) -> (0, 0)>
#map1 = affine_map<(d0, d1) -> (0)>
#map2 = affine_map<(d0, d1) -> (0, 0, 0)>
module attributes {stable_mosaic.version = 14 : i64} {
  func.func @_sc_body(%arg0: i32, %arg1: i32, %arg2: memref<300000x64xf32, #tpu.memory_space<hbm>>, %arg3: memref<10240xi32, #tpu.memory_space<hbm>>, %arg4: memref<163840xi32, #tpu.memory_space<hbm>>, %arg5: memref<163840xi32, #tpu.memory_space<hbm>>, %arg6: memref<6x20224x64xf32, #tpu.memory_space<hbm>>, %arg7: memref<6x10240x64xf32, #tpu.memory_space<hbm>>, %arg8: memref<10240xi32, #tpu.memory_space<vmem>>, %arg9: memref<10240xi32, #tpu.memory_space<vmem>>, %arg10: memref<10240xi32, #tpu.memory_space<vmem>>, %arg11: memref<10240xi32, #tpu.memory_space<vmem>>, %arg12: memref<1x128xi32, #tpu.memory_space<vmem>>, %arg13: memref<128x64xf32, #tpu.memory_space<vmem>>, %arg14: memref<20224x64xf32, #tpu.memory_space<vmem_shared>>, %arg15: memref<!tpu.dma_semaphore, #tpu.memory_space<semaphore_mem>>) attributes {dimension_semantics = [#tpu.dimension_semantics<core_parallel>, #tpu.dimension_semantics<subcore_parallel>], iteration_bounds = array<i64: 2, 16>, scalar_prefetch = 0 : i64, scratch_operands = 8 : i64, tpu.core_type = #tpu.core_type<sc_vector_subcore>, window_params = [{transform_indices = #map}, {transform_indices = #map1}, {transform_indices = #map1}, {transform_indices = #map1}, {transform_indices = #map2}, {transform_indices = #map2}]} {
    %mul3A = arith.constant 10240 : i32
    %mul3A_0 = arith.muli %arg1, %mul3A : i32
    %mul3A_1 = arith.constant 640 : i32
    %mul3A_2 = arith.muli %arg1, %mul3A_1 : i32
    %mul3A_3 = arith.constant 1264 : i32
    %mul3A_4 = arith.muli %arg1, %mul3A_3 : i32
    "tpu.region"() ({
      %run_scoped3A = tpu.sem_alloc : memref<!tpu.dma_semaphore, #tpu.memory_space<semaphore_mem>>
      tpu.enqueue_dma source(%arg3 : memref<10240xi32, #tpu.memory_space<hbm>>) target(%arg8 : memref<10240xi32, #tpu.memory_space<vmem>>) target_semaphore(%run_scoped3A : memref<!tpu.dma_semaphore, #tpu.memory_space<semaphore_mem>>)
      tpu.wait_dma2 semaphore(%run_scoped3A : memref<!tpu.dma_semaphore, #tpu.memory_space<semaphore_mem>>) src(%arg3 : memref<10240xi32, #tpu.memory_space<hbm>>) dst(%arg8 : memref<10240xi32, #tpu.memory_space<vmem>>)
      tpu.yield
    }) : () -> ()
    "tpu.region"() ({
      %run_scoped3A = tpu.sem_alloc : memref<!tpu.dma_semaphore, #tpu.memory_space<semaphore_mem>>
      %dma_start3A = tpu.memref_slice %arg4[%mul3A_0] : memref<163840xi32, #tpu.memory_space<hbm>> -> memref<10240xi32, #tpu.memory_space<hbm>>
      %dma_start3A_177 = tpu.memref_slice %arg4[%mul3A_0] : memref<163840xi32, #tpu.memory_space<hbm>> -> memref<10240xi32, #tpu.memory_space<hbm>>
      tpu.enqueue_dma source(%dma_start3A_177 : memref<10240xi32, #tpu.memory_space<hbm>>) target(%arg9 : memref<10240xi32, #tpu.memory_space<vmem>>) target_semaphore(%run_scoped3A : memref<!tpu.dma_semaphore, #tpu.memory_space<semaphore_mem>>)
      %dma_wait3A = tpu.memref_slice %arg4[%mul3A_0] : memref<163840xi32, #tpu.memory_space<hbm>> -> memref<10240xi32, #tpu.memory_space<hbm>>
      %dma_wait3A_178 = tpu.memref_slice %arg4[%mul3A_0] : memref<163840xi32, #tpu.memory_space<hbm>> -> memref<10240xi32, #tpu.memory_space<hbm>>
      tpu.wait_dma2 semaphore(%run_scoped3A : memref<!tpu.dma_semaphore, #tpu.memory_space<semaphore_mem>>) src(%dma_wait3A_178 : memref<10240xi32, #tpu.memory_space<hbm>>) dst(%arg9 : memref<10240xi32, #tpu.memory_space<vmem>>)
      tpu.yield
    }) : () -> ()
    "tpu.region"() ({
      %run_scoped3A = tpu.sem_alloc : memref<!tpu.dma_semaphore, #tpu.memory_space<semaphore_mem>>
      %dma_start3A = tpu.memref_slice %arg5[%mul3A_0] : memref<163840xi32, #tpu.memory_space<hbm>> -> memref<10240xi32, #tpu.memory_space<hbm>>
      %dma_start3A_177 = tpu.memref_slice %arg5[%mul3A_0] : memref<163840xi32, #tpu.memory_space<hbm>> -> memref<10240xi32, #tpu.memory_space<hbm>>
      tpu.enqueue_dma source(%dma_start3A_177 : memref<10240xi32, #tpu.memory_space<hbm>>) target(%arg10 : memref<10240xi32, #tpu.memory_space<vmem>>) target_semaphore(%run_scoped3A : memref<!tpu.dma_semaphore, #tpu.memory_space<semaphore_mem>>)
      %dma_wait3A = tpu.memref_slice %arg5[%mul3A_0] : memref<163840xi32, #tpu.memory_space<hbm>> -> memref<10240xi32, #tpu.memory_space<hbm>>
      %dma_wait3A_178 = tpu.memref_slice %arg5[%mul3A_0] : memref<163840xi32, #tpu.memory_space<hbm>> -> memref<10240xi32, #tpu.memory_space<hbm>>
      tpu.wait_dma2 semaphore(%run_scoped3A : memref<!tpu.dma_semaphore, #tpu.memory_space<semaphore_mem>>) src(%dma_wait3A_178 : memref<10240xi32, #tpu.memory_space<hbm>>) dst(%arg10 : memref<10240xi32, #tpu.memory_space<vmem>>)
      tpu.yield
    }) : () -> ()
    %scan3A = arith.constant 0 : i32
    %scan3A_5 = arith.constant 0 : i32
    %scan3A_6 = arith.constant 80 : i32
    %scan3A_7 = arith.addi %scan3A_5, %scan3A_6 : i32
    %scan3A_8 = arith.constant 1 : i32
    scf.for %scan3A_177 = %scan3A_5 to %scan3A_7 step %scan3A_8  : i32 {
      %mul3A_178 = arith.constant 128 : i32
      %mul3A_179 = arith.muli %scan3A_177, %mul3A_178 : i32
      %add3A_180 = arith.constant 0 : i32
      %add3A_181 = arith.addi %mul3A_179, %add3A_180 : i32
      %get3A = arith.index_cast %add3A_181 : i32 to index
      %get3A_182 = tpu.vector_load %arg9[%get3A] {strides = array<i32>} : memref<10240xi32, #tpu.memory_space<vmem>>, vector<16xi32>,
      %get3A_183 = arith.index_cast %add3A_181 : i32 to index
      %get3A_184 = tpu.vector_load %arg10[%get3A_183] {strides = array<i32>} : memref<10240xi32, #tpu.memory_space<vmem>>, vector<16xi32>,
      %min3A = arith.constant 9999 : i32
      %min3A_185 = vector.broadcast %min3A : i32 to vector<16xi32>
      %min3A_186 = arith.minsi %get3A_184, %min3A_185 : vector<16xi32>
      %gather3A = tpu.vector_load_idx %arg8[%min3A_186] : memref<10240xi32, #tpu.memory_space<vmem>>[vector<16xi32>], vector<16xi32>,
      %sub3A = arith.constant 30000 : i32
      %sub3A_187 = vector.broadcast %sub3A : i32 to vector<16xi32>
      %sub3A_188 = arith.subi %get3A_182, %sub3A_187 : vector<16xi32>
      %shift_right_arithmetic3A = arith.constant 31 : i32
      %shift_right_arithmetic3A_189 = vector.broadcast %shift_right_arithmetic3A : i32 to vector<16xi32>
      %shift_right_arithmetic3A_190 = arith.shrsi %sub3A_188, %shift_right_arithmetic3A_189 : vector<16xi32>
      %and3A = arith.constant 1 : i32
      %and3A_191 = vector.broadcast %and3A : i32 to vector<16xi32>
      %and3A_192 = arith.andi %shift_right_arithmetic3A_190, %and3A_191 : vector<16xi32>
      %sub3A_193 = arith.constant 30000 : i32
      %sub3A_194 = vector.broadcast %sub3A_193 : i32 to vector<16xi32>
      %sub3A_195 = arith.subi %gather3A, %sub3A_194 : vector<16xi32>
      %shift_right_arithmetic3A_196 = arith.constant 31 : i32
      %shift_right_arithmetic3A_197 = vector.broadcast %shift_right_arithmetic3A_196 : i32 to vector<16xi32>
      %shift_right_arithmetic3A_198 = arith.shrsi %sub3A_195, %shift_right_arithmetic3A_197 : vector<16xi32>
      %and3A_199 = arith.constant 1 : i32
      %and3A_200 = vector.broadcast %and3A_199 : i32 to vector<16xi32>
      %and3A_201 = arith.andi %shift_right_arithmetic3A_198, %and3A_200 : vector<16xi32>
      %xor3A = arith.xori %and3A_192, %and3A_201 : vector<16xi32>
      %sub3A_202 = arith.constant 10000 : i32
      %sub3A_203 = vector.broadcast %sub3A_202 : i32 to vector<16xi32>
      %sub3A_204 = arith.subi %get3A_184, %sub3A_203 : vector<16xi32>
      %shift_right_arithmetic3A_205 = arith.constant 31 : i32
      %shift_right_arithmetic3A_206 = vector.broadcast %shift_right_arithmetic3A_205 : i32 to vector<16xi32>
      %shift_right_arithmetic3A_207 = arith.shrsi %sub3A_204, %shift_right_arithmetic3A_206 : vector<16xi32>
      %and3A_208 = arith.constant 1 : i32
      %and3A_209 = vector.broadcast %and3A_208 : i32 to vector<16xi32>
      %and3A_210 = arith.andi %shift_right_arithmetic3A_207, %and3A_209 : vector<16xi32>
      %mul3A_211 = arith.constant 10000 : i32
      %mul3A_212 = vector.broadcast %mul3A_211 : i32 to vector<16xi32>
      %mul3A_213 = arith.muli %xor3A, %mul3A_212 : vector<16xi32>
      %add3A_214 = arith.addi %get3A_184, %mul3A_213 : vector<16xi32>
      %sub3A_215 = arith.constant 20000 : i32
      %sub3A_216 = vector.broadcast %sub3A_215 : i32 to vector<16xi32>
      %sub3A_217 = arith.subi %add3A_214, %sub3A_216 : vector<16xi32>
      %mul3A_218 = arith.muli %and3A_210, %sub3A_217 : vector<16xi32>
      %add3A_219 = arith.constant 20000 : i32
      %add3A_220 = vector.broadcast %add3A_219 : i32 to vector<16xi32>
      %add3A_221 = arith.addi %mul3A_218, %add3A_220 : vector<16xi32>
      %swap3A = arith.index_cast %add3A_181 : i32 to index
      %swap3A_222 = tpu.vector_load %arg11[%swap3A] {strides = array<i32>} : memref<10240xi32, #tpu.memory_space<vmem>>, vector<16xi32>,
      tpu.vector_store %arg11[%swap3A], %add3A_221 {strides = array<i32>} : memref<10240xi32, #tpu.memory_space<vmem>>, vector<16xi32>,
      %mul3A_223 = arith.constant 6 : i32
      %mul3A_224 = vector.broadcast %mul3A_223 : i32 to vector<16xi32>
      %mul3A_225 = arith.muli %get3A_182, %mul3A_224 : vector<16xi32>
      %swap3A_226 = arith.index_cast %add3A_181 : i32 to index
      %swap3A_227 = tpu.vector_load %arg9[%swap3A_226] {strides = array<i32>} : memref<10240xi32, #tpu.memory_space<vmem>>, vector<16xi32>,
      tpu.vector_store %arg9[%swap3A_226], %mul3A_225 {strides = array<i32>} : memref<10240xi32, #tpu.memory_space<vmem>>, vector<16xi32>,
      %mul3A_228 = arith.constant 128 : i32
      %mul3A_229 = arith.muli %scan3A_177, %mul3A_228 : i32
      %add3A_230 = arith.constant 16 : i32
      %add3A_231 = arith.addi %mul3A_229, %add3A_230 : i32
      %get3A_232 = arith.index_cast %add3A_231 : i32 to index
      %get3A_233 = tpu.vector_load %arg9[%get3A_232] {strides = array<i32>} : memref<10240xi32, #tpu.memory_space<vmem>>, vector<16xi32>,
      %get3A_234 = arith.index_cast %add3A_231 : i32 to index
      %get3A_235 = tpu.vector_load %arg10[%get3A_234] {strides = array<i32>} : memref<10240xi32, #tpu.memory_space<vmem>>, vector<16xi32>,
      %min3A_236 = arith.constant 9999 : i32
      %min3A_237 = vector.broadcast %min3A_236 : i32 to vector<16xi32>
      %min3A_238 = arith.minsi %get3A_235, %min3A_237 : vector<16xi32>
      %gather3A_239 = tpu.vector_load_idx %arg8[%min3A_238] : memref<10240xi32, #tpu.memory_space<vmem>>[vector<16xi32>], vector<16xi32>,
      %sub3A_240 = arith.constant 30000 : i32
      %sub3A_241 = vector.broadcast %sub3A_240 : i32 to vector<16xi32>
      %sub3A_242 = arith.subi %get3A_233, %sub3A_241 : vector<16xi32>
      %shift_right_arithmetic3A_243 = arith.constant 31 : i32
      %shift_right_arithmetic3A_244 = vector.broadcast %shift_right_arithmetic3A_243 : i32 to vector<16xi32>
      %shift_right_arithmetic3A_245 = arith.shrsi %sub3A_242, %shift_right_arithmetic3A_244 : vector<16xi32>
      %and3A_246 = arith.constant 1 : i32
      %and3A_247 = vector.broadcast %and3A_246 : i32 to vector<16xi32>
      %and3A_248 = arith.andi %shift_right_arithmetic3A_245, %and3A_247 : vector<16xi32>
      %sub3A_249 = arith.constant 30000 : i32
      %sub3A_250 = vector.broadcast %sub3A_249 : i32 to vector<16xi32>
      %sub3A_251 = arith.subi %gather3A_239, %sub3A_250 : vector<16xi32>
      %shift_right_arithmetic3A_252 = arith.constant 31 : i32
      %shift_right_arithmetic3A_253 = vector.broadcast %shift_right_arithmetic3A_252 : i32 to vector<16xi32>
      %shift_right_arithmetic3A_254 = arith.shrsi %sub3A_251, %shift_right_arithmetic3A_253 : vector<16xi32>
      %and3A_255 = arith.constant 1 : i32
      %and3A_256 = vector.broadcast %and3A_255 : i32 to vector<16xi32>
      %and3A_257 = arith.andi %shift_right_arithmetic3A_254, %and3A_256 : vector<16xi32>
      %xor3A_258 = arith.xori %and3A_248, %and3A_257 : vector<16xi32>
      %sub3A_259 = arith.constant 10000 : i32
      %sub3A_260 = vector.broadcast %sub3A_259 : i32 to vector<16xi32>
      %sub3A_261 = arith.subi %get3A_235, %sub3A_260 : vector<16xi32>
      %shift_right_arithmetic3A_262 = arith.constant 31 : i32
      %shift_right_arithmetic3A_263 = vector.broadcast %shift_right_arithmetic3A_262 : i32 to vector<16xi32>
      %shift_right_arithmetic3A_264 = arith.shrsi %sub3A_261, %shift_right_arithmetic3A_263 : vector<16xi32>
      %and3A_265 = arith.constant 1 : i32
      %and3A_266 = vector.broadcast %and3A_265 : i32 to vector<16xi32>
      %and3A_267 = arith.andi %shift_right_arithmetic3A_264, %and3A_266 : vector<16xi32>
      %mul3A_268 = arith.constant 10000 : i32
      %mul3A_269 = vector.broadcast %mul3A_268 : i32 to vector<16xi32>
      %mul3A_270 = arith.muli %xor3A_258, %mul3A_269 : vector<16xi32>
      %add3A_271 = arith.addi %get3A_235, %mul3A_270 : vector<16xi32>
      %sub3A_272 = arith.constant 20000 : i32
      %sub3A_273 = vector.broadcast %sub3A_272 : i32 to vector<16xi32>
      %sub3A_274 = arith.subi %add3A_271, %sub3A_273 : vector<16xi32>
      %mul3A_275 = arith.muli %and3A_267, %sub3A_274 : vector<16xi32>
      %add3A_276 = arith.constant 20000 : i32
      %add3A_277 = vector.broadcast %add3A_276 : i32 to vector<16xi32>
      %add3A_278 = arith.addi %mul3A_275, %add3A_277 : vector<16xi32>
      %swap3A_279 = arith.index_cast %add3A_231 : i32 to index
      %swap3A_280 = tpu.vector_load %arg11[%swap3A_279] {strides = array<i32>} : memref<10240xi32, #tpu.memory_space<vmem>>, vector<16xi32>,
      tpu.vector_store %arg11[%swap3A_279], %add3A_278 {strides = array<i32>} : memref<10240xi32, #tpu.memory_space<vmem>>, vector<16xi32>,
      %mul3A_281 = arith.constant 6 : i32
      %mul3A_282 = vector.broadcast %mul3A_281 : i32 to vector<16xi32>
      %mul3A_283 = arith.muli %get3A_233, %mul3A_282 : vector<16xi32>
      %swap3A_284 = arith.index_cast %add3A_231 : i32 to index
      %swap3A_285 = tpu.vector_load %arg9[%swap3A_284] {strides = array<i32>} : memref<10240xi32, #tpu.memory_space<vmem>>, vector<16xi32>,
      tpu.vector_store %arg9[%swap3A_284], %mul3A_283 {strides = array<i32>} : memref<10240xi32, #tpu.memory_space<vmem>>, vector<16xi32>,
      %mul3A_286 = arith.constant 128 : i32
      %mul3A_287 = arith.muli %scan3A_177, %mul3A_286 : i32
      %add3A_288 = arith.constant 32 : i32
      %add3A_289 = arith.addi %mul3A_287, %add3A_288 : i32
      %get3A_290 = arith.index_cast %add3A_289 : i32 to index
      %get3A_291 = tpu.vector_load %arg9[%get3A_290] {strides = array<i32>} : memref<10240xi32, #tpu.memory_space<vmem>>, vector<16xi32>,
      %get3A_292 = arith.index_cast %add3A_289 : i32 to index
      %get3A_293 = tpu.vector_load %arg10[%get3A_292] {strides = array<i32>} : memref<10240xi32, #tpu.memory_space<vmem>>, vector<16xi32>,
      %min3A_294 = arith.constant 9999 : i32
      %min3A_295 = vector.broadcast %min3A_294 : i32 to vector<16xi32>
      %min3A_296 = arith.minsi %get3A_293, %min3A_295 : vector<16xi32>
      %gather3A_297 = tpu.vector_load_idx %arg8[%min3A_296] : memref<10240xi32, #tpu.memory_space<vmem>>[vector<16xi32>], vector<16xi32>,
      %sub3A_298 = arith.constant 30000 : i32
      %sub3A_299 = vector.broadcast %sub3A_298 : i32 to vector<16xi32>
      %sub3A_300 = arith.subi %get3A_291, %sub3A_299 : vector<16xi32>
      %shift_right_arithmetic3A_301 = arith.constant 31 : i32
      %shift_right_arithmetic3A_302 = vector.broadcast %shift_right_arithmetic3A_301 : i32 to vector<16xi32>
      %shift_right_arithmetic3A_303 = arith.shrsi %sub3A_300, %shift_right_arithmetic3A_302 : vector<16xi32>
      %and3A_304 = arith.constant 1 : i32
      %and3A_305 = vector.broadcast %and3A_304 : i32 to vector<16xi32>
      %and3A_306 = arith.andi %shift_right_arithmetic3A_303, %and3A_305 : vector<16xi32>
      %sub3A_307 = arith.constant 30000 : i32
      %sub3A_308 = vector.broadcast %sub3A_307 : i32 to vector<16xi32>
      %sub3A_309 = arith.subi %gather3A_297, %sub3A_308 : vector<16xi32>
      %shift_right_arithmetic3A_310 = arith.constant 31 : i32
      %shift_right_arithmetic3A_311 = vector.broadcast %shift_right_arithmetic3A_310 : i32 to vector<16xi32>
      %shift_right_arithmetic3A_312 = arith.shrsi %sub3A_309, %shift_right_arithmetic3A_311 : vector<16xi32>
      %and3A_313 = arith.constant 1 : i32
      %and3A_314 = vector.broadcast %and3A_313 : i32 to vector<16xi32>
      %and3A_315 = arith.andi %shift_right_arithmetic3A_312, %and3A_314 : vector<16xi32>
      %xor3A_316 = arith.xori %and3A_306, %and3A_315 : vector<16xi32>
      %sub3A_317 = arith.constant 10000 : i32
      %sub3A_318 = vector.broadcast %sub3A_317 : i32 to vector<16xi32>
      %sub3A_319 = arith.subi %get3A_293, %sub3A_318 : vector<16xi32>
      %shift_right_arithmetic3A_320 = arith.constant 31 : i32
      %shift_right_arithmetic3A_321 = vector.broadcast %shift_right_arithmetic3A_320 : i32 to vector<16xi32>
      %shift_right_arithmetic3A_322 = arith.shrsi %sub3A_319, %shift_right_arithmetic3A_321 : vector<16xi32>
      %and3A_323 = arith.constant 1 : i32
      %and3A_324 = vector.broadcast %and3A_323 : i32 to vector<16xi32>
      %and3A_325 = arith.andi %shift_right_arithmetic3A_322, %and3A_324 : vector<16xi32>
      %mul3A_326 = arith.constant 10000 : i32
      %mul3A_327 = vector.broadcast %mul3A_326 : i32 to vector<16xi32>
      %mul3A_328 = arith.muli %xor3A_316, %mul3A_327 : vector<16xi32>
      %add3A_329 = arith.addi %get3A_293, %mul3A_328 : vector<16xi32>
      %sub3A_330 = arith.constant 20000 : i32
      %sub3A_331 = vector.broadcast %sub3A_330 : i32 to vector<16xi32>
      %sub3A_332 = arith.subi %add3A_329, %sub3A_331 : vector<16xi32>
      %mul3A_333 = arith.muli %and3A_325, %sub3A_332 : vector<16xi32>
      %add3A_334 = arith.constant 20000 : i32
      %add3A_335 = vector.broadcast %add3A_334 : i32 to vector<16xi32>
      %add3A_336 = arith.addi %mul3A_333, %add3A_335 : vector<16xi32>
      %swap3A_337 = arith.index_cast %add3A_289 : i32 to index
      %swap3A_338 = tpu.vector_load %arg11[%swap3A_337] {strides = array<i32>} : memref<10240xi32, #tpu.memory_space<vmem>>, vector<16xi32>,
      tpu.vector_store %arg11[%swap3A_337], %add3A_336 {strides = array<i32>} : memref<10240xi32, #tpu.memory_space<vmem>>, vector<16xi32>,
      %mul3A_339 = arith.constant 6 : i32
      %mul3A_340 = vector.broadcast %mul3A_339 : i32 to vector<16xi32>
      %mul3A_341 = arith.muli %get3A_291, %mul3A_340 : vector<16xi32>
      %swap3A_342 = arith.index_cast %add3A_289 : i32 to index
      %swap3A_343 = tpu.vector_load %arg9[%swap3A_342] {strides = array<i32>} : memref<10240xi32, #tpu.memory_space<vmem>>, vector<16xi32>,
      tpu.vector_store %arg9[%swap3A_342], %mul3A_341 {strides = array<i32>} : memref<10240xi32, #tpu.memory_space<vmem>>, vector<16xi32>,
      %mul3A_344 = arith.constant 128 : i32
      %mul3A_345 = arith.muli %scan3A_177, %mul3A_344 : i32
      %add3A_346 = arith.constant 48 : i32
      %add3A_347 = arith.addi %mul3A_345, %add3A_346 : i32
      %get3A_348 = arith.index_cast %add3A_347 : i32 to index
      %get3A_349 = tpu.vector_load %arg9[%get3A_348] {strides = array<i32>} : memref<10240xi32, #tpu.memory_space<vmem>>, vector<16xi32>,
      %get3A_350 = arith.index_cast %add3A_347 : i32 to index
      %get3A_351 = tpu.vector_load %arg10[%get3A_350] {strides = array<i32>} : memref<10240xi32, #tpu.memory_space<vmem>>, vector<16xi32>,
      %min3A_352 = arith.constant 9999 : i32
      %min3A_353 = vector.broadcast %min3A_352 : i32 to vector<16xi32>
      %min3A_354 = arith.minsi %get3A_351, %min3A_353 : vector<16xi32>
      %gather3A_355 = tpu.vector_load_idx %arg8[%min3A_354] : memref<10240xi32, #tpu.memory_space<vmem>>[vector<16xi32>], vector<16xi32>,
      %sub3A_356 = arith.constant 30000 : i32
      %sub3A_357 = vector.broadcast %sub3A_356 : i32 to vector<16xi32>
      %sub3A_358 = arith.subi %get3A_349, %sub3A_357 : vector<16xi32>
      %shift_right_arithmetic3A_359 = arith.constant 31 : i32
      %shift_right_arithmetic3A_360 = vector.broadcast %shift_right_arithmetic3A_359 : i32 to vector<16xi32>
      %shift_right_arithmetic3A_361 = arith.shrsi %sub3A_358, %shift_right_arithmetic3A_360 : vector<16xi32>
      %and3A_362 = arith.constant 1 : i32
      %and3A_363 = vector.broadcast %and3A_362 : i32 to vector<16xi32>
      %and3A_364 = arith.andi %shift_right_arithmetic3A_361, %and3A_363 : vector<16xi32>
      %sub3A_365 = arith.constant 30000 : i32
      %sub3A_366 = vector.broadcast %sub3A_365 : i32 to vector<16xi32>
      %sub3A_367 = arith.subi %gather3A_355, %sub3A_366 : vector<16xi32>
      %shift_right_arithmetic3A_368 = arith.constant 31 : i32
      %shift_right_arithmetic3A_369 = vector.broadcast %shift_right_arithmetic3A_368 : i32 to vector<16xi32>
      %shift_right_arithmetic3A_370 = arith.shrsi %sub3A_367, %shift_right_arithmetic3A_369 : vector<16xi32>
      %and3A_371 = arith.constant 1 : i32
      %and3A_372 = vector.broadcast %and3A_371 : i32 to vector<16xi32>
      %and3A_373 = arith.andi %shift_right_arithmetic3A_370, %and3A_372 : vector<16xi32>
      %xor3A_374 = arith.xori %and3A_364, %and3A_373 : vector<16xi32>
      %sub3A_375 = arith.constant 10000 : i32
      %sub3A_376 = vector.broadcast %sub3A_375 : i32 to vector<16xi32>
      %sub3A_377 = arith.subi %get3A_351, %sub3A_376 : vector<16xi32>
      %shift_right_arithmetic3A_378 = arith.constant 31 : i32
      %shift_right_arithmetic3A_379 = vector.broadcast %shift_right_arithmetic3A_378 : i32 to vector<16xi32>
      %shift_right_arithmetic3A_380 = arith.shrsi %sub3A_377, %shift_right_arithmetic3A_379 : vector<16xi32>
      %and3A_381 = arith.constant 1 : i32
      %and3A_382 = vector.broadcast %and3A_381 : i32 to vector<16xi32>
      %and3A_383 = arith.andi %shift_right_arithmetic3A_380, %and3A_382 : vector<16xi32>
      %mul3A_384 = arith.constant 10000 : i32
      %mul3A_385 = vector.broadcast %mul3A_384 : i32 to vector<16xi32>
      %mul3A_386 = arith.muli %xor3A_374, %mul3A_385 : vector<16xi32>
      %add3A_387 = arith.addi %get3A_351, %mul3A_386 : vector<16xi32>
      %sub3A_388 = arith.constant 20000 : i32
      %sub3A_389 = vector.broadcast %sub3A_388 : i32 to vector<16xi32>
      %sub3A_390 = arith.subi %add3A_387, %sub3A_389 : vector<16xi32>
      %mul3A_391 = arith.muli %and3A_383, %sub3A_390 : vector<16xi32>
      %add3A_392 = arith.constant 20000 : i32
      %add3A_393 = vector.broadcast %add3A_392 : i32 to vector<16xi32>
      %add3A_394 = arith.addi %mul3A_391, %add3A_393 : vector<16xi32>
      %swap3A_395 = arith.index_cast %add3A_347 : i32 to index
      %swap3A_396 = tpu.vector_load %arg11[%swap3A_395] {strides = array<i32>} : memref<10240xi32, #tpu.memory_space<vmem>>, vector<16xi32>,
      tpu.vector_store %arg11[%swap3A_395], %add3A_394 {strides = array<i32>} : memref<10240xi32, #tpu.memory_space<vmem>>, vector<16xi32>,
      %mul3A_397 = arith.constant 6 : i32
      %mul3A_398 = vector.broadcast %mul3A_397 : i32 to vector<16xi32>
      %mul3A_399 = arith.muli %get3A_349, %mul3A_398 : vector<16xi32>
      %swap3A_400 = arith.index_cast %add3A_347 : i32 to index
      %swap3A_401 = tpu.vector_load %arg9[%swap3A_400] {strides = array<i32>} : memref<10240xi32, #tpu.memory_space<vmem>>, vector<16xi32>,
      tpu.vector_store %arg9[%swap3A_400], %mul3A_399 {strides = array<i32>} : memref<10240xi32, #tpu.memory_space<vmem>>, vector<16xi32>,
      %mul3A_402 = arith.constant 128 : i32
      %mul3A_403 = arith.muli %scan3A_177, %mul3A_402 : i32
      %add3A_404 = arith.constant 64 : i32
      %add3A_405 = arith.addi %mul3A_403, %add3A_404 : i32
      %get3A_406 = arith.index_cast %add3A_405 : i32 to index
      %get3A_407 = tpu.vector_load %arg9[%get3A_406] {strides = array<i32>} : memref<10240xi32, #tpu.memory_space<vmem>>, vector<16xi32>,
      %get3A_408 = arith.index_cast %add3A_405 : i32 to index
      %get3A_409 = tpu.vector_load %arg10[%get3A_408] {strides = array<i32>} : memref<10240xi32, #tpu.memory_space<vmem>>, vector<16xi32>,
      %min3A_410 = arith.constant 9999 : i32
      %min3A_411 = vector.broadcast %min3A_410 : i32 to vector<16xi32>
      %min3A_412 = arith.minsi %get3A_409, %min3A_411 : vector<16xi32>
      %gather3A_413 = tpu.vector_load_idx %arg8[%min3A_412] : memref<10240xi32, #tpu.memory_space<vmem>>[vector<16xi32>], vector<16xi32>,
      %sub3A_414 = arith.constant 30000 : i32
      %sub3A_415 = vector.broadcast %sub3A_414 : i32 to vector<16xi32>
      %sub3A_416 = arith.subi %get3A_407, %sub3A_415 : vector<16xi32>
      %shift_right_arithmetic3A_417 = arith.constant 31 : i32
      %shift_right_arithmetic3A_418 = vector.broadcast %shift_right_arithmetic3A_417 : i32 to vector<16xi32>
      %shift_right_arithmetic3A_419 = arith.shrsi %sub3A_416, %shift_right_arithmetic3A_418 : vector<16xi32>
      %and3A_420 = arith.constant 1 : i32
      %and3A_421 = vector.broadcast %and3A_420 : i32 to vector<16xi32>
      %and3A_422 = arith.andi %shift_right_arithmetic3A_419, %and3A_421 : vector<16xi32>
      %sub3A_423 = arith.constant 30000 : i32
      %sub3A_424 = vector.broadcast %sub3A_423 : i32 to vector<16xi32>
      %sub3A_425 = arith.subi %gather3A_413, %sub3A_424 : vector<16xi32>
      %shift_right_arithmetic3A_426 = arith.constant 31 : i32
      %shift_right_arithmetic3A_427 = vector.broadcast %shift_right_arithmetic3A_426 : i32 to vector<16xi32>
      %shift_right_arithmetic3A_428 = arith.shrsi %sub3A_425, %shift_right_arithmetic3A_427 : vector<16xi32>
      %and3A_429 = arith.constant 1 : i32
      %and3A_430 = vector.broadcast %and3A_429 : i32 to vector<16xi32>
      %and3A_431 = arith.andi %shift_right_arithmetic3A_428, %and3A_430 : vector<16xi32>
      %xor3A_432 = arith.xori %and3A_422, %and3A_431 : vector<16xi32>
      %sub3A_433 = arith.constant 10000 : i32
      %sub3A_434 = vector.broadcast %sub3A_433 : i32 to vector<16xi32>
      %sub3A_435 = arith.subi %get3A_409, %sub3A_434 : vector<16xi32>
      %shift_right_arithmetic3A_436 = arith.constant 31 : i32
      %shift_right_arithmetic3A_437 = vector.broadcast %shift_right_arithmetic3A_436 : i32 to vector<16xi32>
      %shift_right_arithmetic3A_438 = arith.shrsi %sub3A_435, %shift_right_arithmetic3A_437 : vector<16xi32>
      %and3A_439 = arith.constant 1 : i32
      %and3A_440 = vector.broadcast %and3A_439 : i32 to vector<16xi32>
      %and3A_441 = arith.andi %shift_right_arithmetic3A_438, %and3A_440 : vector<16xi32>
      %mul3A_442 = arith.constant 10000 : i32
      %mul3A_443 = vector.broadcast %mul3A_442 : i32 to vector<16xi32>
      %mul3A_444 = arith.muli %xor3A_432, %mul3A_443 : vector<16xi32>
      %add3A_445 = arith.addi %get3A_409, %mul3A_444 : vector<16xi32>
      %sub3A_446 = arith.constant 20000 : i32
      %sub3A_447 = vector.broadcast %sub3A_446 : i32 to vector<16xi32>
      %sub3A_448 = arith.subi %add3A_445, %sub3A_447 : vector<16xi32>
      %mul3A_449 = arith.muli %and3A_441, %sub3A_448 : vector<16xi32>
      %add3A_450 = arith.constant 20000 : i32
      %add3A_451 = vector.broadcast %add3A_450 : i32 to vector<16xi32>
      %add3A_452 = arith.addi %mul3A_449, %add3A_451 : vector<16xi32>
      %swap3A_453 = arith.index_cast %add3A_405 : i32 to index
      %swap3A_454 = tpu.vector_load %arg11[%swap3A_453] {strides = array<i32>} : memref<10240xi32, #tpu.memory_space<vmem>>, vector<16xi32>,
      tpu.vector_store %arg11[%swap3A_453], %add3A_452 {strides = array<i32>} : memref<10240xi32, #tpu.memory_space<vmem>>, vector<16xi32>,
      %mul3A_455 = arith.constant 6 : i32
      %mul3A_456 = vector.broadcast %mul3A_455 : i32 to vector<16xi32>
      %mul3A_457 = arith.muli %get3A_407, %mul3A_456 : vector<16xi32>
      %swap3A_458 = arith.index_cast %add3A_405 : i32 to index
      %swap3A_459 = tpu.vector_load %arg9[%swap3A_458] {strides = array<i32>} : memref<10240xi32, #tpu.memory_space<vmem>>, vector<16xi32>,
      tpu.vector_store %arg9[%swap3A_458], %mul3A_457 {strides = array<i32>} : memref<10240xi32, #tpu.memory_space<vmem>>, vector<16xi32>,
      %mul3A_460 = arith.constant 128 : i32
      %mul3A_461 = arith.muli %scan3A_177, %mul3A_460 : i32
      %add3A_462 = arith.constant 80 : i32
      %add3A_463 = arith.addi %mul3A_461, %add3A_462 : i32
      %get3A_464 = arith.index_cast %add3A_463 : i32 to index
      %get3A_465 = tpu.vector_load %arg9[%get3A_464] {strides = array<i32>} : memref<10240xi32, #tpu.memory_space<vmem>>, vector<16xi32>,
      %get3A_466 = arith.index_cast %add3A_463 : i32 to index
      %get3A_467 = tpu.vector_load %arg10[%get3A_466] {strides = array<i32>} : memref<10240xi32, #tpu.memory_space<vmem>>, vector<16xi32>,
      %min3A_468 = arith.constant 9999 : i32
      %min3A_469 = vector.broadcast %min3A_468 : i32 to vector<16xi32>
      %min3A_470 = arith.minsi %get3A_467, %min3A_469 : vector<16xi32>
      %gather3A_471 = tpu.vector_load_idx %arg8[%min3A_470] : memref<10240xi32, #tpu.memory_space<vmem>>[vector<16xi32>], vector<16xi32>,
      %sub3A_472 = arith.constant 30000 : i32
      %sub3A_473 = vector.broadcast %sub3A_472 : i32 to vector<16xi32>
      %sub3A_474 = arith.subi %get3A_465, %sub3A_473 : vector<16xi32>
      %shift_right_arithmetic3A_475 = arith.constant 31 : i32
      %shift_right_arithmetic3A_476 = vector.broadcast %shift_right_arithmetic3A_475 : i32 to vector<16xi32>
      %shift_right_arithmetic3A_477 = arith.shrsi %sub3A_474, %shift_right_arithmetic3A_476 : vector<16xi32>
      %and3A_478 = arith.constant 1 : i32
      %and3A_479 = vector.broadcast %and3A_478 : i32 to vector<16xi32>
      %and3A_480 = arith.andi %shift_right_arithmetic3A_477, %and3A_479 : vector<16xi32>
      %sub3A_481 = arith.constant 30000 : i32
      %sub3A_482 = vector.broadcast %sub3A_481 : i32 to vector<16xi32>
      %sub3A_483 = arith.subi %gather3A_471, %sub3A_482 : vector<16xi32>
      %shift_right_arithmetic3A_484 = arith.constant 31 : i32
      %shift_right_arithmetic3A_485 = vector.broadcast %shift_right_arithmetic3A_484 : i32 to vector<16xi32>
      %shift_right_arithmetic3A_486 = arith.shrsi %sub3A_483, %shift_right_arithmetic3A_485 : vector<16xi32>
      %and3A_487 = arith.constant 1 : i32
      %and3A_488 = vector.broadcast %and3A_487 : i32 to vector<16xi32>
      %and3A_489 = arith.andi %shift_right_arithmetic3A_486, %and3A_488 : vector<16xi32>
      %xor3A_490 = arith.xori %and3A_480, %and3A_489 : vector<16xi32>
      %sub3A_491 = arith.constant 10000 : i32
      %sub3A_492 = vector.broadcast %sub3A_491 : i32 to vector<16xi32>
      %sub3A_493 = arith.subi %get3A_467, %sub3A_492 : vector<16xi32>
      %shift_right_arithmetic3A_494 = arith.constant 31 : i32
      %shift_right_arithmetic3A_495 = vector.broadcast %shift_right_arithmetic3A_494 : i32 to vector<16xi32>
      %shift_right_arithmetic3A_496 = arith.shrsi %sub3A_493, %shift_right_arithmetic3A_495 : vector<16xi32>
      %and3A_497 = arith.constant 1 : i32
      %and3A_498 = vector.broadcast %and3A_497 : i32 to vector<16xi32>
      %and3A_499 = arith.andi %shift_right_arithmetic3A_496, %and3A_498 : vector<16xi32>
      %mul3A_500 = arith.constant 10000 : i32
      %mul3A_501 = vector.broadcast %mul3A_500 : i32 to vector<16xi32>
      %mul3A_502 = arith.muli %xor3A_490, %mul3A_501 : vector<16xi32>
      %add3A_503 = arith.addi %get3A_467, %mul3A_502 : vector<16xi32>
      %sub3A_504 = arith.constant 20000 : i32
      %sub3A_505 = vector.broadcast %sub3A_504 : i32 to vector<16xi32>
      %sub3A_506 = arith.subi %add3A_503, %sub3A_505 : vector<16xi32>
      %mul3A_507 = arith.muli %and3A_499, %sub3A_506 : vector<16xi32>
      %add3A_508 = arith.constant 20000 : i32
      %add3A_509 = vector.broadcast %add3A_508 : i32 to vector<16xi32>
      %add3A_510 = arith.addi %mul3A_507, %add3A_509 : vector<16xi32>
      %swap3A_511 = arith.index_cast %add3A_463 : i32 to index
      %swap3A_512 = tpu.vector_load %arg11[%swap3A_511] {strides = array<i32>} : memref<10240xi32, #tpu.memory_space<vmem>>, vector<16xi32>,
      tpu.vector_store %arg11[%swap3A_511], %add3A_510 {strides = array<i32>} : memref<10240xi32, #tpu.memory_space<vmem>>, vector<16xi32>,
      %mul3A_513 = arith.constant 6 : i32
      %mul3A_514 = vector.broadcast %mul3A_513 : i32 to vector<16xi32>
      %mul3A_515 = arith.muli %get3A_465, %mul3A_514 : vector<16xi32>
      %swap3A_516 = arith.index_cast %add3A_463 : i32 to index
      %swap3A_517 = tpu.vector_load %arg9[%swap3A_516] {strides = array<i32>} : memref<10240xi32, #tpu.memory_space<vmem>>, vector<16xi32>,
      tpu.vector_store %arg9[%swap3A_516], %mul3A_515 {strides = array<i32>} : memref<10240xi32, #tpu.memory_space<vmem>>, vector<16xi32>,
      %mul3A_518 = arith.constant 128 : i32
      %mul3A_519 = arith.muli %scan3A_177, %mul3A_518 : i32
      %add3A_520 = arith.constant 96 : i32
      %add3A_521 = arith.addi %mul3A_519, %add3A_520 : i32
      %get3A_522 = arith.index_cast %add3A_521 : i32 to index
      %get3A_523 = tpu.vector_load %arg9[%get3A_522] {strides = array<i32>} : memref<10240xi32, #tpu.memory_space<vmem>>, vector<16xi32>,
      %get3A_524 = arith.index_cast %add3A_521 : i32 to index
      %get3A_525 = tpu.vector_load %arg10[%get3A_524] {strides = array<i32>} : memref<10240xi32, #tpu.memory_space<vmem>>, vector<16xi32>,
      %min3A_526 = arith.constant 9999 : i32
      %min3A_527 = vector.broadcast %min3A_526 : i32 to vector<16xi32>
      %min3A_528 = arith.minsi %get3A_525, %min3A_527 : vector<16xi32>
      %gather3A_529 = tpu.vector_load_idx %arg8[%min3A_528] : memref<10240xi32, #tpu.memory_space<vmem>>[vector<16xi32>], vector<16xi32>,
      %sub3A_530 = arith.constant 30000 : i32
      %sub3A_531 = vector.broadcast %sub3A_530 : i32 to vector<16xi32>
      %sub3A_532 = arith.subi %get3A_523, %sub3A_531 : vector<16xi32>
      %shift_right_arithmetic3A_533 = arith.constant 31 : i32
      %shift_right_arithmetic3A_534 = vector.broadcast %shift_right_arithmetic3A_533 : i32 to vector<16xi32>
      %shift_right_arithmetic3A_535 = arith.shrsi %sub3A_532, %shift_right_arithmetic3A_534 : vector<16xi32>
      %and3A_536 = arith.constant 1 : i32
      %and3A_537 = vector.broadcast %and3A_536 : i32 to vector<16xi32>
      %and3A_538 = arith.andi %shift_right_arithmetic3A_535, %and3A_537 : vector<16xi32>
      %sub3A_539 = arith.constant 30000 : i32
      %sub3A_540 = vector.broadcast %sub3A_539 : i32 to vector<16xi32>
      %sub3A_541 = arith.subi %gather3A_529, %sub3A_540 : vector<16xi32>
      %shift_right_arithmetic3A_542 = arith.constant 31 : i32
      %shift_right_arithmetic3A_543 = vector.broadcast %shift_right_arithmetic3A_542 : i32 to vector<16xi32>
      %shift_right_arithmetic3A_544 = arith.shrsi %sub3A_541, %shift_right_arithmetic3A_543 : vector<16xi32>
      %and3A_545 = arith.constant 1 : i32
      %and3A_546 = vector.broadcast %and3A_545 : i32 to vector<16xi32>
      %and3A_547 = arith.andi %shift_right_arithmetic3A_544, %and3A_546 : vector<16xi32>
      %xor3A_548 = arith.xori %and3A_538, %and3A_547 : vector<16xi32>
      %sub3A_549 = arith.constant 10000 : i32
      %sub3A_550 = vector.broadcast %sub3A_549 : i32 to vector<16xi32>
      %sub3A_551 = arith.subi %get3A_525, %sub3A_550 : vector<16xi32>
      %shift_right_arithmetic3A_552 = arith.constant 31 : i32
      %shift_right_arithmetic3A_553 = vector.broadcast %shift_right_arithmetic3A_552 : i32 to vector<16xi32>
      %shift_right_arithmetic3A_554 = arith.shrsi %sub3A_551, %shift_right_arithmetic3A_553 : vector<16xi32>
      %and3A_555 = arith.constant 1 : i32
      %and3A_556 = vector.broadcast %and3A_555 : i32 to vector<16xi32>
      %and3A_557 = arith.andi %shift_right_arithmetic3A_554, %and3A_556 : vector<16xi32>
      %mul3A_558 = arith.constant 10000 : i32
      %mul3A_559 = vector.broadcast %mul3A_558 : i32 to vector<16xi32>
      %mul3A_560 = arith.muli %xor3A_548, %mul3A_559 : vector<16xi32>
      %add3A_561 = arith.addi %get3A_525, %mul3A_560 : vector<16xi32>
      %sub3A_562 = arith.constant 20000 : i32
      %sub3A_563 = vector.broadcast %sub3A_562 : i32 to vector<16xi32>
      %sub3A_564 = arith.subi %add3A_561, %sub3A_563 : vector<16xi32>
      %mul3A_565 = arith.muli %and3A_557, %sub3A_564 : vector<16xi32>
      %add3A_566 = arith.constant 20000 : i32
      %add3A_567 = vector.broadcast %add3A_566 : i32 to vector<16xi32>
      %add3A_568 = arith.addi %mul3A_565, %add3A_567 : vector<16xi32>
      %swap3A_569 = arith.index_cast %add3A_521 : i32 to index
      %swap3A_570 = tpu.vector_load %arg11[%swap3A_569] {strides = array<i32>} : memref<10240xi32, #tpu.memory_space<vmem>>, vector<16xi32>,
      tpu.vector_store %arg11[%swap3A_569], %add3A_568 {strides = array<i32>} : memref<10240xi32, #tpu.memory_space<vmem>>, vector<16xi32>,
      %mul3A_571 = arith.constant 6 : i32
      %mul3A_572 = vector.broadcast %mul3A_571 : i32 to vector<16xi32>
      %mul3A_573 = arith.muli %get3A_523, %mul3A_572 : vector<16xi32>
      %swap3A_574 = arith.index_cast %add3A_521 : i32 to index
      %swap3A_575 = tpu.vector_load %arg9[%swap3A_574] {strides = array<i32>} : memref<10240xi32, #tpu.memory_space<vmem>>, vector<16xi32>,
      tpu.vector_store %arg9[%swap3A_574], %mul3A_573 {strides = array<i32>} : memref<10240xi32, #tpu.memory_space<vmem>>, vector<16xi32>,
      %mul3A_576 = arith.constant 128 : i32
      %mul3A_577 = arith.muli %scan3A_177, %mul3A_576 : i32
      %add3A_578 = arith.constant 112 : i32
      %add3A_579 = arith.addi %mul3A_577, %add3A_578 : i32
      %get3A_580 = arith.index_cast %add3A_579 : i32 to index
      %get3A_581 = tpu.vector_load %arg9[%get3A_580] {strides = array<i32>} : memref<10240xi32, #tpu.memory_space<vmem>>, vector<16xi32>,
      %get3A_582 = arith.index_cast %add3A_579 : i32 to index
      %get3A_583 = tpu.vector_load %arg10[%get3A_582] {strides = array<i32>} : memref<10240xi32, #tpu.memory_space<vmem>>, vector<16xi32>,
      %min3A_584 = arith.constant 9999 : i32
      %min3A_585 = vector.broadcast %min3A_584 : i32 to vector<16xi32>
      %min3A_586 = arith.minsi %get3A_583, %min3A_585 : vector<16xi32>
      %gather3A_587 = tpu.vector_load_idx %arg8[%min3A_586] : memref<10240xi32, #tpu.memory_space<vmem>>[vector<16xi32>], vector<16xi32>,
      %sub3A_588 = arith.constant 30000 : i32
      %sub3A_589 = vector.broadcast %sub3A_588 : i32 to vector<16xi32>
      %sub3A_590 = arith.subi %get3A_581, %sub3A_589 : vector<16xi32>
      %shift_right_arithmetic3A_591 = arith.constant 31 : i32
      %shift_right_arithmetic3A_592 = vector.broadcast %shift_right_arithmetic3A_591 : i32 to vector<16xi32>
      %shift_right_arithmetic3A_593 = arith.shrsi %sub3A_590, %shift_right_arithmetic3A_592 : vector<16xi32>
      %and3A_594 = arith.constant 1 : i32
      %and3A_595 = vector.broadcast %and3A_594 : i32 to vector<16xi32>
      %and3A_596 = arith.andi %shift_right_arithmetic3A_593, %and3A_595 : vector<16xi32>
      %sub3A_597 = arith.constant 30000 : i32
      %sub3A_598 = vector.broadcast %sub3A_597 : i32 to vector<16xi32>
      %sub3A_599 = arith.subi %gather3A_587, %sub3A_598 : vector<16xi32>
      %shift_right_arithmetic3A_600 = arith.constant 31 : i32
      %shift_right_arithmetic3A_601 = vector.broadcast %shift_right_arithmetic3A_600 : i32 to vector<16xi32>
      %shift_right_arithmetic3A_602 = arith.shrsi %sub3A_599, %shift_right_arithmetic3A_601 : vector<16xi32>
      %and3A_603 = arith.constant 1 : i32
      %and3A_604 = vector.broadcast %and3A_603 : i32 to vector<16xi32>
      %and3A_605 = arith.andi %shift_right_arithmetic3A_602, %and3A_604 : vector<16xi32>
      %xor3A_606 = arith.xori %and3A_596, %and3A_605 : vector<16xi32>
      %sub3A_607 = arith.constant 10000 : i32
      %sub3A_608 = vector.broadcast %sub3A_607 : i32 to vector<16xi32>
      %sub3A_609 = arith.subi %get3A_583, %sub3A_608 : vector<16xi32>
      %shift_right_arithmetic3A_610 = arith.constant 31 : i32
      %shift_right_arithmetic3A_611 = vector.broadcast %shift_right_arithmetic3A_610 : i32 to vector<16xi32>
      %shift_right_arithmetic3A_612 = arith.shrsi %sub3A_609, %shift_right_arithmetic3A_611 : vector<16xi32>
      %and3A_613 = arith.constant 1 : i32
      %and3A_614 = vector.broadcast %and3A_613 : i32 to vector<16xi32>
      %and3A_615 = arith.andi %shift_right_arithmetic3A_612, %and3A_614 : vector<16xi32>
      %mul3A_616 = arith.constant 10000 : i32
      %mul3A_617 = vector.broadcast %mul3A_616 : i32 to vector<16xi32>
      %mul3A_618 = arith.muli %xor3A_606, %mul3A_617 : vector<16xi32>
      %add3A_619 = arith.addi %get3A_583, %mul3A_618 : vector<16xi32>
      %sub3A_620 = arith.constant 20000 : i32
      %sub3A_621 = vector.broadcast %sub3A_620 : i32 to vector<16xi32>
      %sub3A_622 = arith.subi %add3A_619, %sub3A_621 : vector<16xi32>
      %mul3A_623 = arith.muli %and3A_615, %sub3A_622 : vector<16xi32>
      %add3A_624 = arith.constant 20000 : i32
      %add3A_625 = vector.broadcast %add3A_624 : i32 to vector<16xi32>
      %add3A_626 = arith.addi %mul3A_623, %add3A_625 : vector<16xi32>
      %swap3A_627 = arith.index_cast %add3A_579 : i32 to index
      %swap3A_628 = tpu.vector_load %arg11[%swap3A_627] {strides = array<i32>} : memref<10240xi32, #tpu.memory_space<vmem>>, vector<16xi32>,
      tpu.vector_store %arg11[%swap3A_627], %add3A_626 {strides = array<i32>} : memref<10240xi32, #tpu.memory_space<vmem>>, vector<16xi32>,
      %mul3A_629 = arith.constant 6 : i32
      %mul3A_630 = vector.broadcast %mul3A_629 : i32 to vector<16xi32>
      %mul3A_631 = arith.muli %get3A_581, %mul3A_630 : vector<16xi32>
      %swap3A_632 = arith.index_cast %add3A_579 : i32 to index
      %swap3A_633 = tpu.vector_load %arg9[%swap3A_632] {strides = array<i32>} : memref<10240xi32, #tpu.memory_space<vmem>>, vector<16xi32>,
      tpu.vector_store %arg9[%swap3A_632], %mul3A_631 {strides = array<i32>} : memref<10240xi32, #tpu.memory_space<vmem>>, vector<16xi32>,
    }
    %scan3A_9 = arith.constant 80 : i32
    %scan3A_10 = arith.constant 0 : i32
    %scan3A_11 = arith.constant 0 : i32
    %scan3A_12 = arith.constant 5 : i32
    %scan3A_13 = arith.addi %scan3A_11, %scan3A_12 : i32
    %scan3A_14 = arith.constant 1 : i32
    scf.for %scan3A_177 = %scan3A_11 to %scan3A_13 step %scan3A_14  : i32 {
      %mul3A_178 = arith.constant 128 : i32
      %mul3A_179 = arith.muli %scan3A_177, %mul3A_178 : i32
      %add3A_180 = arith.constant 0 : i32
      %add3A_181 = arith.addi %mul3A_179, %add3A_180 : i32
      %add3A_182 = arith.addi %mul3A_2, %add3A_181 : i32
      %get3A = arith.index_cast %add3A_182 : i32 to index
      %get3A_183 = tpu.vector_load %arg8[%get3A] {strides = array<i32>} : memref<10240xi32, #tpu.memory_space<vmem>>, vector<16xi32>,
      %mul3A_184 = arith.constant 6 : i32
      %mul3A_185 = vector.broadcast %mul3A_184 : i32 to vector<16xi32>
      %mul3A_186 = arith.muli %get3A_183, %mul3A_185 : vector<16xi32>
      %swap3A = arith.index_cast %add3A_181 : i32 to index
      %swap3A_187 = tpu.vector_load %arg8[%swap3A] {strides = array<i32>} : memref<10240xi32, #tpu.memory_space<vmem>>, vector<16xi32>,
      tpu.vector_store %arg8[%swap3A], %mul3A_186 {strides = array<i32>} : memref<10240xi32, #tpu.memory_space<vmem>>, vector<16xi32>,
      %mul3A_188 = arith.constant 128 : i32
      %mul3A_189 = arith.muli %scan3A_177, %mul3A_188 : i32
      %add3A_190 = arith.constant 16 : i32
      %add3A_191 = arith.addi %mul3A_189, %add3A_190 : i32
      %add3A_192 = arith.addi %mul3A_2, %add3A_191 : i32
      %get3A_193 = arith.index_cast %add3A_192 : i32 to index
      %get3A_194 = tpu.vector_load %arg8[%get3A_193] {strides = array<i32>} : memref<10240xi32, #tpu.memory_space<vmem>>, vector<16xi32>,
      %mul3A_195 = arith.constant 6 : i32
      %mul3A_196 = vector.broadcast %mul3A_195 : i32 to vector<16xi32>
      %mul3A_197 = arith.muli %get3A_194, %mul3A_196 : vector<16xi32>
      %swap3A_198 = arith.index_cast %add3A_191 : i32 to index
      %swap3A_199 = tpu.vector_load %arg8[%swap3A_198] {strides = array<i32>} : memref<10240xi32, #tpu.memory_space<vmem>>, vector<16xi32>,
      tpu.vector_store %arg8[%swap3A_198], %mul3A_197 {strides = array<i32>} : memref<10240xi32, #tpu.memory_space<vmem>>, vector<16xi32>,
      %mul3A_200 = arith.constant 128 : i32
      %mul3A_201 = arith.muli %scan3A_177, %mul3A_200 : i32
      %add3A_202 = arith.constant 32 : i32
      %add3A_203 = arith.addi %mul3A_201, %add3A_202 : i32
      %add3A_204 = arith.addi %mul3A_2, %add3A_203 : i32
      %get3A_205 = arith.index_cast %add3A_204 : i32 to index
      %get3A_206 = tpu.vector_load %arg8[%get3A_205] {strides = array<i32>} : memref<10240xi32, #tpu.memory_space<vmem>>, vector<16xi32>,
      %mul3A_207 = arith.constant 6 : i32
      %mul3A_208 = vector.broadcast %mul3A_207 : i32 to vector<16xi32>
      %mul3A_209 = arith.muli %get3A_206, %mul3A_208 : vector<16xi32>
      %swap3A_210 = arith.index_cast %add3A_203 : i32 to index
      %swap3A_211 = tpu.vector_load %arg8[%swap3A_210] {strides = array<i32>} : memref<10240xi32, #tpu.memory_space<vmem>>, vector<16xi32>,
      tpu.vector_store %arg8[%swap3A_210], %mul3A_209 {strides = array<i32>} : memref<10240xi32, #tpu.memory_space<vmem>>, vector<16xi32>,
      %mul3A_212 = arith.constant 128 : i32
      %mul3A_213 = arith.muli %scan3A_177, %mul3A_212 : i32
      %add3A_214 = arith.constant 48 : i32
      %add3A_215 = arith.addi %mul3A_213, %add3A_214 : i32
      %add3A_216 = arith.addi %mul3A_2, %add3A_215 : i32
      %get3A_217 = arith.index_cast %add3A_216 : i32 to index
      %get3A_218 = tpu.vector_load %arg8[%get3A_217] {strides = array<i32>} : memref<10240xi32, #tpu.memory_space<vmem>>, vector<16xi32>,
      %mul3A_219 = arith.constant 6 : i32
      %mul3A_220 = vector.broadcast %mul3A_219 : i32 to vector<16xi32>
      %mul3A_221 = arith.muli %get3A_218, %mul3A_220 : vector<16xi32>
      %swap3A_222 = arith.index_cast %add3A_215 : i32 to index
      %swap3A_223 = tpu.vector_load %arg8[%swap3A_222] {strides = array<i32>} : memref<10240xi32, #tpu.memory_space<vmem>>, vector<16xi32>,
      tpu.vector_store %arg8[%swap3A_222], %mul3A_221 {strides = array<i32>} : memref<10240xi32, #tpu.memory_space<vmem>>, vector<16xi32>,
      %mul3A_224 = arith.constant 128 : i32
      %mul3A_225 = arith.muli %scan3A_177, %mul3A_224 : i32
      %add3A_226 = arith.constant 64 : i32
      %add3A_227 = arith.addi %mul3A_225, %add3A_226 : i32
      %add3A_228 = arith.addi %mul3A_2, %add3A_227 : i32
      %get3A_229 = arith.index_cast %add3A_228 : i32 to index
      %get3A_230 = tpu.vector_load %arg8[%get3A_229] {strides = array<i32>} : memref<10240xi32, #tpu.memory_space<vmem>>, vector<16xi32>,
      %mul3A_231 = arith.constant 6 : i32
      %mul3A_232 = vector.broadcast %mul3A_231 : i32 to vector<16xi32>
      %mul3A_233 = arith.muli %get3A_230, %mul3A_232 : vector<16xi32>
      %swap3A_234 = arith.index_cast %add3A_227 : i32 to index
      %swap3A_235 = tpu.vector_load %arg8[%swap3A_234] {strides = array<i32>} : memref<10240xi32, #tpu.memory_space<vmem>>, vector<16xi32>,
      tpu.vector_store %arg8[%swap3A_234], %mul3A_233 {strides = array<i32>} : memref<10240xi32, #tpu.memory_space<vmem>>, vector<16xi32>,
      %mul3A_236 = arith.constant 128 : i32
      %mul3A_237 = arith.muli %scan3A_177, %mul3A_236 : i32
      %add3A_238 = arith.constant 80 : i32
      %add3A_239 = arith.addi %mul3A_237, %add3A_238 : i32
      %add3A_240 = arith.addi %mul3A_2, %add3A_239 : i32
      %get3A_241 = arith.index_cast %add3A_240 : i32 to index
      %get3A_242 = tpu.vector_load %arg8[%get3A_241] {strides = array<i32>} : memref<10240xi32, #tpu.memory_space<vmem>>, vector<16xi32>,
      %mul3A_243 = arith.constant 6 : i32
      %mul3A_244 = vector.broadcast %mul3A_243 : i32 to vector<16xi32>
      %mul3A_245 = arith.muli %get3A_242, %mul3A_244 : vector<16xi32>
      %swap3A_246 = arith.index_cast %add3A_239 : i32 to index
      %swap3A_247 = tpu.vector_load %arg8[%swap3A_246] {strides = array<i32>} : memref<10240xi32, #tpu.memory_space<vmem>>, vector<16xi32>,
      tpu.vector_store %arg8[%swap3A_246], %mul3A_245 {strides = array<i32>} : memref<10240xi32, #tpu.memory_space<vmem>>, vector<16xi32>,
      %mul3A_248 = arith.constant 128 : i32
      %mul3A_249 = arith.muli %scan3A_177, %mul3A_248 : i32
      %add3A_250 = arith.constant 96 : i32
      %add3A_251 = arith.addi %mul3A_249, %add3A_250 : i32
      %add3A_252 = arith.addi %mul3A_2, %add3A_251 : i32
      %get3A_253 = arith.index_cast %add3A_252 : i32 to index
      %get3A_254 = tpu.vector_load %arg8[%get3A_253] {strides = array<i32>} : memref<10240xi32, #tpu.memory_space<vmem>>, vector<16xi32>,
      %mul3A_255 = arith.constant 6 : i32
      %mul3A_256 = vector.broadcast %mul3A_255 : i32 to vector<16xi32>
      %mul3A_257 = arith.muli %get3A_254, %mul3A_256 : vector<16xi32>
      %swap3A_258 = arith.index_cast %add3A_251 : i32 to index
      %swap3A_259 = tpu.vector_load %arg8[%swap3A_258] {strides = array<i32>} : memref<10240xi32, #tpu.memory_space<vmem>>, vector<16xi32>,
      tpu.vector_store %arg8[%swap3A_258], %mul3A_257 {strides = array<i32>} : memref<10240xi32, #tpu.memory_space<vmem>>, vector<16xi32>,
      %mul3A_260 = arith.constant 128 : i32
      %mul3A_261 = arith.muli %scan3A_177, %mul3A_260 : i32
      %add3A_262 = arith.constant 112 : i32
      %add3A_263 = arith.addi %mul3A_261, %add3A_262 : i32
      %add3A_264 = arith.addi %mul3A_2, %add3A_263 : i32
      %get3A_265 = arith.index_cast %add3A_264 : i32 to index
      %get3A_266 = tpu.vector_load %arg8[%get3A_265] {strides = array<i32>} : memref<10240xi32, #tpu.memory_space<vmem>>, vector<16xi32>,
      %mul3A_267 = arith.constant 6 : i32
      %mul3A_268 = vector.broadcast %mul3A_267 : i32 to vector<16xi32>
      %mul3A_269 = arith.muli %get3A_266, %mul3A_268 : vector<16xi32>
      %swap3A_270 = arith.index_cast %add3A_263 : i32 to index
      %swap3A_271 = tpu.vector_load %arg8[%swap3A_270] {strides = array<i32>} : memref<10240xi32, #tpu.memory_space<vmem>>, vector<16xi32>,
      tpu.vector_store %arg8[%swap3A_270], %mul3A_269 {strides = array<i32>} : memref<10240xi32, #tpu.memory_space<vmem>>, vector<16xi32>,
    }
    %scan3A_15 = arith.constant 5 : i32
    %broadcast_in_dim3A = arith.constant 0.000000e+00 : f32
    %broadcast_in_dim3A_16 = vector.broadcast %broadcast_in_dim3A : f32 to vector<16xf32>
    %mul3A_17 = arith.constant 3 : i32
    %mul3A_18 = arith.muli %mul3A_17, %arg0 : i32
    %add3A = arith.constant 0 : i32
    %add3A_19 = arith.addi %mul3A_18, %add3A : i32
    %scan3A_20 = arith.constant 0 : i32
    %scan3A_21 = arith.constant 0 : i32
    %scan3A_22 = arith.constant 80 : i32
    %scan3A_23 = arith.addi %scan3A_21, %scan3A_22 : i32
    %scan3A_24 = arith.constant 1 : i32
    scf.for %scan3A_177 = %scan3A_21 to %scan3A_23 step %scan3A_24  : i32 {
      %mul3A_178 = arith.constant 128 : i32
      %mul3A_179 = arith.muli %scan3A_177, %mul3A_178 : i32
      %add3A_180 = arith.constant 0 : i32
      %add3A_181 = arith.addi %mul3A_179, %add3A_180 : i32
      %get3A = arith.index_cast %add3A_181 : i32 to index
      %get3A_182 = tpu.vector_load %arg9[%get3A] {strides = array<i32>} : memref<10240xi32, #tpu.memory_space<vmem>>, vector<16xi32>,
      %add3A_183 = vector.broadcast %add3A_19 : i32 to vector<16xi32>
      %add3A_184 = arith.addi %get3A_182, %add3A_183 : vector<16xi32>
      %swap3A = arith.index_cast %add3A_181 : i32 to index
      %swap3A_185 = tpu.vector_load %arg10[%swap3A] {strides = array<i32>} : memref<10240xi32, #tpu.memory_space<vmem>>, vector<16xi32>,
      tpu.vector_store %arg10[%swap3A], %add3A_184 {strides = array<i32>} : memref<10240xi32, #tpu.memory_space<vmem>>, vector<16xi32>,
      %mul3A_186 = arith.constant 128 : i32
      %mul3A_187 = arith.muli %scan3A_177, %mul3A_186 : i32
      %add3A_188 = arith.constant 16 : i32
      %add3A_189 = arith.addi %mul3A_187, %add3A_188 : i32
      %get3A_190 = arith.index_cast %add3A_189 : i32 to index
      %get3A_191 = tpu.vector_load %arg9[%get3A_190] {strides = array<i32>} : memref<10240xi32, #tpu.memory_space<vmem>>, vector<16xi32>,
      %add3A_192 = vector.broadcast %add3A_19 : i32 to vector<16xi32>
      %add3A_193 = arith.addi %get3A_191, %add3A_192 : vector<16xi32>
      %swap3A_194 = arith.index_cast %add3A_189 : i32 to index
      %swap3A_195 = tpu.vector_load %arg10[%swap3A_194] {strides = array<i32>} : memref<10240xi32, #tpu.memory_space<vmem>>, vector<16xi32>,
      tpu.vector_store %arg10[%swap3A_194], %add3A_193 {strides = array<i32>} : memref<10240xi32, #tpu.memory_space<vmem>>, vector<16xi32>,
      %mul3A_196 = arith.constant 128 : i32
      %mul3A_197 = arith.muli %scan3A_177, %mul3A_196 : i32
      %add3A_198 = arith.constant 32 : i32
      %add3A_199 = arith.addi %mul3A_197, %add3A_198 : i32
      %get3A_200 = arith.index_cast %add3A_199 : i32 to index
      %get3A_201 = tpu.vector_load %arg9[%get3A_200] {strides = array<i32>} : memref<10240xi32, #tpu.memory_space<vmem>>, vector<16xi32>,
      %add3A_202 = vector.broadcast %add3A_19 : i32 to vector<16xi32>
      %add3A_203 = arith.addi %get3A_201, %add3A_202 : vector<16xi32>
      %swap3A_204 = arith.index_cast %add3A_199 : i32 to index
      %swap3A_205 = tpu.vector_load %arg10[%swap3A_204] {strides = array<i32>} : memref<10240xi32, #tpu.memory_space<vmem>>, vector<16xi32>,
      tpu.vector_store %arg10[%swap3A_204], %add3A_203 {strides = array<i32>} : memref<10240xi32, #tpu.memory_space<vmem>>, vector<16xi32>,
      %mul3A_206 = arith.constant 128 : i32
      %mul3A_207 = arith.muli %scan3A_177, %mul3A_206 : i32
      %add3A_208 = arith.constant 48 : i32
      %add3A_209 = arith.addi %mul3A_207, %add3A_208 : i32
      %get3A_210 = arith.index_cast %add3A_209 : i32 to index
      %get3A_211 = tpu.vector_load %arg9[%get3A_210] {strides = array<i32>} : memref<10240xi32, #tpu.memory_space<vmem>>, vector<16xi32>,
      %add3A_212 = vector.broadcast %add3A_19 : i32 to vector<16xi32>
      %add3A_213 = arith.addi %get3A_211, %add3A_212 : vector<16xi32>
      %swap3A_214 = arith.index_cast %add3A_209 : i32 to index
      %swap3A_215 = tpu.vector_load %arg10[%swap3A_214] {strides = array<i32>} : memref<10240xi32, #tpu.memory_space<vmem>>, vector<16xi32>,
      tpu.vector_store %arg10[%swap3A_214], %add3A_213 {strides = array<i32>} : memref<10240xi32, #tpu.memory_space<vmem>>, vector<16xi32>,
      %mul3A_216 = arith.constant 128 : i32
      %mul3A_217 = arith.muli %scan3A_177, %mul3A_216 : i32
      %add3A_218 = arith.constant 64 : i32
      %add3A_219 = arith.addi %mul3A_217, %add3A_218 : i32
      %get3A_220 = arith.index_cast %add3A_219 : i32 to index
      %get3A_221 = tpu.vector_load %arg9[%get3A_220] {strides = array<i32>} : memref<10240xi32, #tpu.memory_space<vmem>>, vector<16xi32>,
      %add3A_222 = vector.broadcast %add3A_19 : i32 to vector<16xi32>
      %add3A_223 = arith.addi %get3A_221, %add3A_222 : vector<16xi32>
      %swap3A_224 = arith.index_cast %add3A_219 : i32 to index
      %swap3A_225 = tpu.vector_load %arg10[%swap3A_224] {strides = array<i32>} : memref<10240xi32, #tpu.memory_space<vmem>>, vector<16xi32>,
      tpu.vector_store %arg10[%swap3A_224], %add3A_223 {strides = array<i32>} : memref<10240xi32, #tpu.memory_space<vmem>>, vector<16xi32>,
      %mul3A_226 = arith.constant 128 : i32
      %mul3A_227 = arith.muli %scan3A_177, %mul3A_226 : i32
      %add3A_228 = arith.constant 80 : i32
      %add3A_229 = arith.addi %mul3A_227, %add3A_228 : i32
      %get3A_230 = arith.index_cast %add3A_229 : i32 to index
      %get3A_231 = tpu.vector_load %arg9[%get3A_230] {strides = array<i32>} : memref<10240xi32, #tpu.memory_space<vmem>>, vector<16xi32>,
      %add3A_232 = vector.broadcast %add3A_19 : i32 to vector<16xi32>
      %add3A_233 = arith.addi %get3A_231, %add3A_232 : vector<16xi32>
      %swap3A_234 = arith.index_cast %add3A_229 : i32 to index
      %swap3A_235 = tpu.vector_load %arg10[%swap3A_234] {strides = array<i32>} : memref<10240xi32, #tpu.memory_space<vmem>>, vector<16xi32>,
      tpu.vector_store %arg10[%swap3A_234], %add3A_233 {strides = array<i32>} : memref<10240xi32, #tpu.memory_space<vmem>>, vector<16xi32>,
      %mul3A_236 = arith.constant 128 : i32
      %mul3A_237 = arith.muli %scan3A_177, %mul3A_236 : i32
      %add3A_238 = arith.constant 96 : i32
      %add3A_239 = arith.addi %mul3A_237, %add3A_238 : i32
      %get3A_240 = arith.index_cast %add3A_239 : i32 to index
      %get3A_241 = tpu.vector_load %arg9[%get3A_240] {strides = array<i32>} : memref<10240xi32, #tpu.memory_space<vmem>>, vector<16xi32>,
      %add3A_242 = vector.broadcast %add3A_19 : i32 to vector<16xi32>
      %add3A_243 = arith.addi %get3A_241, %add3A_242 : vector<16xi32>
      %swap3A_244 = arith.index_cast %add3A_239 : i32 to index
      %swap3A_245 = tpu.vector_load %arg10[%swap3A_244] {strides = array<i32>} : memref<10240xi32, #tpu.memory_space<vmem>>, vector<16xi32>,
      tpu.vector_store %arg10[%swap3A_244], %add3A_243 {strides = array<i32>} : memref<10240xi32, #tpu.memory_space<vmem>>, vector<16xi32>,
      %mul3A_246 = arith.constant 128 : i32
      %mul3A_247 = arith.muli %scan3A_177, %mul3A_246 : i32
      %add3A_248 = arith.constant 112 : i32
      %add3A_249 = arith.addi %mul3A_247, %add3A_248 : i32
      %get3A_250 = arith.index_cast %add3A_249 : i32 to index
      %get3A_251 = tpu.vector_load %arg9[%get3A_250] {strides = array<i32>} : memref<10240xi32, #tpu.memory_space<vmem>>, vector<16xi32>,
      %add3A_252 = vector.broadcast %add3A_19 : i32 to vector<16xi32>
      %add3A_253 = arith.addi %get3A_251, %add3A_252 : vector<16xi32>
      %swap3A_254 = arith.index_cast %add3A_249 : i32 to index
      %swap3A_255 = tpu.vector_load %arg10[%swap3A_254] {strides = array<i32>} : memref<10240xi32, #tpu.memory_space<vmem>>, vector<16xi32>,
      tpu.vector_store %arg10[%swap3A_254], %add3A_253 {strides = array<i32>} : memref<10240xi32, #tpu.memory_space<vmem>>, vector<16xi32>,
    }
    %scan3A_25 = arith.constant 80 : i32
    %scan3A_26 = arith.constant 0 : i32
    %scan3A_27 = arith.constant 0 : i32
    %scan3A_28 = arith.constant 5 : i32
    %scan3A_29 = arith.addi %scan3A_27, %scan3A_28 : i32
    %scan3A_30 = arith.constant 1 : i32
    scf.for %scan3A_177 = %scan3A_27 to %scan3A_29 step %scan3A_30  : i32 {
      %mul3A_178 = arith.constant 128 : i32
      %mul3A_179 = arith.muli %scan3A_177, %mul3A_178 : i32
      %add3A_180 = arith.constant 0 : i32
      %add3A_181 = arith.addi %mul3A_179, %add3A_180 : i32
      %get3A = arith.index_cast %add3A_181 : i32 to index
      %get3A_182 = tpu.vector_load %arg8[%get3A] {strides = array<i32>} : memref<10240xi32, #tpu.memory_space<vmem>>, vector<16xi32>,
      %add3A_183 = vector.broadcast %add3A_19 : i32 to vector<16xi32>
      %add3A_184 = arith.addi %get3A_182, %add3A_183 : vector<16xi32>
      %add3A_185 = arith.constant 640 : i32
      %add3A_186 = arith.addi %add3A_185, %add3A_181 : i32
      %swap3A = arith.index_cast %add3A_186 : i32 to index
      %swap3A_187 = tpu.vector_load %arg8[%swap3A] {strides = array<i32>} : memref<10240xi32, #tpu.memory_space<vmem>>, vector<16xi32>,
      tpu.vector_store %arg8[%swap3A], %add3A_184 {strides = array<i32>} : memref<10240xi32, #tpu.memory_space<vmem>>, vector<16xi32>,
      %mul3A_188 = arith.constant 128 : i32
      %mul3A_189 = arith.muli %scan3A_177, %mul3A_188 : i32
      %add3A_190 = arith.constant 16 : i32
      %add3A_191 = arith.addi %mul3A_189, %add3A_190 : i32
      %get3A_192 = arith.index_cast %add3A_191 : i32 to index
      %get3A_193 = tpu.vector_load %arg8[%get3A_192] {strides = array<i32>} : memref<10240xi32, #tpu.memory_space<vmem>>, vector<16xi32>,
      %add3A_194 = vector.broadcast %add3A_19 : i32 to vector<16xi32>
      %add3A_195 = arith.addi %get3A_193, %add3A_194 : vector<16xi32>
      %add3A_196 = arith.constant 640 : i32
      %add3A_197 = arith.addi %add3A_196, %add3A_191 : i32
      %swap3A_198 = arith.index_cast %add3A_197 : i32 to index
      %swap3A_199 = tpu.vector_load %arg8[%swap3A_198] {strides = array<i32>} : memref<10240xi32, #tpu.memory_space<vmem>>, vector<16xi32>,
      tpu.vector_store %arg8[%swap3A_198], %add3A_195 {strides = array<i32>} : memref<10240xi32, #tpu.memory_space<vmem>>, vector<16xi32>,
      %mul3A_200 = arith.constant 128 : i32
      %mul3A_201 = arith.muli %scan3A_177, %mul3A_200 : i32
      %add3A_202 = arith.constant 32 : i32
      %add3A_203 = arith.addi %mul3A_201, %add3A_202 : i32
      %get3A_204 = arith.index_cast %add3A_203 : i32 to index
      %get3A_205 = tpu.vector_load %arg8[%get3A_204] {strides = array<i32>} : memref<10240xi32, #tpu.memory_space<vmem>>, vector<16xi32>,
      %add3A_206 = vector.broadcast %add3A_19 : i32 to vector<16xi32>
      %add3A_207 = arith.addi %get3A_205, %add3A_206 : vector<16xi32>
      %add3A_208 = arith.constant 640 : i32
      %add3A_209 = arith.addi %add3A_208, %add3A_203 : i32
      %swap3A_210 = arith.index_cast %add3A_209 : i32 to index
      %swap3A_211 = tpu.vector_load %arg8[%swap3A_210] {strides = array<i32>} : memref<10240xi32, #tpu.memory_space<vmem>>, vector<16xi32>,
      tpu.vector_store %arg8[%swap3A_210], %add3A_207 {strides = array<i32>} : memref<10240xi32, #tpu.memory_space<vmem>>, vector<16xi32>,
      %mul3A_212 = arith.constant 128 : i32
      %mul3A_213 = arith.muli %scan3A_177, %mul3A_212 : i32
      %add3A_214 = arith.constant 48 : i32
      %add3A_215 = arith.addi %mul3A_213, %add3A_214 : i32
      %get3A_216 = arith.index_cast %add3A_215 : i32 to index
      %get3A_217 = tpu.vector_load %arg8[%get3A_216] {strides = array<i32>} : memref<10240xi32, #tpu.memory_space<vmem>>, vector<16xi32>,
      %add3A_218 = vector.broadcast %add3A_19 : i32 to vector<16xi32>
      %add3A_219 = arith.addi %get3A_217, %add3A_218 : vector<16xi32>
      %add3A_220 = arith.constant 640 : i32
      %add3A_221 = arith.addi %add3A_220, %add3A_215 : i32
      %swap3A_222 = arith.index_cast %add3A_221 : i32 to index
      %swap3A_223 = tpu.vector_load %arg8[%swap3A_222] {strides = array<i32>} : memref<10240xi32, #tpu.memory_space<vmem>>, vector<16xi32>,
      tpu.vector_store %arg8[%swap3A_222], %add3A_219 {strides = array<i32>} : memref<10240xi32, #tpu.memory_space<vmem>>, vector<16xi32>,
      %mul3A_224 = arith.constant 128 : i32
      %mul3A_225 = arith.muli %scan3A_177, %mul3A_224 : i32
      %add3A_226 = arith.constant 64 : i32
      %add3A_227 = arith.addi %mul3A_225, %add3A_226 : i32
      %get3A_228 = arith.index_cast %add3A_227 : i32 to index
      %get3A_229 = tpu.vector_load %arg8[%get3A_228] {strides = array<i32>} : memref<10240xi32, #tpu.memory_space<vmem>>, vector<16xi32>,
      %add3A_230 = vector.broadcast %add3A_19 : i32 to vector<16xi32>
      %add3A_231 = arith.addi %get3A_229, %add3A_230 : vector<16xi32>
      %add3A_232 = arith.constant 640 : i32
      %add3A_233 = arith.addi %add3A_232, %add3A_227 : i32
      %swap3A_234 = arith.index_cast %add3A_233 : i32 to index
      %swap3A_235 = tpu.vector_load %arg8[%swap3A_234] {strides = array<i32>} : memref<10240xi32, #tpu.memory_space<vmem>>, vector<16xi32>,
      tpu.vector_store %arg8[%swap3A_234], %add3A_231 {strides = array<i32>} : memref<10240xi32, #tpu.memory_space<vmem>>, vector<16xi32>,
      %mul3A_236 = arith.constant 128 : i32
      %mul3A_237 = arith.muli %scan3A_177, %mul3A_236 : i32
      %add3A_238 = arith.constant 80 : i32
      %add3A_239 = arith.addi %mul3A_237, %add3A_238 : i32
      %get3A_240 = arith.index_cast %add3A_239 : i32 to index
      %get3A_241 = tpu.vector_load %arg8[%get3A_240] {strides = array<i32>} : memref<10240xi32, #tpu.memory_space<vmem>>, vector<16xi32>,
      %add3A_242 = vector.broadcast %add3A_19 : i32 to vector<16xi32>
      %add3A_243 = arith.addi %get3A_241, %add3A_242 : vector<16xi32>
      %add3A_244 = arith.constant 640 : i32
      %add3A_245 = arith.addi %add3A_244, %add3A_239 : i32
      %swap3A_246 = arith.index_cast %add3A_245 : i32 to index
      %swap3A_247 = tpu.vector_load %arg8[%swap3A_246] {strides = array<i32>} : memref<10240xi32, #tpu.memory_space<vmem>>, vector<16xi32>,
      tpu.vector_store %arg8[%swap3A_246], %add3A_243 {strides = array<i32>} : memref<10240xi32, #tpu.memory_space<vmem>>, vector<16xi32>,
      %mul3A_248 = arith.constant 128 : i32
      %mul3A_249 = arith.muli %scan3A_177, %mul3A_248 : i32
      %add3A_250 = arith.constant 96 : i32
      %add3A_251 = arith.addi %mul3A_249, %add3A_250 : i32
      %get3A_252 = arith.index_cast %add3A_251 : i32 to index
      %get3A_253 = tpu.vector_load %arg8[%get3A_252] {strides = array<i32>} : memref<10240xi32, #tpu.memory_space<vmem>>, vector<16xi32>,
      %add3A_254 = vector.broadcast %add3A_19 : i32 to vector<16xi32>
      %add3A_255 = arith.addi %get3A_253, %add3A_254 : vector<16xi32>
      %add3A_256 = arith.constant 640 : i32
      %add3A_257 = arith.addi %add3A_256, %add3A_251 : i32
      %swap3A_258 = arith.index_cast %add3A_257 : i32 to index
      %swap3A_259 = tpu.vector_load %arg8[%swap3A_258] {strides = array<i32>} : memref<10240xi32, #tpu.memory_space<vmem>>, vector<16xi32>,
      tpu.vector_store %arg8[%swap3A_258], %add3A_255 {strides = array<i32>} : memref<10240xi32, #tpu.memory_space<vmem>>, vector<16xi32>,
      %mul3A_260 = arith.constant 128 : i32
      %mul3A_261 = arith.muli %scan3A_177, %mul3A_260 : i32
      %add3A_262 = arith.constant 112 : i32
      %add3A_263 = arith.addi %mul3A_261, %add3A_262 : i32
      %get3A_264 = arith.index_cast %add3A_263 : i32 to index
      %get3A_265 = tpu.vector_load %arg8[%get3A_264] {strides = array<i32>} : memref<10240xi32, #tpu.memory_space<vmem>>, vector<16xi32>,
      %add3A_266 = vector.broadcast %add3A_19 : i32 to vector<16xi32>
      %add3A_267 = arith.addi %get3A_265, %add3A_266 : vector<16xi32>
      %add3A_268 = arith.constant 640 : i32
      %add3A_269 = arith.addi %add3A_268, %add3A_263 : i32
      %swap3A_270 = arith.index_cast %add3A_269 : i32 to index
      %swap3A_271 = tpu.vector_load %arg8[%swap3A_270] {strides = array<i32>} : memref<10240xi32, #tpu.memory_space<vmem>>, vector<16xi32>,
      tpu.vector_store %arg8[%swap3A_270], %add3A_267 {strides = array<i32>} : memref<10240xi32, #tpu.memory_space<vmem>>, vector<16xi32>,
    }
    %scan3A_31 = arith.constant 5 : i32
    %scan3A_32 = arith.constant 0 : i32
    %scan3A_33 = arith.constant 0 : i32
    %scan3A_34 = arith.constant 128 : i32
    %scan3A_35 = arith.addi %scan3A_33, %scan3A_34 : i32
    %scan3A_36 = arith.constant 1 : i32
    scf.for %scan3A_177 = %scan3A_33 to %scan3A_35 step %scan3A_36  : i32 {
      %swap3A = arith.index_cast %scan3A_177 : i32 to index
      %swap3A_178 = arith.constant 0 : index
      %swap3A_179 = tpu.vector_load %arg13[%swap3A, %swap3A_178] {strides = array<i32>} : memref<128x64xf32, #tpu.memory_space<vmem>>, vector<16xf32>,
      tpu.vector_store %arg13[%swap3A, %swap3A_178], %broadcast_in_dim3A_16 {strides = array<i32>} : memref<128x64xf32, #tpu.memory_space<vmem>>, vector<16xf32>,
      %swap3A_180 = arith.index_cast %scan3A_177 : i32 to index
      %swap3A_181 = arith.constant 16 : index
      %swap3A_182 = tpu.vector_load %arg13[%swap3A_180, %swap3A_181] {strides = array<i32>} : memref<128x64xf32, #tpu.memory_space<vmem>>, vector<16xf32>,
      tpu.vector_store %arg13[%swap3A_180, %swap3A_181], %broadcast_in_dim3A_16 {strides = array<i32>} : memref<128x64xf32, #tpu.memory_space<vmem>>, vector<16xf32>,
      %swap3A_183 = arith.index_cast %scan3A_177 : i32 to index
      %swap3A_184 = arith.constant 32 : index
      %swap3A_185 = tpu.vector_load %arg13[%swap3A_183, %swap3A_184] {strides = array<i32>} : memref<128x64xf32, #tpu.memory_space<vmem>>, vector<16xf32>,
      tpu.vector_store %arg13[%swap3A_183, %swap3A_184], %broadcast_in_dim3A_16 {strides = array<i32>} : memref<128x64xf32, #tpu.memory_space<vmem>>, vector<16xf32>,
      %swap3A_186 = arith.index_cast %scan3A_177 : i32 to index
      %swap3A_187 = arith.constant 48 : index
      %swap3A_188 = tpu.vector_load %arg13[%swap3A_186, %swap3A_187] {strides = array<i32>} : memref<128x64xf32, #tpu.memory_space<vmem>>, vector<16xf32>,
      tpu.vector_store %arg13[%swap3A_186, %swap3A_187], %broadcast_in_dim3A_16 {strides = array<i32>} : memref<128x64xf32, #tpu.memory_space<vmem>>, vector<16xf32>,
    }
    %scan3A_37 = arith.constant 128 : i32
    %scan3A_38 = arith.constant 0 : i32
    %scan3A_39 = arith.constant 0 : i32
    %scan3A_40 = arith.constant 9 : i32
    %scan3A_41 = arith.addi %scan3A_39, %scan3A_40 : i32
    %scan3A_42 = arith.constant 1 : i32
    scf.for %scan3A_177 = %scan3A_39 to %scan3A_41 step %scan3A_42  : i32 {
      %mul3A_178 = arith.constant 128 : i32
      %mul3A_179 = arith.muli %scan3A_177, %mul3A_178 : i32
      %add3A_180 = arith.addi %mul3A_4, %mul3A_179 : i32
      "tpu.region"() ({
        %run_scoped3A = tpu.sem_alloc : memref<!tpu.dma_semaphore, #tpu.memory_space<semaphore_mem>>
        %dma_start3A = arith.constant 0 : i32
        %dma_start3A_181 = tpu.memref_slice %arg14[%add3A_180, %dma_start3A] : memref<20224x64xf32, #tpu.memory_space<vmem_shared>> -> memref<128x64xf32, #tpu.memory_space<vmem_shared>>
        %dma_start3A_182 = arith.constant 0 : i32
        %dma_start3A_183 = tpu.memref_slice %arg14[%add3A_180, %dma_start3A_182] : memref<20224x64xf32, #tpu.memory_space<vmem_shared>> -> memref<128x64xf32, #tpu.memory_space<vmem_shared>>
        tpu.enqueue_dma source(%arg13 : memref<128x64xf32, #tpu.memory_space<vmem>>) target(%dma_start3A_183 : memref<128x64xf32, #tpu.memory_space<vmem_shared>>) target_semaphore(%run_scoped3A : memref<!tpu.dma_semaphore, #tpu.memory_space<semaphore_mem>>)
        %dma_wait3A = arith.constant 0 : i32
        %dma_wait3A_184 = tpu.memref_slice %arg14[%add3A_180, %dma_wait3A] : memref<20224x64xf32, #tpu.memory_space<vmem_shared>> -> memref<128x64xf32, #tpu.memory_space<vmem_shared>>
        %dma_wait3A_185 = arith.constant 0 : i32
        %dma_wait3A_186 = tpu.memref_slice %arg14[%add3A_180, %dma_wait3A_185] : memref<20224x64xf32, #tpu.memory_space<vmem_shared>> -> memref<128x64xf32, #tpu.memory_space<vmem_shared>>
        tpu.wait_dma2 semaphore(%run_scoped3A : memref<!tpu.dma_semaphore, #tpu.memory_space<semaphore_mem>>) src(%arg13 : memref<128x64xf32, #tpu.memory_space<vmem>>) dst(%dma_wait3A_186 : memref<128x64xf32, #tpu.memory_space<vmem_shared>>)
        tpu.yield
      }) : () -> ()
    }
    %scan3A_43 = arith.constant 9 : i32
    %add3A_44 = arith.constant 1152 : i32
    %add3A_45 = arith.addi %mul3A_4, %add3A_44 : i32
    "tpu.region"() ({
      %run_scoped3A = tpu.sem_alloc : memref<!tpu.dma_semaphore, #tpu.memory_space<semaphore_mem>>
      %dma_start3A = arith.constant 0 : i32
      %dma_start3A_177 = arith.constant 0 : i32
      %dma_start3A_178 = tpu.memref_slice %arg13[%dma_start3A, %dma_start3A_177] : memref<128x64xf32, #tpu.memory_space<vmem>> -> memref<112x64xf32, #tpu.memory_space<vmem>>
      %dma_start3A_179 = arith.constant 0 : i32
      %dma_start3A_180 = tpu.memref_slice %arg14[%add3A_45, %dma_start3A_179] : memref<20224x64xf32, #tpu.memory_space<vmem_shared>> -> memref<112x64xf32, #tpu.memory_space<vmem_shared>>
      %dma_start3A_181 = arith.constant 0 : i32
      %dma_start3A_182 = tpu.memref_slice %arg14[%add3A_45, %dma_start3A_181] : memref<20224x64xf32, #tpu.memory_space<vmem_shared>> -> memref<112x64xf32, #tpu.memory_space<vmem_shared>>
      %dma_start3A_183 = arith.constant 0 : i32
      %dma_start3A_184 = arith.constant 0 : i32
      %dma_start3A_185 = tpu.memref_slice %arg13[%dma_start3A_183, %dma_start3A_184] : memref<128x64xf32, #tpu.memory_space<vmem>> -> memref<112x64xf32, #tpu.memory_space<vmem>>
      tpu.enqueue_dma source(%dma_start3A_185 : memref<112x64xf32, #tpu.memory_space<vmem>>) target(%dma_start3A_182 : memref<112x64xf32, #tpu.memory_space<vmem_shared>>) target_semaphore(%run_scoped3A : memref<!tpu.dma_semaphore, #tpu.memory_space<semaphore_mem>>)
      %dma_wait3A = arith.constant 0 : i32
      %dma_wait3A_186 = arith.constant 0 : i32
      %dma_wait3A_187 = tpu.memref_slice %arg13[%dma_wait3A, %dma_wait3A_186] : memref<128x64xf32, #tpu.memory_space<vmem>> -> memref<112x64xf32, #tpu.memory_space<vmem>>
      %dma_wait3A_188 = arith.constant 0 : i32
      %dma_wait3A_189 = tpu.memref_slice %arg14[%add3A_45, %dma_wait3A_188] : memref<20224x64xf32, #tpu.memory_space<vmem_shared>> -> memref<112x64xf32, #tpu.memory_space<vmem_shared>>
      %dma_wait3A_190 = arith.constant 0 : i32
      %dma_wait3A_191 = tpu.memref_slice %arg14[%add3A_45, %dma_wait3A_190] : memref<20224x64xf32, #tpu.memory_space<vmem_shared>> -> memref<112x64xf32, #tpu.memory_space<vmem_shared>>
      %dma_wait3A_192 = arith.constant 0 : i32
      %dma_wait3A_193 = arith.constant 0 : i32
      %dma_wait3A_194 = tpu.memref_slice %arg13[%dma_wait3A_192, %dma_wait3A_193] : memref<128x64xf32, #tpu.memory_space<vmem>> -> memref<112x64xf32, #tpu.memory_space<vmem>>
      tpu.wait_dma2 semaphore(%run_scoped3A : memref<!tpu.dma_semaphore, #tpu.memory_space<semaphore_mem>>) src(%dma_wait3A_194 : memref<112x64xf32, #tpu.memory_space<vmem>>) dst(%dma_wait3A_191 : memref<112x64xf32, #tpu.memory_space<vmem_shared>>)
      tpu.yield
    }) : () -> ()
    %barrier3A = arith.constant 0 : index
    tpu.barrier barrier_id(%barrier3A)
    %scan3A_46 = arith.constant 0 : i32
    %scan3A_47 = arith.constant 0 : i32
    %scan3A_48 = arith.constant 80 : i32
    %scan3A_49 = arith.addi %scan3A_47, %scan3A_48 : i32
    %scan3A_50 = arith.constant 1 : i32
    scf.for %scan3A_177 = %scan3A_47 to %scan3A_49 step %scan3A_50  : i32 {
      %mul3A_178 = arith.constant 128 : i32
      %mul3A_179 = arith.muli %scan3A_177, %mul3A_178 : i32
      %add3A_180 = arith.constant 0 : i32
      %add3A_181 = arith.addi %mul3A_179, %add3A_180 : i32
      %get3A = arith.index_cast %add3A_181 : i32 to index
      %get3A_182 = tpu.vector_load %arg11[%get3A] {strides = array<i32>} : memref<10240xi32, #tpu.memory_space<vmem>>, vector<16xi32>,
      %swap3A = arith.constant 0 : i32
      %swap3A_183 = arith.index_cast %swap3A : i32 to index
      %swap3A_184 = arith.constant 0 : index
      %swap3A_185 = tpu.vector_load %arg12[%swap3A_183, %swap3A_184] {strides = array<i32>} : memref<1x128xi32, #tpu.memory_space<vmem>>, vector<16xi32>,
      tpu.vector_store %arg12[%swap3A_183, %swap3A_184], %get3A_182 {strides = array<i32>} : memref<1x128xi32, #tpu.memory_space<vmem>>, vector<16xi32>,
      %mul3A_186 = arith.constant 128 : i32
      %mul3A_187 = arith.muli %scan3A_177, %mul3A_186 : i32
      %add3A_188 = arith.constant 16 : i32
      %add3A_189 = arith.addi %mul3A_187, %add3A_188 : i32
      %get3A_190 = arith.index_cast %add3A_189 : i32 to index
      %get3A_191 = tpu.vector_load %arg11[%get3A_190] {strides = array<i32>} : memref<10240xi32, #tpu.memory_space<vmem>>, vector<16xi32>,
      %swap3A_192 = arith.constant 0 : i32
      %swap3A_193 = arith.index_cast %swap3A_192 : i32 to index
      %swap3A_194 = arith.constant 16 : index
      %swap3A_195 = tpu.vector_load %arg12[%swap3A_193, %swap3A_194] {strides = array<i32>} : memref<1x128xi32, #tpu.memory_space<vmem>>, vector<16xi32>,
      tpu.vector_store %arg12[%swap3A_193, %swap3A_194], %get3A_191 {strides = array<i32>} : memref<1x128xi32, #tpu.memory_space<vmem>>, vector<16xi32>,
      %mul3A_196 = arith.constant 128 : i32
      %mul3A_197 = arith.muli %scan3A_177, %mul3A_196 : i32
      %add3A_198 = arith.constant 32 : i32
      %add3A_199 = arith.addi %mul3A_197, %add3A_198 : i32
      %get3A_200 = arith.index_cast %add3A_199 : i32 to index
      %get3A_201 = tpu.vector_load %arg11[%get3A_200] {strides = array<i32>} : memref<10240xi32, #tpu.memory_space<vmem>>, vector<16xi32>,
      %swap3A_202 = arith.constant 0 : i32
      %swap3A_203 = arith.index_cast %swap3A_202 : i32 to index
      %swap3A_204 = arith.constant 32 : index
      %swap3A_205 = tpu.vector_load %arg12[%swap3A_203, %swap3A_204] {strides = array<i32>} : memref<1x128xi32, #tpu.memory_space<vmem>>, vector<16xi32>,
      tpu.vector_store %arg12[%swap3A_203, %swap3A_204], %get3A_201 {strides = array<i32>} : memref<1x128xi32, #tpu.memory_space<vmem>>, vector<16xi32>,
      %mul3A_206 = arith.constant 128 : i32
      %mul3A_207 = arith.muli %scan3A_177, %mul3A_206 : i32
      %add3A_208 = arith.constant 48 : i32
      %add3A_209 = arith.addi %mul3A_207, %add3A_208 : i32
      %get3A_210 = arith.index_cast %add3A_209 : i32 to index
      %get3A_211 = tpu.vector_load %arg11[%get3A_210] {strides = array<i32>} : memref<10240xi32, #tpu.memory_space<vmem>>, vector<16xi32>,
      %swap3A_212 = arith.constant 0 : i32
      %swap3A_213 = arith.index_cast %swap3A_212 : i32 to index
      %swap3A_214 = arith.constant 48 : index
      %swap3A_215 = tpu.vector_load %arg12[%swap3A_213, %swap3A_214] {strides = array<i32>} : memref<1x128xi32, #tpu.memory_space<vmem>>, vector<16xi32>,
      tpu.vector_store %arg12[%swap3A_213, %swap3A_214], %get3A_211 {strides = array<i32>} : memref<1x128xi32, #tpu.memory_space<vmem>>, vector<16xi32>,
      %mul3A_216 = arith.constant 128 : i32
      %mul3A_217 = arith.muli %scan3A_177, %mul3A_216 : i32
      %add3A_218 = arith.constant 64 : i32
      %add3A_219 = arith.addi %mul3A_217, %add3A_218 : i32
      %get3A_220 = arith.index_cast %add3A_219 : i32 to index
      %get3A_221 = tpu.vector_load %arg11[%get3A_220] {strides = array<i32>} : memref<10240xi32, #tpu.memory_space<vmem>>, vector<16xi32>,
      %swap3A_222 = arith.constant 0 : i32
      %swap3A_223 = arith.index_cast %swap3A_222 : i32 to index
      %swap3A_224 = arith.constant 64 : index
      %swap3A_225 = tpu.vector_load %arg12[%swap3A_223, %swap3A_224] {strides = array<i32>} : memref<1x128xi32, #tpu.memory_space<vmem>>, vector<16xi32>,
      tpu.vector_store %arg12[%swap3A_223, %swap3A_224], %get3A_221 {strides = array<i32>} : memref<1x128xi32, #tpu.memory_space<vmem>>, vector<16xi32>,
      %mul3A_226 = arith.constant 128 : i32
      %mul3A_227 = arith.muli %scan3A_177, %mul3A_226 : i32
      %add3A_228 = arith.constant 80 : i32
      %add3A_229 = arith.addi %mul3A_227, %add3A_228 : i32
      %get3A_230 = arith.index_cast %add3A_229 : i32 to index
      %get3A_231 = tpu.vector_load %arg11[%get3A_230] {strides = array<i32>} : memref<10240xi32, #tpu.memory_space<vmem>>, vector<16xi32>,
      %swap3A_232 = arith.constant 0 : i32
      %swap3A_233 = arith.index_cast %swap3A_232 : i32 to index
      %swap3A_234 = arith.constant 80 : index
      %swap3A_235 = tpu.vector_load %arg12[%swap3A_233, %swap3A_234] {strides = array<i32>} : memref<1x128xi32, #tpu.memory_space<vmem>>, vector<16xi32>,
      tpu.vector_store %arg12[%swap3A_233, %swap3A_234], %get3A_231 {strides = array<i32>} : memref<1x128xi32, #tpu.memory_space<vmem>>, vector<16xi32>,
      %mul3A_236 = arith.constant 128 : i32
      %mul3A_237 = arith.muli %scan3A_177, %mul3A_236 : i32
      %add3A_238 = arith.constant 96 : i32
      %add3A_239 = arith.addi %mul3A_237, %add3A_238 : i32
      %get3A_240 = arith.index_cast %add3A_239 : i32 to index
      %get3A_241 = tpu.vector_load %arg11[%get3A_240] {strides = array<i32>} : memref<10240xi32, #tpu.memory_space<vmem>>, vector<16xi32>,
      %swap3A_242 = arith.constant 0 : i32
      %swap3A_243 = arith.index_cast %swap3A_242 : i32 to index
      %swap3A_244 = arith.constant 96 : index
      %swap3A_245 = tpu.vector_load %arg12[%swap3A_243, %swap3A_244] {strides = array<i32>} : memref<1x128xi32, #tpu.memory_space<vmem>>, vector<16xi32>,
      tpu.vector_store %arg12[%swap3A_243, %swap3A_244], %get3A_241 {strides = array<i32>} : memref<1x128xi32, #tpu.memory_space<vmem>>, vector<16xi32>,
      %mul3A_246 = arith.constant 128 : i32
      %mul3A_247 = arith.muli %scan3A_177, %mul3A_246 : i32
      %add3A_248 = arith.constant 112 : i32
      %add3A_249 = arith.addi %mul3A_247, %add3A_248 : i32
      %get3A_250 = arith.index_cast %add3A_249 : i32 to index
      %get3A_251 = tpu.vector_load %arg11[%get3A_250] {strides = array<i32>} : memref<10240xi32, #tpu.memory_space<vmem>>, vector<16xi32>,
      %swap3A_252 = arith.constant 0 : i32
      %swap3A_253 = arith.index_cast %swap3A_252 : i32 to index
      %swap3A_254 = arith.constant 112 : index
      %swap3A_255 = tpu.vector_load %arg12[%swap3A_253, %swap3A_254] {strides = array<i32>} : memref<1x128xi32, #tpu.memory_space<vmem>>, vector<16xi32>,
      tpu.vector_store %arg12[%swap3A_253, %swap3A_254], %get3A_251 {strides = array<i32>} : memref<1x128xi32, #tpu.memory_space<vmem>>, vector<16xi32>,
      %mul3A_256 = arith.constant 128 : i32
      %mul3A_257 = arith.muli %scan3A_177, %mul3A_256 : i32
      %dma_start3A = tpu.memref_slice %arg10[%mul3A_257] : memref<10240xi32, #tpu.memory_space<vmem>> -> memref<128xi32, #tpu.memory_space<vmem>>
      %dma_start3A_258 = arith.constant 0 : i32
      %dma_start3A_259 = arith.constant 0 : i32
      %dma_start3A_260 = tpu.memref_slice %arg2[%dma_start3A_258, %dma_start3A_259] : memref<300000x64xf32, #tpu.memory_space<hbm>> -> memref<300000x64xf32, #tpu.memory_space<hbm>>
      tpu.enqueue_indirect_dma source(%dma_start3A_260 : memref<300000x64xf32, #tpu.memory_space<hbm>>) target(%arg13 : memref<128x64xf32, #tpu.memory_space<vmem>>) offsets(%dma_start3A : memref<128xi32, #tpu.memory_space<vmem>>) semaphore(%arg15 : memref<!tpu.dma_semaphore, #tpu.memory_space<semaphore_mem>>)
      %dma_wait3A = tpu.memref_slice %arg10[%mul3A_257] : memref<10240xi32, #tpu.memory_space<vmem>> -> memref<128xi32, #tpu.memory_space<vmem>>
      %dma_wait3A_261 = arith.constant 0 : i32
      %dma_wait3A_262 = arith.constant 0 : i32
      %dma_wait3A_263 = tpu.memref_slice %arg2[%dma_wait3A_261, %dma_wait3A_262] : memref<300000x64xf32, #tpu.memory_space<hbm>> -> memref<300000x64xf32, #tpu.memory_space<hbm>>
      tpu.wait_indirect_dma semaphore(%arg15 : memref<!tpu.dma_semaphore, #tpu.memory_space<semaphore_mem>>) src(%dma_wait3A_263 : memref<300000x64xf32, #tpu.memory_space<hbm>>) dst(%arg13 : memref<128x64xf32, #tpu.memory_space<vmem>>)
      %run_scoped3A = arith.constant 0 : i32
      "tpu.region"() ({
        %run_scoped3A_264 = tpu.sem_alloc : memref<!tpu.dma_semaphore, #tpu.memory_space<semaphore_mem>>
        %dma_start3A_265 = arith.constant 0 : i32
        %dma_start3A_266 = tpu.memref_slice %arg12[%run_scoped3A, %dma_start3A_265] : memref<1x128xi32, #tpu.memory_space<vmem>> -> memref<1x128xi32, #tpu.memory_space<vmem>>
        %dma_start3A_267 = tpu.memref_squeeze %dma_start3A_266 : memref<1x128xi32, #tpu.memory_space<vmem>> -> memref<128xi32, #tpu.memory_space<vmem>>
        %dma_start3A_268 = arith.constant 0 : i32
        %dma_start3A_269 = arith.constant 0 : i32
        %dma_start3A_270 = tpu.memref_slice %arg14[%dma_start3A_268, %dma_start3A_269] : memref<20224x64xf32, #tpu.memory_space<vmem_shared>> -> memref<20224x64xf32, #tpu.memory_space<vmem_shared>>
        tpu.enqueue_indirect_dma source(%arg13 : memref<128x64xf32, #tpu.memory_space<vmem>>) target(%dma_start3A_270 : memref<20224x64xf32, #tpu.memory_space<vmem_shared>>) offsets(%dma_start3A_267 : memref<128xi32, #tpu.memory_space<vmem>>) semaphore(%run_scoped3A_264 : memref<!tpu.dma_semaphore, #tpu.memory_space<semaphore_mem>>) {add = true}
        %dma_wait3A_271 = arith.constant 0 : i32
        %dma_wait3A_272 = tpu.memref_slice %arg12[%run_scoped3A, %dma_wait3A_271] : memref<1x128xi32, #tpu.memory_space<vmem>> -> memref<1x128xi32, #tpu.memory_space<vmem>>
        %dma_wait3A_273 = tpu.memref_squeeze %dma_wait3A_272 : memref<1x128xi32, #tpu.memory_space<vmem>> -> memref<128xi32, #tpu.memory_space<vmem>>
        %dma_wait3A_274 = arith.constant 0 : i32
        %dma_wait3A_275 = arith.constant 0 : i32
        %dma_wait3A_276 = tpu.memref_slice %arg14[%dma_wait3A_274, %dma_wait3A_275] : memref<20224x64xf32, #tpu.memory_space<vmem_shared>> -> memref<20224x64xf32, #tpu.memory_space<vmem_shared>>
        tpu.wait_indirect_dma semaphore(%run_scoped3A_264 : memref<!tpu.dma_semaphore, #tpu.memory_space<semaphore_mem>>) src(%arg13 : memref<128x64xf32, #tpu.memory_space<vmem>>) dst(%dma_wait3A_276 : memref<20224x64xf32, #tpu.memory_space<vmem_shared>>)
        tpu.yield
      }) : () -> ()
    }
    %scan3A_51 = arith.constant 80 : i32
    %barrier3A_52 = arith.constant 0 : index
    tpu.barrier barrier_id(%barrier3A_52)
    %scan3A_53 = arith.constant 0 : i32
    %scan3A_54 = arith.constant 0 : i32
    %scan3A_55 = arith.constant 9 : i32
    %scan3A_56 = arith.addi %scan3A_54, %scan3A_55 : i32
    %scan3A_57 = arith.constant 1 : i32
    scf.for %scan3A_177 = %scan3A_54 to %scan3A_56 step %scan3A_57  : i32 {
      %mul3A_178 = arith.constant 128 : i32
      %mul3A_179 = arith.muli %scan3A_177, %mul3A_178 : i32
      %add3A_180 = arith.addi %mul3A_4, %mul3A_179 : i32
      %mul3A_181 = arith.constant 128 : i32
      %mul3A_182 = arith.muli %scan3A_177, %mul3A_181 : i32
      %add3A_183 = arith.addi %mul3A_4, %mul3A_182 : i32
      "tpu.region"() ({
        %run_scoped3A = tpu.sem_alloc : memref<!tpu.dma_semaphore, #tpu.memory_space<semaphore_mem>>
        %dma_start3A = arith.constant 0 : i32
        %dma_start3A_184 = tpu.memref_slice %arg6[%add3A_19, %add3A_183, %dma_start3A] : memref<6x20224x64xf32, #tpu.memory_space<hbm>> -> memref<1x128x64xf32, #tpu.memory_space<hbm>>
        %dma_start3A_185 = tpu.memref_squeeze %dma_start3A_184 : memref<1x128x64xf32, #tpu.memory_space<hbm>> -> memref<128x64xf32, #tpu.memory_space<hbm>>
        %dma_start3A_186 = arith.constant 0 : i32
        %dma_start3A_187 = tpu.memref_slice %arg14[%add3A_180, %dma_start3A_186] : memref<20224x64xf32, #tpu.memory_space<vmem_shared>> -> memref<128x64xf32, #tpu.memory_space<vmem_shared>>
        tpu.enqueue_dma source(%dma_start3A_187 : memref<128x64xf32, #tpu.memory_space<vmem_shared>>) target(%dma_start3A_185 : memref<128x64xf32, #tpu.memory_space<hbm>>) target_semaphore(%run_scoped3A : memref<!tpu.dma_semaphore, #tpu.memory_space<semaphore_mem>>)
        %dma_wait3A = arith.constant 0 : i32
        %dma_wait3A_188 = tpu.memref_slice %arg6[%add3A_19, %add3A_183, %dma_wait3A] : memref<6x20224x64xf32, #tpu.memory_space<hbm>> -> memref<1x128x64xf32, #tpu.memory_space<hbm>>
        %dma_wait3A_189 = tpu.memref_squeeze %dma_wait3A_188 : memref<1x128x64xf32, #tpu.memory_space<hbm>> -> memref<128x64xf32, #tpu.memory_space<hbm>>
        %dma_wait3A_190 = arith.constant 0 : i32
        %dma_wait3A_191 = tpu.memref_slice %arg14[%add3A_180, %dma_wait3A_190] : memref<20224x64xf32, #tpu.memory_space<vmem_shared>> -> memref<128x64xf32, #tpu.memory_space<vmem_shared>>
        tpu.wait_dma2 semaphore(%run_scoped3A : memref<!tpu.dma_semaphore, #tpu.memory_space<semaphore_mem>>) src(%dma_wait3A_191 : memref<128x64xf32, #tpu.memory_space<vmem_shared>>) dst(%dma_wait3A_189 : memref<128x64xf32, #tpu.memory_space<hbm>>)
        tpu.yield
      }) : () -> ()
    }
    %scan3A_58 = arith.constant 9 : i32
    %add3A_59 = arith.constant 1152 : i32
    %add3A_60 = arith.addi %mul3A_4, %add3A_59 : i32
    %add3A_61 = arith.constant 1152 : i32
    %add3A_62 = arith.addi %mul3A_4, %add3A_61 : i32
    "tpu.region"() ({
      %run_scoped3A = tpu.sem_alloc : memref<!tpu.dma_semaphore, #tpu.memory_space<semaphore_mem>>
      %dma_start3A = arith.constant 0 : i32
      %dma_start3A_177 = tpu.memref_slice %arg6[%add3A_19, %add3A_62, %dma_start3A] : memref<6x20224x64xf32, #tpu.memory_space<hbm>> -> memref<1x112x64xf32, #tpu.memory_space<hbm>>
      %dma_start3A_178 = tpu.memref_squeeze %dma_start3A_177 : memref<1x112x64xf32, #tpu.memory_space<hbm>> -> memref<112x64xf32, #tpu.memory_space<hbm>>
      %dma_start3A_179 = arith.constant 0 : i32
      %dma_start3A_180 = tpu.memref_slice %arg14[%add3A_60, %dma_start3A_179] : memref<20224x64xf32, #tpu.memory_space<vmem_shared>> -> memref<112x64xf32, #tpu.memory_space<vmem_shared>>
      tpu.enqueue_dma source(%dma_start3A_180 : memref<112x64xf32, #tpu.memory_space<vmem_shared>>) target(%dma_start3A_178 : memref<112x64xf32, #tpu.memory_space<hbm>>) target_semaphore(%run_scoped3A : memref<!tpu.dma_semaphore, #tpu.memory_space<semaphore_mem>>)
      %dma_wait3A = arith.constant 0 : i32
      %dma_wait3A_181 = tpu.memref_slice %arg6[%add3A_19, %add3A_62, %dma_wait3A] : memref<6x20224x64xf32, #tpu.memory_space<hbm>> -> memref<1x112x64xf32, #tpu.memory_space<hbm>>
      %dma_wait3A_182 = tpu.memref_squeeze %dma_wait3A_181 : memref<1x112x64xf32, #tpu.memory_space<hbm>> -> memref<112x64xf32, #tpu.memory_space<hbm>>
      %dma_wait3A_183 = arith.constant 0 : i32
      %dma_wait3A_184 = tpu.memref_slice %arg14[%add3A_60, %dma_wait3A_183] : memref<20224x64xf32, #tpu.memory_space<vmem_shared>> -> memref<112x64xf32, #tpu.memory_space<vmem_shared>>
      tpu.wait_dma2 semaphore(%run_scoped3A : memref<!tpu.dma_semaphore, #tpu.memory_space<semaphore_mem>>) src(%dma_wait3A_184 : memref<112x64xf32, #tpu.memory_space<vmem_shared>>) dst(%dma_wait3A_182 : memref<112x64xf32, #tpu.memory_space<hbm>>)
      tpu.yield
    }) : () -> ()
    %scan3A_63 = arith.constant 0 : i32
    %scan3A_64 = arith.constant 0 : i32
    %scan3A_65 = arith.constant 5 : i32
    %scan3A_66 = arith.addi %scan3A_64, %scan3A_65 : i32
    %scan3A_67 = arith.constant 1 : i32
    scf.for %scan3A_177 = %scan3A_64 to %scan3A_66 step %scan3A_67  : i32 {
      %mul3A_178 = arith.constant 128 : i32
      %mul3A_179 = arith.muli %scan3A_177, %mul3A_178 : i32
      %add3A_180 = arith.constant 640 : i32
      %add3A_181 = arith.addi %add3A_180, %mul3A_179 : i32
      %dma_start3A = tpu.memref_slice %arg8[%add3A_181] : memref<10240xi32, #tpu.memory_space<vmem>> -> memref<128xi32, #tpu.memory_space<vmem>>
      %dma_start3A_182 = arith.constant 0 : i32
      %dma_start3A_183 = arith.constant 0 : i32
      %dma_start3A_184 = tpu.memref_slice %arg2[%dma_start3A_182, %dma_start3A_183] : memref<300000x64xf32, #tpu.memory_space<hbm>> -> memref<300000x64xf32, #tpu.memory_space<hbm>>
      tpu.enqueue_indirect_dma source(%dma_start3A_184 : memref<300000x64xf32, #tpu.memory_space<hbm>>) target(%arg13 : memref<128x64xf32, #tpu.memory_space<vmem>>) offsets(%dma_start3A : memref<128xi32, #tpu.memory_space<vmem>>) semaphore(%arg15 : memref<!tpu.dma_semaphore, #tpu.memory_space<semaphore_mem>>)
      %dma_wait3A = tpu.memref_slice %arg8[%add3A_181] : memref<10240xi32, #tpu.memory_space<vmem>> -> memref<128xi32, #tpu.memory_space<vmem>>
      %dma_wait3A_185 = arith.constant 0 : i32
      %dma_wait3A_186 = arith.constant 0 : i32
      %dma_wait3A_187 = tpu.memref_slice %arg2[%dma_wait3A_185, %dma_wait3A_186] : memref<300000x64xf32, #tpu.memory_space<hbm>> -> memref<300000x64xf32, #tpu.memory_space<hbm>>
      tpu.wait_indirect_dma semaphore(%arg15 : memref<!tpu.dma_semaphore, #tpu.memory_space<semaphore_mem>>) src(%dma_wait3A_187 : memref<300000x64xf32, #tpu.memory_space<hbm>>) dst(%arg13 : memref<128x64xf32, #tpu.memory_space<vmem>>)
      %mul3A_188 = arith.constant 128 : i32
      %mul3A_189 = arith.muli %scan3A_177, %mul3A_188 : i32
      %add3A_190 = arith.addi %mul3A_2, %mul3A_189 : i32
      "tpu.region"() ({
        %run_scoped3A = tpu.sem_alloc : memref<!tpu.dma_semaphore, #tpu.memory_space<semaphore_mem>>
        %dma_start3A_191 = arith.constant 0 : i32
        %dma_start3A_192 = tpu.memref_slice %arg7[%add3A_19, %add3A_190, %dma_start3A_191] : memref<6x10240x64xf32, #tpu.memory_space<hbm>> -> memref<1x128x64xf32, #tpu.memory_space<hbm>>
        %dma_start3A_193 = tpu.memref_squeeze %dma_start3A_192 : memref<1x128x64xf32, #tpu.memory_space<hbm>> -> memref<128x64xf32, #tpu.memory_space<hbm>>
        %dma_start3A_194 = arith.constant 0 : i32
        %dma_start3A_195 = tpu.memref_slice %arg7[%add3A_19, %add3A_190, %dma_start3A_194] : memref<6x10240x64xf32, #tpu.memory_space<hbm>> -> memref<1x128x64xf32, #tpu.memory_space<hbm>>
        %dma_start3A_196 = tpu.memref_squeeze %dma_start3A_195 : memref<1x128x64xf32, #tpu.memory_space<hbm>> -> memref<128x64xf32, #tpu.memory_space<hbm>>
        tpu.enqueue_dma source(%arg13 : memref<128x64xf32, #tpu.memory_space<vmem>>) target(%dma_start3A_196 : memref<128x64xf32, #tpu.memory_space<hbm>>) target_semaphore(%run_scoped3A : memref<!tpu.dma_semaphore, #tpu.memory_space<semaphore_mem>>)
        %dma_wait3A_197 = arith.constant 0 : i32
        %dma_wait3A_198 = tpu.memref_slice %arg7[%add3A_19, %add3A_190, %dma_wait3A_197] : memref<6x10240x64xf32, #tpu.memory_space<hbm>> -> memref<1x128x64xf32, #tpu.memory_space<hbm>>
        %dma_wait3A_199 = tpu.memref_squeeze %dma_wait3A_198 : memref<1x128x64xf32, #tpu.memory_space<hbm>> -> memref<128x64xf32, #tpu.memory_space<hbm>>
        %dma_wait3A_200 = arith.constant 0 : i32
        %dma_wait3A_201 = tpu.memref_slice %arg7[%add3A_19, %add3A_190, %dma_wait3A_200] : memref<6x10240x64xf32, #tpu.memory_space<hbm>> -> memref<1x128x64xf32, #tpu.memory_space<hbm>>
        %dma_wait3A_202 = tpu.memref_squeeze %dma_wait3A_201 : memref<1x128x64xf32, #tpu.memory_space<hbm>> -> memref<128x64xf32, #tpu.memory_space<hbm>>
        tpu.wait_dma2 semaphore(%run_scoped3A : memref<!tpu.dma_semaphore, #tpu.memory_space<semaphore_mem>>) src(%arg13 : memref<128x64xf32, #tpu.memory_space<vmem>>) dst(%dma_wait3A_202 : memref<128x64xf32, #tpu.memory_space<hbm>>)
        tpu.yield
      }) : () -> ()
    }
    %scan3A_68 = arith.constant 5 : i32
    %mul3A_69 = arith.constant 3 : i32
    %mul3A_70 = arith.muli %mul3A_69, %arg0 : i32
    %add3A_71 = arith.constant 1 : i32
    %add3A_72 = arith.addi %mul3A_70, %add3A_71 : i32
    %scan3A_73 = arith.constant 0 : i32
    %scan3A_74 = arith.constant 0 : i32
    %scan3A_75 = arith.constant 80 : i32
    %scan3A_76 = arith.addi %scan3A_74, %scan3A_75 : i32
    %scan3A_77 = arith.constant 1 : i32
    scf.for %scan3A_177 = %scan3A_74 to %scan3A_76 step %scan3A_77  : i32 {
      %mul3A_178 = arith.constant 128 : i32
      %mul3A_179 = arith.muli %scan3A_177, %mul3A_178 : i32
      %add3A_180 = arith.constant 0 : i32
      %add3A_181 = arith.addi %mul3A_179, %add3A_180 : i32
      %get3A = arith.index_cast %add3A_181 : i32 to index
      %get3A_182 = tpu.vector_load %arg9[%get3A] {strides = array<i32>} : memref<10240xi32, #tpu.memory_space<vmem>>, vector<16xi32>,
      %add3A_183 = vector.broadcast %add3A_72 : i32 to vector<16xi32>
      %add3A_184 = arith.addi %get3A_182, %add3A_183 : vector<16xi32>
      %swap3A = arith.index_cast %add3A_181 : i32 to index
      %swap3A_185 = tpu.vector_load %arg10[%swap3A] {strides = array<i32>} : memref<10240xi32, #tpu.memory_space<vmem>>, vector<16xi32>,
      tpu.vector_store %arg10[%swap3A], %add3A_184 {strides = array<i32>} : memref<10240xi32, #tpu.memory_space<vmem>>, vector<16xi32>,
      %mul3A_186 = arith.constant 128 : i32
      %mul3A_187 = arith.muli %scan3A_177, %mul3A_186 : i32
      %add3A_188 = arith.constant 16 : i32
      %add3A_189 = arith.addi %mul3A_187, %add3A_188 : i32
      %get3A_190 = arith.index_cast %add3A_189 : i32 to index
      %get3A_191 = tpu.vector_load %arg9[%get3A_190] {strides = array<i32>} : memref<10240xi32, #tpu.memory_space<vmem>>, vector<16xi32>,
      %add3A_192 = vector.broadcast %add3A_72 : i32 to vector<16xi32>
      %add3A_193 = arith.addi %get3A_191, %add3A_192 : vector<16xi32>
      %swap3A_194 = arith.index_cast %add3A_189 : i32 to index
      %swap3A_195 = tpu.vector_load %arg10[%swap3A_194] {strides = array<i32>} : memref<10240xi32, #tpu.memory_space<vmem>>, vector<16xi32>,
      tpu.vector_store %arg10[%swap3A_194], %add3A_193 {strides = array<i32>} : memref<10240xi32, #tpu.memory_space<vmem>>, vector<16xi32>,
      %mul3A_196 = arith.constant 128 : i32
      %mul3A_197 = arith.muli %scan3A_177, %mul3A_196 : i32
      %add3A_198 = arith.constant 32 : i32
      %add3A_199 = arith.addi %mul3A_197, %add3A_198 : i32
      %get3A_200 = arith.index_cast %add3A_199 : i32 to index
      %get3A_201 = tpu.vector_load %arg9[%get3A_200] {strides = array<i32>} : memref<10240xi32, #tpu.memory_space<vmem>>, vector<16xi32>,
      %add3A_202 = vector.broadcast %add3A_72 : i32 to vector<16xi32>
      %add3A_203 = arith.addi %get3A_201, %add3A_202 : vector<16xi32>
      %swap3A_204 = arith.index_cast %add3A_199 : i32 to index
      %swap3A_205 = tpu.vector_load %arg10[%swap3A_204] {strides = array<i32>} : memref<10240xi32, #tpu.memory_space<vmem>>, vector<16xi32>,
      tpu.vector_store %arg10[%swap3A_204], %add3A_203 {strides = array<i32>} : memref<10240xi32, #tpu.memory_space<vmem>>, vector<16xi32>,
      %mul3A_206 = arith.constant 128 : i32
      %mul3A_207 = arith.muli %scan3A_177, %mul3A_206 : i32
      %add3A_208 = arith.constant 48 : i32
      %add3A_209 = arith.addi %mul3A_207, %add3A_208 : i32
      %get3A_210 = arith.index_cast %add3A_209 : i32 to index
      %get3A_211 = tpu.vector_load %arg9[%get3A_210] {strides = array<i32>} : memref<10240xi32, #tpu.memory_space<vmem>>, vector<16xi32>,
      %add3A_212 = vector.broadcast %add3A_72 : i32 to vector<16xi32>
      %add3A_213 = arith.addi %get3A_211, %add3A_212 : vector<16xi32>
      %swap3A_214 = arith.index_cast %add3A_209 : i32 to index
      %swap3A_215 = tpu.vector_load %arg10[%swap3A_214] {strides = array<i32>} : memref<10240xi32, #tpu.memory_space<vmem>>, vector<16xi32>,
      tpu.vector_store %arg10[%swap3A_214], %add3A_213 {strides = array<i32>} : memref<10240xi32, #tpu.memory_space<vmem>>, vector<16xi32>,
      %mul3A_216 = arith.constant 128 : i32
      %mul3A_217 = arith.muli %scan3A_177, %mul3A_216 : i32
      %add3A_218 = arith.constant 64 : i32
      %add3A_219 = arith.addi %mul3A_217, %add3A_218 : i32
      %get3A_220 = arith.index_cast %add3A_219 : i32 to index
      %get3A_221 = tpu.vector_load %arg9[%get3A_220] {strides = array<i32>} : memref<10240xi32, #tpu.memory_space<vmem>>, vector<16xi32>,
      %add3A_222 = vector.broadcast %add3A_72 : i32 to vector<16xi32>
      %add3A_223 = arith.addi %get3A_221, %add3A_222 : vector<16xi32>
      %swap3A_224 = arith.index_cast %add3A_219 : i32 to index
      %swap3A_225 = tpu.vector_load %arg10[%swap3A_224] {strides = array<i32>} : memref<10240xi32, #tpu.memory_space<vmem>>, vector<16xi32>,
      tpu.vector_store %arg10[%swap3A_224], %add3A_223 {strides = array<i32>} : memref<10240xi32, #tpu.memory_space<vmem>>, vector<16xi32>,
      %mul3A_226 = arith.constant 128 : i32
      %mul3A_227 = arith.muli %scan3A_177, %mul3A_226 : i32
      %add3A_228 = arith.constant 80 : i32
      %add3A_229 = arith.addi %mul3A_227, %add3A_228 : i32
      %get3A_230 = arith.index_cast %add3A_229 : i32 to index
      %get3A_231 = tpu.vector_load %arg9[%get3A_230] {strides = array<i32>} : memref<10240xi32, #tpu.memory_space<vmem>>, vector<16xi32>,
      %add3A_232 = vector.broadcast %add3A_72 : i32 to vector<16xi32>
      %add3A_233 = arith.addi %get3A_231, %add3A_232 : vector<16xi32>
      %swap3A_234 = arith.index_cast %add3A_229 : i32 to index
      %swap3A_235 = tpu.vector_load %arg10[%swap3A_234] {strides = array<i32>} : memref<10240xi32, #tpu.memory_space<vmem>>, vector<16xi32>,
      tpu.vector_store %arg10[%swap3A_234], %add3A_233 {strides = array<i32>} : memref<10240xi32, #tpu.memory_space<vmem>>, vector<16xi32>,
      %mul3A_236 = arith.constant 128 : i32
      %mul3A_237 = arith.muli %scan3A_177, %mul3A_236 : i32
      %add3A_238 = arith.constant 96 : i32
      %add3A_239 = arith.addi %mul3A_237, %add3A_238 : i32
      %get3A_240 = arith.index_cast %add3A_239 : i32 to index
      %get3A_241 = tpu.vector_load %arg9[%get3A_240] {strides = array<i32>} : memref<10240xi32, #tpu.memory_space<vmem>>, vector<16xi32>,
      %add3A_242 = vector.broadcast %add3A_72 : i32 to vector<16xi32>
      %add3A_243 = arith.addi %get3A_241, %add3A_242 : vector<16xi32>
      %swap3A_244 = arith.index_cast %add3A_239 : i32 to index
      %swap3A_245 = tpu.vector_load %arg10[%swap3A_244] {strides = array<i32>} : memref<10240xi32, #tpu.memory_space<vmem>>, vector<16xi32>,
      tpu.vector_store %arg10[%swap3A_244], %add3A_243 {strides = array<i32>} : memref<10240xi32, #tpu.memory_space<vmem>>, vector<16xi32>,
      %mul3A_246 = arith.constant 128 : i32
      %mul3A_247 = arith.muli %scan3A_177, %mul3A_246 : i32
      %add3A_248 = arith.constant 112 : i32
      %add3A_249 = arith.addi %mul3A_247, %add3A_248 : i32
      %get3A_250 = arith.index_cast %add3A_249 : i32 to index
      %get3A_251 = tpu.vector_load %arg9[%get3A_250] {strides = array<i32>} : memref<10240xi32, #tpu.memory_space<vmem>>, vector<16xi32>,
      %add3A_252 = vector.broadcast %add3A_72 : i32 to vector<16xi32>
      %add3A_253 = arith.addi %get3A_251, %add3A_252 : vector<16xi32>
      %swap3A_254 = arith.index_cast %add3A_249 : i32 to index
      %swap3A_255 = tpu.vector_load %arg10[%swap3A_254] {strides = array<i32>} : memref<10240xi32, #tpu.memory_space<vmem>>, vector<16xi32>,
      tpu.vector_store %arg10[%swap3A_254], %add3A_253 {strides = array<i32>} : memref<10240xi32, #tpu.memory_space<vmem>>, vector<16xi32>,
    }
    %scan3A_78 = arith.constant 80 : i32
    %scan3A_79 = arith.constant 0 : i32
    %scan3A_80 = arith.constant 0 : i32
    %scan3A_81 = arith.constant 5 : i32
    %scan3A_82 = arith.addi %scan3A_80, %scan3A_81 : i32
    %scan3A_83 = arith.constant 1 : i32
    scf.for %scan3A_177 = %scan3A_80 to %scan3A_82 step %scan3A_83  : i32 {
      %mul3A_178 = arith.constant 128 : i32
      %mul3A_179 = arith.muli %scan3A_177, %mul3A_178 : i32
      %add3A_180 = arith.constant 0 : i32
      %add3A_181 = arith.addi %mul3A_179, %add3A_180 : i32
      %get3A = arith.index_cast %add3A_181 : i32 to index
      %get3A_182 = tpu.vector_load %arg8[%get3A] {strides = array<i32>} : memref<10240xi32, #tpu.memory_space<vmem>>, vector<16xi32>,
      %add3A_183 = vector.broadcast %add3A_72 : i32 to vector<16xi32>
      %add3A_184 = arith.addi %get3A_182, %add3A_183 : vector<16xi32>
      %add3A_185 = arith.constant 640 : i32
      %add3A_186 = arith.addi %add3A_185, %add3A_181 : i32
      %swap3A = arith.index_cast %add3A_186 : i32 to index
      %swap3A_187 = tpu.vector_load %arg8[%swap3A] {strides = array<i32>} : memref<10240xi32, #tpu.memory_space<vmem>>, vector<16xi32>,
      tpu.vector_store %arg8[%swap3A], %add3A_184 {strides = array<i32>} : memref<10240xi32, #tpu.memory_space<vmem>>, vector<16xi32>,
      %mul3A_188 = arith.constant 128 : i32
      %mul3A_189 = arith.muli %scan3A_177, %mul3A_188 : i32
      %add3A_190 = arith.constant 16 : i32
      %add3A_191 = arith.addi %mul3A_189, %add3A_190 : i32
      %get3A_192 = arith.index_cast %add3A_191 : i32 to index
      %get3A_193 = tpu.vector_load %arg8[%get3A_192] {strides = array<i32>} : memref<10240xi32, #tpu.memory_space<vmem>>, vector<16xi32>,
      %add3A_194 = vector.broadcast %add3A_72 : i32 to vector<16xi32>
      %add3A_195 = arith.addi %get3A_193, %add3A_194 : vector<16xi32>
      %add3A_196 = arith.constant 640 : i32
      %add3A_197 = arith.addi %add3A_196, %add3A_191 : i32
      %swap3A_198 = arith.index_cast %add3A_197 : i32 to index
      %swap3A_199 = tpu.vector_load %arg8[%swap3A_198] {strides = array<i32>} : memref<10240xi32, #tpu.memory_space<vmem>>, vector<16xi32>,
      tpu.vector_store %arg8[%swap3A_198], %add3A_195 {strides = array<i32>} : memref<10240xi32, #tpu.memory_space<vmem>>, vector<16xi32>,
      %mul3A_200 = arith.constant 128 : i32
      %mul3A_201 = arith.muli %scan3A_177, %mul3A_200 : i32
      %add3A_202 = arith.constant 32 : i32
      %add3A_203 = arith.addi %mul3A_201, %add3A_202 : i32
      %get3A_204 = arith.index_cast %add3A_203 : i32 to index
      %get3A_205 = tpu.vector_load %arg8[%get3A_204] {strides = array<i32>} : memref<10240xi32, #tpu.memory_space<vmem>>, vector<16xi32>,
      %add3A_206 = vector.broadcast %add3A_72 : i32 to vector<16xi32>
      %add3A_207 = arith.addi %get3A_205, %add3A_206 : vector<16xi32>
      %add3A_208 = arith.constant 640 : i32
      %add3A_209 = arith.addi %add3A_208, %add3A_203 : i32
      %swap3A_210 = arith.index_cast %add3A_209 : i32 to index
      %swap3A_211 = tpu.vector_load %arg8[%swap3A_210] {strides = array<i32>} : memref<10240xi32, #tpu.memory_space<vmem>>, vector<16xi32>,
      tpu.vector_store %arg8[%swap3A_210], %add3A_207 {strides = array<i32>} : memref<10240xi32, #tpu.memory_space<vmem>>, vector<16xi32>,
      %mul3A_212 = arith.constant 128 : i32
      %mul3A_213 = arith.muli %scan3A_177, %mul3A_212 : i32
      %add3A_214 = arith.constant 48 : i32
      %add3A_215 = arith.addi %mul3A_213, %add3A_214 : i32
      %get3A_216 = arith.index_cast %add3A_215 : i32 to index
      %get3A_217 = tpu.vector_load %arg8[%get3A_216] {strides = array<i32>} : memref<10240xi32, #tpu.memory_space<vmem>>, vector<16xi32>,
      %add3A_218 = vector.broadcast %add3A_72 : i32 to vector<16xi32>
      %add3A_219 = arith.addi %get3A_217, %add3A_218 : vector<16xi32>
      %add3A_220 = arith.constant 640 : i32
      %add3A_221 = arith.addi %add3A_220, %add3A_215 : i32
      %swap3A_222 = arith.index_cast %add3A_221 : i32 to index
      %swap3A_223 = tpu.vector_load %arg8[%swap3A_222] {strides = array<i32>} : memref<10240xi32, #tpu.memory_space<vmem>>, vector<16xi32>,
      tpu.vector_store %arg8[%swap3A_222], %add3A_219 {strides = array<i32>} : memref<10240xi32, #tpu.memory_space<vmem>>, vector<16xi32>,
      %mul3A_224 = arith.constant 128 : i32
      %mul3A_225 = arith.muli %scan3A_177, %mul3A_224 : i32
      %add3A_226 = arith.constant 64 : i32
      %add3A_227 = arith.addi %mul3A_225, %add3A_226 : i32
      %get3A_228 = arith.index_cast %add3A_227 : i32 to index
      %get3A_229 = tpu.vector_load %arg8[%get3A_228] {strides = array<i32>} : memref<10240xi32, #tpu.memory_space<vmem>>, vector<16xi32>,
      %add3A_230 = vector.broadcast %add3A_72 : i32 to vector<16xi32>
      %add3A_231 = arith.addi %get3A_229, %add3A_230 : vector<16xi32>
      %add3A_232 = arith.constant 640 : i32
      %add3A_233 = arith.addi %add3A_232, %add3A_227 : i32
      %swap3A_234 = arith.index_cast %add3A_233 : i32 to index
      %swap3A_235 = tpu.vector_load %arg8[%swap3A_234] {strides = array<i32>} : memref<10240xi32, #tpu.memory_space<vmem>>, vector<16xi32>,
      tpu.vector_store %arg8[%swap3A_234], %add3A_231 {strides = array<i32>} : memref<10240xi32, #tpu.memory_space<vmem>>, vector<16xi32>,
      %mul3A_236 = arith.constant 128 : i32
      %mul3A_237 = arith.muli %scan3A_177, %mul3A_236 : i32
      %add3A_238 = arith.constant 80 : i32
      %add3A_239 = arith.addi %mul3A_237, %add3A_238 : i32
      %get3A_240 = arith.index_cast %add3A_239 : i32 to index
      %get3A_241 = tpu.vector_load %arg8[%get3A_240] {strides = array<i32>} : memref<10240xi32, #tpu.memory_space<vmem>>, vector<16xi32>,
      %add3A_242 = vector.broadcast %add3A_72 : i32 to vector<16xi32>
      %add3A_243 = arith.addi %get3A_241, %add3A_242 : vector<16xi32>
      %add3A_244 = arith.constant 640 : i32
      %add3A_245 = arith.addi %add3A_244, %add3A_239 : i32
      %swap3A_246 = arith.index_cast %add3A_245 : i32 to index
      %swap3A_247 = tpu.vector_load %arg8[%swap3A_246] {strides = array<i32>} : memref<10240xi32, #tpu.memory_space<vmem>>, vector<16xi32>,
      tpu.vector_store %arg8[%swap3A_246], %add3A_243 {strides = array<i32>} : memref<10240xi32, #tpu.memory_space<vmem>>, vector<16xi32>,
      %mul3A_248 = arith.constant 128 : i32
      %mul3A_249 = arith.muli %scan3A_177, %mul3A_248 : i32
      %add3A_250 = arith.constant 96 : i32
      %add3A_251 = arith.addi %mul3A_249, %add3A_250 : i32
      %get3A_252 = arith.index_cast %add3A_251 : i32 to index
      %get3A_253 = tpu.vector_load %arg8[%get3A_252] {strides = array<i32>} : memref<10240xi32, #tpu.memory_space<vmem>>, vector<16xi32>,
      %add3A_254 = vector.broadcast %add3A_72 : i32 to vector<16xi32>
      %add3A_255 = arith.addi %get3A_253, %add3A_254 : vector<16xi32>
      %add3A_256 = arith.constant 640 : i32
      %add3A_257 = arith.addi %add3A_256, %add3A_251 : i32
      %swap3A_258 = arith.index_cast %add3A_257 : i32 to index
      %swap3A_259 = tpu.vector_load %arg8[%swap3A_258] {strides = array<i32>} : memref<10240xi32, #tpu.memory_space<vmem>>, vector<16xi32>,
      tpu.vector_store %arg8[%swap3A_258], %add3A_255 {strides = array<i32>} : memref<10240xi32, #tpu.memory_space<vmem>>, vector<16xi32>,
      %mul3A_260 = arith.constant 128 : i32
      %mul3A_261 = arith.muli %scan3A_177, %mul3A_260 : i32
      %add3A_262 = arith.constant 112 : i32
      %add3A_263 = arith.addi %mul3A_261, %add3A_262 : i32
      %get3A_264 = arith.index_cast %add3A_263 : i32 to index
      %get3A_265 = tpu.vector_load %arg8[%get3A_264] {strides = array<i32>} : memref<10240xi32, #tpu.memory_space<vmem>>, vector<16xi32>,
      %add3A_266 = vector.broadcast %add3A_72 : i32 to vector<16xi32>
      %add3A_267 = arith.addi %get3A_265, %add3A_266 : vector<16xi32>
      %add3A_268 = arith.constant 640 : i32
      %add3A_269 = arith.addi %add3A_268, %add3A_263 : i32
      %swap3A_270 = arith.index_cast %add3A_269 : i32 to index
      %swap3A_271 = tpu.vector_load %arg8[%swap3A_270] {strides = array<i32>} : memref<10240xi32, #tpu.memory_space<vmem>>, vector<16xi32>,
      tpu.vector_store %arg8[%swap3A_270], %add3A_267 {strides = array<i32>} : memref<10240xi32, #tpu.memory_space<vmem>>, vector<16xi32>,
    }
    %scan3A_84 = arith.constant 5 : i32
    %scan3A_85 = arith.constant 0 : i32
    %scan3A_86 = arith.constant 0 : i32
    %scan3A_87 = arith.constant 128 : i32
    %scan3A_88 = arith.addi %scan3A_86, %scan3A_87 : i32
    %scan3A_89 = arith.constant 1 : i32
    scf.for %scan3A_177 = %scan3A_86 to %scan3A_88 step %scan3A_89  : i32 {
      %swap3A = arith.index_cast %scan3A_177 : i32 to index
      %swap3A_178 = arith.constant 0 : index
      %swap3A_179 = tpu.vector_load %arg13[%swap3A, %swap3A_178] {strides = array<i32>} : memref<128x64xf32, #tpu.memory_space<vmem>>, vector<16xf32>,
      tpu.vector_store %arg13[%swap3A, %swap3A_178], %broadcast_in_dim3A_16 {strides = array<i32>} : memref<128x64xf32, #tpu.memory_space<vmem>>, vector<16xf32>,
      %swap3A_180 = arith.index_cast %scan3A_177 : i32 to index
      %swap3A_181 = arith.constant 16 : index
      %swap3A_182 = tpu.vector_load %arg13[%swap3A_180, %swap3A_181] {strides = array<i32>} : memref<128x64xf32, #tpu.memory_space<vmem>>, vector<16xf32>,
      tpu.vector_store %arg13[%swap3A_180, %swap3A_181], %broadcast_in_dim3A_16 {strides = array<i32>} : memref<128x64xf32, #tpu.memory_space<vmem>>, vector<16xf32>,
      %swap3A_183 = arith.index_cast %scan3A_177 : i32 to index
      %swap3A_184 = arith.constant 32 : index
      %swap3A_185 = tpu.vector_load %arg13[%swap3A_183, %swap3A_184] {strides = array<i32>} : memref<128x64xf32, #tpu.memory_space<vmem>>, vector<16xf32>,
      tpu.vector_store %arg13[%swap3A_183, %swap3A_184], %broadcast_in_dim3A_16 {strides = array<i32>} : memref<128x64xf32, #tpu.memory_space<vmem>>, vector<16xf32>,
      %swap3A_186 = arith.index_cast %scan3A_177 : i32 to index
      %swap3A_187 = arith.constant 48 : index
      %swap3A_188 = tpu.vector_load %arg13[%swap3A_186, %swap3A_187] {strides = array<i32>} : memref<128x64xf32, #tpu.memory_space<vmem>>, vector<16xf32>,
      tpu.vector_store %arg13[%swap3A_186, %swap3A_187], %broadcast_in_dim3A_16 {strides = array<i32>} : memref<128x64xf32, #tpu.memory_space<vmem>>, vector<16xf32>,
    }
    %scan3A_90 = arith.constant 128 : i32
    %scan3A_91 = arith.constant 0 : i32
    %scan3A_92 = arith.constant 0 : i32
    %scan3A_93 = arith.constant 9 : i32
    %scan3A_94 = arith.addi %scan3A_92, %scan3A_93 : i32
    %scan3A_95 = arith.constant 1 : i32
    scf.for %scan3A_177 = %scan3A_92 to %scan3A_94 step %scan3A_95  : i32 {
      %mul3A_178 = arith.constant 128 : i32
      %mul3A_179 = arith.muli %scan3A_177, %mul3A_178 : i32
      %add3A_180 = arith.addi %mul3A_4, %mul3A_179 : i32
      "tpu.region"() ({
        %run_scoped3A = tpu.sem_alloc : memref<!tpu.dma_semaphore, #tpu.memory_space<semaphore_mem>>
        %dma_start3A = arith.constant 0 : i32
        %dma_start3A_181 = tpu.memref_slice %arg14[%add3A_180, %dma_start3A] : memref<20224x64xf32, #tpu.memory_space<vmem_shared>> -> memref<128x64xf32, #tpu.memory_space<vmem_shared>>
        %dma_start3A_182 = arith.constant 0 : i32
        %dma_start3A_183 = tpu.memref_slice %arg14[%add3A_180, %dma_start3A_182] : memref<20224x64xf32, #tpu.memory_space<vmem_shared>> -> memref<128x64xf32, #tpu.memory_space<vmem_shared>>
        tpu.enqueue_dma source(%arg13 : memref<128x64xf32, #tpu.memory_space<vmem>>) target(%dma_start3A_183 : memref<128x64xf32, #tpu.memory_space<vmem_shared>>) target_semaphore(%run_scoped3A : memref<!tpu.dma_semaphore, #tpu.memory_space<semaphore_mem>>)
        %dma_wait3A = arith.constant 0 : i32
        %dma_wait3A_184 = tpu.memref_slice %arg14[%add3A_180, %dma_wait3A] : memref<20224x64xf32, #tpu.memory_space<vmem_shared>> -> memref<128x64xf32, #tpu.memory_space<vmem_shared>>
        %dma_wait3A_185 = arith.constant 0 : i32
        %dma_wait3A_186 = tpu.memref_slice %arg14[%add3A_180, %dma_wait3A_185] : memref<20224x64xf32, #tpu.memory_space<vmem_shared>> -> memref<128x64xf32, #tpu.memory_space<vmem_shared>>
        tpu.wait_dma2 semaphore(%run_scoped3A : memref<!tpu.dma_semaphore, #tpu.memory_space<semaphore_mem>>) src(%arg13 : memref<128x64xf32, #tpu.memory_space<vmem>>) dst(%dma_wait3A_186 : memref<128x64xf32, #tpu.memory_space<vmem_shared>>)
        tpu.yield
      }) : () -> ()
    }
    %scan3A_96 = arith.constant 9 : i32
    %add3A_97 = arith.constant 1152 : i32
    %add3A_98 = arith.addi %mul3A_4, %add3A_97 : i32
    "tpu.region"() ({
      %run_scoped3A = tpu.sem_alloc : memref<!tpu.dma_semaphore, #tpu.memory_space<semaphore_mem>>
      %dma_start3A = arith.constant 0 : i32
      %dma_start3A_177 = arith.constant 0 : i32
      %dma_start3A_178 = tpu.memref_slice %arg13[%dma_start3A, %dma_start3A_177] : memref<128x64xf32, #tpu.memory_space<vmem>> -> memref<112x64xf32, #tpu.memory_space<vmem>>
      %dma_start3A_179 = arith.constant 0 : i32
      %dma_start3A_180 = tpu.memref_slice %arg14[%add3A_98, %dma_start3A_179] : memref<20224x64xf32, #tpu.memory_space<vmem_shared>> -> memref<112x64xf32, #tpu.memory_space<vmem_shared>>
      %dma_start3A_181 = arith.constant 0 : i32
      %dma_start3A_182 = tpu.memref_slice %arg14[%add3A_98, %dma_start3A_181] : memref<20224x64xf32, #tpu.memory_space<vmem_shared>> -> memref<112x64xf32, #tpu.memory_space<vmem_shared>>
      %dma_start3A_183 = arith.constant 0 : i32
      %dma_start3A_184 = arith.constant 0 : i32
      %dma_start3A_185 = tpu.memref_slice %arg13[%dma_start3A_183, %dma_start3A_184] : memref<128x64xf32, #tpu.memory_space<vmem>> -> memref<112x64xf32, #tpu.memory_space<vmem>>
      tpu.enqueue_dma source(%dma_start3A_185 : memref<112x64xf32, #tpu.memory_space<vmem>>) target(%dma_start3A_182 : memref<112x64xf32, #tpu.memory_space<vmem_shared>>) target_semaphore(%run_scoped3A : memref<!tpu.dma_semaphore, #tpu.memory_space<semaphore_mem>>)
      %dma_wait3A = arith.constant 0 : i32
      %dma_wait3A_186 = arith.constant 0 : i32
      %dma_wait3A_187 = tpu.memref_slice %arg13[%dma_wait3A, %dma_wait3A_186] : memref<128x64xf32, #tpu.memory_space<vmem>> -> memref<112x64xf32, #tpu.memory_space<vmem>>
      %dma_wait3A_188 = arith.constant 0 : i32
      %dma_wait3A_189 = tpu.memref_slice %arg14[%add3A_98, %dma_wait3A_188] : memref<20224x64xf32, #tpu.memory_space<vmem_shared>> -> memref<112x64xf32, #tpu.memory_space<vmem_shared>>
      %dma_wait3A_190 = arith.constant 0 : i32
      %dma_wait3A_191 = tpu.memref_slice %arg14[%add3A_98, %dma_wait3A_190] : memref<20224x64xf32, #tpu.memory_space<vmem_shared>> -> memref<112x64xf32, #tpu.memory_space<vmem_shared>>
      %dma_wait3A_192 = arith.constant 0 : i32
      %dma_wait3A_193 = arith.constant 0 : i32
      %dma_wait3A_194 = tpu.memref_slice %arg13[%dma_wait3A_192, %dma_wait3A_193] : memref<128x64xf32, #tpu.memory_space<vmem>> -> memref<112x64xf32, #tpu.memory_space<vmem>>
      tpu.wait_dma2 semaphore(%run_scoped3A : memref<!tpu.dma_semaphore, #tpu.memory_space<semaphore_mem>>) src(%dma_wait3A_194 : memref<112x64xf32, #tpu.memory_space<vmem>>) dst(%dma_wait3A_191 : memref<112x64xf32, #tpu.memory_space<vmem_shared>>)
      tpu.yield
    }) : () -> ()
    %barrier3A_99 = arith.constant 0 : index
    tpu.barrier barrier_id(%barrier3A_99)
    %scan3A_100 = arith.constant 0 : i32
    %scan3A_101 = arith.constant 0 : i32
    %scan3A_102 = arith.constant 80 : i32
    %scan3A_103 = arith.addi %scan3A_101, %scan3A_102 : i32
    %scan3A_104 = arith.constant 1 : i32
    scf.for %scan3A_177 = %scan3A_101 to %scan3A_103 step %scan3A_104  : i32 {
      %mul3A_178 = arith.constant 128 : i32
      %mul3A_179 = arith.muli %scan3A_177, %mul3A_178 : i32
      %add3A_180 = arith.constant 0 : i32
      %add3A_181 = arith.addi %mul3A_179, %add3A_180 : i32
      %get3A = arith.index_cast %add3A_181 : i32 to index
      %get3A_182 = tpu.vector_load %arg11[%get3A] {strides = array<i32>} : memref<10240xi32, #tpu.memory_space<vmem>>, vector<16xi32>,
      %swap3A = arith.constant 0 : i32
      %swap3A_183 = arith.index_cast %swap3A : i32 to index
      %swap3A_184 = arith.constant 0 : index
      %swap3A_185 = tpu.vector_load %arg12[%swap3A_183, %swap3A_184] {strides = array<i32>} : memref<1x128xi32, #tpu.memory_space<vmem>>, vector<16xi32>,
      tpu.vector_store %arg12[%swap3A_183, %swap3A_184], %get3A_182 {strides = array<i32>} : memref<1x128xi32, #tpu.memory_space<vmem>>, vector<16xi32>,
      %mul3A_186 = arith.constant 128 : i32
      %mul3A_187 = arith.muli %scan3A_177, %mul3A_186 : i32
      %add3A_188 = arith.constant 16 : i32
      %add3A_189 = arith.addi %mul3A_187, %add3A_188 : i32
      %get3A_190 = arith.index_cast %add3A_189 : i32 to index
      %get3A_191 = tpu.vector_load %arg11[%get3A_190] {strides = array<i32>} : memref<10240xi32, #tpu.memory_space<vmem>>, vector<16xi32>,
      %swap3A_192 = arith.constant 0 : i32
      %swap3A_193 = arith.index_cast %swap3A_192 : i32 to index
      %swap3A_194 = arith.constant 16 : index
      %swap3A_195 = tpu.vector_load %arg12[%swap3A_193, %swap3A_194] {strides = array<i32>} : memref<1x128xi32, #tpu.memory_space<vmem>>, vector<16xi32>,
      tpu.vector_store %arg12[%swap3A_193, %swap3A_194], %get3A_191 {strides = array<i32>} : memref<1x128xi32, #tpu.memory_space<vmem>>, vector<16xi32>,
      %mul3A_196 = arith.constant 128 : i32
      %mul3A_197 = arith.muli %scan3A_177, %mul3A_196 : i32
      %add3A_198 = arith.constant 32 : i32
      %add3A_199 = arith.addi %mul3A_197, %add3A_198 : i32
      %get3A_200 = arith.index_cast %add3A_199 : i32 to index
      %get3A_201 = tpu.vector_load %arg11[%get3A_200] {strides = array<i32>} : memref<10240xi32, #tpu.memory_space<vmem>>, vector<16xi32>,
      %swap3A_202 = arith.constant 0 : i32
      %swap3A_203 = arith.index_cast %swap3A_202 : i32 to index
      %swap3A_204 = arith.constant 32 : index
      %swap3A_205 = tpu.vector_load %arg12[%swap3A_203, %swap3A_204] {strides = array<i32>} : memref<1x128xi32, #tpu.memory_space<vmem>>, vector<16xi32>,
      tpu.vector_store %arg12[%swap3A_203, %swap3A_204], %get3A_201 {strides = array<i32>} : memref<1x128xi32, #tpu.memory_space<vmem>>, vector<16xi32>,
      %mul3A_206 = arith.constant 128 : i32
      %mul3A_207 = arith.muli %scan3A_177, %mul3A_206 : i32
      %add3A_208 = arith.constant 48 : i32
      %add3A_209 = arith.addi %mul3A_207, %add3A_208 : i32
      %get3A_210 = arith.index_cast %add3A_209 : i32 to index
      %get3A_211 = tpu.vector_load %arg11[%get3A_210] {strides = array<i32>} : memref<10240xi32, #tpu.memory_space<vmem>>, vector<16xi32>,
      %swap3A_212 = arith.constant 0 : i32
      %swap3A_213 = arith.index_cast %swap3A_212 : i32 to index
      %swap3A_214 = arith.constant 48 : index
      %swap3A_215 = tpu.vector_load %arg12[%swap3A_213, %swap3A_214] {strides = array<i32>} : memref<1x128xi32, #tpu.memory_space<vmem>>, vector<16xi32>,
      tpu.vector_store %arg12[%swap3A_213, %swap3A_214], %get3A_211 {strides = array<i32>} : memref<1x128xi32, #tpu.memory_space<vmem>>, vector<16xi32>,
      %mul3A_216 = arith.constant 128 : i32
      %mul3A_217 = arith.muli %scan3A_177, %mul3A_216 : i32
      %add3A_218 = arith.constant 64 : i32
      %add3A_219 = arith.addi %mul3A_217, %add3A_218 : i32
      %get3A_220 = arith.index_cast %add3A_219 : i32 to index
      %get3A_221 = tpu.vector_load %arg11[%get3A_220] {strides = array<i32>} : memref<10240xi32, #tpu.memory_space<vmem>>, vector<16xi32>,
      %swap3A_222 = arith.constant 0 : i32
      %swap3A_223 = arith.index_cast %swap3A_222 : i32 to index
      %swap3A_224 = arith.constant 64 : index
      %swap3A_225 = tpu.vector_load %arg12[%swap3A_223, %swap3A_224] {strides = array<i32>} : memref<1x128xi32, #tpu.memory_space<vmem>>, vector<16xi32>,
      tpu.vector_store %arg12[%swap3A_223, %swap3A_224], %get3A_221 {strides = array<i32>} : memref<1x128xi32, #tpu.memory_space<vmem>>, vector<16xi32>,
      %mul3A_226 = arith.constant 128 : i32
      %mul3A_227 = arith.muli %scan3A_177, %mul3A_226 : i32
      %add3A_228 = arith.constant 80 : i32
      %add3A_229 = arith.addi %mul3A_227, %add3A_228 : i32
      %get3A_230 = arith.index_cast %add3A_229 : i32 to index
      %get3A_231 = tpu.vector_load %arg11[%get3A_230] {strides = array<i32>} : memref<10240xi32, #tpu.memory_space<vmem>>, vector<16xi32>,
      %swap3A_232 = arith.constant 0 : i32
      %swap3A_233 = arith.index_cast %swap3A_232 : i32 to index
      %swap3A_234 = arith.constant 80 : index
      %swap3A_235 = tpu.vector_load %arg12[%swap3A_233, %swap3A_234] {strides = array<i32>} : memref<1x128xi32, #tpu.memory_space<vmem>>, vector<16xi32>,
      tpu.vector_store %arg12[%swap3A_233, %swap3A_234], %get3A_231 {strides = array<i32>} : memref<1x128xi32, #tpu.memory_space<vmem>>, vector<16xi32>,
      %mul3A_236 = arith.constant 128 : i32
      %mul3A_237 = arith.muli %scan3A_177, %mul3A_236 : i32
      %add3A_238 = arith.constant 96 : i32
      %add3A_239 = arith.addi %mul3A_237, %add3A_238 : i32
      %get3A_240 = arith.index_cast %add3A_239 : i32 to index
      %get3A_241 = tpu.vector_load %arg11[%get3A_240] {strides = array<i32>} : memref<10240xi32, #tpu.memory_space<vmem>>, vector<16xi32>,
      %swap3A_242 = arith.constant 0 : i32
      %swap3A_243 = arith.index_cast %swap3A_242 : i32 to index
      %swap3A_244 = arith.constant 96 : index
      %swap3A_245 = tpu.vector_load %arg12[%swap3A_243, %swap3A_244] {strides = array<i32>} : memref<1x128xi32, #tpu.memory_space<vmem>>, vector<16xi32>,
      tpu.vector_store %arg12[%swap3A_243, %swap3A_244], %get3A_241 {strides = array<i32>} : memref<1x128xi32, #tpu.memory_space<vmem>>, vector<16xi32>,
      %mul3A_246 = arith.constant 128 : i32
      %mul3A_247 = arith.muli %scan3A_177, %mul3A_246 : i32
      %add3A_248 = arith.constant 112 : i32
      %add3A_249 = arith.addi %mul3A_247, %add3A_248 : i32
      %get3A_250 = arith.index_cast %add3A_249 : i32 to index
      %get3A_251 = tpu.vector_load %arg11[%get3A_250] {strides = array<i32>} : memref<10240xi32, #tpu.memory_space<vmem>>, vector<16xi32>,
      %swap3A_252 = arith.constant 0 : i32
      %swap3A_253 = arith.index_cast %swap3A_252 : i32 to index
      %swap3A_254 = arith.constant 112 : index
      %swap3A_255 = tpu.vector_load %arg12[%swap3A_253, %swap3A_254] {strides = array<i32>} : memref<1x128xi32, #tpu.memory_space<vmem>>, vector<16xi32>,
      tpu.vector_store %arg12[%swap3A_253, %swap3A_254], %get3A_251 {strides = array<i32>} : memref<1x128xi32, #tpu.memory_space<vmem>>, vector<16xi32>,
      %mul3A_256 = arith.constant 128 : i32
      %mul3A_257 = arith.muli %scan3A_177, %mul3A_256 : i32
      %dma_start3A = tpu.memref_slice %arg10[%mul3A_257] : memref<10240xi32, #tpu.memory_space<vmem>> -> memref<128xi32, #tpu.memory_space<vmem>>
      %dma_start3A_258 = arith.constant 0 : i32
      %dma_start3A_259 = arith.constant 0 : i32
      %dma_start3A_260 = tpu.memref_slice %arg2[%dma_start3A_258, %dma_start3A_259] : memref<300000x64xf32, #tpu.memory_space<hbm>> -> memref<300000x64xf32, #tpu.memory_space<hbm>>
      tpu.enqueue_indirect_dma source(%dma_start3A_260 : memref<300000x64xf32, #tpu.memory_space<hbm>>) target(%arg13 : memref<128x64xf32, #tpu.memory_space<vmem>>) offsets(%dma_start3A : memref<128xi32, #tpu.memory_space<vmem>>) semaphore(%arg15 : memref<!tpu.dma_semaphore, #tpu.memory_space<semaphore_mem>>)
      %dma_wait3A = tpu.memref_slice %arg10[%mul3A_257] : memref<10240xi32, #tpu.memory_space<vmem>> -> memref<128xi32, #tpu.memory_space<vmem>>
      %dma_wait3A_261 = arith.constant 0 : i32
      %dma_wait3A_262 = arith.constant 0 : i32
      %dma_wait3A_263 = tpu.memref_slice %arg2[%dma_wait3A_261, %dma_wait3A_262] : memref<300000x64xf32, #tpu.memory_space<hbm>> -> memref<300000x64xf32, #tpu.memory_space<hbm>>
      tpu.wait_indirect_dma semaphore(%arg15 : memref<!tpu.dma_semaphore, #tpu.memory_space<semaphore_mem>>) src(%dma_wait3A_263 : memref<300000x64xf32, #tpu.memory_space<hbm>>) dst(%arg13 : memref<128x64xf32, #tpu.memory_space<vmem>>)
      %run_scoped3A = arith.constant 0 : i32
      "tpu.region"() ({
        %run_scoped3A_264 = tpu.sem_alloc : memref<!tpu.dma_semaphore, #tpu.memory_space<semaphore_mem>>
        %dma_start3A_265 = arith.constant 0 : i32
        %dma_start3A_266 = tpu.memref_slice %arg12[%run_scoped3A, %dma_start3A_265] : memref<1x128xi32, #tpu.memory_space<vmem>> -> memref<1x128xi32, #tpu.memory_space<vmem>>
        %dma_start3A_267 = tpu.memref_squeeze %dma_start3A_266 : memref<1x128xi32, #tpu.memory_space<vmem>> -> memref<128xi32, #tpu.memory_space<vmem>>
        %dma_start3A_268 = arith.constant 0 : i32
        %dma_start3A_269 = arith.constant 0 : i32
        %dma_start3A_270 = tpu.memref_slice %arg14[%dma_start3A_268, %dma_start3A_269] : memref<20224x64xf32, #tpu.memory_space<vmem_shared>> -> memref<20224x64xf32, #tpu.memory_space<vmem_shared>>
        tpu.enqueue_indirect_dma source(%arg13 : memref<128x64xf32, #tpu.memory_space<vmem>>) target(%dma_start3A_270 : memref<20224x64xf32, #tpu.memory_space<vmem_shared>>) offsets(%dma_start3A_267 : memref<128xi32, #tpu.memory_space<vmem>>) semaphore(%run_scoped3A_264 : memref<!tpu.dma_semaphore, #tpu.memory_space<semaphore_mem>>) {add = true}
        %dma_wait3A_271 = arith.constant 0 : i32
        %dma_wait3A_272 = tpu.memref_slice %arg12[%run_scoped3A, %dma_wait3A_271] : memref<1x128xi32, #tpu.memory_space<vmem>> -> memref<1x128xi32, #tpu.memory_space<vmem>>
        %dma_wait3A_273 = tpu.memref_squeeze %dma_wait3A_272 : memref<1x128xi32, #tpu.memory_space<vmem>> -> memref<128xi32, #tpu.memory_space<vmem>>
        %dma_wait3A_274 = arith.constant 0 : i32
        %dma_wait3A_275 = arith.constant 0 : i32
        %dma_wait3A_276 = tpu.memref_slice %arg14[%dma_wait3A_274, %dma_wait3A_275] : memref<20224x64xf32, #tpu.memory_space<vmem_shared>> -> memref<20224x64xf32, #tpu.memory_space<vmem_shared>>
        tpu.wait_indirect_dma semaphore(%run_scoped3A_264 : memref<!tpu.dma_semaphore, #tpu.memory_space<semaphore_mem>>) src(%arg13 : memref<128x64xf32, #tpu.memory_space<vmem>>) dst(%dma_wait3A_276 : memref<20224x64xf32, #tpu.memory_space<vmem_shared>>)
        tpu.yield
      }) : () -> ()
    }
    %scan3A_105 = arith.constant 80 : i32
    %barrier3A_106 = arith.constant 0 : index
    tpu.barrier barrier_id(%barrier3A_106)
    %scan3A_107 = arith.constant 0 : i32
    %scan3A_108 = arith.constant 0 : i32
    %scan3A_109 = arith.constant 9 : i32
    %scan3A_110 = arith.addi %scan3A_108, %scan3A_109 : i32
    %scan3A_111 = arith.constant 1 : i32
    scf.for %scan3A_177 = %scan3A_108 to %scan3A_110 step %scan3A_111  : i32 {
      %mul3A_178 = arith.constant 128 : i32
      %mul3A_179 = arith.muli %scan3A_177, %mul3A_178 : i32
      %add3A_180 = arith.addi %mul3A_4, %mul3A_179 : i32
      %mul3A_181 = arith.constant 128 : i32
      %mul3A_182 = arith.muli %scan3A_177, %mul3A_181 : i32
      %add3A_183 = arith.addi %mul3A_4, %mul3A_182 : i32
      "tpu.region"() ({
        %run_scoped3A = tpu.sem_alloc : memref<!tpu.dma_semaphore, #tpu.memory_space<semaphore_mem>>
        %dma_start3A = arith.constant 0 : i32
        %dma_start3A_184 = tpu.memref_slice %arg6[%add3A_72, %add3A_183, %dma_start3A] : memref<6x20224x64xf32, #tpu.memory_space<hbm>> -> memref<1x128x64xf32, #tpu.memory_space<hbm>>
        %dma_start3A_185 = tpu.memref_squeeze %dma_start3A_184 : memref<1x128x64xf32, #tpu.memory_space<hbm>> -> memref<128x64xf32, #tpu.memory_space<hbm>>
        %dma_start3A_186 = arith.constant 0 : i32
        %dma_start3A_187 = tpu.memref_slice %arg14[%add3A_180, %dma_start3A_186] : memref<20224x64xf32, #tpu.memory_space<vmem_shared>> -> memref<128x64xf32, #tpu.memory_space<vmem_shared>>
        tpu.enqueue_dma source(%dma_start3A_187 : memref<128x64xf32, #tpu.memory_space<vmem_shared>>) target(%dma_start3A_185 : memref<128x64xf32, #tpu.memory_space<hbm>>) target_semaphore(%run_scoped3A : memref<!tpu.dma_semaphore, #tpu.memory_space<semaphore_mem>>)
        %dma_wait3A = arith.constant 0 : i32
        %dma_wait3A_188 = tpu.memref_slice %arg6[%add3A_72, %add3A_183, %dma_wait3A] : memref<6x20224x64xf32, #tpu.memory_space<hbm>> -> memref<1x128x64xf32, #tpu.memory_space<hbm>>
        %dma_wait3A_189 = tpu.memref_squeeze %dma_wait3A_188 : memref<1x128x64xf32, #tpu.memory_space<hbm>> -> memref<128x64xf32, #tpu.memory_space<hbm>>
        %dma_wait3A_190 = arith.constant 0 : i32
        %dma_wait3A_191 = tpu.memref_slice %arg14[%add3A_180, %dma_wait3A_190] : memref<20224x64xf32, #tpu.memory_space<vmem_shared>> -> memref<128x64xf32, #tpu.memory_space<vmem_shared>>
        tpu.wait_dma2 semaphore(%run_scoped3A : memref<!tpu.dma_semaphore, #tpu.memory_space<semaphore_mem>>) src(%dma_wait3A_191 : memref<128x64xf32, #tpu.memory_space<vmem_shared>>) dst(%dma_wait3A_189 : memref<128x64xf32, #tpu.memory_space<hbm>>)
        tpu.yield
      }) : () -> ()
    }
    %scan3A_112 = arith.constant 9 : i32
    %add3A_113 = arith.constant 1152 : i32
    %add3A_114 = arith.addi %mul3A_4, %add3A_113 : i32
    %add3A_115 = arith.constant 1152 : i32
    %add3A_116 = arith.addi %mul3A_4, %add3A_115 : i32
    "tpu.region"() ({
      %run_scoped3A = tpu.sem_alloc : memref<!tpu.dma_semaphore, #tpu.memory_space<semaphore_mem>>
      %dma_start3A = arith.constant 0 : i32
      %dma_start3A_177 = tpu.memref_slice %arg6[%add3A_72, %add3A_116, %dma_start3A] : memref<6x20224x64xf32, #tpu.memory_space<hbm>> -> memref<1x112x64xf32, #tpu.memory_space<hbm>>
      %dma_start3A_178 = tpu.memref_squeeze %dma_start3A_177 : memref<1x112x64xf32, #tpu.memory_space<hbm>> -> memref<112x64xf32, #tpu.memory_space<hbm>>
      %dma_start3A_179 = arith.constant 0 : i32
      %dma_start3A_180 = tpu.memref_slice %arg14[%add3A_114, %dma_start3A_179] : memref<20224x64xf32, #tpu.memory_space<vmem_shared>> -> memref<112x64xf32, #tpu.memory_space<vmem_shared>>
      tpu.enqueue_dma source(%dma_start3A_180 : memref<112x64xf32, #tpu.memory_space<vmem_shared>>) target(%dma_start3A_178 : memref<112x64xf32, #tpu.memory_space<hbm>>) target_semaphore(%run_scoped3A : memref<!tpu.dma_semaphore, #tpu.memory_space<semaphore_mem>>)
      %dma_wait3A = arith.constant 0 : i32
      %dma_wait3A_181 = tpu.memref_slice %arg6[%add3A_72, %add3A_116, %dma_wait3A] : memref<6x20224x64xf32, #tpu.memory_space<hbm>> -> memref<1x112x64xf32, #tpu.memory_space<hbm>>
      %dma_wait3A_182 = tpu.memref_squeeze %dma_wait3A_181 : memref<1x112x64xf32, #tpu.memory_space<hbm>> -> memref<112x64xf32, #tpu.memory_space<hbm>>
      %dma_wait3A_183 = arith.constant 0 : i32
      %dma_wait3A_184 = tpu.memref_slice %arg14[%add3A_114, %dma_wait3A_183] : memref<20224x64xf32, #tpu.memory_space<vmem_shared>> -> memref<112x64xf32, #tpu.memory_space<vmem_shared>>
      tpu.wait_dma2 semaphore(%run_scoped3A : memref<!tpu.dma_semaphore, #tpu.memory_space<semaphore_mem>>) src(%dma_wait3A_184 : memref<112x64xf32, #tpu.memory_space<vmem_shared>>) dst(%dma_wait3A_182 : memref<112x64xf32, #tpu.memory_space<hbm>>)
      tpu.yield
    }) : () -> ()
    %scan3A_117 = arith.constant 0 : i32
    %scan3A_118 = arith.constant 0 : i32
    %scan3A_119 = arith.constant 5 : i32
    %scan3A_120 = arith.addi %scan3A_118, %scan3A_119 : i32
    %scan3A_121 = arith.constant 1 : i32
    scf.for %scan3A_177 = %scan3A_118 to %scan3A_120 step %scan3A_121  : i32 {
      %mul3A_178 = arith.constant 128 : i32
      %mul3A_179 = arith.muli %scan3A_177, %mul3A_178 : i32
      %add3A_180 = arith.constant 640 : i32
      %add3A_181 = arith.addi %add3A_180, %mul3A_179 : i32
      %dma_start3A = tpu.memref_slice %arg8[%add3A_181] : memref<10240xi32, #tpu.memory_space<vmem>> -> memref<128xi32, #tpu.memory_space<vmem>>
      %dma_start3A_182 = arith.constant 0 : i32
      %dma_start3A_183 = arith.constant 0 : i32
      %dma_start3A_184 = tpu.memref_slice %arg2[%dma_start3A_182, %dma_start3A_183] : memref<300000x64xf32, #tpu.memory_space<hbm>> -> memref<300000x64xf32, #tpu.memory_space<hbm>>
      tpu.enqueue_indirect_dma source(%dma_start3A_184 : memref<300000x64xf32, #tpu.memory_space<hbm>>) target(%arg13 : memref<128x64xf32, #tpu.memory_space<vmem>>) offsets(%dma_start3A : memref<128xi32, #tpu.memory_space<vmem>>) semaphore(%arg15 : memref<!tpu.dma_semaphore, #tpu.memory_space<semaphore_mem>>)
      %dma_wait3A = tpu.memref_slice %arg8[%add3A_181] : memref<10240xi32, #tpu.memory_space<vmem>> -> memref<128xi32, #tpu.memory_space<vmem>>
      %dma_wait3A_185 = arith.constant 0 : i32
      %dma_wait3A_186 = arith.constant 0 : i32
      %dma_wait3A_187 = tpu.memref_slice %arg2[%dma_wait3A_185, %dma_wait3A_186] : memref<300000x64xf32, #tpu.memory_space<hbm>> -> memref<300000x64xf32, #tpu.memory_space<hbm>>
      tpu.wait_indirect_dma semaphore(%arg15 : memref<!tpu.dma_semaphore, #tpu.memory_space<semaphore_mem>>) src(%dma_wait3A_187 : memref<300000x64xf32, #tpu.memory_space<hbm>>) dst(%arg13 : memref<128x64xf32, #tpu.memory_space<vmem>>)
      %mul3A_188 = arith.constant 128 : i32
      %mul3A_189 = arith.muli %scan3A_177, %mul3A_188 : i32
      %add3A_190 = arith.addi %mul3A_2, %mul3A_189 : i32
      "tpu.region"() ({
        %run_scoped3A = tpu.sem_alloc : memref<!tpu.dma_semaphore, #tpu.memory_space<semaphore_mem>>
        %dma_start3A_191 = arith.constant 0 : i32
        %dma_start3A_192 = tpu.memref_slice %arg7[%add3A_72, %add3A_190, %dma_start3A_191] : memref<6x10240x64xf32, #tpu.memory_space<hbm>> -> memref<1x128x64xf32, #tpu.memory_space<hbm>>
        %dma_start3A_193 = tpu.memref_squeeze %dma_start3A_192 : memref<1x128x64xf32, #tpu.memory_space<hbm>> -> memref<128x64xf32, #tpu.memory_space<hbm>>
        %dma_start3A_194 = arith.constant 0 : i32
        %dma_start3A_195 = tpu.memref_slice %arg7[%add3A_72, %add3A_190, %dma_start3A_194] : memref<6x10240x64xf32, #tpu.memory_space<hbm>> -> memref<1x128x64xf32, #tpu.memory_space<hbm>>
        %dma_start3A_196 = tpu.memref_squeeze %dma_start3A_195 : memref<1x128x64xf32, #tpu.memory_space<hbm>> -> memref<128x64xf32, #tpu.memory_space<hbm>>
        tpu.enqueue_dma source(%arg13 : memref<128x64xf32, #tpu.memory_space<vmem>>) target(%dma_start3A_196 : memref<128x64xf32, #tpu.memory_space<hbm>>) target_semaphore(%run_scoped3A : memref<!tpu.dma_semaphore, #tpu.memory_space<semaphore_mem>>)
        %dma_wait3A_197 = arith.constant 0 : i32
        %dma_wait3A_198 = tpu.memref_slice %arg7[%add3A_72, %add3A_190, %dma_wait3A_197] : memref<6x10240x64xf32, #tpu.memory_space<hbm>> -> memref<1x128x64xf32, #tpu.memory_space<hbm>>
        %dma_wait3A_199 = tpu.memref_squeeze %dma_wait3A_198 : memref<1x128x64xf32, #tpu.memory_space<hbm>> -> memref<128x64xf32, #tpu.memory_space<hbm>>
        %dma_wait3A_200 = arith.constant 0 : i32
        %dma_wait3A_201 = tpu.memref_slice %arg7[%add3A_72, %add3A_190, %dma_wait3A_200] : memref<6x10240x64xf32, #tpu.memory_space<hbm>> -> memref<1x128x64xf32, #tpu.memory_space<hbm>>
        %dma_wait3A_202 = tpu.memref_squeeze %dma_wait3A_201 : memref<1x128x64xf32, #tpu.memory_space<hbm>> -> memref<128x64xf32, #tpu.memory_space<hbm>>
        tpu.wait_dma2 semaphore(%run_scoped3A : memref<!tpu.dma_semaphore, #tpu.memory_space<semaphore_mem>>) src(%arg13 : memref<128x64xf32, #tpu.memory_space<vmem>>) dst(%dma_wait3A_202 : memref<128x64xf32, #tpu.memory_space<hbm>>)
        tpu.yield
      }) : () -> ()
    }
    %scan3A_122 = arith.constant 5 : i32
    %mul3A_123 = arith.constant 3 : i32
    %mul3A_124 = arith.muli %mul3A_123, %arg0 : i32
    %add3A_125 = arith.constant 2 : i32
    %add3A_126 = arith.addi %mul3A_124, %add3A_125 : i32
    %scan3A_127 = arith.constant 0 : i32
    %scan3A_128 = arith.constant 0 : i32
    %scan3A_129 = arith.constant 80 : i32
    %scan3A_130 = arith.addi %scan3A_128, %scan3A_129 : i32
    %scan3A_131 = arith.constant 1 : i32
    scf.for %scan3A_177 = %scan3A_128 to %scan3A_130 step %scan3A_131  : i32 {
      %mul3A_178 = arith.constant 128 : i32
      %mul3A_179 = arith.muli %scan3A_177, %mul3A_178 : i32
      %add3A_180 = arith.constant 0 : i32
      %add3A_181 = arith.addi %mul3A_179, %add3A_180 : i32
      %get3A = arith.index_cast %add3A_181 : i32 to index
      %get3A_182 = tpu.vector_load %arg9[%get3A] {strides = array<i32>} : memref<10240xi32, #tpu.memory_space<vmem>>, vector<16xi32>,
      %add3A_183 = vector.broadcast %add3A_126 : i32 to vector<16xi32>
      %add3A_184 = arith.addi %get3A_182, %add3A_183 : vector<16xi32>
      %swap3A = arith.index_cast %add3A_181 : i32 to index
      %swap3A_185 = tpu.vector_load %arg10[%swap3A] {strides = array<i32>} : memref<10240xi32, #tpu.memory_space<vmem>>, vector<16xi32>,
      tpu.vector_store %arg10[%swap3A], %add3A_184 {strides = array<i32>} : memref<10240xi32, #tpu.memory_space<vmem>>, vector<16xi32>,
      %mul3A_186 = arith.constant 128 : i32
      %mul3A_187 = arith.muli %scan3A_177, %mul3A_186 : i32
      %add3A_188 = arith.constant 16 : i32
      %add3A_189 = arith.addi %mul3A_187, %add3A_188 : i32
      %get3A_190 = arith.index_cast %add3A_189 : i32 to index
      %get3A_191 = tpu.vector_load %arg9[%get3A_190] {strides = array<i32>} : memref<10240xi32, #tpu.memory_space<vmem>>, vector<16xi32>,
      %add3A_192 = vector.broadcast %add3A_126 : i32 to vector<16xi32>
      %add3A_193 = arith.addi %get3A_191, %add3A_192 : vector<16xi32>
      %swap3A_194 = arith.index_cast %add3A_189 : i32 to index
      %swap3A_195 = tpu.vector_load %arg10[%swap3A_194] {strides = array<i32>} : memref<10240xi32, #tpu.memory_space<vmem>>, vector<16xi32>,
      tpu.vector_store %arg10[%swap3A_194], %add3A_193 {strides = array<i32>} : memref<10240xi32, #tpu.memory_space<vmem>>, vector<16xi32>,
      %mul3A_196 = arith.constant 128 : i32
      %mul3A_197 = arith.muli %scan3A_177, %mul3A_196 : i32
      %add3A_198 = arith.constant 32 : i32
      %add3A_199 = arith.addi %mul3A_197, %add3A_198 : i32
      %get3A_200 = arith.index_cast %add3A_199 : i32 to index
      %get3A_201 = tpu.vector_load %arg9[%get3A_200] {strides = array<i32>} : memref<10240xi32, #tpu.memory_space<vmem>>, vector<16xi32>,
      %add3A_202 = vector.broadcast %add3A_126 : i32 to vector<16xi32>
      %add3A_203 = arith.addi %get3A_201, %add3A_202 : vector<16xi32>
      %swap3A_204 = arith.index_cast %add3A_199 : i32 to index
      %swap3A_205 = tpu.vector_load %arg10[%swap3A_204] {strides = array<i32>} : memref<10240xi32, #tpu.memory_space<vmem>>, vector<16xi32>,
      tpu.vector_store %arg10[%swap3A_204], %add3A_203 {strides = array<i32>} : memref<10240xi32, #tpu.memory_space<vmem>>, vector<16xi32>,
      %mul3A_206 = arith.constant 128 : i32
      %mul3A_207 = arith.muli %scan3A_177, %mul3A_206 : i32
      %add3A_208 = arith.constant 48 : i32
      %add3A_209 = arith.addi %mul3A_207, %add3A_208 : i32
      %get3A_210 = arith.index_cast %add3A_209 : i32 to index
      %get3A_211 = tpu.vector_load %arg9[%get3A_210] {strides = array<i32>} : memref<10240xi32, #tpu.memory_space<vmem>>, vector<16xi32>,
      %add3A_212 = vector.broadcast %add3A_126 : i32 to vector<16xi32>
      %add3A_213 = arith.addi %get3A_211, %add3A_212 : vector<16xi32>
      %swap3A_214 = arith.index_cast %add3A_209 : i32 to index
      %swap3A_215 = tpu.vector_load %arg10[%swap3A_214] {strides = array<i32>} : memref<10240xi32, #tpu.memory_space<vmem>>, vector<16xi32>,
      tpu.vector_store %arg10[%swap3A_214], %add3A_213 {strides = array<i32>} : memref<10240xi32, #tpu.memory_space<vmem>>, vector<16xi32>,
      %mul3A_216 = arith.constant 128 : i32
      %mul3A_217 = arith.muli %scan3A_177, %mul3A_216 : i32
      %add3A_218 = arith.constant 64 : i32
      %add3A_219 = arith.addi %mul3A_217, %add3A_218 : i32
      %get3A_220 = arith.index_cast %add3A_219 : i32 to index
      %get3A_221 = tpu.vector_load %arg9[%get3A_220] {strides = array<i32>} : memref<10240xi32, #tpu.memory_space<vmem>>, vector<16xi32>,
      %add3A_222 = vector.broadcast %add3A_126 : i32 to vector<16xi32>
      %add3A_223 = arith.addi %get3A_221, %add3A_222 : vector<16xi32>
      %swap3A_224 = arith.index_cast %add3A_219 : i32 to index
      %swap3A_225 = tpu.vector_load %arg10[%swap3A_224] {strides = array<i32>} : memref<10240xi32, #tpu.memory_space<vmem>>, vector<16xi32>,
      tpu.vector_store %arg10[%swap3A_224], %add3A_223 {strides = array<i32>} : memref<10240xi32, #tpu.memory_space<vmem>>, vector<16xi32>,
      %mul3A_226 = arith.constant 128 : i32
      %mul3A_227 = arith.muli %scan3A_177, %mul3A_226 : i32
      %add3A_228 = arith.constant 80 : i32
      %add3A_229 = arith.addi %mul3A_227, %add3A_228 : i32
      %get3A_230 = arith.index_cast %add3A_229 : i32 to index
      %get3A_231 = tpu.vector_load %arg9[%get3A_230] {strides = array<i32>} : memref<10240xi32, #tpu.memory_space<vmem>>, vector<16xi32>,
      %add3A_232 = vector.broadcast %add3A_126 : i32 to vector<16xi32>
      %add3A_233 = arith.addi %get3A_231, %add3A_232 : vector<16xi32>
      %swap3A_234 = arith.index_cast %add3A_229 : i32 to index
      %swap3A_235 = tpu.vector_load %arg10[%swap3A_234] {strides = array<i32>} : memref<10240xi32, #tpu.memory_space<vmem>>, vector<16xi32>,
      tpu.vector_store %arg10[%swap3A_234], %add3A_233 {strides = array<i32>} : memref<10240xi32, #tpu.memory_space<vmem>>, vector<16xi32>,
      %mul3A_236 = arith.constant 128 : i32
      %mul3A_237 = arith.muli %scan3A_177, %mul3A_236 : i32
      %add3A_238 = arith.constant 96 : i32
      %add3A_239 = arith.addi %mul3A_237, %add3A_238 : i32
      %get3A_240 = arith.index_cast %add3A_239 : i32 to index
      %get3A_241 = tpu.vector_load %arg9[%get3A_240] {strides = array<i32>} : memref<10240xi32, #tpu.memory_space<vmem>>, vector<16xi32>,
      %add3A_242 = vector.broadcast %add3A_126 : i32 to vector<16xi32>
      %add3A_243 = arith.addi %get3A_241, %add3A_242 : vector<16xi32>
      %swap3A_244 = arith.index_cast %add3A_239 : i32 to index
      %swap3A_245 = tpu.vector_load %arg10[%swap3A_244] {strides = array<i32>} : memref<10240xi32, #tpu.memory_space<vmem>>, vector<16xi32>,
      tpu.vector_store %arg10[%swap3A_244], %add3A_243 {strides = array<i32>} : memref<10240xi32, #tpu.memory_space<vmem>>, vector<16xi32>,
      %mul3A_246 = arith.constant 128 : i32
      %mul3A_247 = arith.muli %scan3A_177, %mul3A_246 : i32
      %add3A_248 = arith.constant 112 : i32
      %add3A_249 = arith.addi %mul3A_247, %add3A_248 : i32
      %get3A_250 = arith.index_cast %add3A_249 : i32 to index
      %get3A_251 = tpu.vector_load %arg9[%get3A_250] {strides = array<i32>} : memref<10240xi32, #tpu.memory_space<vmem>>, vector<16xi32>,
      %add3A_252 = vector.broadcast %add3A_126 : i32 to vector<16xi32>
      %add3A_253 = arith.addi %get3A_251, %add3A_252 : vector<16xi32>
      %swap3A_254 = arith.index_cast %add3A_249 : i32 to index
      %swap3A_255 = tpu.vector_load %arg10[%swap3A_254] {strides = array<i32>} : memref<10240xi32, #tpu.memory_space<vmem>>, vector<16xi32>,
      tpu.vector_store %arg10[%swap3A_254], %add3A_253 {strides = array<i32>} : memref<10240xi32, #tpu.memory_space<vmem>>, vector<16xi32>,
    }
    %scan3A_132 = arith.constant 80 : i32
    %scan3A_133 = arith.constant 0 : i32
    %scan3A_134 = arith.constant 0 : i32
    %scan3A_135 = arith.constant 5 : i32
    %scan3A_136 = arith.addi %scan3A_134, %scan3A_135 : i32
    %scan3A_137 = arith.constant 1 : i32
    scf.for %scan3A_177 = %scan3A_134 to %scan3A_136 step %scan3A_137  : i32 {
      %mul3A_178 = arith.constant 128 : i32
      %mul3A_179 = arith.muli %scan3A_177, %mul3A_178 : i32
      %add3A_180 = arith.constant 0 : i32
      %add3A_181 = arith.addi %mul3A_179, %add3A_180 : i32
      %get3A = arith.index_cast %add3A_181 : i32 to index
      %get3A_182 = tpu.vector_load %arg8[%get3A] {strides = array<i32>} : memref<10240xi32, #tpu.memory_space<vmem>>, vector<16xi32>,
      %add3A_183 = vector.broadcast %add3A_126 : i32 to vector<16xi32>
      %add3A_184 = arith.addi %get3A_182, %add3A_183 : vector<16xi32>
      %add3A_185 = arith.constant 640 : i32
      %add3A_186 = arith.addi %add3A_185, %add3A_181 : i32
      %swap3A = arith.index_cast %add3A_186 : i32 to index
      %swap3A_187 = tpu.vector_load %arg8[%swap3A] {strides = array<i32>} : memref<10240xi32, #tpu.memory_space<vmem>>, vector<16xi32>,
      tpu.vector_store %arg8[%swap3A], %add3A_184 {strides = array<i32>} : memref<10240xi32, #tpu.memory_space<vmem>>, vector<16xi32>,
      %mul3A_188 = arith.constant 128 : i32
      %mul3A_189 = arith.muli %scan3A_177, %mul3A_188 : i32
      %add3A_190 = arith.constant 16 : i32
      %add3A_191 = arith.addi %mul3A_189, %add3A_190 : i32
      %get3A_192 = arith.index_cast %add3A_191 : i32 to index
      %get3A_193 = tpu.vector_load %arg8[%get3A_192] {strides = array<i32>} : memref<10240xi32, #tpu.memory_space<vmem>>, vector<16xi32>,
      %add3A_194 = vector.broadcast %add3A_126 : i32 to vector<16xi32>
      %add3A_195 = arith.addi %get3A_193, %add3A_194 : vector<16xi32>
      %add3A_196 = arith.constant 640 : i32
      %add3A_197 = arith.addi %add3A_196, %add3A_191 : i32
      %swap3A_198 = arith.index_cast %add3A_197 : i32 to index
      %swap3A_199 = tpu.vector_load %arg8[%swap3A_198] {strides = array<i32>} : memref<10240xi32, #tpu.memory_space<vmem>>, vector<16xi32>,
      tpu.vector_store %arg8[%swap3A_198], %add3A_195 {strides = array<i32>} : memref<10240xi32, #tpu.memory_space<vmem>>, vector<16xi32>,
      %mul3A_200 = arith.constant 128 : i32
      %mul3A_201 = arith.muli %scan3A_177, %mul3A_200 : i32
      %add3A_202 = arith.constant 32 : i32
      %add3A_203 = arith.addi %mul3A_201, %add3A_202 : i32
      %get3A_204 = arith.index_cast %add3A_203 : i32 to index
      %get3A_205 = tpu.vector_load %arg8[%get3A_204] {strides = array<i32>} : memref<10240xi32, #tpu.memory_space<vmem>>, vector<16xi32>,
      %add3A_206 = vector.broadcast %add3A_126 : i32 to vector<16xi32>
      %add3A_207 = arith.addi %get3A_205, %add3A_206 : vector<16xi32>
      %add3A_208 = arith.constant 640 : i32
      %add3A_209 = arith.addi %add3A_208, %add3A_203 : i32
      %swap3A_210 = arith.index_cast %add3A_209 : i32 to index
      %swap3A_211 = tpu.vector_load %arg8[%swap3A_210] {strides = array<i32>} : memref<10240xi32, #tpu.memory_space<vmem>>, vector<16xi32>,
      tpu.vector_store %arg8[%swap3A_210], %add3A_207 {strides = array<i32>} : memref<10240xi32, #tpu.memory_space<vmem>>, vector<16xi32>,
      %mul3A_212 = arith.constant 128 : i32
      %mul3A_213 = arith.muli %scan3A_177, %mul3A_212 : i32
      %add3A_214 = arith.constant 48 : i32
      %add3A_215 = arith.addi %mul3A_213, %add3A_214 : i32
      %get3A_216 = arith.index_cast %add3A_215 : i32 to index
      %get3A_217 = tpu.vector_load %arg8[%get3A_216] {strides = array<i32>} : memref<10240xi32, #tpu.memory_space<vmem>>, vector<16xi32>,
      %add3A_218 = vector.broadcast %add3A_126 : i32 to vector<16xi32>
      %add3A_219 = arith.addi %get3A_217, %add3A_218 : vector<16xi32>
      %add3A_220 = arith.constant 640 : i32
      %add3A_221 = arith.addi %add3A_220, %add3A_215 : i32
      %swap3A_222 = arith.index_cast %add3A_221 : i32 to index
      %swap3A_223 = tpu.vector_load %arg8[%swap3A_222] {strides = array<i32>} : memref<10240xi32, #tpu.memory_space<vmem>>, vector<16xi32>,
      tpu.vector_store %arg8[%swap3A_222], %add3A_219 {strides = array<i32>} : memref<10240xi32, #tpu.memory_space<vmem>>, vector<16xi32>,
      %mul3A_224 = arith.constant 128 : i32
      %mul3A_225 = arith.muli %scan3A_177, %mul3A_224 : i32
      %add3A_226 = arith.constant 64 : i32
      %add3A_227 = arith.addi %mul3A_225, %add3A_226 : i32
      %get3A_228 = arith.index_cast %add3A_227 : i32 to index
      %get3A_229 = tpu.vector_load %arg8[%get3A_228] {strides = array<i32>} : memref<10240xi32, #tpu.memory_space<vmem>>, vector<16xi32>,
      %add3A_230 = vector.broadcast %add3A_126 : i32 to vector<16xi32>
      %add3A_231 = arith.addi %get3A_229, %add3A_230 : vector<16xi32>
      %add3A_232 = arith.constant 640 : i32
      %add3A_233 = arith.addi %add3A_232, %add3A_227 : i32
      %swap3A_234 = arith.index_cast %add3A_233 : i32 to index
      %swap3A_235 = tpu.vector_load %arg8[%swap3A_234] {strides = array<i32>} : memref<10240xi32, #tpu.memory_space<vmem>>, vector<16xi32>,
      tpu.vector_store %arg8[%swap3A_234], %add3A_231 {strides = array<i32>} : memref<10240xi32, #tpu.memory_space<vmem>>, vector<16xi32>,
      %mul3A_236 = arith.constant 128 : i32
      %mul3A_237 = arith.muli %scan3A_177, %mul3A_236 : i32
      %add3A_238 = arith.constant 80 : i32
      %add3A_239 = arith.addi %mul3A_237, %add3A_238 : i32
      %get3A_240 = arith.index_cast %add3A_239 : i32 to index
      %get3A_241 = tpu.vector_load %arg8[%get3A_240] {strides = array<i32>} : memref<10240xi32, #tpu.memory_space<vmem>>, vector<16xi32>,
      %add3A_242 = vector.broadcast %add3A_126 : i32 to vector<16xi32>
      %add3A_243 = arith.addi %get3A_241, %add3A_242 : vector<16xi32>
      %add3A_244 = arith.constant 640 : i32
      %add3A_245 = arith.addi %add3A_244, %add3A_239 : i32
      %swap3A_246 = arith.index_cast %add3A_245 : i32 to index
      %swap3A_247 = tpu.vector_load %arg8[%swap3A_246] {strides = array<i32>} : memref<10240xi32, #tpu.memory_space<vmem>>, vector<16xi32>,
      tpu.vector_store %arg8[%swap3A_246], %add3A_243 {strides = array<i32>} : memref<10240xi32, #tpu.memory_space<vmem>>, vector<16xi32>,
      %mul3A_248 = arith.constant 128 : i32
      %mul3A_249 = arith.muli %scan3A_177, %mul3A_248 : i32
      %add3A_250 = arith.constant 96 : i32
      %add3A_251 = arith.addi %mul3A_249, %add3A_250 : i32
      %get3A_252 = arith.index_cast %add3A_251 : i32 to index
      %get3A_253 = tpu.vector_load %arg8[%get3A_252] {strides = array<i32>} : memref<10240xi32, #tpu.memory_space<vmem>>, vector<16xi32>,
      %add3A_254 = vector.broadcast %add3A_126 : i32 to vector<16xi32>
      %add3A_255 = arith.addi %get3A_253, %add3A_254 : vector<16xi32>
      %add3A_256 = arith.constant 640 : i32
      %add3A_257 = arith.addi %add3A_256, %add3A_251 : i32
      %swap3A_258 = arith.index_cast %add3A_257 : i32 to index
      %swap3A_259 = tpu.vector_load %arg8[%swap3A_258] {strides = array<i32>} : memref<10240xi32, #tpu.memory_space<vmem>>, vector<16xi32>,
      tpu.vector_store %arg8[%swap3A_258], %add3A_255 {strides = array<i32>} : memref<10240xi32, #tpu.memory_space<vmem>>, vector<16xi32>,
      %mul3A_260 = arith.constant 128 : i32
      %mul3A_261 = arith.muli %scan3A_177, %mul3A_260 : i32
      %add3A_262 = arith.constant 112 : i32
      %add3A_263 = arith.addi %mul3A_261, %add3A_262 : i32
      %get3A_264 = arith.index_cast %add3A_263 : i32 to index
      %get3A_265 = tpu.vector_load %arg8[%get3A_264] {strides = array<i32>} : memref<10240xi32, #tpu.memory_space<vmem>>, vector<16xi32>,
      %add3A_266 = vector.broadcast %add3A_126 : i32 to vector<16xi32>
      %add3A_267 = arith.addi %get3A_265, %add3A_266 : vector<16xi32>
      %add3A_268 = arith.constant 640 : i32
      %add3A_269 = arith.addi %add3A_268, %add3A_263 : i32
      %swap3A_270 = arith.index_cast %add3A_269 : i32 to index
      %swap3A_271 = tpu.vector_load %arg8[%swap3A_270] {strides = array<i32>} : memref<10240xi32, #tpu.memory_space<vmem>>, vector<16xi32>,
      tpu.vector_store %arg8[%swap3A_270], %add3A_267 {strides = array<i32>} : memref<10240xi32, #tpu.memory_space<vmem>>, vector<16xi32>,
    }
    %scan3A_138 = arith.constant 5 : i32
    %scan3A_139 = arith.constant 0 : i32
    %scan3A_140 = arith.constant 0 : i32
    %scan3A_141 = arith.constant 128 : i32
    %scan3A_142 = arith.addi %scan3A_140, %scan3A_141 : i32
    %scan3A_143 = arith.constant 1 : i32
    scf.for %scan3A_177 = %scan3A_140 to %scan3A_142 step %scan3A_143  : i32 {
      %swap3A = arith.index_cast %scan3A_177 : i32 to index
      %swap3A_178 = arith.constant 0 : index
      %swap3A_179 = tpu.vector_load %arg13[%swap3A, %swap3A_178] {strides = array<i32>} : memref<128x64xf32, #tpu.memory_space<vmem>>, vector<16xf32>,
      tpu.vector_store %arg13[%swap3A, %swap3A_178], %broadcast_in_dim3A_16 {strides = array<i32>} : memref<128x64xf32, #tpu.memory_space<vmem>>, vector<16xf32>,
      %swap3A_180 = arith.index_cast %scan3A_177 : i32 to index
      %swap3A_181 = arith.constant 16 : index
      %swap3A_182 = tpu.vector_load %arg13[%swap3A_180, %swap3A_181] {strides = array<i32>} : memref<128x64xf32, #tpu.memory_space<vmem>>, vector<16xf32>,
      tpu.vector_store %arg13[%swap3A_180, %swap3A_181], %broadcast_in_dim3A_16 {strides = array<i32>} : memref<128x64xf32, #tpu.memory_space<vmem>>, vector<16xf32>,
      %swap3A_183 = arith.index_cast %scan3A_177 : i32 to index
      %swap3A_184 = arith.constant 32 : index
      %swap3A_185 = tpu.vector_load %arg13[%swap3A_183, %swap3A_184] {strides = array<i32>} : memref<128x64xf32, #tpu.memory_space<vmem>>, vector<16xf32>,
      tpu.vector_store %arg13[%swap3A_183, %swap3A_184], %broadcast_in_dim3A_16 {strides = array<i32>} : memref<128x64xf32, #tpu.memory_space<vmem>>, vector<16xf32>,
      %swap3A_186 = arith.index_cast %scan3A_177 : i32 to index
      %swap3A_187 = arith.constant 48 : index
      %swap3A_188 = tpu.vector_load %arg13[%swap3A_186, %swap3A_187] {strides = array<i32>} : memref<128x64xf32, #tpu.memory_space<vmem>>, vector<16xf32>,
      tpu.vector_store %arg13[%swap3A_186, %swap3A_187], %broadcast_in_dim3A_16 {strides = array<i32>} : memref<128x64xf32, #tpu.memory_space<vmem>>, vector<16xf32>,
    }
    %scan3A_144 = arith.constant 128 : i32
    %scan3A_145 = arith.constant 0 : i32
    %scan3A_146 = arith.constant 0 : i32
    %scan3A_147 = arith.constant 9 : i32
    %scan3A_148 = arith.addi %scan3A_146, %scan3A_147 : i32
    %scan3A_149 = arith.constant 1 : i32
    scf.for %scan3A_177 = %scan3A_146 to %scan3A_148 step %scan3A_149  : i32 {
      %mul3A_178 = arith.constant 128 : i32
      %mul3A_179 = arith.muli %scan3A_177, %mul3A_178 : i32
      %add3A_180 = arith.addi %mul3A_4, %mul3A_179 : i32
      "tpu.region"() ({
        %run_scoped3A = tpu.sem_alloc : memref<!tpu.dma_semaphore, #tpu.memory_space<semaphore_mem>>
        %dma_start3A = arith.constant 0 : i32
        %dma_start3A_181 = tpu.memref_slice %arg14[%add3A_180, %dma_start3A] : memref<20224x64xf32, #tpu.memory_space<vmem_shared>> -> memref<128x64xf32, #tpu.memory_space<vmem_shared>>
        %dma_start3A_182 = arith.constant 0 : i32
        %dma_start3A_183 = tpu.memref_slice %arg14[%add3A_180, %dma_start3A_182] : memref<20224x64xf32, #tpu.memory_space<vmem_shared>> -> memref<128x64xf32, #tpu.memory_space<vmem_shared>>
        tpu.enqueue_dma source(%arg13 : memref<128x64xf32, #tpu.memory_space<vmem>>) target(%dma_start3A_183 : memref<128x64xf32, #tpu.memory_space<vmem_shared>>) target_semaphore(%run_scoped3A : memref<!tpu.dma_semaphore, #tpu.memory_space<semaphore_mem>>)
        %dma_wait3A = arith.constant 0 : i32
        %dma_wait3A_184 = tpu.memref_slice %arg14[%add3A_180, %dma_wait3A] : memref<20224x64xf32, #tpu.memory_space<vmem_shared>> -> memref<128x64xf32, #tpu.memory_space<vmem_shared>>
        %dma_wait3A_185 = arith.constant 0 : i32
        %dma_wait3A_186 = tpu.memref_slice %arg14[%add3A_180, %dma_wait3A_185] : memref<20224x64xf32, #tpu.memory_space<vmem_shared>> -> memref<128x64xf32, #tpu.memory_space<vmem_shared>>
        tpu.wait_dma2 semaphore(%run_scoped3A : memref<!tpu.dma_semaphore, #tpu.memory_space<semaphore_mem>>) src(%arg13 : memref<128x64xf32, #tpu.memory_space<vmem>>) dst(%dma_wait3A_186 : memref<128x64xf32, #tpu.memory_space<vmem_shared>>)
        tpu.yield
      }) : () -> ()
    }
    %scan3A_150 = arith.constant 9 : i32
    %add3A_151 = arith.constant 1152 : i32
    %add3A_152 = arith.addi %mul3A_4, %add3A_151 : i32
    "tpu.region"() ({
      %run_scoped3A = tpu.sem_alloc : memref<!tpu.dma_semaphore, #tpu.memory_space<semaphore_mem>>
      %dma_start3A = arith.constant 0 : i32
      %dma_start3A_177 = arith.constant 0 : i32
      %dma_start3A_178 = tpu.memref_slice %arg13[%dma_start3A, %dma_start3A_177] : memref<128x64xf32, #tpu.memory_space<vmem>> -> memref<112x64xf32, #tpu.memory_space<vmem>>
      %dma_start3A_179 = arith.constant 0 : i32
      %dma_start3A_180 = tpu.memref_slice %arg14[%add3A_152, %dma_start3A_179] : memref<20224x64xf32, #tpu.memory_space<vmem_shared>> -> memref<112x64xf32, #tpu.memory_space<vmem_shared>>
      %dma_start3A_181 = arith.constant 0 : i32
      %dma_start3A_182 = tpu.memref_slice %arg14[%add3A_152, %dma_start3A_181] : memref<20224x64xf32, #tpu.memory_space<vmem_shared>> -> memref<112x64xf32, #tpu.memory_space<vmem_shared>>
      %dma_start3A_183 = arith.constant 0 : i32
      %dma_start3A_184 = arith.constant 0 : i32
      %dma_start3A_185 = tpu.memref_slice %arg13[%dma_start3A_183, %dma_start3A_184] : memref<128x64xf32, #tpu.memory_space<vmem>> -> memref<112x64xf32, #tpu.memory_space<vmem>>
      tpu.enqueue_dma source(%dma_start3A_185 : memref<112x64xf32, #tpu.memory_space<vmem>>) target(%dma_start3A_182 : memref<112x64xf32, #tpu.memory_space<vmem_shared>>) target_semaphore(%run_scoped3A : memref<!tpu.dma_semaphore, #tpu.memory_space<semaphore_mem>>)
      %dma_wait3A = arith.constant 0 : i32
      %dma_wait3A_186 = arith.constant 0 : i32
      %dma_wait3A_187 = tpu.memref_slice %arg13[%dma_wait3A, %dma_wait3A_186] : memref<128x64xf32, #tpu.memory_space<vmem>> -> memref<112x64xf32, #tpu.memory_space<vmem>>
      %dma_wait3A_188 = arith.constant 0 : i32
      %dma_wait3A_189 = tpu.memref_slice %arg14[%add3A_152, %dma_wait3A_188] : memref<20224x64xf32, #tpu.memory_space<vmem_shared>> -> memref<112x64xf32, #tpu.memory_space<vmem_shared>>
      %dma_wait3A_190 = arith.constant 0 : i32
      %dma_wait3A_191 = tpu.memref_slice %arg14[%add3A_152, %dma_wait3A_190] : memref<20224x64xf32, #tpu.memory_space<vmem_shared>> -> memref<112x64xf32, #tpu.memory_space<vmem_shared>>
      %dma_wait3A_192 = arith.constant 0 : i32
      %dma_wait3A_193 = arith.constant 0 : i32
      %dma_wait3A_194 = tpu.memref_slice %arg13[%dma_wait3A_192, %dma_wait3A_193] : memref<128x64xf32, #tpu.memory_space<vmem>> -> memref<112x64xf32, #tpu.memory_space<vmem>>
      tpu.wait_dma2 semaphore(%run_scoped3A : memref<!tpu.dma_semaphore, #tpu.memory_space<semaphore_mem>>) src(%dma_wait3A_194 : memref<112x64xf32, #tpu.memory_space<vmem>>) dst(%dma_wait3A_191 : memref<112x64xf32, #tpu.memory_space<vmem_shared>>)
      tpu.yield
    }) : () -> ()
    %barrier3A_153 = arith.constant 0 : index
    tpu.barrier barrier_id(%barrier3A_153)
    %scan3A_154 = arith.constant 0 : i32
    %scan3A_155 = arith.constant 0 : i32
    %scan3A_156 = arith.constant 80 : i32
    %scan3A_157 = arith.addi %scan3A_155, %scan3A_156 : i32
    %scan3A_158 = arith.constant 1 : i32
    scf.for %scan3A_177 = %scan3A_155 to %scan3A_157 step %scan3A_158  : i32 {
      %mul3A_178 = arith.constant 128 : i32
      %mul3A_179 = arith.muli %scan3A_177, %mul3A_178 : i32
      %add3A_180 = arith.constant 0 : i32
      %add3A_181 = arith.addi %mul3A_179, %add3A_180 : i32
      %get3A = arith.index_cast %add3A_181 : i32 to index
      %get3A_182 = tpu.vector_load %arg11[%get3A] {strides = array<i32>} : memref<10240xi32, #tpu.memory_space<vmem>>, vector<16xi32>,
      %swap3A = arith.constant 0 : i32
      %swap3A_183 = arith.index_cast %swap3A : i32 to index
      %swap3A_184 = arith.constant 0 : index
      %swap3A_185 = tpu.vector_load %arg12[%swap3A_183, %swap3A_184] {strides = array<i32>} : memref<1x128xi32, #tpu.memory_space<vmem>>, vector<16xi32>,
      tpu.vector_store %arg12[%swap3A_183, %swap3A_184], %get3A_182 {strides = array<i32>} : memref<1x128xi32, #tpu.memory_space<vmem>>, vector<16xi32>,
      %mul3A_186 = arith.constant 128 : i32
      %mul3A_187 = arith.muli %scan3A_177, %mul3A_186 : i32
      %add3A_188 = arith.constant 16 : i32
      %add3A_189 = arith.addi %mul3A_187, %add3A_188 : i32
      %get3A_190 = arith.index_cast %add3A_189 : i32 to index
      %get3A_191 = tpu.vector_load %arg11[%get3A_190] {strides = array<i32>} : memref<10240xi32, #tpu.memory_space<vmem>>, vector<16xi32>,
      %swap3A_192 = arith.constant 0 : i32
      %swap3A_193 = arith.index_cast %swap3A_192 : i32 to index
      %swap3A_194 = arith.constant 16 : index
      %swap3A_195 = tpu.vector_load %arg12[%swap3A_193, %swap3A_194] {strides = array<i32>} : memref<1x128xi32, #tpu.memory_space<vmem>>, vector<16xi32>,
      tpu.vector_store %arg12[%swap3A_193, %swap3A_194], %get3A_191 {strides = array<i32>} : memref<1x128xi32, #tpu.memory_space<vmem>>, vector<16xi32>,
      %mul3A_196 = arith.constant 128 : i32
      %mul3A_197 = arith.muli %scan3A_177, %mul3A_196 : i32
      %add3A_198 = arith.constant 32 : i32
      %add3A_199 = arith.addi %mul3A_197, %add3A_198 : i32
      %get3A_200 = arith.index_cast %add3A_199 : i32 to index
      %get3A_201 = tpu.vector_load %arg11[%get3A_200] {strides = array<i32>} : memref<10240xi32, #tpu.memory_space<vmem>>, vector<16xi32>,
      %swap3A_202 = arith.constant 0 : i32
      %swap3A_203 = arith.index_cast %swap3A_202 : i32 to index
      %swap3A_204 = arith.constant 32 : index
      %swap3A_205 = tpu.vector_load %arg12[%swap3A_203, %swap3A_204] {strides = array<i32>} : memref<1x128xi32, #tpu.memory_space<vmem>>, vector<16xi32>,
      tpu.vector_store %arg12[%swap3A_203, %swap3A_204], %get3A_201 {strides = array<i32>} : memref<1x128xi32, #tpu.memory_space<vmem>>, vector<16xi32>,
      %mul3A_206 = arith.constant 128 : i32
      %mul3A_207 = arith.muli %scan3A_177, %mul3A_206 : i32
      %add3A_208 = arith.constant 48 : i32
      %add3A_209 = arith.addi %mul3A_207, %add3A_208 : i32
      %get3A_210 = arith.index_cast %add3A_209 : i32 to index
      %get3A_211 = tpu.vector_load %arg11[%get3A_210] {strides = array<i32>} : memref<10240xi32, #tpu.memory_space<vmem>>, vector<16xi32>,
      %swap3A_212 = arith.constant 0 : i32
      %swap3A_213 = arith.index_cast %swap3A_212 : i32 to index
      %swap3A_214 = arith.constant 48 : index
      %swap3A_215 = tpu.vector_load %arg12[%swap3A_213, %swap3A_214] {strides = array<i32>} : memref<1x128xi32, #tpu.memory_space<vmem>>, vector<16xi32>,
      tpu.vector_store %arg12[%swap3A_213, %swap3A_214], %get3A_211 {strides = array<i32>} : memref<1x128xi32, #tpu.memory_space<vmem>>, vector<16xi32>,
      %mul3A_216 = arith.constant 128 : i32
      %mul3A_217 = arith.muli %scan3A_177, %mul3A_216 : i32
      %add3A_218 = arith.constant 64 : i32
      %add3A_219 = arith.addi %mul3A_217, %add3A_218 : i32
      %get3A_220 = arith.index_cast %add3A_219 : i32 to index
      %get3A_221 = tpu.vector_load %arg11[%get3A_220] {strides = array<i32>} : memref<10240xi32, #tpu.memory_space<vmem>>, vector<16xi32>,
      %swap3A_222 = arith.constant 0 : i32
      %swap3A_223 = arith.index_cast %swap3A_222 : i32 to index
      %swap3A_224 = arith.constant 64 : index
      %swap3A_225 = tpu.vector_load %arg12[%swap3A_223, %swap3A_224] {strides = array<i32>} : memref<1x128xi32, #tpu.memory_space<vmem>>, vector<16xi32>,
      tpu.vector_store %arg12[%swap3A_223, %swap3A_224], %get3A_221 {strides = array<i32>} : memref<1x128xi32, #tpu.memory_space<vmem>>, vector<16xi32>,
      %mul3A_226 = arith.constant 128 : i32
      %mul3A_227 = arith.muli %scan3A_177, %mul3A_226 : i32
      %add3A_228 = arith.constant 80 : i32
      %add3A_229 = arith.addi %mul3A_227, %add3A_228 : i32
      %get3A_230 = arith.index_cast %add3A_229 : i32 to index
      %get3A_231 = tpu.vector_load %arg11[%get3A_230] {strides = array<i32>} : memref<10240xi32, #tpu.memory_space<vmem>>, vector<16xi32>,
      %swap3A_232 = arith.constant 0 : i32
      %swap3A_233 = arith.index_cast %swap3A_232 : i32 to index
      %swap3A_234 = arith.constant 80 : index
      %swap3A_235 = tpu.vector_load %arg12[%swap3A_233, %swap3A_234] {strides = array<i32>} : memref<1x128xi32, #tpu.memory_space<vmem>>, vector<16xi32>,
      tpu.vector_store %arg12[%swap3A_233, %swap3A_234], %get3A_231 {strides = array<i32>} : memref<1x128xi32, #tpu.memory_space<vmem>>, vector<16xi32>,
      %mul3A_236 = arith.constant 128 : i32
      %mul3A_237 = arith.muli %scan3A_177, %mul3A_236 : i32
      %add3A_238 = arith.constant 96 : i32
      %add3A_239 = arith.addi %mul3A_237, %add3A_238 : i32
      %get3A_240 = arith.index_cast %add3A_239 : i32 to index
      %get3A_241 = tpu.vector_load %arg11[%get3A_240] {strides = array<i32>} : memref<10240xi32, #tpu.memory_space<vmem>>, vector<16xi32>,
      %swap3A_242 = arith.constant 0 : i32
      %swap3A_243 = arith.index_cast %swap3A_242 : i32 to index
      %swap3A_244 = arith.constant 96 : index
      %swap3A_245 = tpu.vector_load %arg12[%swap3A_243, %swap3A_244] {strides = array<i32>} : memref<1x128xi32, #tpu.memory_space<vmem>>, vector<16xi32>,
      tpu.vector_store %arg12[%swap3A_243, %swap3A_244], %get3A_241 {strides = array<i32>} : memref<1x128xi32, #tpu.memory_space<vmem>>, vector<16xi32>,
      %mul3A_246 = arith.constant 128 : i32
      %mul3A_247 = arith.muli %scan3A_177, %mul3A_246 : i32
      %add3A_248 = arith.constant 112 : i32
      %add3A_249 = arith.addi %mul3A_247, %add3A_248 : i32
      %get3A_250 = arith.index_cast %add3A_249 : i32 to index
      %get3A_251 = tpu.vector_load %arg11[%get3A_250] {strides = array<i32>} : memref<10240xi32, #tpu.memory_space<vmem>>, vector<16xi32>,
      %swap3A_252 = arith.constant 0 : i32
      %swap3A_253 = arith.index_cast %swap3A_252 : i32 to index
      %swap3A_254 = arith.constant 112 : index
      %swap3A_255 = tpu.vector_load %arg12[%swap3A_253, %swap3A_254] {strides = array<i32>} : memref<1x128xi32, #tpu.memory_space<vmem>>, vector<16xi32>,
      tpu.vector_store %arg12[%swap3A_253, %swap3A_254], %get3A_251 {strides = array<i32>} : memref<1x128xi32, #tpu.memory_space<vmem>>, vector<16xi32>,
      %mul3A_256 = arith.constant 128 : i32
      %mul3A_257 = arith.muli %scan3A_177, %mul3A_256 : i32
      %dma_start3A = tpu.memref_slice %arg10[%mul3A_257] : memref<10240xi32, #tpu.memory_space<vmem>> -> memref<128xi32, #tpu.memory_space<vmem>>
      %dma_start3A_258 = arith.constant 0 : i32
      %dma_start3A_259 = arith.constant 0 : i32
      %dma_start3A_260 = tpu.memref_slice %arg2[%dma_start3A_258, %dma_start3A_259] : memref<300000x64xf32, #tpu.memory_space<hbm>> -> memref<300000x64xf32, #tpu.memory_space<hbm>>
      tpu.enqueue_indirect_dma source(%dma_start3A_260 : memref<300000x64xf32, #tpu.memory_space<hbm>>) target(%arg13 : memref<128x64xf32, #tpu.memory_space<vmem>>) offsets(%dma_start3A : memref<128xi32, #tpu.memory_space<vmem>>) semaphore(%arg15 : memref<!tpu.dma_semaphore, #tpu.memory_space<semaphore_mem>>)
      %dma_wait3A = tpu.memref_slice %arg10[%mul3A_257] : memref<10240xi32, #tpu.memory_space<vmem>> -> memref<128xi32, #tpu.memory_space<vmem>>
      %dma_wait3A_261 = arith.constant 0 : i32
      %dma_wait3A_262 = arith.constant 0 : i32
      %dma_wait3A_263 = tpu.memref_slice %arg2[%dma_wait3A_261, %dma_wait3A_262] : memref<300000x64xf32, #tpu.memory_space<hbm>> -> memref<300000x64xf32, #tpu.memory_space<hbm>>
      tpu.wait_indirect_dma semaphore(%arg15 : memref<!tpu.dma_semaphore, #tpu.memory_space<semaphore_mem>>) src(%dma_wait3A_263 : memref<300000x64xf32, #tpu.memory_space<hbm>>) dst(%arg13 : memref<128x64xf32, #tpu.memory_space<vmem>>)
      %run_scoped3A = arith.constant 0 : i32
      "tpu.region"() ({
        %run_scoped3A_264 = tpu.sem_alloc : memref<!tpu.dma_semaphore, #tpu.memory_space<semaphore_mem>>
        %dma_start3A_265 = arith.constant 0 : i32
        %dma_start3A_266 = tpu.memref_slice %arg12[%run_scoped3A, %dma_start3A_265] : memref<1x128xi32, #tpu.memory_space<vmem>> -> memref<1x128xi32, #tpu.memory_space<vmem>>
        %dma_start3A_267 = tpu.memref_squeeze %dma_start3A_266 : memref<1x128xi32, #tpu.memory_space<vmem>> -> memref<128xi32, #tpu.memory_space<vmem>>
        %dma_start3A_268 = arith.constant 0 : i32
        %dma_start3A_269 = arith.constant 0 : i32
        %dma_start3A_270 = tpu.memref_slice %arg14[%dma_start3A_268, %dma_start3A_269] : memref<20224x64xf32, #tpu.memory_space<vmem_shared>> -> memref<20224x64xf32, #tpu.memory_space<vmem_shared>>
        tpu.enqueue_indirect_dma source(%arg13 : memref<128x64xf32, #tpu.memory_space<vmem>>) target(%dma_start3A_270 : memref<20224x64xf32, #tpu.memory_space<vmem_shared>>) offsets(%dma_start3A_267 : memref<128xi32, #tpu.memory_space<vmem>>) semaphore(%run_scoped3A_264 : memref<!tpu.dma_semaphore, #tpu.memory_space<semaphore_mem>>) {add = true}
        %dma_wait3A_271 = arith.constant 0 : i32
        %dma_wait3A_272 = tpu.memref_slice %arg12[%run_scoped3A, %dma_wait3A_271] : memref<1x128xi32, #tpu.memory_space<vmem>> -> memref<1x128xi32, #tpu.memory_space<vmem>>
        %dma_wait3A_273 = tpu.memref_squeeze %dma_wait3A_272 : memref<1x128xi32, #tpu.memory_space<vmem>> -> memref<128xi32, #tpu.memory_space<vmem>>
        %dma_wait3A_274 = arith.constant 0 : i32
        %dma_wait3A_275 = arith.constant 0 : i32
        %dma_wait3A_276 = tpu.memref_slice %arg14[%dma_wait3A_274, %dma_wait3A_275] : memref<20224x64xf32, #tpu.memory_space<vmem_shared>> -> memref<20224x64xf32, #tpu.memory_space<vmem_shared>>
        tpu.wait_indirect_dma semaphore(%run_scoped3A_264 : memref<!tpu.dma_semaphore, #tpu.memory_space<semaphore_mem>>) src(%arg13 : memref<128x64xf32, #tpu.memory_space<vmem>>) dst(%dma_wait3A_276 : memref<20224x64xf32, #tpu.memory_space<vmem_shared>>)
        tpu.yield
      }) : () -> ()
    }
    %scan3A_159 = arith.constant 80 : i32
    %barrier3A_160 = arith.constant 0 : index
    tpu.barrier barrier_id(%barrier3A_160)
    %scan3A_161 = arith.constant 0 : i32
    %scan3A_162 = arith.constant 0 : i32
    %scan3A_163 = arith.constant 9 : i32
    %scan3A_164 = arith.addi %scan3A_162, %scan3A_163 : i32
    %scan3A_165 = arith.constant 1 : i32
    scf.for %scan3A_177 = %scan3A_162 to %scan3A_164 step %scan3A_165  : i32 {
      %mul3A_178 = arith.constant 128 : i32
      %mul3A_179 = arith.muli %scan3A_177, %mul3A_178 : i32
      %add3A_180 = arith.addi %mul3A_4, %mul3A_179 : i32
      %mul3A_181 = arith.constant 128 : i32
      %mul3A_182 = arith.muli %scan3A_177, %mul3A_181 : i32
      %add3A_183 = arith.addi %mul3A_4, %mul3A_182 : i32
      "tpu.region"() ({
        %run_scoped3A = tpu.sem_alloc : memref<!tpu.dma_semaphore, #tpu.memory_space<semaphore_mem>>
        %dma_start3A = arith.constant 0 : i32
        %dma_start3A_184 = tpu.memref_slice %arg6[%add3A_126, %add3A_183, %dma_start3A] : memref<6x20224x64xf32, #tpu.memory_space<hbm>> -> memref<1x128x64xf32, #tpu.memory_space<hbm>>
        %dma_start3A_185 = tpu.memref_squeeze %dma_start3A_184 : memref<1x128x64xf32, #tpu.memory_space<hbm>> -> memref<128x64xf32, #tpu.memory_space<hbm>>
        %dma_start3A_186 = arith.constant 0 : i32
        %dma_start3A_187 = tpu.memref_slice %arg14[%add3A_180, %dma_start3A_186] : memref<20224x64xf32, #tpu.memory_space<vmem_shared>> -> memref<128x64xf32, #tpu.memory_space<vmem_shared>>
        tpu.enqueue_dma source(%dma_start3A_187 : memref<128x64xf32, #tpu.memory_space<vmem_shared>>) target(%dma_start3A_185 : memref<128x64xf32, #tpu.memory_space<hbm>>) target_semaphore(%run_scoped3A : memref<!tpu.dma_semaphore, #tpu.memory_space<semaphore_mem>>)
        %dma_wait3A = arith.constant 0 : i32
        %dma_wait3A_188 = tpu.memref_slice %arg6[%add3A_126, %add3A_183, %dma_wait3A] : memref<6x20224x64xf32, #tpu.memory_space<hbm>> -> memref<1x128x64xf32, #tpu.memory_space<hbm>>
        %dma_wait3A_189 = tpu.memref_squeeze %dma_wait3A_188 : memref<1x128x64xf32, #tpu.memory_space<hbm>> -> memref<128x64xf32, #tpu.memory_space<hbm>>
        %dma_wait3A_190 = arith.constant 0 : i32
        %dma_wait3A_191 = tpu.memref_slice %arg14[%add3A_180, %dma_wait3A_190] : memref<20224x64xf32, #tpu.memory_space<vmem_shared>> -> memref<128x64xf32, #tpu.memory_space<vmem_shared>>
        tpu.wait_dma2 semaphore(%run_scoped3A : memref<!tpu.dma_semaphore, #tpu.memory_space<semaphore_mem>>) src(%dma_wait3A_191 : memref<128x64xf32, #tpu.memory_space<vmem_shared>>) dst(%dma_wait3A_189 : memref<128x64xf32, #tpu.memory_space<hbm>>)
        tpu.yield
      }) : () -> ()
    }
    %scan3A_166 = arith.constant 9 : i32
    %add3A_167 = arith.constant 1152 : i32
    %add3A_168 = arith.addi %mul3A_4, %add3A_167 : i32
    %add3A_169 = arith.constant 1152 : i32
    %add3A_170 = arith.addi %mul3A_4, %add3A_169 : i32
    "tpu.region"() ({
      %run_scoped3A = tpu.sem_alloc : memref<!tpu.dma_semaphore, #tpu.memory_space<semaphore_mem>>
      %dma_start3A = arith.constant 0 : i32
      %dma_start3A_177 = tpu.memref_slice %arg6[%add3A_126, %add3A_170, %dma_start3A] : memref<6x20224x64xf32, #tpu.memory_space<hbm>> -> memref<1x112x64xf32, #tpu.memory_space<hbm>>
      %dma_start3A_178 = tpu.memref_squeeze %dma_start3A_177 : memref<1x112x64xf32, #tpu.memory_space<hbm>> -> memref<112x64xf32, #tpu.memory_space<hbm>>
      %dma_start3A_179 = arith.constant 0 : i32
      %dma_start3A_180 = tpu.memref_slice %arg14[%add3A_168, %dma_start3A_179] : memref<20224x64xf32, #tpu.memory_space<vmem_shared>> -> memref<112x64xf32, #tpu.memory_space<vmem_shared>>
      tpu.enqueue_dma source(%dma_start3A_180 : memref<112x64xf32, #tpu.memory_space<vmem_shared>>) target(%dma_start3A_178 : memref<112x64xf32, #tpu.memory_space<hbm>>) target_semaphore(%run_scoped3A : memref<!tpu.dma_semaphore, #tpu.memory_space<semaphore_mem>>)
      %dma_wait3A = arith.constant 0 : i32
      %dma_wait3A_181 = tpu.memref_slice %arg6[%add3A_126, %add3A_170, %dma_wait3A] : memref<6x20224x64xf32, #tpu.memory_space<hbm>> -> memref<1x112x64xf32, #tpu.memory_space<hbm>>
      %dma_wait3A_182 = tpu.memref_squeeze %dma_wait3A_181 : memref<1x112x64xf32, #tpu.memory_space<hbm>> -> memref<112x64xf32, #tpu.memory_space<hbm>>
      %dma_wait3A_183 = arith.constant 0 : i32
      %dma_wait3A_184 = tpu.memref_slice %arg14[%add3A_168, %dma_wait3A_183] : memref<20224x64xf32, #tpu.memory_space<vmem_shared>> -> memref<112x64xf32, #tpu.memory_space<vmem_shared>>
      tpu.wait_dma2 semaphore(%run_scoped3A : memref<!tpu.dma_semaphore, #tpu.memory_space<semaphore_mem>>) src(%dma_wait3A_184 : memref<112x64xf32, #tpu.memory_space<vmem_shared>>) dst(%dma_wait3A_182 : memref<112x64xf32, #tpu.memory_space<hbm>>)
      tpu.yield
    }) : () -> ()
    %scan3A_171 = arith.constant 0 : i32
    %scan3A_172 = arith.constant 0 : i32
    %scan3A_173 = arith.constant 5 : i32
    %scan3A_174 = arith.addi %scan3A_172, %scan3A_173 : i32
    %scan3A_175 = arith.constant 1 : i32
    scf.for %scan3A_177 = %scan3A_172 to %scan3A_174 step %scan3A_175  : i32 {
      %mul3A_178 = arith.constant 128 : i32
      %mul3A_179 = arith.muli %scan3A_177, %mul3A_178 : i32
      %add3A_180 = arith.constant 640 : i32
      %add3A_181 = arith.addi %add3A_180, %mul3A_179 : i32
      %dma_start3A = tpu.memref_slice %arg8[%add3A_181] : memref<10240xi32, #tpu.memory_space<vmem>> -> memref<128xi32, #tpu.memory_space<vmem>>
      %dma_start3A_182 = arith.constant 0 : i32
      %dma_start3A_183 = arith.constant 0 : i32
      %dma_start3A_184 = tpu.memref_slice %arg2[%dma_start3A_182, %dma_start3A_183] : memref<300000x64xf32, #tpu.memory_space<hbm>> -> memref<300000x64xf32, #tpu.memory_space<hbm>>
      tpu.enqueue_indirect_dma source(%dma_start3A_184 : memref<300000x64xf32, #tpu.memory_space<hbm>>) target(%arg13 : memref<128x64xf32, #tpu.memory_space<vmem>>) offsets(%dma_start3A : memref<128xi32, #tpu.memory_space<vmem>>) semaphore(%arg15 : memref<!tpu.dma_semaphore, #tpu.memory_space<semaphore_mem>>)
      %dma_wait3A = tpu.memref_slice %arg8[%add3A_181] : memref<10240xi32, #tpu.memory_space<vmem>> -> memref<128xi32, #tpu.memory_space<vmem>>
      %dma_wait3A_185 = arith.constant 0 : i32
      %dma_wait3A_186 = arith.constant 0 : i32
      %dma_wait3A_187 = tpu.memref_slice %arg2[%dma_wait3A_185, %dma_wait3A_186] : memref<300000x64xf32, #tpu.memory_space<hbm>> -> memref<300000x64xf32, #tpu.memory_space<hbm>>
      tpu.wait_indirect_dma semaphore(%arg15 : memref<!tpu.dma_semaphore, #tpu.memory_space<semaphore_mem>>) src(%dma_wait3A_187 : memref<300000x64xf32, #tpu.memory_space<hbm>>) dst(%arg13 : memref<128x64xf32, #tpu.memory_space<vmem>>)
      %mul3A_188 = arith.constant 128 : i32
      %mul3A_189 = arith.muli %scan3A_177, %mul3A_188 : i32
      %add3A_190 = arith.addi %mul3A_2, %mul3A_189 : i32
      "tpu.region"() ({
        %run_scoped3A = tpu.sem_alloc : memref<!tpu.dma_semaphore, #tpu.memory_space<semaphore_mem>>
        %dma_start3A_191 = arith.constant 0 : i32
        %dma_start3A_192 = tpu.memref_slice %arg7[%add3A_126, %add3A_190, %dma_start3A_191] : memref<6x10240x64xf32, #tpu.memory_space<hbm>> -> memref<1x128x64xf32, #tpu.memory_space<hbm>>
        %dma_start3A_193 = tpu.memref_squeeze %dma_start3A_192 : memref<1x128x64xf32, #tpu.memory_space<hbm>> -> memref<128x64xf32, #tpu.memory_space<hbm>>
        %dma_start3A_194 = arith.constant 0 : i32
        %dma_start3A_195 = tpu.memref_slice %arg7[%add3A_126, %add3A_190, %dma_start3A_194] : memref<6x10240x64xf32, #tpu.memory_space<hbm>> -> memref<1x128x64xf32, #tpu.memory_space<hbm>>
        %dma_start3A_196 = tpu.memref_squeeze %dma_start3A_195 : memref<1x128x64xf32, #tpu.memory_space<hbm>> -> memref<128x64xf32, #tpu.memory_space<hbm>>
        tpu.enqueue_dma source(%arg13 : memref<128x64xf32, #tpu.memory_space<vmem>>) target(%dma_start3A_196 : memref<128x64xf32, #tpu.memory_space<hbm>>) target_semaphore(%run_scoped3A : memref<!tpu.dma_semaphore, #tpu.memory_space<semaphore_mem>>)
        %dma_wait3A_197 = arith.constant 0 : i32
        %dma_wait3A_198 = tpu.memref_slice %arg7[%add3A_126, %add3A_190, %dma_wait3A_197] : memref<6x10240x64xf32, #tpu.memory_space<hbm>> -> memref<1x128x64xf32, #tpu.memory_space<hbm>>
        %dma_wait3A_199 = tpu.memref_squeeze %dma_wait3A_198 : memref<1x128x64xf32, #tpu.memory_space<hbm>> -> memref<128x64xf32, #tpu.memory_space<hbm>>
        %dma_wait3A_200 = arith.constant 0 : i32
        %dma_wait3A_201 = tpu.memref_slice %arg7[%add3A_126, %add3A_190, %dma_wait3A_200] : memref<6x10240x64xf32, #tpu.memory_space<hbm>> -> memref<1x128x64xf32, #tpu.memory_space<hbm>>
        %dma_wait3A_202 = tpu.memref_squeeze %dma_wait3A_201 : memref<1x128x64xf32, #tpu.memory_space<hbm>> -> memref<128x64xf32, #tpu.memory_space<hbm>>
        tpu.wait_dma2 semaphore(%run_scoped3A : memref<!tpu.dma_semaphore, #tpu.memory_space<semaphore_mem>>) src(%arg13 : memref<128x64xf32, #tpu.memory_space<vmem>>) dst(%dma_wait3A_202 : memref<128x64xf32, #tpu.memory_space<hbm>>)
        tpu.yield
      }) : () -> ()
    }
    %scan3A_176 = arith.constant 5 : i32
    return
  }
}

module attributes {stable_mosaic.version = 14 : i64} {
  func.func @_tc_body(%arg0: i32, %arg1: memref<1000x384xf32, #tpu.memory_space<vmem>>, %arg2: memref<1000x384xf32, #tpu.memory_space<vmem>>, %arg3: memref<1000x384xf32, #tpu.memory_space<vmem>>, %arg4: memref<3x300x300xf32, #tpu.memory_space<vmem>>, %arg5: memref<1x300xf32, #tpu.memory_space<vmem>>, %arg6: memref<1000x300xf32, #tpu.memory_space<vmem>>) attributes {dimension_semantics = [#tpu.dimension_semantics<arbitrary>], iteration_bounds = array<i64: 10>, scalar_prefetch = 0 : i64, scratch_operands = 0 : i64, tpu.core_type = #tpu.core_type<tc>, window_params = [{transform_indices = @transform_0, window_bounds = array<i64: 1000, 384>}, {transform_indices = @transform_1, window_bounds = array<i64: 1000, 384>}, {transform_indices = @transform_2, window_bounds = array<i64: 1000, 384>}, {pipeline_mode = #tpu.pipeline_mode<synchronous>, transform_indices = @transform_3, window_bounds = array<i64: 3, 300, 300>}, {pipeline_mode = #tpu.pipeline_mode<synchronous>, transform_indices = @transform_4, window_bounds = array<i64: 1, 300>}, {transform_indices = @transform_5, window_bounds = array<i64: 1000, 300>}]} {
    %get3A = arith.constant 0 : index
    %get3A_0 = arith.constant 0 : index
    %get3A_1 = vector.load %arg1[%get3A, %get3A_0] : memref<1000x384xf32, #tpu.memory_space<vmem>>, vector<1000x300xf32>
    %get3A_2 = arith.constant 0 : index
    %get3A_3 = arith.constant 0 : index
    %get3A_4 = vector.load %arg2[%get3A_2, %get3A_3] : memref<1000x384xf32, #tpu.memory_space<vmem>>, vector<1000x384xf32>
    %slice3A = vector.extract_strided_slice %get3A_4 {offsets = [0, 300], sizes = [1000, 1], strides = [1, 1]} : vector<1000x384xf32> to vector<1000x1xf32>
    %gt3A = arith.constant 0.000000e+00 : f32
    %gt3A_5 = vector.broadcast %gt3A : f32 to vector<1000x1xf32>
    %gt3A_6 = arith.cmpf ogt, %slice3A, %gt3A_5 : vector<1000x1xf32>
    %slice3A_7 = vector.extract_strided_slice %get3A_4 {offsets = [0, 0], sizes = [1000, 300], strides = [1, 1]} : vector<1000x384xf32> to vector<1000x300xf32>
    %max3A = arith.constant 1.000000e+00 : f32
    %max3A_8 = vector.broadcast %max3A : f32 to vector<1000x1xf32>
    %max3A_9 = arith.maximumf %slice3A, %max3A_8 : vector<1000x1xf32>
    %div3A = vector.broadcast %max3A_9 : vector<1000x1xf32> to vector<1000x300xf32>
    %div3A_10 = arith.divf %slice3A_7, %div3A : vector<1000x300xf32>
    %jit3A = arith.constant 1.000000e+00 : f32
    %broadcast_in_dim3A = vector.shape_cast %gt3A_6 : vector<1000x1xi1> to vector<1000x1xi1>
    %broadcast_in_dim3A_11 = vector.broadcast %broadcast_in_dim3A : vector<1000x1xi1> to vector<1000x300xi1>
    %broadcast_in_dim3A_12 = vector.broadcast %jit3A : f32 to vector<1000x300xf32>
    %select_n3A = arith.select %broadcast_in_dim3A_11, %div3A_10, %broadcast_in_dim3A_12 : vector<1000x300xi1>, vector<1000x300xf32>
    %get3A_13 = arith.constant 0 : index
    %get3A_14 = arith.constant 0 : index
    %get3A_15 = vector.load %arg3[%get3A_13, %get3A_14] : memref<1000x384xf32, #tpu.memory_space<vmem>>, vector<1000x384xf32>
    %slice3A_16 = vector.extract_strided_slice %get3A_15 {offsets = [0, 300], sizes = [1000, 1], strides = [1, 1]} : vector<1000x384xf32> to vector<1000x1xf32>
    %gt3A_17 = arith.constant 0.000000e+00 : f32
    %gt3A_18 = vector.broadcast %gt3A_17 : f32 to vector<1000x1xf32>
    %gt3A_19 = arith.cmpf ogt, %slice3A_16, %gt3A_18 : vector<1000x1xf32>
    %slice3A_20 = vector.extract_strided_slice %get3A_15 {offsets = [0, 0], sizes = [1000, 300], strides = [1, 1]} : vector<1000x384xf32> to vector<1000x300xf32>
    %max3A_21 = arith.constant 1.000000e+00 : f32
    %max3A_22 = vector.broadcast %max3A_21 : f32 to vector<1000x1xf32>
    %max3A_23 = arith.maximumf %slice3A_16, %max3A_22 : vector<1000x1xf32>
    %div3A_24 = vector.broadcast %max3A_23 : vector<1000x1xf32> to vector<1000x300xf32>
    %div3A_25 = arith.divf %slice3A_20, %div3A_24 : vector<1000x300xf32>
    %jit3A_26 = arith.constant 1.000000e+00 : f32
    %broadcast_in_dim3A_27 = vector.shape_cast %gt3A_19 : vector<1000x1xi1> to vector<1000x1xi1>
    %broadcast_in_dim3A_28 = vector.broadcast %broadcast_in_dim3A_27 : vector<1000x1xi1> to vector<1000x300xi1>
    %broadcast_in_dim3A_29 = vector.broadcast %jit3A_26 : f32 to vector<1000x300xf32>
    %select_n3A_30 = arith.select %broadcast_in_dim3A_28, %div3A_25, %broadcast_in_dim3A_29 : vector<1000x300xi1>, vector<1000x300xf32>
    %get3A_31 = arith.constant 0 : index
    %get3A_32 = arith.constant 0 : index
    %get3A_33 = arith.constant 0 : index
    %get3A_34 = vector.load %arg4[%get3A_31, %get3A_32, %get3A_33] : memref<3x300x300xf32, #tpu.memory_space<vmem>>, vector<1x300x300xf32>
    %get3A_35 = vector.shape_cast %get3A_34 : vector<1x300x300xf32> to vector<300x300xf32>
    %dot_general3A = arith.constant dense<0.000000e+00> : vector<1000x300xf32>
    %dot_general3A_36 = tpu.matmul %get3A_1, %get3A_35, %dot_general3A {dimension_numbers = #tpu.dot_dimension_numbers<[1], [0], [0], [1], [0, 0, 1, 1], [], []>, transpose_lhs_hint = false} : vector<1000x300xf32>, vector<300x300xf32>, vector<1000x300xf32> -> vector<1000x300xf32>
    %get3A_37 = arith.constant 1 : index
    %get3A_38 = arith.constant 0 : index
    %get3A_39 = arith.constant 0 : index
    %get3A_40 = vector.load %arg4[%get3A_37, %get3A_38, %get3A_39] : memref<3x300x300xf32, #tpu.memory_space<vmem>>, vector<1x300x300xf32>
    %get3A_41 = vector.shape_cast %get3A_40 : vector<1x300x300xf32> to vector<300x300xf32>
    %dot_general3A_42 = arith.constant dense<0.000000e+00> : vector<1000x300xf32>
    %dot_general3A_43 = tpu.matmul %select_n3A, %get3A_41, %dot_general3A_42 {dimension_numbers = #tpu.dot_dimension_numbers<[1], [0], [0], [1], [0, 0, 1, 1], [], []>, transpose_lhs_hint = false} : vector<1000x300xf32>, vector<300x300xf32>, vector<1000x300xf32> -> vector<1000x300xf32>
    %add3A = arith.addf %dot_general3A_36, %dot_general3A_43 : vector<1000x300xf32>
    %get3A_44 = arith.constant 2 : index
    %get3A_45 = arith.constant 0 : index
    %get3A_46 = arith.constant 0 : index
    %get3A_47 = vector.load %arg4[%get3A_44, %get3A_45, %get3A_46] : memref<3x300x300xf32, #tpu.memory_space<vmem>>, vector<1x300x300xf32>
    %get3A_48 = vector.shape_cast %get3A_47 : vector<1x300x300xf32> to vector<300x300xf32>
    %dot_general3A_49 = arith.constant dense<0.000000e+00> : vector<1000x300xf32>
    %dot_general3A_50 = tpu.matmul %select_n3A_30, %get3A_48, %dot_general3A_49 {dimension_numbers = #tpu.dot_dimension_numbers<[1], [0], [0], [1], [0, 0, 1, 1], [], []>, transpose_lhs_hint = false} : vector<1000x300xf32>, vector<300x300xf32>, vector<1000x300xf32> -> vector<1000x300xf32>
    %add3A_51 = arith.addf %add3A, %dot_general3A_50 : vector<1000x300xf32>
    %get3A_52 = arith.constant 0 : index
    %get3A_53 = arith.constant 0 : index
    %get3A_54 = vector.load %arg5[%get3A_52, %get3A_53] : memref<1x300xf32, #tpu.memory_space<vmem>>, vector<1x300xf32>
    %add3A_55 = vector.broadcast %get3A_54 : vector<1x300xf32> to vector<1000x300xf32>
    %add3A_56 = arith.addf %add3A_51, %add3A_55 : vector<1000x300xf32>
    %swap3A = arith.constant 0 : index
    %swap3A_57 = arith.constant 0 : index
    %swap3A_58 = vector.load %arg6[%swap3A, %swap3A_57] : memref<1000x300xf32, #tpu.memory_space<vmem>>, vector<1000x300xf32>
    tpu.vector_store %arg6[%swap3A, %swap3A_57], %add3A_56 {strides = array<i32>} : memref<1000x300xf32, #tpu.memory_space<vmem>>, vector<1000x300xf32>,
    return
  }
  func.func @transform_0(%arg0: i32) -> (i32, i32) {
    %c0_i32 = arith.constant 0 : i32
    %c0_i32_0 = arith.constant 0 : i32
    return %arg0, %c0_i32 : i32, i32
  }
  func.func @transform_1(%arg0: i32) -> (i32, i32) {
    %c0_i32 = arith.constant 0 : i32
    %c0_i32_0 = arith.constant 0 : i32
    return %arg0, %c0_i32 : i32, i32
  }
  func.func @transform_2(%arg0: i32) -> (i32, i32) {
    %add3A = arith.constant 10 : i32
    %add3A_0 = arith.addi %arg0, %add3A : i32
    %c0_i32 = arith.constant 0 : i32
    %c0_i32_1 = arith.constant 0 : i32
    return %add3A_0, %c0_i32 : i32, i32
  }
  func.func @transform_3(%arg0: i32) -> (i32, i32, i32) {
    %c0_i32 = arith.constant 0 : i32
    %c0_i32_0 = arith.constant 0 : i32
    %c0_i32_1 = arith.constant 0 : i32
    %c0_i32_2 = arith.constant 0 : i32
    return %c0_i32, %c0_i32_0, %c0_i32_1 : i32, i32, i32
  }
  func.func @transform_4(%arg0: i32) -> (i32, i32) {
    %c0_i32 = arith.constant 0 : i32
    %c0_i32_0 = arith.constant 0 : i32
    %c0_i32_1 = arith.constant 0 : i32
    return %c0_i32, %c0_i32_0 : i32, i32
  }
  func.func @transform_5(%arg0: i32) -> (i32, i32) {
    %c0_i32 = arith.constant 0 : i32
    %c0_i32_0 = arith.constant 0 : i32
    return %arg0, %c0_i32 : i32, i32
  }
}

</mosaic_0001>

<sc_bundles>
// kernel: kernel.4.cloned.1.call-start
scs
__scs_entry_jumppad:
0x0: {  	(pc) =	sbr.rel $0x88, $3  }
0x1: {  	(tag) =	ssettag $0x0;
	lr =	simm.s32 $0x1  }
0x2: {  	[smem:$0x3F9B] =	sst lr;
	_ =	strace $0xD0000000  }
0x3: {  	_ = 	snop  }
0x4: {  	_ = 	snop  }
0x5: {  	_ = 	snop  }
0x6: {  	_ = 	snop  }
0x7: {  	_ = 	snop  }
__scs_overlays_trampoline_lowered:
0x8: {  	[smem:$0x3FAA] =	sst s0  }
0x9: {  	[smem:$0x3FAB] =	sst s1  }
0xa: {  	[smem:$0x3FAC] =	sst s2  }
0xb: {  	[smem:$0x3FAD] =	sst s3  }
0xc: {  	[smem:$0x3FAE] =	sst s4  }
0xd: {  	[smem:$0x3FAF] =	sst s5  }
0xe: {  	[smem:$0x3FB0] =	sst s6  }
0xf: {  	[smem:$0x3FB1] =	sst s7  }
0x10: {  	[smem:$0x3FB2] =	sst s8  }
0x11: {  	[smem:$0x3FB3] =	sst s9;
	s0 =	simm.s32 @!p0 $0x0  }
0x12: {  	s1 =	sld [smem:$0x3F99];
	s0 =	simm.s32 @p0 $0x1  }
0x13: {  	[smem:$0x3FB4] =	sst s0;
	s0 =	simm.s32 @!p1 $0x0  }
0x14: {  	s2 =	sld [smem:$0x3F98];
	s0 =	simm.s32 @p1 $0x1  }
0x15: {  	[smem:$0x3FB5] =	sst s0;
	s0 =	simm.s32 @!p2 $0x0  }
0x16: {  	s3 =	sld [smem:$0x3FDB];
	s0 =	simm.s32 @p2 $0x1  }
0x17: {  	s4 =	simm.s32 $0x1BF5;
	[smem:$0x3FB7] =	sst s0  }
0x18: {  	s0 =	sld [smem:$0x3F9A];
	_ =	swait.ge [sflag:s4], $0x0  }
0x19: {  	s7 =	sld [smem:$0x3F9B]  }
0x1a: {  	s8 =	sadd.s32 $0xFFFFE003, lr  }
0x1b: {  	s9 =	sadd.s32 $0xFFFFFEF7, lr;
	s5 =	simm.s32 $0xFFFFFFFF;
	p2 =	slt.u32 s8, $0xFFFFF086  }
0x1c: {  	p1 =	slt.u32 s9, $0xF7A;
	s5 =	simm.s32 @!p2 $0x0  }
0x1d: {  	s5 =	simm.s32 @p1 $0x1;
	p0 =	seq.s32 s7, s2  }
0x1e: {  	s7 =	smul.u32 @!p0 $0xF7A, s2;
	p2 =	seq.s32 @!p0 s5, $0x0  }
0x1f: {  	s9 =	smul.u32 $0xF7A, s1;
	s8 =	simm.s32 @!p0 $0x1BF5;
	p2 =	por !p2, p0  }
0x20: {  	[sflag:s8] =	ssyncset.s32 @!p0 $0xFFFFF086;
	s6 =	sadd.s32 @!p0 s3, s7;
	s7 =	simm.s32 @!p0 $0x108  }
0x21: {  	s3 =	sadd.s32 s3, s9;
	s6 =	sadd.s32 @!p0 $0x88, s6;
	s7 =	simm.s32 @p2 $0x1082  }
0x22: {  	[simem:s7], [sflag:s8] =	dma.local @!p0 [hbm:s6], $0xF7A  }
0x23: {  	s9 =	sor.u32 $0xD0000000, s2;
	s6 =	simm.s32 $0x108;
	_ =	swait.ge @!p0 [sflag:s8], $0x0  }
0x24: {  	s3 =	sadd.s32 $0x88, s3;
	s6 =	simm.s32 @!p1 $0x1082;
	[sflag:s4] =	ssyncset.s32 $0xFFFFF086  }
0x25: {  	[simem:s6], [sflag:s4] =	dma.local [hbm:s3], $0xF7A  }
0x26: {  	[smem:$0x3F9B] =	sst s1;
	(tag) =	ssettag s2;
	_ =	strace s9  }
0x27: {  	s1 =	sld [smem:$0x3FAB]  }
0x28: {  	s2 =	sld [smem:$0x3FAC]  }
0x29: {  	s4 =	sld [smem:$0x3FAE]  }
0x2a: {  	p0 =	seq.s32 s5, $0x0;
	s5 =	sld [smem:$0x3FAF]  }
0x2b: {  	s6 =	sld [smem:$0x3FB0]  }
0x2c: {  	s7 =	sld [smem:$0x3FB1]  }
0x2d: {  	s3 =	simm.s32 $0x108;
	s8 =	sld [smem:$0x3FB2]  }
0x2e: {  	s3 =	simm.s32 @!p0 $0x1082;
	s9 =	sld [smem:$0x3FB3]  }
0x2f: {  	lr =	sadd.s32 s0, s3;
	s0 =	sld [smem:$0x3FAA]  }
0x30: {  	s3 =	sld [smem:$0x3FAD]  }
0x31: {  	[smem:$0x3FB6] =	sst s10  }
0x32: {  	s10 =	sld [smem:$0x3FB4];
	_ =	sdelay $0x3  }
0x33: {  	p0 =	seq.s32 s10, $0x1;
	s10 =	sld [smem:$0x3FB6];
	_ =	sdelay $0x3  }
0x34: {  	[smem:$0x3FB6] =	sst s10  }
0x35: {  	s10 =	sld [smem:$0x3FB5];
	_ =	sdelay $0x3  }
0x36: {  	p1 =	seq.s32 s10, $0x1;
	s10 =	sld [smem:$0x3FB6];
	_ =	sdelay $0x3  }
0x37: {  	[smem:$0x3FB6] =	sst s10  }
0x38: {  	s10 =	sld [smem:$0x3FB7]  }
0x39: {  	_ = 	snop;
	(pc) =	sbr.ind lr, $3  }
0x3a: {  	_ = 	snop  }
0x3b: {  	_ = 	snop  }
0x3c: {  	p2 =	seq.s32 s10, $0x1;
	s10 =	sld [smem:$0x3FB6]  }
0x3d: {  	_ =	shalt  }
0x3e: {  	_ =	shalt  }
0x3f: {  	_ =	shalt  }
0x40: {  	_ =	shalt  }
0x41: {  	_ =	shalt  }
0x42: {  	_ =	shalt  }
0x43: {  	_ =	shalt  }
0x44: {  	_ =	shalt  }
0x45: {  	_ =	shalt  }
0x46: {  	_ =	shalt  }
0x47: {  	_ =	shalt  }
0x48: {  	_ =	shalt  }
0x49: {  	_ =	shalt  }
0x4a: {  	_ =	shalt  }
0x4b: {  	_ =	shalt  }
0x4c: {  	_ =	shalt  }
0x4d: {  	_ =	shalt  }
0x4e: {  	_ =	shalt  }
0x4f: {  	_ =	shalt  }
0x50: {  	_ =	shalt  }
0x51: {  	_ =	shalt  }
0x52: {  	_ =	shalt  }
0x53: {  	_ =	shalt  }
0x54: {  	_ =	shalt  }
0x55: {  	_ =	shalt  }
0x56: {  	_ =	shalt  }
0x57: {  	_ =	shalt  }
0x58: {  	_ =	shalt  }
0x59: {  	_ =	shalt  }
0x5a: {  	_ =	shalt  }
0x5b: {  	_ =	shalt  }
0x5c: {  	_ =	shalt  }
0x5d: {  	_ =	shalt  }
0x5e: {  	_ =	shalt  }
0x5f: {  	_ =	shalt  }
0x60: {  	_ =	shalt  }
0x61: {  	_ =	shalt  }
0x62: {  	_ =	shalt  }
0x63: {  	_ =	shalt  }
0x64: {  	_ =	shalt  }
0x65: {  	_ =	shalt  }
0x66: {  	_ =	shalt  }
0x67: {  	_ =	shalt  }
0x68: {  	_ =	shalt  }
0x69: {  	_ =	shalt  }
0x6a: {  	_ =	shalt  }
0x6b: {  	_ =	shalt  }
0x6c: {  	_ =	shalt  }
0x6d: {  	_ =	shalt  }
0x6e: {  	_ =	shalt  }
0x6f: {  	_ =	shalt  }
0x70: {  	_ =	shalt  }
0x71: {  	_ =	shalt  }
0x72: {  	_ =	shalt  }
0x73: {  	_ =	shalt  }
0x74: {  	_ =	shalt  }
0x75: {  	_ =	shalt  }
0x76: {  	_ =	shalt  }
0x77: {  	_ =	shalt  }
0x78: {  	_ =	shalt  }
0x79: {  	_ =	shalt  }
0x7a: {  	_ =	shalt  }
0x7b: {  	_ =	shalt  }
0x7c: {  	_ =	shalt  }
0x7d: {  	_ =	shalt  }
0x7e: {  	_ =	shalt  }
0x7f: {  	_ =	shalt  }
0x80: {  	_ =	shalt  }
0x81: {  	_ =	shalt  }
0x82: {  	_ =	shalt  }
0x83: {  	_ =	shalt  }
0x84: {  	_ =	shalt  }
0x85: {  	_ =	shalt  }
0x86: {  	_ =	shalt  }
0x87: {  	_ =	shalt  }
.Lfunc_end0:
.L_simem_size_0:
called_computation.1_lowered:
.L_overlay_start_0:
0x88: {  	s2 =	sld [smem:$0x3FD9]  }
0x89: {  	s3 =	sld [smem:$0x3FFE];
	_ =	sdelay $0x1  }
0x8a: {  	s1 =	srdreg.scid  }
0x8b: {  	s0 =	sand.u32 $0x1, s1  }
0x8c: {  	s17 =	sshll.u32 s0, $0xA;
	s2 =	sadd.s32 s3, s2  }
0x8d: {  	s2 =	sadd.s32 s2, s17  }
0x8e: {  	[smem:$0x3FC2] =	sst s2  }
0x8f: {  	_ = 	snop  }
0x90: {  	s2 =	sld [smem:$0x3FD0];
	(tm) =	ssettm $0x1  }
0x91: {  	s18 =	sld [smem:$0x3FFB];
	_ =	sdelay $0x3  }
0x92: {  	_ =	strace s18  }
0x93: {  	s3 =	sld [smem:$0x3FFC];
	_ =	sdelay $0x3  }
0x94: {  	_ =	strace s3  }
0x95: {  	s3 =	sld [smem:$0x3FFD];
	_ =	sdelay $0x3  }
0x96: {  	_ =	strace s3  }
0x97: {  	_ =	strace $0x8FFFFFFF  }
0x98: {  	s19 =	sld [smem:$0x3FDB];
	_ =	sdelay $0x1  }
0x99: {  	s4 =	simm.s32 $_scs_section_size  }
0x9a: {  	s5 =	simm.s32 $_size__tile_overlayer_lowered;
	s6 =	simm.s32 $_tile_overlayer_lowered  }
0x9b: {  	s22 =	simm.s32 $0x1BFF;
	s21 =	sshll.u32 s6, $0x1;
	s3 =	sadd.s32 s4, s19  }
0x9c: {  	s7 =	simm.s32 $0x0;
	s20 =	sshll.u32 s5, $0x1;
	s5 =	sadd.s32 s21, s3  }
0x9d: {  	[timem:s7], [sflag:s22] =	dma.local [hbm:s5], s20  }
0x9e: {  	_ =	swait.ge [sflag:s22], s20  }
0x9f: {  	s4 =	ssub.s32 $0x0, s20;
	[sflag:s22] =	ssyncset.done $0x0  }
0xa0: {  	[sflag:s22] =	ssyncadd.s32 s4;
	_ =	sdelay $0x1  }
0xa1: {  	s23 =	simm.s32 $0x1B8B  }
0xa2: {  	_ =	swait.ge [sflag:s23], $0x1  }
0xa3: {  	[sflag:s23] =	ssyncset.done $0x0  }
0xa4: {  	s25 =	simm.s32 $0x1B8E;
	s24 =	sld [smem:$0x3FFE];
	[sflag:s23] =	ssyncadd.s32 $0xFFFFFFFF  }
0xa5: {  	s26 =	simm.s32 $execute0_lowered;
	[smem:$0x3FD2] =	sst s25  }
0xa6: {  	s5 =	sshll.u32 s26, $0x1;
	_ =	strace $0x80000049;
	[dreg:$0x1] =	wrdreg $0xFFFFFFFF  }
0xa7: {  	s28 =	simm.s32 $_size_execute0_lowered;
	s3 =	sadd.s32 s3, s5;
	[dreg:$0x0] =	wrdreg $0x0  }
0xa8: {  	s5 =	sshll.u32 s28, $0x1;
	[dreg:$0x2] =	wrdreg s3  }
0xa9: {  	[dreg:$0x3] =	wrdreg s5  }
0xaa: {  	[dreg:$0x4] =	wrdreg $0xC0  }
0xab: {  	_ =	task [dreg:s7], $0x5FFFF  }
0xac: {  	[dreg:$0x1] =	wrdreg $0xFFFFFFFF  }
0xad: {  	[dreg:$0x0] =	wrdreg $0x60  }
0xae: {  	[dreg:$0x2] =	wrdreg s24  }
0xaf: {  	[dreg:$0x3] =	wrdreg s2  }
0xb0: {  	[dreg:$0x4] =	wrdreg $0xC0800  }
0xb1: {  	[dreg:$0x5] =	wrdreg $0x9  }
0xb2: {  	_ =	task.clear_ibuf [dreg:s7], $0x6FFFF;
	_ =	strace $0x90000049  }
0xb3: {  	s29 =	simm.s32 $0x9;
	_ =	strace $0x8000004B  }
0xb4: {  	_ =	swait.ge [sflag:s29], $0x1  }
0xb5: {  	[sflag:s29] =	ssyncadd.s32 $0xFFFFFFFF  }
0xb6: {  	_ =	strace $0x9000004B  }
0xb7: {  	_ =	sfence  }
0xb8: {  	s30 =	sld [smem:$0x0];
	_ =	sdelay $0x2  }
0xb9: {  	s31 =	sshll.u32 s1, $0xD;
	s1 =	sshrl.u32 s1, $0x2  }
0xba: {  	s3 =	sand.u32 $0x4000, s31;
	s1 =	sadd.s32 s1, s30  }
0xbb: {  	s0 =	sor.u32 s3, s0;
	s1 =	sshll.u32 s1, $0x11  }
0xbc: {  	s0 =	sor.u32 s1, s0  }
0xbd: {  	s0 =	sadd.s32 $0x8F2B, s0  }
0xbe: {  	[sflag:s0] =	ssyncadd.remote.s32 $0x1  }
0xbf: {  	_ =	sfence.sel $0xFFFF  }
0xc0: {  	[dreg:$0x0] =	wrdreg $0xFFFFFFFF;
	(pc) =	sbr.abs _section_cstart, $3  }
0xc1: {  	[dreg:$0x1] =	wrdreg $0xFFFFFFFF  }
0xc2: {  	_ =	task.clear_ibuf [dreg:s7], $0x2FFFF;
	_ =	strace $0x9FFFFFFF  }
0xc3: {  	(tm) =	ssettm $0x7FFFFFFF  }
tec
execute0_lowered:
.L_overlay_start_1:
0x0: {  	(tag) =	ssettag $0x1  }
0x1: {  	s0 =	srdreg.scid;
	s4 =	stileid.u32  }
0x2: {  	s7 =	sand.u32 $0x1, s0;
	s3 =	smul.u32 $0x13C00, s4  }
0x3: {  	s2 =	rddreg [dreg:$0x0];
	s1 =	smul.u32 $0x3, s7  }
0x4: {  	s0 =	sadd.s32 $0x24B600, s2;
	s6 =	ssub.s32 $0x2, s7;
	s18 =	smul.u32 $0x3B4000, s7  }
0x5: {  	s15 =	smul.u32 $0x1E0000, s7;
	s8 =	sshrl.u32 s6, $0x1;
	s5 =	sadd.s32 $0x12000, s3  }
0x6: {  	s7 =	sadd.s32 $0x2000, s3;
	[smem:$0x7F9] =	sst s1;
	s2 =	sadd.s32 $0x1, s1  }
0x7: {  	s6 =	ssub.s32 s6, s8;
	s30 =	sadd.s32 s18, s5;
	s16 =	sadd.s32 $0x278000, s18  }
0x8: {  	s12 =	sadd.s32 s18, s3;
	s13 =	sadd.s32 s18, s7;
	s17 =	smul.u32 $0x13C000, s2  }
0x9: {  	s8 =	sshrl.u32 s30, $0x3;
	s10 =	sadd.s32 s5, s16;
	s14 =	sshrl.u32 s13, $0x3  }
0xa: {  	s8 =	sadd.s32 s0, s8;
	s1 =	sshrl.u32 s10, $0x3;
	s9 =	sadd.s32 s5, s17  }
0xb: {  	[dreg:$0x4] =	wrdreg s8;
	s11 =	sadd.s32 s0, s1;
	s8 =	sadd.s32 $0x4000, s3  }
0xc: {  	s25 =	sadd.s32 s17, s3;
	s26 =	sadd.s32 s17, s7;
	s31 =	sshrl.u32 s9, $0x3  }
0xd: {  	[dreg:$0x6] =	wrdreg s11;
	s9 =	sshrl.u32 s12, $0x3;
	s11 =	sadd.s32 s18, s8  }
0xe: {  	s29 =	sadd.s32 s17, s8;
	s30 =	sshrl.u32 s26, $0x3;
	s10 =	sadd.s32 s0, s31  }
0xf: {  	s9 =	sadd.s32 s0, s9;
	s19 =	sshrl.u32 s11, $0x3;
	[dreg:$0x5] =	wrdreg s10  }
0x10: {  	s11 =	sadd.s32 $0xA000, s3;
	s31 =	sshrl.u32 s29, $0x3;
	[dreg:$0x7] =	wrdreg s9  }
0x11: {  	s9 =	sadd.s32 s0, s14;
	s20 =	sadd.s32 s0, s19;
	s10 =	sadd.s32 $0x8000, s3  }
0x12: {  	s14 =	sadd.s32 s18, s11;
	s1 =	sadd.s32 s0, s31;
	[dreg:$0x8] =	wrdreg s9  }
0x13: {  	s31 =	sadd.s32 s16, s7;
	[dreg:$0x9] =	wrdreg s20;
	s9 =	sadd.s32 $0x6000, s3  }
0x14: {  	s13 =	sadd.s32 s18, s10;
	s22 =	sshrl.u32 s14, $0x3;
	s14 =	sadd.s32 $0x10000, s3  }
0x15: {  	[dreg:$0x12] =	wrdreg s1;
	s1 =	sadd.s32 s16, s8;
	s12 =	sadd.s32 s18, s9  }
0x16: {  	s21 =	sshrl.u32 s13, $0x3;
	s23 =	sadd.s32 s0, s22;
	s13 =	sadd.s32 $0xE000, s3  }
0x17: {  	s12 =	sshrl.u32 s12, $0x3;
	[dreg:$0xc] =	wrdreg s23;
	s20 =	sadd.s32 s18, s13  }
0x18: {  	s12 =	sadd.s32 s0, s12;
	s24 =	sshrl.u32 s20, $0x3;
	s20 =	sadd.s32 s17, s10  }
0x19: {  	[dreg:$0xa] =	wrdreg s12;
	s12 =	sadd.s32 s0, s21;
	s21 =	sadd.s32 s17, s11  }
0x1a: {  	s22 =	sshrl.u32 s20, $0x3;
	[dreg:$0xb] =	wrdreg s12;
	s12 =	sadd.s32 $0xC000, s3  }
0x1b: {  	s20 =	sshrl.u32 s1, $0x3;
	s23 =	sshrl.u32 s21, $0x3;
	s19 =	sadd.s32 s18, s12  }
0x1c: {  	s21 =	sadd.s32 s0, s20;
	s18 =	sadd.s32 s18, s14;
	s19 =	sshrl.u32 s19, $0x3  }
0x1d: {  	[dreg:$0x1b] =	wrdreg s21;
	s18 =	sshrl.u32 s18, $0x3;
	s19 =	sadd.s32 s0, s19  }
0x1e: {  	s26 =	sadd.s32 s17, s13;
	s18 =	sadd.s32 s0, s18;
	[dreg:$0xd] =	wrdreg s19  }
0x1f: {  	s29 =	sshrl.u32 s26, $0x3;
	s19 =	sadd.s32 s0, s24;
	[dreg:$0xf] =	wrdreg s18  }
0x20: {  	s18 =	sshrl.u32 s25, $0x3;
	s24 =	sadd.s32 s0, s23;
	s25 =	sadd.s32 s17, s12  }
0x21: {  	s23 =	sadd.s32 s16, s10;
	[dreg:$0xe] =	wrdreg s19;
	s18 =	sadd.s32 s0, s18  }
0x22: {  	s19 =	sadd.s32 s17, s9;
	[dreg:$0x15] =	wrdreg s24;
	s17 =	sadd.s32 s17, s14  }
0x23: {  	s24 =	sadd.s32 s16, s11;
	[dreg:$0x10] =	wrdreg s18;
	s18 =	sadd.s32 s0, s30  }
0x24: {  	s17 =	sshrl.u32 s17, $0x3;
	s30 =	sadd.s32 s16, s3;
	s26 =	sshrl.u32 s24, $0x3  }
0x25: {  	[dreg:$0x11] =	wrdreg s18;
	s18 =	sshrl.u32 s19, $0x3;
	s17 =	sadd.s32 s0, s17  }
0x26: {  	s19 =	smul.u32 $0xA000, s4;
	s18 =	sadd.s32 s0, s18;
	[dreg:$0x18] =	wrdreg s17  }
0x27: {  	s17 =	sshrl.u32 s30, $0x3;
	s30 =	sadd.s32 s16, s12;
	[dreg:$0x13] =	wrdreg s18  }
0x28: {  	s18 =	sadd.s32 s0, s22;
	s17 =	sadd.s32 s0, s17;
	s22 =	sadd.s32 s16, s9  }
0x29: {  	s20 =	sadd.s32 s15, s19;
	[dreg:$0x14] =	wrdreg s18;
	s18 =	sshrl.u32 s25, $0x3  }
0x2a: {  	s21 =	sadd.s32 $0x4000, s19;
	[dreg:$0x19] =	wrdreg s17;
	s18 =	sadd.s32 s0, s18  }
0x2b: {  	s24 =	sadd.s32 $0x8000, s19;
	[dreg:$0x16] =	wrdreg s18;
	s18 =	sadd.s32 s0, s29  }
0x2c: {  	s25 =	sshrl.u32 s23, $0x3;
	s29 =	sadd.s32 s0, s26;
	[dreg:$0x17] =	wrdreg s18  }
0x2d: {  	s23 =	sadd.s32 $0x6000, s19;
	s18 =	sshrl.u32 s31, $0x3;
	[dreg:$0x1e] =	wrdreg s29  }
0x2e: {  	s31 =	sadd.s32 s16, s13;
	s16 =	sadd.s32 s16, s14;
	s17 =	sadd.s32 s0, s18  }
0x2f: {  	s18 =	sshrl.u32 s31, $0x3;
	s16 =	sshrl.u32 s16, $0x3;
	[dreg:$0x1a] =	wrdreg s17  }
0x30: {  	s17 =	sshrl.u32 s22, $0x3;
	s1 =	sadd.s32 s0, s18;
	s18 =	sadd.s32 $0x2000, s19  }
0x31: {  	s22 =	sadd.s32 s15, s21;
	s17 =	sadd.s32 s0, s17;
	[smem:$0x7DB] =	sst s1  }
0x32: {  	s1 =	sadd.s32 s15, s18;
	[dreg:$0x1c] =	wrdreg s17;
	s17 =	sadd.s32 s0, s25  }
0x33: {  	s25 =	sadd.s32 s15, s23;
	[dreg:$0x1d] =	wrdreg s17;
	s17 =	sshrl.u32 s30, $0x3  }
0x34: {  	s22 =	sshrl.u32 s22, $0x3;
	s25 =	sshrl.u32 s25, $0x3;
	s17 =	sadd.s32 s0, s17  }
0x35: {  	s0 =	sadd.s32 s0, s16;
	[dreg:$0x1f] =	wrdreg s17;
	s17 =	smul.u32 $0xA0000, s2  }
0x36: {  	s16 =	sadd.s32 $0x140000, s15;
	s15 =	sadd.s32 s15, s24;
	[smem:$0x7DC] =	sst s0  }
0x37: {  	s0 =	simm.s32 $0x0;
	s26 =	sadd.s32 s17, s19;
	s28 =	sadd.s32 s17, s18  }
0x38: {  	s29 =	sadd.s32 s17, s21;
	s30 =	sadd.s32 s17, s23;
	s31 =	sadd.s32 s17, s24  }
0x39: {  	s19 =	sadd.s32 s16, s19;
	s17 =	sadd.s32 s16, s18;
	s21 =	sadd.s32 s16, s21  }
0x3a: {  	s18 =	sshrl.u32 s20, $0x3;
	s20 =	sshrl.u32 s1, $0x3;
	s1 =	rddreg [dreg:$0x0]  }
0x3b: {  	s23 =	sadd.s32 s16, s23;
	s16 =	sadd.s32 s16, s24;
	s24 =	sadd.s32 $0x338600, s1  }
0x3c: {  	s15 =	sshrl.u32 s15, $0x3;
	[smem:$0x7FF] =	sst s0;
	s18 =	sadd.s32 s24, s18  }
0x3d: {  	s26 =	sshrl.u32 s26, $0x3;
	s20 =	sadd.s32 s24, s20;
	[smem:$0x7DD] =	sst s18  }
0x3e: {  	s17 =	sshrl.u32 s17, $0x3;
	s22 =	sadd.s32 s24, s22;
	[smem:$0x7DE] =	sst s20  }
0x3f: {  	s16 =	sshrl.u32 s16, $0x3;
	s15 =	sadd.s32 s24, s15;
	[smem:$0x7DF] =	sst s22  }
0x40: {  	s16 =	sadd.s32 s24, s16;
	s18 =	sadd.s32 s24, s25;
	[smem:$0x7E1] =	sst s15  }
0x41: {  	s25 =	sshrl.u32 s30, $0x3;
	s30 =	sshrl.u32 s31, $0x3;
	[smem:$0x7EB] =	sst s16  }
0x42: {  	s31 =	sshrl.u32 s19, $0x3;
	s19 =	sadd.s32 s24, s17;
	[smem:$0x7E0] =	sst s18  }
0x43: {  	s20 =	sshrl.u32 s28, $0x3;
	s22 =	sshrl.u32 s29, $0x3;
	[smem:$0x7E8] =	sst s19  }
0x44: {  	s18 =	sadd.s32 s24, s26;
	s26 =	sadd.s32 s24, s22;
	s22 =	rddreg [dreg:$0x1]  }
0x45: {  	s15 =	sadd.s32 s24, s20;
	[smem:$0x7E2] =	sst s18  }
0x46: {  	[smem:$0x7E3] =	sst s15  }
0x47: {  	s29 =	sadd.s32 s24, s25;
	[smem:$0x7E4] =	sst s26  }
0x48: {  	s20 =	sshrl.u32 s21, $0x3;
	[smem:$0x7E5] =	sst s29;
	s15 =	sadd.s32 s24, s30  }
0x49: {  	s21 =	sshrl.u32 s23, $0x3;
	s18 =	sadd.s32 s24, s31;
	[smem:$0x7E6] =	sst s15  }
0x4a: {  	s23 =	sadd.s32 s24, s21;
	[smem:$0x7E7] =	sst s18  }
0x4b: {  	s25 =	smul.u32 $0x500, s4;
	s15 =	sadd.s32 s24, s20;
	[smem:$0x7EA] =	sst s23  }
0x4c: {  	[smem:$0x7E9] =	sst s15  }
0x4d: {  	s30 =	sadd.s32 $0x495E00, s1;
	s18 =	sadd.s32 s22, s25;
	s15 =	rddreg [dreg:$0x2]  }
0x4e: {  	_ =	strace $0x8000004A;
	[smem:$0x7EC] =	sst s18  }
0x4f: {  	s6 =	smax.u32 s6, $0x1;
	s17 =	sadd.s32 s25, s1;
	[smem:$0x7ED] =	sst s30  }
0x50: {  	s18 =	sadd.s32 $0x1600, s1;
	s1 =	sadd.s32 $0x496400, s17;
	[smem:$0x7EF] =	sst s6  }
0x51: {  	s3 =	sadd.s32 s3, s15;
	[smem:$0x7EE] =	sst s1  }
0x52: {  	s7 =	sadd.s32 s7, s15;
	[smem:$0x7F0] =	sst s3  }
0x53: {  	s8 =	sadd.s32 s8, s15;
	[smem:$0x7F1] =	sst s7  }
0x54: {  	s28 =	simm.s32 $0x0;
	s9 =	sadd.s32 s9, s15;
	[smem:$0x7F2] =	sst s8  }
0x55: {  	s26 =	smul.u32 $0x4F000, s4;
	s10 =	sadd.s32 s10, s15;
	[smem:$0x7F3] =	sst s9  }
0x56: {  	s29 =	smul.u32 $0xA00, s4;
	s16 =	sadd.s32 s11, s15;
	[smem:$0x7F4] =	sst s10  }
0x57: {  	s31 =	sshrl.u32 s26, $0x2;
	s17 =	sadd.s32 s12, s15;
	[smem:$0x7F5] =	sst s16  }
0x58: {  	s21 =	sshrl.u32 s29, $0x2;
	s19 =	sadd.s32 s13, s15;
	[smem:$0x7F6] =	sst s17  }
0x59: {  	s22 =	sadd.s32 s31, s15;
	s20 =	sadd.s32 s14, s15;
	[smem:$0x7F7] =	sst s19  }
0x5a: {  	s23 =	sadd.s32 s5, s15;
	s12 =	simm.s32 $0x2;
	[smem:$0x7F8] =	sst s20  }
0x5b: {  	s13 =	simm.s32 $0xA080;
	s14 =	simm.s32 $0x80;
	s24 =	sld [smem:$0x7F9]  }
0x5c: {  	s26 =	sadd.s32 $0x2000, s22;
	s29 =	sadd.s32 $0x4000, s22;
	s30 =	sadd.s32 $0x6000, s22  }
0x5d: {  	s31 =	sadd.s32 $0x8000, s22;
	s8 =	sadd.s32 $0xA000, s22;
	[smem:$0x7FA] =	sst s26  }
0x5e: {  	s9 =	sadd.s32 $0xC000, s22;
	s10 =	sadd.s32 $0xE000, s22;
	[smem:$0x7FB] =	sst s29  }
0x5f: {  	v3 =	vimm.f32 $0.0e+00;
	s11 =	sadd.s32 $0x10000, s22;
	[smem:$0x7FC] =	sst s30;
	s25 =	sadd.s32 $0x2, s24  }
0x60: {  	v1 =	vmov s2;
	s16 =	simm.s32 $0x1;
	s17 =	simm.s32 $0xA000;
	[smem:$0x7FD] =	sst s31;
	v0 =	vmov s24;
	v2 =	vmov s25  }
.LBB2_1:
0x61: {  	s1 =	sld [smem:$0x7ED];
	_ =	sdelay $0x2  }
0x62: {  	[tilespmem:s0], [sflag:$0x2] =	stream.linear.gather [hbm4b:s1+s0], $0x2800, $0x38;
	[tilespmem:$0x1FC80] =	vst v63  }
0x63: {  	_ =	swait.ge [sflag:s12], $0x2800  }
0x64: {  	s29 =	sld [smem:$0x7EC]  }
0x65: {  	[sflag:s12] =	ssyncset.done $0x0  }
0x66: {  	s2 =	simm.s32 $0x2800;
	[sflag:s12] =	ssyncadd.s32 $0xFFFFD800  }
0x67: {  	[tilespmem:s2], [sflag:$0x2] =	stream.linear.gather [hbm4b:s29+s0], $0x2800, $0x38;
	[tilespmem:$0x1FC80] =	vst v63  }
0x68: {  	_ =	swait.ge [sflag:s12], $0x2800  }
0x69: {  	s30 =	sld [smem:$0x7EE]  }
0x6a: {  	[sflag:s12] =	ssyncset.done $0x0  }
0x6b: {  	s31 =	simm.s32 $0x5000;
	[sflag:s12] =	ssyncadd.s32 $0xFFFFD800  }
0x6c: {  	[tilespmem:s31], [sflag:$0x2] =	stream.linear.gather [hbm4b:s30+s0], $0x2800, $0x38;
	[tilespmem:$0x1FC80] =	vst v63  }
0x6d: {  	_ =	swait.ge [sflag:s12], $0x2800  }
0x6e: {  	[sflag:s12] =	ssyncset.done $0x0  }
0x6f: {  	s1 =	simm.s32 $0x0;
	[sflag:s12] =	ssyncadd.s32 $0xFFFFD800  }
0x70: {  	v4 =	vld [tilespmem:s1+$0x5000];
	_ =	sdelay $0x4  }
0x71: {  	vm0 =	vlt.s32 v4, $0x270F  }
0x72: {  	v5 =	vnsel vm0, $0x270F, v4;
	_ =	sdelay $0x3  }
0x73: {  	v6 =	vld [tilespmem:s1+$0x2800]  }
0x74: {  	v5 =	vld.idx.msk [tilespmem:v5+s0+$0x0], $0xffff  }
0x75: {  	v7 =	vld [tilespmem:s1+$0x5010];
	_ =	sdelay $0x3  }
0x76: {  	v8 =	vadd.s32 $0xFFFF8AD0, v6;
	v5 =	vadd.s32 $0xFFFF8AD0, v5  }
0x77: {  	vm13 =	vlt.s32 v7, $0x270F;
	v5 =	vxor.u32 v8, v5  }
0x78: {  	v8 =	vnsel vm13, $0x270F, v7;
	v5 =	vshra.s32 v5, $0x1F  }
0x79: {  	v9 =	vadd.s32 $0xFFFFD8F0, v4;
	v6 =	vmul.u32 $0x6, v6;
	v5 =	vand.u32 $0x2710, v5  }
0x7a: {  	vm14 =	vlt.s32 v9, $0x0;
	v4 =	vadd.s32 v4, v5  }
0x7b: {  	[tilespmem:s1+$0x2800] =	vst v6;
	v4 =	vnsel vm14, $0x4E20, v4  }
0x7c: {  	v5 =	vld [tilespmem:s1+$0x2810];
	[tilespmem:s1+$0x7800] =	vst v4  }
0x7d: {  	v4 =	vld.idx.msk [tilespmem:v8+s0+$0x0], $0xffff  }
0x7e: {  	v6 =	vld [tilespmem:s1+$0x5020];
	_ =	sdelay $0x3  }
0x7f: {  	v8 =	vadd.s32 $0xFFFF8AD0, v5;
	v4 =	vadd.s32 $0xFFFF8AD0, v4  }
0x80: {  	vm15 =	vlt.s32 v6, $0x270F;
	v4 =	vxor.u32 v8, v4  }
0x81: {  	v8 =	vnsel vm15, $0x270F, v6;
	v4 =	vshra.s32 v4, $0x1F  }
0x82: {  	v58 =	vadd.s32 $0xFFFFD8F0, v7;
	v5 =	vmul.u32 $0x6, v5;
	v4 =	vand.u32 $0x2710, v4  }
0x83: {  	vm4 =	vlt.s32 v58, $0x0;
	v4 =	vadd.s32 v7, v4  }
0x84: {  	[tilespmem:s1+$0x2810] =	vst v5;
	v4 =	vnsel vm4, $0x4E20, v4  }
0x85: {  	v5 =	vld [tilespmem:s1+$0x2820];
	[tilespmem:s1+$0x7810] =	vst v4  }
0x86: {  	v4 =	vld.idx.msk [tilespmem:v8+s0+$0x0], $0xffff  }
0x87: {  	v7 =	vld [tilespmem:s1+$0x5030];
	_ =	sdelay $0x3  }
0x88: {  	v8 =	vadd.s32 $0xFFFF8AD0, v5;
	v4 =	vadd.s32 $0xFFFF8AD0, v4  }
0x89: {  	vm5 =	vlt.s32 v7, $0x270F;
	v4 =	vxor.u32 v8, v4;
	v8 =	vld [tilespmem:s1+$0x2830]  }
0x8a: {  	v59 =	vnsel vm5, $0x270F, v7;
	v4 =	vshra.s32 v4, $0x1F  }
0x8b: {  	v10 =	vadd.s32 $0xFFFFD8F0, v6;
	v5 =	vmul.u32 $0x6, v5;
	v4 =	vand.u32 $0x2710, v4  }
0x8c: {  	vm6 =	vlt.s32 v10, $0x0;
	v4 =	vadd.s32 v6, v4  }
0x8d: {  	[tilespmem:s1+$0x2820] =	vst v5;
	v4 =	vnsel vm6, $0x4E20, v4  }
0x8e: {  	[tilespmem:s1+$0x7820] =	vst v4;
	v4 =	vmul.u32 $0x6, v8  }
0x8f: {  	v5 =	vld.idx.msk [tilespmem:v59+s0+$0x0], $0xffff  }
0x90: {  	[tilespmem:s1+$0x2830] =	vst v4;
	v4 =	vld [tilespmem:s1+$0x5040];
	_ =	sdelay $0x3  }
0x91: {  	v6 =	vadd.s32 $0xFFFF8AD0, v8;
	v5 =	vadd.s32 $0xFFFF8AD0, v5  }
0x92: {  	v5 =	vxor.u32 v6, v5;
	v6 =	vld [tilespmem:s1+$0x2840];
	vm7 =	vlt.s32 v4, $0x270F  }
0x93: {  	v5 =	vshra.s32 v5, $0x1F;
	v8 =	vnsel vm7, $0x270F, v4  }
0x94: {  	v60 =	vadd.s32 $0xFFFFD8F0, v7;
	v5 =	vand.u32 $0x2710, v5  }
0x95: {  	vm8 =	vlt.s32 v60, $0x0;
	v5 =	vadd.s32 v7, v5  }
0x96: {  	v5 =	vnsel vm8, $0x4E20, v5  }
0x97: {  	[tilespmem:s1+$0x7830] =	vst v5;
	v5 =	vmul.u32 $0x6, v6  }
0x98: {  	v7 =	vld.idx.msk [tilespmem:v8+s0+$0x0], $0xffff  }
0x99: {  	[tilespmem:s1+$0x2840] =	vst v5;
	v5 =	vld [tilespmem:s1+$0x5050];
	_ =	sdelay $0x3  }
0x9a: {  	v6 =	vadd.s32 $0xFFFF8AD0, v6;
	v7 =	vadd.s32 $0xFFFF8AD0, v7  }
0x9b: {  	v6 =	vxor.u32 v6, v7;
	v7 =	vld [tilespmem:s1+$0x2850];
	vm9 =	vlt.s32 v5, $0x270F  }
0x9c: {  	v6 =	vshra.s32 v6, $0x1F;
	v8 =	vnsel vm9, $0x270F, v5  }
0x9d: {  	v61 =	vadd.s32 $0xFFFFD8F0, v4;
	v6 =	vand.u32 $0x2710, v6  }
0x9e: {  	vm10 =	vlt.s32 v61, $0x0;
	v4 =	vadd.s32 v4, v6  }
0x9f: {  	v4 =	vnsel vm10, $0x4E20, v4  }
0xa0: {  	[tilespmem:s1+$0x7840] =	vst v4;
	v4 =	vmul.u32 $0x6, v7  }
0xa1: {  	v6 =	vld.idx.msk [tilespmem:v8+s0+$0x0], $0xffff  }
0xa2: {  	[tilespmem:s1+$0x2850] =	vst v4;
	v4 =	vld [tilespmem:s1+$0x5060];
	_ =	sdelay $0x3  }
0xa3: {  	v7 =	vadd.s32 $0xFFFF8AD0, v7;
	v6 =	vadd.s32 $0xFFFF8AD0, v6  }
0xa4: {  	v6 =	vxor.u32 v7, v6;
	v7 =	vld [tilespmem:s1+$0x2860];
	vm11 =	vlt.s32 v4, $0x270F  }
0xa5: {  	v6 =	vshra.s32 v6, $0x1F;
	v8 =	vnsel vm11, $0x270F, v4  }
0xa6: {  	v62 =	vadd.s32 $0xFFFFD8F0, v5;
	v6 =	vand.u32 $0x2710, v6  }
0xa7: {  	vm12 =	vlt.s32 v62, $0x0;
	v5 =	vadd.s32 v5, v6  }
0xa8: {  	v5 =	vnsel vm12, $0x4E20, v5  }
0xa9: {  	[tilespmem:s1+$0x7850] =	vst v5;
	v5 =	vmul.u32 $0x6, v7  }
0xaa: {  	v6 =	vld.idx.msk [tilespmem:v8+s0+$0x0], $0xffff  }
0xab: {  	[tilespmem:s1+$0x2860] =	vst v5;
	v5 =	vld [tilespmem:s1+$0x5070];
	_ =	sdelay $0x3  }
0xac: {  	v7 =	vadd.s32 $0xFFFF8AD0, v7;
	v6 =	vadd.s32 $0xFFFF8AD0, v6  }
0xad: {  	v6 =	vxor.u32 v7, v6;
	vm13 =	vlt.s32 v5, $0x270F  }
0xae: {  	v63 =	vld [tilespmem:s1+$0x2870];
	v6 =	vshra.s32 v6, $0x1F;
	v7 =	vnsel vm13, $0x270F, v5  }
0xaf: {  	v8 =	vadd.s32 $0xFFFFD8F0, v4;
	v6 =	vand.u32 $0x2710, v6  }
0xb0: {  	vm14 =	vlt.s32 v8, $0x0;
	v4 =	vadd.s32 v4, v6  }
0xb1: {  	v4 =	vnsel vm14, $0x4E20, v4  }
0xb2: {  	[tilespmem:s1+$0x7860] =	vst v4  }
0xb3: {  	v4 =	vmul.u32 $0x6, v63;
	v6 =	vld.idx.msk [tilespmem:v7+s0+$0x0], $0xffff;
	_ =	sdelay $0x1  }
0xb4: {  	s19 =	simm.s32 $0x80;
	[tilespmem:s1+$0x2870] =	vst v4  }
0xb5: {  	v4 =	vld [tilespmem:s19+$0x5000];
	_ =	sdelay $0x1  }
0xb6: {  	v7 =	vadd.s32 $0xFFFF8AD0, v63;
	v6 =	vadd.s32 $0xFFFF8AD0, v6  }
0xb7: {  	v6 =	vxor.u32 v7, v6  }
0xb8: {  	v6 =	vshra.s32 v6, $0x1F  }
0xb9: {  	vm15 =	vlt.s32 v4, $0x270F;
	v6 =	vand.u32 $0x2710, v6  }
0xba: {  	v8 =	vadd.s32 v5, v6;
	v6 =	vnsel vm15, $0x270F, v4  }
0xbb: {  	v7 =	vadd.s32 $0xFFFFD8F0, v5  }
0xbc: {  	vm1 =	vlt.s32 v7, $0x0  }
0xbd: {  	s2 =	simm.s32 $0x400;
	v5 =	vadd.s32 $0xFFFFD8F0, v4;
	v7 =	vnsel vm1, $0x4E20, v8  }
.LBB2_2:
0xbe: {  	p0 =	sne.s32 s2, $0x9E00;
	[tilespmem:s1+$0x7870] =	vst v7;
	s3 =	smov.u32 s2;
	s2 =	sadd.s32 $0x200, s2  }
0xbf: {  	s1 =	smov.u32 s19;
	v6 =	vld.idx.msk [tilespmem:v6+s0+$0x0], $0xffff  }
0xc0: {  	v7 =	vld [tilespmem:s1+$0x2800]  }
0xc1: {  	v8 =	vld [tilespmem:s1+$0x5010];
	_ =	sdelay $0x3  }
0xc2: {  	v6 =	vadd.s32 $0xFFFF8AD0, v6;
	v9 =	vadd.s32 $0xFFFF8AD0, v7  }
0xc3: {  	v6 =	vxor.u32 v9, v6;
	vm0 =	vlt.s32 v8, $0x270F;
	v9 =	vadd.s32 $0xFFFFD8F0, v8  }
0xc4: {  	v6 =	vshra.s32 v6, $0x1F;
	v10 =	vnsel vm0, $0x270F, v8  }
0xc5: {  	v7 =	vmul.u32 $0x6, v7;
	v6 =	vand.u32 $0x2710, v6  }
0xc6: {  	vm0 =	vlt.s32 v5, $0x0;
	v4 =	vadd.s32 v4, v6  }
0xc7: {  	v4 =	vnsel vm0, $0x4E20, v4;
	[tilespmem:s1+$0x2800] =	vst v7  }
0xc8: {  	[tilespmem:s1+$0x7800] =	vst v4  }
0xc9: {  	v4 =	vld.idx.msk [tilespmem:v10+s0+$0x0], $0xffff  }
0xca: {  	v5 =	vld [tilespmem:s1+$0x2810]  }
0xcb: {  	v6 =	vld [tilespmem:s1+$0x5020];
	_ =	sdelay $0x3  }
0xcc: {  	v4 =	vadd.s32 $0xFFFF8AD0, v4;
	v7 =	vadd.s32 $0xFFFF8AD0, v5  }
0xcd: {  	v4 =	vxor.u32 v7, v4;
	vm0 =	vlt.s32 v6, $0x270F;
	v7 =	vadd.s32 $0xFFFFD8F0, v6  }
0xce: {  	v4 =	vshra.s32 v4, $0x1F;
	v10 =	vnsel vm0, $0x270F, v6  }
0xcf: {  	v5 =	vmul.u32 $0x6, v5;
	v4 =	vand.u32 $0x2710, v4  }
0xd0: {  	vm0 =	vlt.s32 v9, $0x0;
	v4 =	vadd.s32 v8, v4  }
0xd1: {  	v4 =	vnsel vm0, $0x4E20, v4;
	[tilespmem:s1+$0x2810] =	vst v5  }
0xd2: {  	[tilespmem:s1+$0x7810] =	vst v4  }
0xd3: {  	v4 =	vld.idx.msk [tilespmem:v10+s0+$0x0], $0xffff  }
0xd4: {  	v5 =	vld [tilespmem:s1+$0x2820]  }
0xd5: {  	v8 =	vld [tilespmem:s1+$0x5030];
	_ =	sdelay $0x3  }
0xd6: {  	v4 =	vadd.s32 $0xFFFF8AD0, v4;
	v9 =	vadd.s32 $0xFFFF8AD0, v5  }
0xd7: {  	v4 =	vxor.u32 v9, v4;
	v9 =	vld [tilespmem:s1+$0x2830];
	vm0 =	vlt.s32 v8, $0x270F;
	v10 =	vadd.s32 $0xFFFFD8F0, v8  }
0xd8: {  	v4 =	vshra.s32 v4, $0x1F;
	v11 =	vnsel vm0, $0x270F, v8  }
0xd9: {  	v5 =	vmul.u32 $0x6, v5;
	v4 =	vand.u32 $0x2710, v4  }
0xda: {  	vm0 =	vlt.s32 v7, $0x0;
	v4 =	vadd.s32 v6, v4  }
0xdb: {  	v4 =	vnsel vm0, $0x4E20, v4;
	[tilespmem:s1+$0x2820] =	vst v5  }
0xdc: {  	[tilespmem:s1+$0x7820] =	vst v4;
	v4 =	vmul.u32 $0x6, v9  }
0xdd: {  	v5 =	vld.idx.msk [tilespmem:v11+s0+$0x0], $0xffff  }
0xde: {  	[tilespmem:s1+$0x2830] =	vst v4  }
0xdf: {  	v4 =	vld [tilespmem:s1+$0x5040];
	_ =	sdelay $0x3  }
0xe0: {  	v6 =	vadd.s32 $0xFFFF8AD0, v9;
	v5 =	vadd.s32 $0xFFFF8AD0, v5  }
0xe1: {  	v5 =	vxor.u32 v6, v5;
	v6 =	vld [tilespmem:s1+$0x2840];
	vm0 =	vlt.s32 v4, $0x270F;
	v7 =	vadd.s32 $0xFFFFD8F0, v4  }
0xe2: {  	v5 =	vshra.s32 v5, $0x1F;
	v9 =	vnsel vm0, $0x270F, v4  }
0xe3: {  	v5 =	vand.u32 $0x2710, v5  }
0xe4: {  	vm0 =	vlt.s32 v10, $0x0;
	v5 =	vadd.s32 v8, v5  }
0xe5: {  	v5 =	vnsel vm0, $0x4E20, v5  }
0xe6: {  	[tilespmem:s1+$0x7830] =	vst v5;
	v5 =	vmul.u32 $0x6, v6  }
0xe7: {  	v8 =	vld.idx.msk [tilespmem:v9+s0+$0x0], $0xffff  }
0xe8: {  	[tilespmem:s1+$0x2840] =	vst v5  }
0xe9: {  	v5 =	vld [tilespmem:s1+$0x5050];
	_ =	sdelay $0x3  }
0xea: {  	v6 =	vadd.s32 $0xFFFF8AD0, v6;
	v8 =	vadd.s32 $0xFFFF8AD0, v8  }
0xeb: {  	v6 =	vxor.u32 v6, v8;
	v8 =	vld [tilespmem:s1+$0x2850];
	vm0 =	vlt.s32 v5, $0x270F  }
0xec: {  	v6 =	vshra.s32 v6, $0x1F;
	v9 =	vnsel vm0, $0x270F, v5  }
0xed: {  	v6 =	vand.u32 $0x2710, v6  }
0xee: {  	vm0 =	vlt.s32 v7, $0x0;
	v4 =	vadd.s32 v4, v6  }
0xef: {  	v4 =	vnsel vm0, $0x4E20, v4  }
0xf0: {  	[tilespmem:s1+$0x7840] =	vst v4;
	v4 =	vmul.u32 $0x6, v8  }
0xf1: {  	v6 =	vld.idx.msk [tilespmem:v9+s0+$0x0], $0xffff  }
0xf2: {  	[tilespmem:s1+$0x2850] =	vst v4  }
0xf3: {  	v4 =	vld [tilespmem:s1+$0x5060];
	_ =	sdelay $0x3  }
0xf4: {  	v7 =	vadd.s32 $0xFFFF8AD0, v8;
	v6 =	vadd.s32 $0xFFFF8AD0, v6  }
0xf5: {  	v6 =	vxor.u32 v7, v6;
	v7 =	vld [tilespmem:s1+$0x2860];
	vm0 =	vlt.s32 v4, $0x270F;
	v8 =	vadd.s32 $0xFFFFD8F0, v4  }
0xf6: {  	v6 =	vshra.s32 v6, $0x1F;
	v9 =	vnsel vm0, $0x270F, v4  }
0xf7: {  	v10 =	vadd.s32 $0xFFFFD8F0, v5;
	v6 =	vand.u32 $0x2710, v6  }
0xf8: {  	vm0 =	vlt.s32 v10, $0x0;
	v5 =	vadd.s32 v5, v6  }
0xf9: {  	v5 =	vnsel vm0, $0x4E20, v5  }
0xfa: {  	[tilespmem:s1+$0x7850] =	vst v5;
	v5 =	vmul.u32 $0x6, v7  }
0xfb: {  	v6 =	vld.idx.msk [tilespmem:v9+s0+$0x0], $0xffff  }
0xfc: {  	[tilespmem:s1+$0x2860] =	vst v5  }
0xfd: {  	v9 =	vld [tilespmem:s1+$0x5070];
	_ =	sdelay $0x3  }
0xfe: {  	v5 =	vadd.s32 $0xFFFF8AD0, v7;
	v6 =	vadd.s32 $0xFFFF8AD0, v6  }
0xff: {  	v5 =	vxor.u32 v5, v6;
	v6 =	vld [tilespmem:s1+$0x2870];
	vm0 =	vlt.s32 v9, $0x270F;
	v7 =	vadd.s32 $0xFFFFD8F0, v9  }
0x100: {  	v5 =	vshra.s32 v5, $0x1F;
	v10 =	vnsel vm0, $0x270F, v9  }
0x101: {  	v5 =	vand.u32 $0x2710, v5  }
0x102: {  	vm0 =	vlt.s32 v8, $0x0;
	v4 =	vadd.s32 v4, v5  }
0x103: {  	v4 =	vnsel vm0, $0x4E20, v4  }
0x104: {  	[tilespmem:s1+$0x7860] =	vst v4;
	v4 =	vmul.u32 $0x6, v6  }
0x105: {  	v5 =	vld.idx.msk [tilespmem:v10+s0+$0x0], $0xffff  }
0x106: {  	s19 =	sshra.s32 s3, $0x2;
	[tilespmem:s1+$0x2870] =	vst v4  }
0x107: {  	v4 =	vld [tilespmem:s19+$0x5000];
	_ =	sdelay $0x3  }
0x108: {  	v6 =	vadd.s32 $0xFFFF8AD0, v6;
	v8 =	vadd.s32 $0xFFFF8AD0, v5  }
.Ltmp0:
0x109: {  	v8 =	vxor.u32 v6, v8;
	vm0 =	vlt.s32 v4, $0x270F;
	v5 =	vadd.s32 $0xFFFFD8F0, v4;
	(pc) =	sbr.rel @p0 .LBB2_2-.Ltmp0, $4  }
0x10a: {  	v8 =	vshra.s32 v8, $0x1F;
	v6 =	vnsel vm0, $0x270F, v4  }
0x10b: {  	v8 =	vand.u32 $0x2710, v8  }
0x10c: {  	vm0 =	vlt.s32 v7, $0x0;
	v8 =	vadd.s32 v9, v8  }
0x10d: {  	v7 =	vnsel vm0, $0x4E20, v8  }
0x10e: {  	_ =	sdelay $0x2  }
0x10f: {  	[tilespmem:s1+$0x7870] =	vst v7  }
0x110: {  	v6 =	vld.idx.msk [tilespmem:v6+s0+$0x0], $0xffff  }
0x111: {  	v7 =	vld [tilespmem:s19+$0x2800]  }
0x112: {  	v8 =	vld [tilespmem:s19+$0x5010];
	_ =	sdelay $0x3  }
0x113: {  	v9 =	vadd.s32 $0xFFFF8AD0, v7;
	v6 =	vadd.s32 $0xFFFF8AD0, v6  }
0x114: {  	vm0 =	vlt.s32 v8, $0x270F;
	v6 =	vxor.u32 v9, v6  }
0x115: {  	v9 =	vnsel vm0, $0x270F, v8;
	v6 =	vshra.s32 v6, $0x1F  }
0x116: {  	v7 =	vmul.u32 $0x6, v7;
	v6 =	vand.u32 $0x2710, v6  }
0x117: {  	vm14 =	vlt.s32 v5, $0x0;
	v4 =	vadd.s32 v4, v6  }
0x118: {  	[tilespmem:s19+$0x2800] =	vst v7;
	v4 =	vnsel vm14, $0x4E20, v4  }
0x119: {  	v5 =	vld [tilespmem:s19+$0x2810];
	[tilespmem:s19+$0x7800] =	vst v4  }
0x11a: {  	v4 =	vld.idx.msk [tilespmem:v9+s0+$0x0], $0xffff  }
0x11b: {  	v6 =	vld [tilespmem:s19+$0x5020];
	_ =	sdelay $0x3  }
0x11c: {  	v7 =	vadd.s32 $0xFFFF8AD0, v5;
	v4 =	vadd.s32 $0xFFFF8AD0, v4  }
0x11d: {  	vm15 =	vlt.s32 v6, $0x270F;
	v4 =	vxor.u32 v7, v4  }
0x11e: {  	v7 =	vnsel vm15, $0x270F, v6;
	v4 =	vshra.s32 v4, $0x1F  }
0x11f: {  	v5 =	vmul.u32 $0x6, v5;
	v9 =	vadd.s32 $0xFFFFD8F0, v8;
	v4 =	vand.u32 $0x2710, v4  }
0x120: {  	vm4 =	vlt.s32 v9, $0x0;
	v4 =	vadd.s32 v8, v4  }
0x121: {  	[tilespmem:s19+$0x2810] =	vst v5;
	v4 =	vnsel vm4, $0x4E20, v4  }
0x122: {  	v5 =	vld [tilespmem:s19+$0x2820];
	[tilespmem:s19+$0x7810] =	vst v4  }
0x123: {  	v4 =	vld.idx.msk [tilespmem:v7+s0+$0x0], $0xffff  }
0x124: {  	v7 =	vld [tilespmem:s19+$0x5030];
	_ =	sdelay $0x3  }
0x125: {  	v8 =	vadd.s32 $0xFFFF8AD0, v5;
	v4 =	vadd.s32 $0xFFFF8AD0, v4  }
0x126: {  	vm5 =	vlt.s32 v7, $0x270F;
	v4 =	vxor.u32 v8, v4;
	v8 =	vld [tilespmem:s19+$0x2830]  }
0x127: {  	v9 =	vnsel vm5, $0x270F, v7;
	v4 =	vshra.s32 v4, $0x1F  }
0x128: {  	v10 =	vadd.s32 $0xFFFFD8F0, v6;
	v5 =	vmul.u32 $0x6, v5;
	v4 =	vand.u32 $0x2710, v4  }
0x129: {  	vm6 =	vlt.s32 v10, $0x0;
	v4 =	vadd.s32 v6, v4  }
0x12a: {  	[tilespmem:s19+$0x2820] =	vst v5;
	v4 =	vnsel vm6, $0x4E20, v4  }
0x12b: {  	[tilespmem:s19+$0x7820] =	vst v4;
	v4 =	vmul.u32 $0x6, v8  }
0x12c: {  	v5 =	vld.idx.msk [tilespmem:v9+s0+$0x0], $0xffff  }
0x12d: {  	[tilespmem:s19+$0x2830] =	vst v4;
	v4 =	vld [tilespmem:s19+$0x5040];
	_ =	sdelay $0x3  }
0x12e: {  	v6 =	vadd.s32 $0xFFFF8AD0, v8;
	v5 =	vadd.s32 $0xFFFF8AD0, v5  }
0x12f: {  	v5 =	vxor.u32 v6, v5;
	v6 =	vld [tilespmem:s19+$0x2840];
	vm7 =	vlt.s32 v4, $0x270F  }
0x130: {  	v5 =	vshra.s32 v5, $0x1F;
	v8 =	vnsel vm7, $0x270F, v4  }
0x131: {  	v9 =	vadd.s32 $0xFFFFD8F0, v7;
	v5 =	vand.u32 $0x2710, v5  }
0x132: {  	vm8 =	vlt.s32 v9, $0x0;
	v5 =	vadd.s32 v7, v5  }
0x133: {  	v5 =	vnsel vm8, $0x4E20, v5  }
0x134: {  	[tilespmem:s19+$0x7830] =	vst v5;
	v5 =	vmul.u32 $0x6, v6  }
0x135: {  	v7 =	vld.idx.msk [tilespmem:v8+s0+$0x0], $0xffff  }
0x136: {  	[tilespmem:s19+$0x2840] =	vst v5;
	v5 =	vld [tilespmem:s19+$0x5050];
	_ =	sdelay $0x3  }
0x137: {  	v6 =	vadd.s32 $0xFFFF8AD0, v6;
	v7 =	vadd.s32 $0xFFFF8AD0, v7  }
0x138: {  	v6 =	vxor.u32 v6, v7;
	v7 =	vld [tilespmem:s19+$0x2850];
	vm9 =	vlt.s32 v5, $0x270F  }
0x139: {  	v6 =	vshra.s32 v6, $0x1F;
	v8 =	vnsel vm9, $0x270F, v5  }
0x13a: {  	v9 =	vadd.s32 $0xFFFFD8F0, v4;
	v6 =	vand.u32 $0x2710, v6  }
0x13b: {  	vm10 =	vlt.s32 v9, $0x0;
	v4 =	vadd.s32 v4, v6  }
0x13c: {  	v4 =	vnsel vm10, $0x4E20, v4  }
0x13d: {  	[tilespmem:s19+$0x7840] =	vst v4;
	v4 =	vmul.u32 $0x6, v7  }
0x13e: {  	v6 =	vld.idx.msk [tilespmem:v8+s0+$0x0], $0xffff  }
0x13f: {  	[tilespmem:s19+$0x2850] =	vst v4;
	v4 =	vld [tilespmem:s19+$0x5060];
	_ =	sdelay $0x3  }
0x140: {  	v7 =	vadd.s32 $0xFFFF8AD0, v7;
	v6 =	vadd.s32 $0xFFFF8AD0, v6  }
0x141: {  	v6 =	vxor.u32 v7, v6;
	v7 =	vld [tilespmem:s19+$0x2860];
	vm11 =	vlt.s32 v4, $0x270F  }
0x142: {  	v6 =	vshra.s32 v6, $0x1F;
	v8 =	vnsel vm11, $0x270F, v4  }
0x143: {  	v9 =	vadd.s32 $0xFFFFD8F0, v5;
	v6 =	vand.u32 $0x2710, v6  }
0x144: {  	vm12 =	vlt.s32 v9, $0x0;
	v5 =	vadd.s32 v5, v6  }
0x145: {  	v5 =	vnsel vm12, $0x4E20, v5  }
0x146: {  	[tilespmem:s19+$0x7850] =	vst v5;
	v5 =	vmul.u32 $0x6, v7  }
0x147: {  	v6 =	vld.idx.msk [tilespmem:v8+s0+$0x0], $0xffff  }
0x148: {  	[tilespmem:s19+$0x2860] =	vst v5;
	v5 =	vld [tilespmem:s19+$0x5070];
	_ =	sdelay $0x3  }
0x149: {  	v7 =	vadd.s32 $0xFFFF8AD0, v7;
	v6 =	vadd.s32 $0xFFFF8AD0, v6  }
0x14a: {  	v6 =	vxor.u32 v7, v6;
	vm13 =	vlt.s32 v5, $0x270F  }
0x14b: {  	v6 =	vshra.s32 v6, $0x1F;
	v7 =	vnsel vm13, $0x270F, v5  }
0x14c: {  	v8 =	vadd.s32 $0xFFFFD8F0, v4;
	v6 =	vand.u32 $0x2710, v6  }
0x14d: {  	vm14 =	vlt.s32 v8, $0x0;
	v4 =	vadd.s32 v4, v6  }
0x14e: {  	v4 =	vnsel vm14, $0x4E20, v4  }
0x14f: {  	v6 =	vld [tilespmem:s19+$0x2870];
	[tilespmem:s19+$0x7860] =	vst v4  }
0x150: {  	v4 =	vld.idx.msk [tilespmem:v7+s0+$0x0], $0xffff;
	_ =	sdelay $0x4  }
0x151: {  	v7 =	vadd.s32 $0xFFFF8AD0, v6;
	v4 =	vadd.s32 $0xFFFF8AD0, v4  }
0x152: {  	v4 =	vxor.u32 v7, v4  }
0x153: {  	v4 =	vshra.s32 v4, $0x1F  }
0x154: {  	v6 =	vmul.u32 $0x6, v6;
	v7 =	vadd.s32 $0xFFFFD8F0, v5;
	v4 =	vand.u32 $0x2710, v4  }
0x155: {  	vm15 =	vlt.s32 v7, $0x0;
	v4 =	vadd.s32 v5, v4  }
0x156: {  	[tilespmem:s19+$0x2870] =	vst v6;
	v4 =	vnsel vm15, $0x4E20, v4  }
0x157: {  	[tilespmem:s19+$0x7870] =	vst v4  }
0x158: {  	v4 =	vld [tilespmem:s21+$0x0];
	_ =	sdelay $0x4  }
0x159: {  	v4 =	vmul.u32 $0x6, v4;
	_ =	sdelay $0x1  }
0x15a: {  	[tilespmem:$0x0] =	vst v4  }
0x15b: {  	v4 =	vld [tilespmem:s21+$0x10];
	_ =	sdelay $0x4  }
0x15c: {  	v4 =	vmul.u32 $0x6, v4;
	_ =	sdelay $0x1  }
0x15d: {  	[tilespmem:$0x10] =	vst v4  }
0x15e: {  	v4 =	vld [tilespmem:s21+$0x20];
	_ =	sdelay $0x4  }
0x15f: {  	v4 =	vmul.u32 $0x6, v4;
	_ =	sdelay $0x1  }
0x160: {  	[tilespmem:$0x20] =	vst v4  }
0x161: {  	v4 =	vld [tilespmem:s21+$0x30];
	_ =	sdelay $0x4  }
0x162: {  	v4 =	vmul.u32 $0x6, v4;
	_ =	sdelay $0x1  }
0x163: {  	[tilespmem:$0x30] =	vst v4  }
0x164: {  	v4 =	vld [tilespmem:s21+$0x40];
	_ =	sdelay $0x4  }
0x165: {  	v4 =	vmul.u32 $0x6, v4;
	_ =	sdelay $0x1  }
0x166: {  	[tilespmem:$0x40] =	vst v4  }
0x167: {  	v4 =	vld [tilespmem:s21+$0x50];
	_ =	sdelay $0x4  }
0x168: {  	v4 =	vmul.u32 $0x6, v4;
	_ =	sdelay $0x1  }
0x169: {  	[tilespmem:$0x50] =	vst v4  }
0x16a: {  	v4 =	vld [tilespmem:s21+$0x60];
	_ =	sdelay $0x4  }
0x16b: {  	v4 =	vmul.u32 $0x6, v4;
	_ =	sdelay $0x1  }
0x16c: {  	[tilespmem:$0x60] =	vst v4  }
0x16d: {  	v4 =	vld [tilespmem:s21+$0x70];
	_ =	sdelay $0x4  }
0x16e: {  	v4 =	vmul.u32 $0x6, v4;
	_ =	sdelay $0x1  }
0x16f: {  	[tilespmem:$0x70] =	vst v4  }
0x170: {  	v4 =	vld [tilespmem:s21+$0x80];
	_ =	sdelay $0x4  }
0x171: {  	v4 =	vmul.u32 $0x6, v4;
	_ =	sdelay $0x1  }
0x172: {  	[tilespmem:$0x80] =	vst v4  }
0x173: {  	v4 =	vld [tilespmem:s21+$0x90];
	_ =	sdelay $0x4  }
0x174: {  	v4 =	vmul.u32 $0x6, v4;
	_ =	sdelay $0x1  }
0x175: {  	[tilespmem:$0x90] =	vst v4  }
0x176: {  	v4 =	vld [tilespmem:s21+$0xA0];
	_ =	sdelay $0x4  }
0x177: {  	v4 =	vmul.u32 $0x6, v4;
	_ =	sdelay $0x1  }
0x178: {  	[tilespmem:$0xA0] =	vst v4  }
0x179: {  	v4 =	vld [tilespmem:s21+$0xB0];
	_ =	sdelay $0x4  }
0x17a: {  	v4 =	vmul.u32 $0x6, v4;
	_ =	sdelay $0x1  }
0x17b: {  	[tilespmem:$0xB0] =	vst v4  }
0x17c: {  	v4 =	vld [tilespmem:s21+$0xC0];
	_ =	sdelay $0x4  }
0x17d: {  	v4 =	vmul.u32 $0x6, v4;
	_ =	sdelay $0x1  }
0x17e: {  	[tilespmem:$0xC0] =	vst v4  }
0x17f: {  	v4 =	vld [tilespmem:s21+$0xD0];
	_ =	sdelay $0x4  }
0x180: {  	v4 =	vmul.u32 $0x6, v4;
	_ =	sdelay $0x1  }
0x181: {  	[tilespmem:$0xD0] =	vst v4  }
0x182: {  	v4 =	vld [tilespmem:s21+$0xE0];
	_ =	sdelay $0x4  }
0x183: {  	v4 =	vmul.u32 $0x6, v4;
	_ =	sdelay $0x1  }
0x184: {  	[tilespmem:$0xE0] =	vst v4  }
0x185: {  	v4 =	vld [tilespmem:s21+$0xF0];
	_ =	sdelay $0x4  }
0x186: {  	v4 =	vmul.u32 $0x6, v4;
	_ =	sdelay $0x1  }
0x187: {  	[tilespmem:$0xF0] =	vst v4  }
0x188: {  	v4 =	vld [tilespmem:s21+$0x100];
	_ =	sdelay $0x4  }
0x189: {  	v4 =	vmul.u32 $0x6, v4;
	_ =	sdelay $0x1  }
0x18a: {  	[tilespmem:$0x100] =	vst v4  }
0x18b: {  	v4 =	vld [tilespmem:s21+$0x110];
	_ =	sdelay $0x4  }
0x18c: {  	v4 =	vmul.u32 $0x6, v4;
	_ =	sdelay $0x1  }
0x18d: {  	[tilespmem:$0x110] =	vst v4  }
0x18e: {  	v4 =	vld [tilespmem:s21+$0x120];
	_ =	sdelay $0x4  }
0x18f: {  	v4 =	vmul.u32 $0x6, v4;
	_ =	sdelay $0x1  }
0x190: {  	[tilespmem:$0x120] =	vst v4  }
0x191: {  	v4 =	vld [tilespmem:s21+$0x130];
	_ =	sdelay $0x4  }
0x192: {  	v4 =	vmul.u32 $0x6, v4;
	_ =	sdelay $0x1  }
0x193: {  	[tilespmem:$0x130] =	vst v4  }
0x194: {  	v4 =	vld [tilespmem:s21+$0x140];
	_ =	sdelay $0x4  }
0x195: {  	v4 =	vmul.u32 $0x6, v4;
	_ =	sdelay $0x1  }
0x196: {  	[tilespmem:$0x140] =	vst v4  }
0x197: {  	v4 =	vld [tilespmem:s21+$0x150];
	_ =	sdelay $0x4  }
0x198: {  	v4 =	vmul.u32 $0x6, v4;
	_ =	sdelay $0x1  }
0x199: {  	[tilespmem:$0x150] =	vst v4  }
0x19a: {  	v4 =	vld [tilespmem:s21+$0x160];
	_ =	sdelay $0x4  }
0x19b: {  	v4 =	vmul.u32 $0x6, v4;
	_ =	sdelay $0x1  }
0x19c: {  	[tilespmem:$0x160] =	vst v4  }
0x19d: {  	v4 =	vld [tilespmem:s21+$0x170];
	_ =	sdelay $0x4  }
0x19e: {  	v4 =	vmul.u32 $0x6, v4;
	_ =	sdelay $0x1  }
0x19f: {  	[tilespmem:$0x170] =	vst v4  }
0x1a0: {  	v4 =	vld [tilespmem:s21+$0x180];
	_ =	sdelay $0x4  }
0x1a1: {  	v4 =	vmul.u32 $0x6, v4;
	_ =	sdelay $0x1  }
0x1a2: {  	[tilespmem:$0x180] =	vst v4  }
0x1a3: {  	v4 =	vld [tilespmem:s21+$0x190];
	_ =	sdelay $0x4  }
0x1a4: {  	v4 =	vmul.u32 $0x6, v4;
	_ =	sdelay $0x1  }
0x1a5: {  	[tilespmem:$0x190] =	vst v4  }
0x1a6: {  	v4 =	vld [tilespmem:s21+$0x1A0];
	_ =	sdelay $0x4  }
0x1a7: {  	v4 =	vmul.u32 $0x6, v4;
	_ =	sdelay $0x1  }
0x1a8: {  	[tilespmem:$0x1A0] =	vst v4  }
0x1a9: {  	v4 =	vld [tilespmem:s21+$0x1B0];
	_ =	sdelay $0x4  }
0x1aa: {  	v4 =	vmul.u32 $0x6, v4;
	_ =	sdelay $0x1  }
0x1ab: {  	[tilespmem:$0x1B0] =	vst v4  }
0x1ac: {  	v4 =	vld [tilespmem:s21+$0x1C0];
	_ =	sdelay $0x4  }
0x1ad: {  	v4 =	vmul.u32 $0x6, v4;
	_ =	sdelay $0x1  }
0x1ae: {  	[tilespmem:$0x1C0] =	vst v4  }
0x1af: {  	v4 =	vld [tilespmem:s21+$0x1D0];
	_ =	sdelay $0x4  }
0x1b0: {  	v4 =	vmul.u32 $0x6, v4;
	_ =	sdelay $0x1  }
0x1b1: {  	[tilespmem:$0x1D0] =	vst v4  }
0x1b2: {  	v4 =	vld [tilespmem:s21+$0x1E0];
	_ =	sdelay $0x4  }
0x1b3: {  	v4 =	vmul.u32 $0x6, v4;
	_ =	sdelay $0x1  }
0x1b4: {  	[tilespmem:$0x1E0] =	vst v4  }
0x1b5: {  	v4 =	vld [tilespmem:s21+$0x1F0];
	_ =	sdelay $0x4  }
0x1b6: {  	v4 =	vmul.u32 $0x6, v4;
	_ =	sdelay $0x1  }
0x1b7: {  	[tilespmem:$0x1F0] =	vst v4  }
0x1b8: {  	v4 =	vld [tilespmem:s21+$0x200];
	_ =	sdelay $0x4  }
0x1b9: {  	v4 =	vmul.u32 $0x6, v4;
	_ =	sdelay $0x1  }
0x1ba: {  	[tilespmem:$0x200] =	vst v4  }
0x1bb: {  	v4 =	vld [tilespmem:s21+$0x210];
	_ =	sdelay $0x4  }
0x1bc: {  	v4 =	vmul.u32 $0x6, v4;
	_ =	sdelay $0x1  }
0x1bd: {  	[tilespmem:$0x210] =	vst v4  }
0x1be: {  	v4 =	vld [tilespmem:s21+$0x220];
	_ =	sdelay $0x4  }
0x1bf: {  	v4 =	vmul.u32 $0x6, v4;
	_ =	sdelay $0x1  }
0x1c0: {  	[tilespmem:$0x220] =	vst v4  }
0x1c1: {  	v4 =	vld [tilespmem:s21+$0x230];
	_ =	sdelay $0x4  }
0x1c2: {  	v4 =	vmul.u32 $0x6, v4;
	_ =	sdelay $0x1  }
0x1c3: {  	[tilespmem:$0x230] =	vst v4  }
0x1c4: {  	v4 =	vld [tilespmem:s21+$0x240];
	_ =	sdelay $0x4  }
0x1c5: {  	v4 =	vmul.u32 $0x6, v4;
	_ =	sdelay $0x1  }
0x1c6: {  	[tilespmem:$0x240] =	vst v4  }
0x1c7: {  	v4 =	vld [tilespmem:s21+$0x250];
	_ =	sdelay $0x4  }
0x1c8: {  	v4 =	vmul.u32 $0x6, v4;
	_ =	sdelay $0x1  }
0x1c9: {  	[tilespmem:$0x250] =	vst v4  }
0x1ca: {  	v4 =	vld [tilespmem:s21+$0x260];
	_ =	sdelay $0x4  }
0x1cb: {  	v4 =	vmul.u32 $0x6, v4;
	_ =	sdelay $0x1  }
0x1cc: {  	[tilespmem:$0x260] =	vst v4  }
0x1cd: {  	v4 =	vld [tilespmem:s21+$0x270];
	_ =	sdelay $0x4  }
0x1ce: {  	v4 =	vmul.u32 $0x6, v4;
	_ =	sdelay $0x1  }
0x1cf: {  	s2 =	simm.s32 $0x0;
	[tilespmem:$0x270] =	vst v4  }
0x1d0: {  	v5 =	vld [tilespmem:s2+$0x2870]  }
0x1d1: {  	v8 =	vld [tilespmem:s2+$0x2800]  }
0x1d2: {  	v9 =	vld [tilespmem:s2+$0x2810]  }
0x1d3: {  	v7 =	vld [tilespmem:s2+$0x2820]  }
0x1d4: {  	v6 =	vld [tilespmem:s2+$0x2830]  }
0x1d5: {  	v4 =	vld [tilespmem:s2+$0x2840];
	v10 =	vadd.s32 v0, v5  }
0x1d6: {  	v5 =	vld [tilespmem:s2+$0x2850];
	v8 =	vadd.s32 v0, v8;
	[tilespmem:s2+$0x5070] =	vst v10  }
0x1d7: {  	s1 =	simm.s32 $0x80;
	s3 =	simm.s32 $0x400;
	v9 =	vadd.s32 v0, v9;
	[tilespmem:s2+$0x5000] =	vst v8;
	v8 =	vld [tilespmem:s2+$0x2860]  }
.LBB2_4:
0x1d8: {  	p0 =	sne.s32 s3, $0x9E00;
	v10 =	vld [tilespmem:s1+$0x2870];
	[tilespmem:s2+$0x5010] =	vst v9;
	v7 =	vadd.s32 v0, v7  }
0x1d9: {  	v9 =	vld [tilespmem:s1+$0x2800];
	[tilespmem:s2+$0x5020] =	vst v7;
	v6 =	vadd.s32 v0, v6  }
0x1da: {  	v11 =	vld [tilespmem:s1+$0x2810];
	[tilespmem:s2+$0x5030] =	vst v6;
	v4 =	vadd.s32 v0, v4  }
.Ltmp1:
0x1db: {  	v7 =	vld [tilespmem:s1+$0x2820];
	[tilespmem:s2+$0x5040] =	vst v4;
	v4 =	vadd.s32 v0, v5;
	(pc) =	sbr.rel @p0 .LBB2_4-.Ltmp1, $4  }
0x1dc: {  	v6 =	vld [tilespmem:s1+$0x2830];
	[tilespmem:s2+$0x5050] =	vst v4;
	v5 =	vadd.s32 v0, v8  }
0x1dd: {  	v4 =	vld [tilespmem:s1+$0x2840];
	v8 =	vadd.s32 v0, v10;
	[tilespmem:s2+$0x5060] =	vst v5;
	s2 =	smov.u32 s1  }
0x1de: {  	v9 =	vadd.s32 v0, v9;
	v5 =	vld [tilespmem:s2+$0x2850];
	[tilespmem:s2+$0x5070] =	vst v8  }
0x1df: {  	s1 =	sshra.s32 s3, $0x2;
	s3 =	sadd.s32 $0x200, s3;
	[tilespmem:s2+$0x5000] =	vst v9;
	v9 =	vadd.s32 v0, v11;
	v8 =	vld [tilespmem:s2+$0x2860]  }
0x1e0: {  	v10 =	vld [tilespmem:s1+$0x2870];
	[tilespmem:s2+$0x5010] =	vst v9;
	v7 =	vadd.s32 v0, v7  }
0x1e1: {  	v9 =	vld [tilespmem:s1+$0x2800];
	[tilespmem:s2+$0x5020] =	vst v7;
	v6 =	vadd.s32 v0, v6  }
0x1e2: {  	v7 =	vld [tilespmem:s1+$0x2810];
	[tilespmem:s2+$0x5030] =	vst v6;
	v4 =	vadd.s32 v0, v4  }
0x1e3: {  	v6 =	vld [tilespmem:s1+$0x2820];
	[tilespmem:s2+$0x5040] =	vst v4;
	v4 =	vadd.s32 v0, v5  }
0x1e4: {  	v5 =	vld [tilespmem:s1+$0x2830];
	[tilespmem:s2+$0x5050] =	vst v4;
	v4 =	vadd.s32 v0, v8  }
0x1e5: {  	v31 =	vld [tilespmem:s1+$0x2840];
	[tilespmem:s2+$0x5060] =	vst v4;
	v4 =	vadd.s32 v0, v10  }
0x1e6: {  	v32 =	vld [tilespmem:s1+$0x2850];
	v9 =	vadd.s32 v0, v9;
	[tilespmem:s1+$0x5070] =	vst v4  }
0x1e7: {  	v33 =	vld [tilespmem:s1+$0x2860];
	[tilespmem:s1+$0x5000] =	vst v9;
	v4 =	vadd.s32 v0, v7  }
0x1e8: {  	[tilespmem:s1+$0x5010] =	vst v4;
	v4 =	vadd.s32 v0, v6  }
0x1e9: {  	[tilespmem:s1+$0x5020] =	vst v4;
	v4 =	vadd.s32 v0, v5  }
0x1ea: {  	[tilespmem:s1+$0x5030] =	vst v4;
	v4 =	vadd.s32 v0, v31  }
0x1eb: {  	[tilespmem:s1+$0x5040] =	vst v4;
	v4 =	vadd.s32 v0, v32  }
0x1ec: {  	[tilespmem:s1+$0x5050] =	vst v4;
	v4 =	vadd.s32 v0, v33  }
0x1ed: {  	[tilespmem:s1+$0x5060] =	vst v4  }
0x1ee: {  	v4 =	vld [tilespmem:$0x0]  }
0x1ef: {  	v5 =	vld [tilespmem:$0x10]  }
0x1f0: {  	v34 =	vld [tilespmem:$0x20]  }
0x1f1: {  	v35 =	vld [tilespmem:$0x30]  }
0x1f2: {  	v36 =	vld [tilespmem:$0x40]  }
0x1f3: {  	v9 =	vld [tilespmem:$0x50];
	v4 =	vadd.s32 v0, v4  }
0x1f4: {  	[tilespmem:$0x280] =	vst v4;
	v4 =	vadd.s32 v0, v5;
	v5 =	vld [tilespmem:$0x60]  }
0x1f5: {  	v37 =	vld [tilespmem:$0x70];
	[tilespmem:$0x290] =	vst v4;
	v4 =	vadd.s32 v0, v34  }
0x1f6: {  	v38 =	vld [tilespmem:$0x80];
	[tilespmem:$0x2A0] =	vst v4;
	v4 =	vadd.s32 v0, v35  }
0x1f7: {  	v39 =	vld [tilespmem:$0x90];
	[tilespmem:$0x2B0] =	vst v4;
	v4 =	vadd.s32 v0, v36  }
0x1f8: {  	v40 =	vld [tilespmem:$0xA0];
	[tilespmem:$0x2C0] =	vst v4;
	v4 =	vadd.s32 v0, v9  }
0x1f9: {  	[tilespmem:$0x2D0] =	vst v4;
	v4 =	vadd.s32 v0, v5;
	v5 =	vld [tilespmem:$0xB0]  }
0x1fa: {  	v41 =	vld [tilespmem:$0xC0];
	[tilespmem:$0x2E0] =	vst v4;
	v4 =	vadd.s32 v0, v37  }
0x1fb: {  	v42 =	vld [tilespmem:$0xD0];
	[tilespmem:$0x2F0] =	vst v4;
	v4 =	vadd.s32 v0, v38  }
0x1fc: {  	v43 =	vld [tilespmem:$0xE0];
	[tilespmem:$0x300] =	vst v4;
	v4 =	vadd.s32 v0, v39  }
0x1fd: {  	v44 =	vld [tilespmem:$0xF0];
	[tilespmem:$0x310] =	vst v4;
	v4 =	vadd.s32 v0, v40  }
0x1fe: {  	[tilespmem:$0x320] =	vst v4;
	v4 =	vadd.s32 v0, v5;
	v5 =	vld [tilespmem:$0x100]  }
0x1ff: {  	v45 =	vld [tilespmem:$0x110];
	[tilespmem:$0x330] =	vst v4;
	v4 =	vadd.s32 v0, v41  }
0x200: {  	v46 =	vld [tilespmem:$0x120];
	[tilespmem:$0x340] =	vst v4;
	v4 =	vadd.s32 v0, v42  }
0x201: {  	v47 =	vld [tilespmem:$0x130];
	[tilespmem:$0x350] =	vst v4;
	v4 =	vadd.s32 v0, v43  }
0x202: {  	v48 =	vld [tilespmem:$0x140];
	[tilespmem:$0x360] =	vst v4;
	v4 =	vadd.s32 v0, v44  }
0x203: {  	[tilespmem:$0x370] =	vst v4;
	v4 =	vadd.s32 v0, v5;
	v5 =	vld [tilespmem:$0x150]  }
0x204: {  	v49 =	vld [tilespmem:$0x160];
	[tilespmem:$0x380] =	vst v4;
	v4 =	vadd.s32 v0, v45  }
0x205: {  	v50 =	vld [tilespmem:$0x170];
	[tilespmem:$0x390] =	vst v4;
	v4 =	vadd.s32 v0, v46  }
0x206: {  	v51 =	vld [tilespmem:$0x180];
	[tilespmem:$0x3A0] =	vst v4;
	v4 =	vadd.s32 v0, v47  }
0x207: {  	v52 =	vld [tilespmem:$0x190];
	[tilespmem:$0x3B0] =	vst v4;
	v4 =	vadd.s32 v0, v48  }
0x208: {  	[tilespmem:$0x3C0] =	vst v4;
	v4 =	vadd.s32 v0, v5;
	v5 =	vld [tilespmem:$0x1A0]  }
0x209: {  	v53 =	vld [tilespmem:$0x1B0];
	[tilespmem:$0x3D0] =	vst v4;
	v4 =	vadd.s32 v0, v49  }
0x20a: {  	v54 =	vld [tilespmem:$0x1C0];
	[tilespmem:$0x3E0] =	vst v4;
	v4 =	vadd.s32 v0, v50  }
0x20b: {  	v55 =	vld [tilespmem:$0x1D0];
	[tilespmem:$0x3F0] =	vst v4;
	v4 =	vadd.s32 v0, v51  }
0x20c: {  	v56 =	vld [tilespmem:$0x1E0];
	[tilespmem:$0x400] =	vst v4;
	v4 =	vadd.s32 v0, v52  }
0x20d: {  	[tilespmem:$0x410] =	vst v4;
	v4 =	vadd.s32 v0, v5;
	v5 =	vld [tilespmem:$0x1F0]  }
0x20e: {  	v57 =	vld [tilespmem:$0x200];
	[tilespmem:$0x420] =	vst v4;
	v4 =	vadd.s32 v0, v53  }
0x20f: {  	v58 =	vld [tilespmem:$0x210];
	[tilespmem:$0x430] =	vst v4;
	v4 =	vadd.s32 v0, v54  }
0x210: {  	v59 =	vld [tilespmem:$0x220];
	[tilespmem:$0x440] =	vst v4;
	v4 =	vadd.s32 v0, v55  }
0x211: {  	v60 =	vld [tilespmem:$0x230];
	[tilespmem:$0x450] =	vst v4;
	v4 =	vadd.s32 v0, v56  }
0x212: {  	[tilespmem:$0x460] =	vst v4;
	v4 =	vadd.s32 v0, v5;
	v5 =	vld [tilespmem:$0x240]  }
0x213: {  	v61 =	vld [tilespmem:$0x250];
	[tilespmem:$0x470] =	vst v4;
	v4 =	vadd.s32 v0, v57  }
0x214: {  	v62 =	vld [tilespmem:$0x260];
	[tilespmem:$0x480] =	vst v4;
	v4 =	vadd.s32 v0, v58  }
0x215: {  	v63 =	vld [tilespmem:$0x270];
	[tilespmem:$0x490] =	vst v4;
	v4 =	vadd.s32 v0, v59  }
0x216: {  	[tilespmem:$0x4A0] =	vst v4;
	v4 =	vadd.s32 v0, v60  }
0x217: {  	[tilespmem:$0x4B0] =	vst v4;
	v4 =	vadd.s32 v0, v5  }
0x218: {  	[tilespmem:$0x4C0] =	vst v4;
	v4 =	vadd.s32 v0, v61  }
0x219: {  	[tilespmem:$0x4D0] =	vst v4;
	v4 =	vadd.s32 v0, v62  }
0x21a: {  	[tilespmem:$0x4E0] =	vst v4;
	v4 =	vadd.s32 v0, v63  }
0x21b: {  	s2 =	simm.s32 $0x100;
	s1 =	simm.s32 $0x0;
	[tilespmem:$0x4F0] =	vst v4  }
.LBB2_6:
0x21c: {  	p0 =	sne.s32 s2, $0x7F00;
	[tilespmem:s1+$0xA0B0] =	vst v3;
	s3 =	smov.u32 s2;
	s2 =	sadd.s32 $0x100, s2  }
.Ltmp2:
0x21d: {  	[tilespmem:s1+$0xA0A0] =	vst v3;
	(pc) =	sbr.rel @p0 .LBB2_6-.Ltmp2, $3  }
0x21e: {  	[tilespmem:s1+$0xA080] =	vst v3  }
0x21f: {  	[tilespmem:s1+$0xA090] =	vst v3;
	_ =	sdelay $0x1  }
0x220: {  	s1 =	sshra.s32 s3, $0x2  }
0x221: {  	[tilespmem:s1+$0xA0B0] =	vst v3  }
0x222: {  	[tilespmem:s1+$0xA0A0] =	vst v3  }
0x223: {  	[tilespmem:s1+$0xA080] =	vst v3  }
0x224: {  	[tilespmem:s1+$0xA090] =	vst v3  }
0x225: {  	[spmem:s22] =	stream.linear.scatter [tilespmem:s13], [sflag:$0x2], $0x2000, $0x38;
	[tilespmem:$0x1FC80] =	vst v63  }
0x226: {  	_ =	swait.ge [sflag:s12], $0x2000  }
0x227: {  	s24 =	sld [smem:$0x7FA]  }
0x228: {  	[sflag:s12] =	ssyncset.done $0x0  }
0x229: {  	[sflag:s12] =	ssyncadd.s32 $0xFFFFE000  }
0x22a: {  	[spmem:s24] =	stream.linear.scatter [tilespmem:s13], [sflag:$0x2], $0x2000, $0x38;
	[tilespmem:$0x1FC80] =	vst v63  }
0x22b: {  	_ =	swait.ge [sflag:s12], $0x2000  }
0x22c: {  	s25 =	sld [smem:$0x7FB]  }
0x22d: {  	[sflag:s12] =	ssyncset.done $0x0  }
0x22e: {  	[sflag:s12] =	ssyncadd.s32 $0xFFFFE000  }
0x22f: {  	[spmem:s25] =	stream.linear.scatter [tilespmem:s13], [sflag:$0x2], $0x2000, $0x38;
	[tilespmem:$0x1FC80] =	vst v63  }
0x230: {  	_ =	swait.ge [sflag:s12], $0x2000  }
0x231: {  	s26 =	sld [smem:$0x7FC]  }
0x232: {  	[sflag:s12] =	ssyncset.done $0x0  }
0x233: {  	[sflag:s12] =	ssyncadd.s32 $0xFFFFE000  }
0x234: {  	[spmem:s26] =	stream.linear.scatter [tilespmem:s13], [sflag:$0x2], $0x2000, $0x38;
	[tilespmem:$0x1FC80] =	vst v63  }
0x235: {  	_ =	swait.ge [sflag:s12], $0x2000  }
0x236: {  	s29 =	sld [smem:$0x7FD]  }
0x237: {  	[sflag:s12] =	ssyncset.done $0x0  }
0x238: {  	[sflag:s12] =	ssyncadd.s32 $0xFFFFE000  }
0x239: {  	[spmem:s29] =	stream.linear.scatter [tilespmem:s13], [sflag:$0x2], $0x2000, $0x38;
	[tilespmem:$0x1FC80] =	vst v63  }
0x23a: {  	_ =	swait.ge [sflag:s12], $0x2000  }
0x23b: {  	[sflag:s12] =	ssyncset.done $0x0  }
0x23c: {  	[sflag:s12] =	ssyncadd.s32 $0xFFFFE000  }
0x23d: {  	[spmem:s8] =	stream.linear.scatter [tilespmem:s13], [sflag:$0x2], $0x2000, $0x38;
	[tilespmem:$0x1FC80] =	vst v63  }
0x23e: {  	_ =	swait.ge [sflag:s12], $0x2000  }
0x23f: {  	[sflag:s12] =	ssyncset.done $0x0  }
0x240: {  	[sflag:s12] =	ssyncadd.s32 $0xFFFFE000  }
0x241: {  	[spmem:s9] =	stream.linear.scatter [tilespmem:s13], [sflag:$0x2], $0x2000, $0x38;
	[tilespmem:$0x1FC80] =	vst v63  }
0x242: {  	_ =	swait.ge [sflag:s12], $0x2000  }
0x243: {  	[sflag:s12] =	ssyncset.done $0x0  }
0x244: {  	[sflag:s12] =	ssyncadd.s32 $0xFFFFE000  }
0x245: {  	[spmem:s10] =	stream.linear.scatter [tilespmem:s13], [sflag:$0x2], $0x2000, $0x38;
	[tilespmem:$0x1FC80] =	vst v63  }
0x246: {  	_ =	swait.ge [sflag:s12], $0x2000  }
0x247: {  	[sflag:s12] =	ssyncset.done $0x0  }
0x248: {  	[sflag:s12] =	ssyncadd.s32 $0xFFFFE000  }
0x249: {  	[spmem:s11] =	stream.linear.scatter [tilespmem:s13], [sflag:$0x2], $0x2000, $0x38;
	[tilespmem:$0x1FC80] =	vst v63  }
0x24a: {  	_ =	swait.ge [sflag:s12], $0x2000  }
0x24b: {  	[sflag:s12] =	ssyncset.done $0x0  }
0x24c: {  	[sflag:s12] =	ssyncadd.s32 $0xFFFFE000  }
0x24d: {  	[spmem:s23] =	stream.linear.scatter [tilespmem:s13], [sflag:$0x2], $0x1C00, $0x38;
	[tilespmem:$0x1FC80] =	vst v63  }
0x24e: {  	_ =	swait.ge [sflag:s12], $0x1C00  }
0x24f: {  	[sflag:s12] =	ssyncset.done $0x0  }
0x250: {  	[sflag:s12] =	ssyncadd.s32 $0xFFFFE400  }
0x251: {  	s30 =	simm.s32 $0x0;
	[bflag:$0x0] =	sbarrier.arrive $0xFFFF  }
0x252: {  	v4 =	vld [tilespmem:s30+$0x7800];
	_ =	sdelay $0x4  }
0x253: {  	[tilespmem:$0xA000] =	vst v4  }
0x254: {  	v4 =	vld [tilespmem:s30+$0x7810];
	_ =	sdelay $0x4  }
0x255: {  	[tilespmem:$0xA010] =	vst v4  }
0x256: {  	v4 =	vld [tilespmem:s30+$0x7820];
	_ =	sdelay $0x4  }
0x257: {  	[tilespmem:$0xA020] =	vst v4  }
0x258: {  	v4 =	vld [tilespmem:s30+$0x7830];
	_ =	sdelay $0x4  }
0x259: {  	[tilespmem:$0xA030] =	vst v4  }
0x25a: {  	v4 =	vld [tilespmem:s30+$0x7840];
	_ =	sdelay $0x4  }
0x25b: {  	[tilespmem:$0xA040] =	vst v4  }
0x25c: {  	v4 =	vld [tilespmem:s30+$0x7850];
	_ =	sdelay $0x4  }
0x25d: {  	[tilespmem:$0xA050] =	vst v4  }
0x25e: {  	v4 =	vld [tilespmem:s30+$0x7860];
	_ =	sdelay $0x4  }
0x25f: {  	[tilespmem:$0xA060] =	vst v4  }
0x260: {  	v4 =	vld [tilespmem:s30+$0x7870];
	_ =	sdelay $0x4  }
0x261: {  	s31 =	simm.s32 $0x5000;
	[tilespmem:$0xA070] =	vst v4  }
0x262: {  	[tilespmem:s13], [sflag:$0x1] =	stream.indirect.gather [hbm4b:s18+s14], $0x40, s31, s14, $0xb8;
	[tilespmem:$0x1FC80] =	vst v63  }
0x263: {  	_ =	swait.ge [sflag:s16], $0x2000  }
0x264: {  	[sflag:s16] =	ssyncset.done $0x0  }
0x265: {  	[sflag:s16] =	ssyncadd.s32 $0xFFFFE000  }
0x266: {  	[spmem:s15] =	stream.indirect.scatter.add.f32 [tilespmem:s13], [sflag:$0x2], $0x40, s17, s14, $0xb8;
	[tilespmem:$0x1FC80] =	vst v63  }
0x267: {  	_ =	swait.ge [sflag:s12], $0x2000  }
0x268: {  	s1 =	simm.s32 $0x200;
	s4 =	simm.s32 $0x400;
	[sflag:s12] =	ssyncset.done $0x0  }
.LBB2_8:
0x269: {  	s3 =	sshra.s32 s1, $0x2  }
0x26a: {  	[sflag:s12] =	ssyncadd.s32 $0xFFFFE000;
	s1 =	smov.u32 s4;
	s2 =	sadd.s32 $0x200, s4  }
0x26b: {  	p0 =	sne.s32 s4, $0x9E00;
	v4 =	vld [tilespmem:s3+$0x7800];
	_ =	sdelay $0x4  }
0x26c: {  	[tilespmem:$0xA000] =	vst v4  }
0x26d: {  	v4 =	vld [tilespmem:s3+$0x7810];
	_ =	sdelay $0x4  }
0x26e: {  	[tilespmem:$0xA010] =	vst v4  }
0x26f: {  	v4 =	vld [tilespmem:s3+$0x7820];
	_ =	sdelay $0x4  }
0x270: {  	[tilespmem:$0xA020] =	vst v4  }
0x271: {  	v4 =	vld [tilespmem:s3+$0x7830];
	_ =	sdelay $0x4  }
0x272: {  	[tilespmem:$0xA030] =	vst v4  }
0x273: {  	v4 =	vld [tilespmem:s3+$0x7840];
	_ =	sdelay $0x4  }
0x274: {  	[tilespmem:$0xA040] =	vst v4  }
0x275: {  	v4 =	vld [tilespmem:s3+$0x7850];
	_ =	sdelay $0x4  }
0x276: {  	[tilespmem:$0xA050] =	vst v4  }
0x277: {  	v4 =	vld [tilespmem:s3+$0x7860];
	_ =	sdelay $0x4  }
0x278: {  	[tilespmem:$0xA060] =	vst v4  }
0x279: {  	v4 =	vld [tilespmem:s3+$0x7870];
	_ =	sdelay $0x4  }
0x27a: {  	s3 =	sadd.s32 $0x5000, s3;
	[tilespmem:$0xA070] =	vst v4  }
0x27b: {  	[tilespmem:s13], [sflag:$0x1] =	stream.indirect.gather [hbm4b:s18+s14], $0x40, s3, s14, $0xb8;
	[tilespmem:$0x1FC80] =	vst v63  }
0x27c: {  	_ =	swait.ge [sflag:s16], $0x2000  }
.Ltmp3:
0x27d: {  	[sflag:s16] =	ssyncset.done $0x0;
	(pc) =	sbr.rel @p0 .LBB2_8-.Ltmp3, $4  }
0x27e: {  	[sflag:s16] =	ssyncadd.s32 $0xFFFFE000  }
0x27f: {  	[spmem:s15] =	stream.indirect.scatter.add.f32 [tilespmem:s13], [sflag:$0x2], $0x40, s17, s14, $0xb8;
	[tilespmem:$0x1FC80] =	vst v63  }
0x280: {  	_ =	swait.ge [sflag:s12], $0x2000  }
0x281: {  	s4 =	smov.u32 s2;
	[sflag:s12] =	ssyncset.done $0x0  }
0x282: {  	s1 =	sshra.s32 s1, $0x2;
	[sflag:s12] =	ssyncadd.s32 $0xFFFFE000  }
0x283: {  	v4 =	vld [tilespmem:s1+$0x7800];
	_ =	sdelay $0x4  }
0x284: {  	[tilespmem:$0xA000] =	vst v4  }
0x285: {  	v4 =	vld [tilespmem:s1+$0x7810];
	_ =	sdelay $0x4  }
0x286: {  	[tilespmem:$0xA010] =	vst v4  }
0x287: {  	v4 =	vld [tilespmem:s1+$0x7820];
	_ =	sdelay $0x4  }
0x288: {  	[tilespmem:$0xA020] =	vst v4  }
0x289: {  	v4 =	vld [tilespmem:s1+$0x7830];
	_ =	sdelay $0x4  }
0x28a: {  	[tilespmem:$0xA030] =	vst v4  }
0x28b: {  	v4 =	vld [tilespmem:s1+$0x7840];
	_ =	sdelay $0x4  }
0x28c: {  	[tilespmem:$0xA040] =	vst v4  }
0x28d: {  	v4 =	vld [tilespmem:s1+$0x7850];
	_ =	sdelay $0x4  }
0x28e: {  	[tilespmem:$0xA050] =	vst v4  }
0x28f: {  	v4 =	vld [tilespmem:s1+$0x7860];
	_ =	sdelay $0x4  }
0x290: {  	[tilespmem:$0xA060] =	vst v4  }
0x291: {  	v4 =	vld [tilespmem:s1+$0x7870];
	_ =	sdelay $0x4  }
0x292: {  	s1 =	sadd.s32 $0x5000, s1;
	[tilespmem:$0xA070] =	vst v4  }
0x293: {  	[tilespmem:s13], [sflag:$0x1] =	stream.indirect.gather [hbm4b:s18+s14], $0x40, s1, s14, $0xb8;
	[tilespmem:$0x1FC80] =	vst v63  }
0x294: {  	_ =	swait.ge [sflag:s16], $0x2000  }
0x295: {  	[sflag:s16] =	ssyncset.done $0x0  }
0x296: {  	[sflag:s16] =	ssyncadd.s32 $0xFFFFE000  }
0x297: {  	[spmem:s15] =	stream.indirect.scatter.add.f32 [tilespmem:s13], [sflag:$0x2], $0x40, s17, s14, $0xb8;
	[tilespmem:$0x1FC80] =	vst v63  }
0x298: {  	_ =	swait.ge [sflag:s12], $0x2000  }
0x299: {  	[sflag:s12] =	ssyncset.done $0x0  }
0x29a: {  	[sflag:s12] =	ssyncadd.s32 $0xFFFFE000  }
0x29b: {  	[bflag:$0x0] =	sbarrier.arrive $0xFFFF  }
0x29c: {  	s24 =	sld [smem:$0x7F0]  }
0x29d: {  	s20 =	stileid.u32  }
0x29e: {  	s1 =	sshll.u32 s20, $0x6  }
0x29f: {  	s29 =	sor.u32 $0x1C02, s1;
	s25 =	rddreg [dreg:$0x7];
	s30 =	sshrl.u32 s24, $0x3  }
0x2a0: {  	[hbm:s25], [sflag:s29] =	dma.local [spmem:s30], $0x400  }
0x2a1: {  	_ =	swait.ge [sflag:s12], $0x400  }
0x2a2: {  	s26 =	sld [smem:$0x7F1];
	_ =	sdelay $0x1  }
0x2a3: {  	[sflag:s12] =	ssyncset.done $0x0  }
0x2a4: {  	s2 =	rddreg [dreg:$0x8];
	[sflag:s12] =	ssyncadd.s32 $0xFFFFFC00;
	s31 =	sshrl.u32 s26, $0x3  }
0x2a5: {  	[hbm:s2], [sflag:s29] =	dma.local [spmem:s31], $0x400  }
0x2a6: {  	_ =	swait.ge [sflag:s12], $0x400  }
0x2a7: {  	s3 =	sld [smem:$0x7F2];
	_ =	sdelay $0x1  }
0x2a8: {  	[sflag:s12] =	ssyncset.done $0x0  }
0x2a9: {  	s2 =	rddreg [dreg:$0x9];
	[sflag:s12] =	ssyncadd.s32 $0xFFFFFC00;
	s1 =	sshrl.u32 s3, $0x3  }
0x2aa: {  	[hbm:s2], [sflag:s29] =	dma.local [spmem:s1], $0x400  }
0x2ab: {  	_ =	swait.ge [sflag:s12], $0x400  }
0x2ac: {  	s4 =	sld [smem:$0x7F3];
	_ =	sdelay $0x1  }
0x2ad: {  	[sflag:s12] =	ssyncset.done $0x0  }
0x2ae: {  	s3 =	rddreg [dreg:$0xa];
	[sflag:s12] =	ssyncadd.s32 $0xFFFFFC00;
	s2 =	sshrl.u32 s4, $0x3  }
0x2af: {  	[hbm:s3], [sflag:s29] =	dma.local [spmem:s2], $0x400  }
0x2b0: {  	_ =	swait.ge [sflag:s12], $0x400  }
0x2b1: {  	s5 =	sld [smem:$0x7F4];
	_ =	sdelay $0x1  }
0x2b2: {  	[sflag:s12] =	ssyncset.done $0x0  }
0x2b3: {  	s4 =	rddreg [dreg:$0xb];
	[sflag:s12] =	ssyncadd.s32 $0xFFFFFC00;
	s3 =	sshrl.u32 s5, $0x3  }
0x2b4: {  	[hbm:s4], [sflag:s29] =	dma.local [spmem:s3], $0x400  }
0x2b5: {  	_ =	swait.ge [sflag:s12], $0x400  }
0x2b6: {  	s6 =	sld [smem:$0x7F5];
	_ =	sdelay $0x1  }
0x2b7: {  	[sflag:s12] =	ssyncset.done $0x0  }
0x2b8: {  	s7 =	rddreg [dreg:$0xc];
	[sflag:s12] =	ssyncadd.s32 $0xFFFFFC00;
	s19 =	sshrl.u32 s6, $0x3  }
0x2b9: {  	[hbm:s7], [sflag:s29] =	dma.local [spmem:s19], $0x400  }
0x2ba: {  	_ =	swait.ge [sflag:s12], $0x400  }
0x2bb: {  	s20 =	sld [smem:$0x7F6];
	_ =	sdelay $0x1  }
0x2bc: {  	[sflag:s12] =	ssyncset.done $0x0  }
0x2bd: {  	s24 =	rddreg [dreg:$0xd];
	[sflag:s12] =	ssyncadd.s32 $0xFFFFFC00;
	s20 =	sshrl.u32 s20, $0x3  }
0x2be: {  	[hbm:s24], [sflag:s29] =	dma.local [spmem:s20], $0x400  }
0x2bf: {  	_ =	swait.ge [sflag:s12], $0x400  }
0x2c0: {  	s25 =	sld [smem:$0x7F7];
	_ =	sdelay $0x1  }
0x2c1: {  	[sflag:s12] =	ssyncset.done $0x0  }
0x2c2: {  	s26 =	rddreg [dreg:$0xe];
	[sflag:s12] =	ssyncadd.s32 $0xFFFFFC00;
	s24 =	sshrl.u32 s25, $0x3  }
0x2c3: {  	[hbm:s26], [sflag:s29] =	dma.local [spmem:s24], $0x400  }
0x2c4: {  	_ =	swait.ge [sflag:s12], $0x400  }
0x2c5: {  	s5 =	sld [smem:$0x7F8];
	_ =	sdelay $0x1  }
0x2c6: {  	[sflag:s12] =	ssyncset.done $0x0  }
0x2c7: {  	s6 =	rddreg [dreg:$0xf];
	[sflag:s12] =	ssyncadd.s32 $0xFFFFFC00;
	s25 =	sshrl.u32 s5, $0x3  }
0x2c8: {  	[hbm:s6], [sflag:s29] =	dma.local [spmem:s25], $0x400  }
0x2c9: {  	_ =	swait.ge [sflag:s12], $0x400  }
0x2ca: {  	[sflag:s12] =	ssyncset.done $0x0  }
0x2cb: {  	s26 =	sshrl.u32 s23, $0x3;
	s7 =	rddreg [dreg:$0x4];
	[sflag:s12] =	ssyncadd.s32 $0xFFFFFC00  }
0x2cc: {  	[hbm:s7], [sflag:s29] =	dma.local [spmem:s26], $0x380  }
0x2cd: {  	_ =	swait.ge [sflag:s12], $0x380  }
0x2ce: {  	[sflag:s12] =	ssyncset.done $0x0  }
0x2cf: {  	s5 =	simm.s32 $0x280;
	[sflag:s12] =	ssyncadd.s32 $0xFFFFFC80  }
0x2d0: {  	[tilespmem:s13], [sflag:$0x1] =	stream.indirect.gather [hbm4b:s18+s14], $0x40, s5, s14, $0xb8;
	[tilespmem:$0x1FC80] =	vst v63  }
0x2d1: {  	_ =	swait.ge [sflag:s16], $0x2000  }
0x2d2: {  	s5 =	sld [smem:$0x7DD]  }
0x2d3: {  	[sflag:s16] =	ssyncset.done $0x0  }
0x2d4: {  	s4 =	simm.s32 $0x0;
	[sflag:s16] =	ssyncadd.s32 $0xFFFFE000  }
0x2d5: {  	[hbm4b:s5+s4] =	stream.linear.scatter [tilespmem:s13], [sflag:$0x2], $0x2000, $0x38;
	[tilespmem:$0x1FC80] =	vst v63  }
0x2d6: {  	_ =	swait.ge [sflag:s12], $0x2000  }
0x2d7: {  	[sflag:s12] =	ssyncset.done $0x0  }
0x2d8: {  	s6 =	simm.s32 $0x300;
	[sflag:s12] =	ssyncadd.s32 $0xFFFFE000  }
0x2d9: {  	[tilespmem:s13], [sflag:$0x1] =	stream.indirect.gather [hbm4b:s18+s14], $0x40, s6, s14, $0xb8;
	[tilespmem:$0x1FC80] =	vst v63  }
0x2da: {  	_ =	swait.ge [sflag:s16], $0x2000  }
0x2db: {  	s7 =	sld [smem:$0x7DE]  }
0x2dc: {  	[sflag:s16] =	ssyncset.done $0x0  }
0x2dd: {  	[sflag:s16] =	ssyncadd.s32 $0xFFFFE000  }
0x2de: {  	[hbm4b:s7+s4] =	stream.linear.scatter [tilespmem:s13], [sflag:$0x2], $0x2000, $0x38;
	[tilespmem:$0x1FC80] =	vst v63  }
0x2df: {  	_ =	swait.ge [sflag:s12], $0x2000  }
0x2e0: {  	[sflag:s12] =	ssyncset.done $0x0  }
0x2e1: {  	s6 =	simm.s32 $0x380;
	[sflag:s12] =	ssyncadd.s32 $0xFFFFE000  }
0x2e2: {  	[tilespmem:s13], [sflag:$0x1] =	stream.indirect.gather [hbm4b:s18+s14], $0x40, s6, s14, $0xb8;
	[tilespmem:$0x1FC80] =	vst v63  }
0x2e3: {  	_ =	swait.ge [sflag:s16], $0x2000  }
0x2e4: {  	s7 =	sld [smem:$0x7DF]  }
0x2e5: {  	[sflag:s16] =	ssyncset.done $0x0  }
0x2e6: {  	[sflag:s16] =	ssyncadd.s32 $0xFFFFE000  }
0x2e7: {  	[hbm4b:s7+s4] =	stream.linear.scatter [tilespmem:s13], [sflag:$0x2], $0x2000, $0x38;
	[tilespmem:$0x1FC80] =	vst v63  }
0x2e8: {  	_ =	swait.ge [sflag:s12], $0x2000  }
0x2e9: {  	[sflag:s12] =	ssyncset.done $0x0  }
0x2ea: {  	s6 =	simm.s32 $0x400;
	[sflag:s12] =	ssyncadd.s32 $0xFFFFE000  }
0x2eb: {  	[tilespmem:s13], [sflag:$0x1] =	stream.indirect.gather [hbm4b:s18+s14], $0x40, s6, s14, $0xb8;
	[tilespmem:$0x1FC80] =	vst v63  }
0x2ec: {  	_ =	swait.ge [sflag:s16], $0x2000  }
0x2ed: {  	s7 =	sld [smem:$0x7E0]  }
0x2ee: {  	[sflag:s16] =	ssyncset.done $0x0  }
0x2ef: {  	[sflag:s16] =	ssyncadd.s32 $0xFFFFE000  }
0x2f0: {  	[hbm4b:s7+s4] =	stream.linear.scatter [tilespmem:s13], [sflag:$0x2], $0x2000, $0x38;
	[tilespmem:$0x1FC80] =	vst v63  }
0x2f1: {  	_ =	swait.ge [sflag:s12], $0x2000  }
0x2f2: {  	[sflag:s12] =	ssyncset.done $0x0  }
0x2f3: {  	s6 =	simm.s32 $0x480;
	[sflag:s12] =	ssyncadd.s32 $0xFFFFE000  }
0x2f4: {  	[tilespmem:s13], [sflag:$0x1] =	stream.indirect.gather [hbm4b:s18+s14], $0x40, s6, s14, $0xb8;
	[tilespmem:$0x1FC80] =	vst v63  }
0x2f5: {  	_ =	swait.ge [sflag:s16], $0x2000  }
0x2f6: {  	s7 =	sld [smem:$0x7E1]  }
0x2f7: {  	[sflag:s16] =	ssyncset.done $0x0  }
0x2f8: {  	[sflag:s16] =	ssyncadd.s32 $0xFFFFE000  }
0x2f9: {  	[hbm4b:s7+s4] =	stream.linear.scatter [tilespmem:s13], [sflag:$0x2], $0x2000, $0x38;
	[tilespmem:$0x1FC80] =	vst v63  }
0x2fa: {  	_ =	swait.ge [sflag:s12], $0x2000  }
0x2fb: {  	[sflag:s12] =	ssyncset.done $0x0  }
0x2fc: {  	s5 =	simm.s32 $0x0;
	[sflag:s12] =	ssyncadd.s32 $0xFFFFE000  }
0x2fd: {  	v5 =	vld [tilespmem:s5+$0x2870]  }
0x2fe: {  	v8 =	vld [tilespmem:s5+$0x2800]  }
0x2ff: {  	v9 =	vld [tilespmem:s5+$0x2810]  }
0x300: {  	v7 =	vld [tilespmem:s5+$0x2820]  }
0x301: {  	v6 =	vld [tilespmem:s5+$0x2830]  }
0x302: {  	v4 =	vld [tilespmem:s5+$0x2840];
	v10 =	vadd.s32 v1, v5  }
0x303: {  	v5 =	vld [tilespmem:s5+$0x2850];
	v8 =	vadd.s32 v1, v8;
	[tilespmem:s5+$0x5070] =	vst v10  }
0x304: {  	s6 =	simm.s32 $0x400;
	s4 =	simm.s32 $0x80;
	v9 =	vadd.s32 v1, v9;
	[tilespmem:s5+$0x5000] =	vst v8;
	v8 =	vld [tilespmem:s5+$0x2860]  }
.LBB2_10:
0x305: {  	p0 =	sne.s32 s6, $0x9E00;
	v10 =	vld [tilespmem:s4+$0x2870];
	[tilespmem:s5+$0x5010] =	vst v9;
	v7 =	vadd.s32 v1, v7  }
0x306: {  	v9 =	vld [tilespmem:s4+$0x2800];
	[tilespmem:s5+$0x5020] =	vst v7;
	v6 =	vadd.s32 v1, v6  }
0x307: {  	v11 =	vld [tilespmem:s4+$0x2810];
	[tilespmem:s5+$0x5030] =	vst v6;
	v4 =	vadd.s32 v1, v4  }
.Ltmp4:
0x308: {  	v7 =	vld [tilespmem:s4+$0x2820];
	[tilespmem:s5+$0x5040] =	vst v4;
	v4 =	vadd.s32 v1, v5;
	(pc) =	sbr.rel @p0 .LBB2_10-.Ltmp4, $4  }
0x309: {  	v6 =	vld [tilespmem:s4+$0x2830];
	[tilespmem:s5+$0x5050] =	vst v4;
	v5 =	vadd.s32 v1, v8  }
0x30a: {  	v4 =	vld [tilespmem:s4+$0x2840];
	v8 =	vadd.s32 v1, v10;
	[tilespmem:s5+$0x5060] =	vst v5;
	s5 =	smov.u32 s4  }
0x30b: {  	v9 =	vadd.s32 v1, v9;
	v5 =	vld [tilespmem:s5+$0x2850];
	[tilespmem:s5+$0x5070] =	vst v8  }
0x30c: {  	s4 =	sshra.s32 s6, $0x2;
	s6 =	sadd.s32 $0x200, s6;
	[tilespmem:s5+$0x5000] =	vst v9;
	v9 =	vadd.s32 v1, v11;
	v8 =	vld [tilespmem:s5+$0x2860]  }
0x30d: {  	v10 =	vld [tilespmem:s4+$0x2870];
	[tilespmem:s5+$0x5010] =	vst v9;
	v7 =	vadd.s32 v1, v7  }
0x30e: {  	v9 =	vld [tilespmem:s4+$0x2800];
	[tilespmem:s5+$0x5020] =	vst v7;
	v6 =	vadd.s32 v1, v6  }
0x30f: {  	v7 =	vld [tilespmem:s4+$0x2810];
	[tilespmem:s5+$0x5030] =	vst v6;
	v4 =	vadd.s32 v1, v4  }
0x310: {  	v6 =	vld [tilespmem:s4+$0x2820];
	[tilespmem:s5+$0x5040] =	vst v4;
	v4 =	vadd.s32 v1, v5  }
0x311: {  	v5 =	vld [tilespmem:s4+$0x2830];
	[tilespmem:s5+$0x5050] =	vst v4;
	v4 =	vadd.s32 v1, v8  }
0x312: {  	v31 =	vld [tilespmem:s4+$0x2840];
	[tilespmem:s5+$0x5060] =	vst v4;
	v4 =	vadd.s32 v1, v10  }
0x313: {  	v32 =	vld [tilespmem:s4+$0x2850];
	v9 =	vadd.s32 v1, v9;
	[tilespmem:s4+$0x5070] =	vst v4  }
0x314: {  	v33 =	vld [tilespmem:s4+$0x2860];
	[tilespmem:s4+$0x5000] =	vst v9;
	v4 =	vadd.s32 v1, v7  }
0x315: {  	[tilespmem:s4+$0x5010] =	vst v4;
	v4 =	vadd.s32 v1, v6  }
0x316: {  	[tilespmem:s4+$0x5020] =	vst v4;
	v4 =	vadd.s32 v1, v5  }
0x317: {  	[tilespmem:s4+$0x5030] =	vst v4;
	v4 =	vadd.s32 v1, v31  }
0x318: {  	[tilespmem:s4+$0x5040] =	vst v4;
	v4 =	vadd.s32 v1, v32  }
0x319: {  	[tilespmem:s4+$0x5050] =	vst v4;
	v4 =	vadd.s32 v1, v33  }
0x31a: {  	[tilespmem:s4+$0x5060] =	vst v4  }
0x31b: {  	v4 =	vld [tilespmem:$0x0]  }
0x31c: {  	v5 =	vld [tilespmem:$0x10]  }
0x31d: {  	v34 =	vld [tilespmem:$0x20]  }
0x31e: {  	v35 =	vld [tilespmem:$0x30]  }
0x31f: {  	v36 =	vld [tilespmem:$0x40]  }
0x320: {  	v9 =	vld [tilespmem:$0x50];
	v4 =	vadd.s32 v1, v4  }
0x321: {  	[tilespmem:$0x280] =	vst v4;
	v4 =	vadd.s32 v1, v5;
	v5 =	vld [tilespmem:$0x60]  }
0x322: {  	v37 =	vld [tilespmem:$0x70];
	[tilespmem:$0x290] =	vst v4;
	v4 =	vadd.s32 v1, v34  }
0x323: {  	v38 =	vld [tilespmem:$0x80];
	[tilespmem:$0x2A0] =	vst v4;
	v4 =	vadd.s32 v1, v35  }
0x324: {  	v39 =	vld [tilespmem:$0x90];
	[tilespmem:$0x2B0] =	vst v4;
	v4 =	vadd.s32 v1, v36  }
0x325: {  	v40 =	vld [tilespmem:$0xA0];
	[tilespmem:$0x2C0] =	vst v4;
	v4 =	vadd.s32 v1, v9  }
0x326: {  	[tilespmem:$0x2D0] =	vst v4;
	v4 =	vadd.s32 v1, v5;
	v5 =	vld [tilespmem:$0xB0]  }
0x327: {  	v41 =	vld [tilespmem:$0xC0];
	[tilespmem:$0x2E0] =	vst v4;
	v4 =	vadd.s32 v1, v37  }
0x328: {  	v42 =	vld [tilespmem:$0xD0];
	[tilespmem:$0x2F0] =	vst v4;
	v4 =	vadd.s32 v1, v38  }
0x329: {  	v43 =	vld [tilespmem:$0xE0];
	[tilespmem:$0x300] =	vst v4;
	v4 =	vadd.s32 v1, v39  }
0x32a: {  	v44 =	vld [tilespmem:$0xF0];
	[tilespmem:$0x310] =	vst v4;
	v4 =	vadd.s32 v1, v40  }
0x32b: {  	[tilespmem:$0x320] =	vst v4;
	v4 =	vadd.s32 v1, v5;
	v5 =	vld [tilespmem:$0x100]  }
0x32c: {  	v45 =	vld [tilespmem:$0x110];
	[tilespmem:$0x330] =	vst v4;
	v4 =	vadd.s32 v1, v41  }
0x32d: {  	v46 =	vld [tilespmem:$0x120];
	[tilespmem:$0x340] =	vst v4;
	v4 =	vadd.s32 v1, v42  }
0x32e: {  	v47 =	vld [tilespmem:$0x130];
	[tilespmem:$0x350] =	vst v4;
	v4 =	vadd.s32 v1, v43  }
0x32f: {  	v48 =	vld [tilespmem:$0x140];
	[tilespmem:$0x360] =	vst v4;
	v4 =	vadd.s32 v1, v44  }
0x330: {  	[tilespmem:$0x370] =	vst v4;
	v4 =	vadd.s32 v1, v5;
	v5 =	vld [tilespmem:$0x150]  }
0x331: {  	v49 =	vld [tilespmem:$0x160];
	[tilespmem:$0x380] =	vst v4;
	v4 =	vadd.s32 v1, v45  }
0x332: {  	v50 =	vld [tilespmem:$0x170];
	[tilespmem:$0x390] =	vst v4;
	v4 =	vadd.s32 v1, v46  }
0x333: {  	v51 =	vld [tilespmem:$0x180];
	[tilespmem:$0x3A0] =	vst v4;
	v4 =	vadd.s32 v1, v47  }
0x334: {  	v52 =	vld [tilespmem:$0x190];
	[tilespmem:$0x3B0] =	vst v4;
	v4 =	vadd.s32 v1, v48  }
0x335: {  	[tilespmem:$0x3C0] =	vst v4;
	v4 =	vadd.s32 v1, v5;
	v5 =	vld [tilespmem:$0x1A0]  }
0x336: {  	v53 =	vld [tilespmem:$0x1B0];
	[tilespmem:$0x3D0] =	vst v4;
	v4 =	vadd.s32 v1, v49  }
0x337: {  	v54 =	vld [tilespmem:$0x1C0];
	[tilespmem:$0x3E0] =	vst v4;
	v4 =	vadd.s32 v1, v50  }
0x338: {  	v55 =	vld [tilespmem:$0x1D0];
	[tilespmem:$0x3F0] =	vst v4;
	v4 =	vadd.s32 v1, v51  }
0x339: {  	v56 =	vld [tilespmem:$0x1E0];
	[tilespmem:$0x400] =	vst v4;
	v4 =	vadd.s32 v1, v52  }
0x33a: {  	[tilespmem:$0x410] =	vst v4;
	v4 =	vadd.s32 v1, v5;
	v5 =	vld [tilespmem:$0x1F0]  }
0x33b: {  	v57 =	vld [tilespmem:$0x200];
	[tilespmem:$0x420] =	vst v4;
	v4 =	vadd.s32 v1, v53  }
0x33c: {  	v58 =	vld [tilespmem:$0x210];
	[tilespmem:$0x430] =	vst v4;
	v4 =	vadd.s32 v1, v54  }
0x33d: {  	v59 =	vld [tilespmem:$0x220];
	[tilespmem:$0x440] =	vst v4;
	v4 =	vadd.s32 v1, v55  }
0x33e: {  	v60 =	vld [tilespmem:$0x230];
	[tilespmem:$0x450] =	vst v4;
	v4 =	vadd.s32 v1, v56  }
0x33f: {  	[tilespmem:$0x460] =	vst v4;
	v4 =	vadd.s32 v1, v5;
	v5 =	vld [tilespmem:$0x240]  }
0x340: {  	v61 =	vld [tilespmem:$0x250];
	[tilespmem:$0x470] =	vst v4;
	v4 =	vadd.s32 v1, v57  }
0x341: {  	v62 =	vld [tilespmem:$0x260];
	[tilespmem:$0x480] =	vst v4;
	v4 =	vadd.s32 v1, v58  }
0x342: {  	v63 =	vld [tilespmem:$0x270];
	[tilespmem:$0x490] =	vst v4;
	v4 =	vadd.s32 v1, v59  }
0x343: {  	[tilespmem:$0x4A0] =	vst v4;
	v4 =	vadd.s32 v1, v60  }
0x344: {  	[tilespmem:$0x4B0] =	vst v4;
	v4 =	vadd.s32 v1, v5  }
0x345: {  	[tilespmem:$0x4C0] =	vst v4;
	v4 =	vadd.s32 v1, v61  }
0x346: {  	[tilespmem:$0x4D0] =	vst v4;
	v4 =	vadd.s32 v1, v62  }
0x347: {  	[tilespmem:$0x4E0] =	vst v4;
	v4 =	vadd.s32 v1, v63  }
0x348: {  	s5 =	simm.s32 $0x100;
	s4 =	simm.s32 $0x0;
	[tilespmem:$0x4F0] =	vst v4  }
.LBB2_12:
0x349: {  	p0 =	sne.s32 s5, $0x7F00;
	[tilespmem:s4+$0xA0B0] =	vst v3;
	s6 =	smov.u32 s5;
	s5 =	sadd.s32 $0x100, s5  }
.Ltmp5:
0x34a: {  	[tilespmem:s4+$0xA0A0] =	vst v3;
	(pc) =	sbr.rel @p0 .LBB2_12-.Ltmp5, $3  }
0x34b: {  	[tilespmem:s4+$0xA080] =	vst v3  }
0x34c: {  	[tilespmem:s4+$0xA090] =	vst v3;
	_ =	sdelay $0x1  }
0x34d: {  	s4 =	sshra.s32 s6, $0x2  }
0x34e: {  	[tilespmem:s4+$0xA0B0] =	vst v3  }
0x34f: {  	[tilespmem:s4+$0xA0A0] =	vst v3  }
0x350: {  	[tilespmem:s4+$0xA080] =	vst v3  }
0x351: {  	[tilespmem:s4+$0xA090] =	vst v3  }
0x352: {  	[spmem:s22] =	stream.linear.scatter [tilespmem:s13], [sflag:$0x2], $0x2000, $0x38;
	[tilespmem:$0x1FC80] =	vst v63  }
0x353: {  	_ =	swait.ge [sflag:s12], $0x2000  }
0x354: {  	s5 =	sld [smem:$0x7FA]  }
0x355: {  	[sflag:s12] =	ssyncset.done $0x0  }
0x356: {  	[sflag:s12] =	ssyncadd.s32 $0xFFFFE000  }
0x357: {  	[spmem:s5] =	stream.linear.scatter [tilespmem:s13], [sflag:$0x2], $0x2000, $0x38;
	[tilespmem:$0x1FC80] =	vst v63  }
0x358: {  	_ =	swait.ge [sflag:s12], $0x2000  }
0x359: {  	s6 =	sld [smem:$0x7FB]  }
0x35a: {  	[sflag:s12] =	ssyncset.done $0x0  }
0x35b: {  	[sflag:s12] =	ssyncadd.s32 $0xFFFFE000  }
0x35c: {  	[spmem:s6] =	stream.linear.scatter [tilespmem:s13], [sflag:$0x2], $0x2000, $0x38;
	[tilespmem:$0x1FC80] =	vst v63  }
0x35d: {  	_ =	swait.ge [sflag:s12], $0x2000  }
0x35e: {  	s7 =	sld [smem:$0x7FC]  }
0x35f: {  	[sflag:s12] =	ssyncset.done $0x0  }
0x360: {  	[sflag:s12] =	ssyncadd.s32 $0xFFFFE000  }
0x361: {  	[spmem:s7] =	stream.linear.scatter [tilespmem:s13], [sflag:$0x2], $0x2000, $0x38;
	[tilespmem:$0x1FC80] =	vst v63  }
0x362: {  	_ =	swait.ge [sflag:s12], $0x2000  }
0x363: {  	s5 =	sld [smem:$0x7FD]  }
0x364: {  	[sflag:s12] =	ssyncset.done $0x0  }
0x365: {  	[sflag:s12] =	ssyncadd.s32 $0xFFFFE000  }
0x366: {  	[spmem:s5] =	stream.linear.scatter [tilespmem:s13], [sflag:$0x2], $0x2000, $0x38;
	[tilespmem:$0x1FC80] =	vst v63  }
0x367: {  	_ =	swait.ge [sflag:s12], $0x2000  }
0x368: {  	[sflag:s12] =	ssyncset.done $0x0  }
0x369: {  	[sflag:s12] =	ssyncadd.s32 $0xFFFFE000  }
0x36a: {  	[spmem:s8] =	stream.linear.scatter [tilespmem:s13], [sflag:$0x2], $0x2000, $0x38;
	[tilespmem:$0x1FC80] =	vst v63  }
0x36b: {  	_ =	swait.ge [sflag:s12], $0x2000  }
0x36c: {  	[sflag:s12] =	ssyncset.done $0x0  }
0x36d: {  	[sflag:s12] =	ssyncadd.s32 $0xFFFFE000  }
0x36e: {  	[spmem:s9] =	stream.linear.scatter [tilespmem:s13], [sflag:$0x2], $0x2000, $0x38;
	[tilespmem:$0x1FC80] =	vst v63  }
0x36f: {  	_ =	swait.ge [sflag:s12], $0x2000  }
0x370: {  	[sflag:s12] =	ssyncset.done $0x0  }
0x371: {  	[sflag:s12] =	ssyncadd.s32 $0xFFFFE000  }
0x372: {  	[spmem:s10] =	stream.linear.scatter [tilespmem:s13], [sflag:$0x2], $0x2000, $0x38;
	[tilespmem:$0x1FC80] =	vst v63  }
0x373: {  	_ =	swait.ge [sflag:s12], $0x2000  }
0x374: {  	[sflag:s12] =	ssyncset.done $0x0  }
0x375: {  	[sflag:s12] =	ssyncadd.s32 $0xFFFFE000  }
0x376: {  	[spmem:s11] =	stream.linear.scatter [tilespmem:s13], [sflag:$0x2], $0x2000, $0x38;
	[tilespmem:$0x1FC80] =	vst v63  }
0x377: {  	_ =	swait.ge [sflag:s12], $0x2000  }
0x378: {  	[sflag:s12] =	ssyncset.done $0x0  }
0x379: {  	[sflag:s12] =	ssyncadd.s32 $0xFFFFE000  }
0x37a: {  	[spmem:s23] =	stream.linear.scatter [tilespmem:s13], [sflag:$0x2], $0x1C00, $0x38;
	[tilespmem:$0x1FC80] =	vst v63  }
0x37b: {  	_ =	swait.ge [sflag:s12], $0x1C00  }
0x37c: {  	[sflag:s12] =	ssyncset.done $0x0  }
0x37d: {  	[sflag:s12] =	ssyncadd.s32 $0xFFFFE400  }
0x37e: {  	s6 =	simm.s32 $0x0;
	[bflag:$0x0] =	sbarrier.arrive $0xFFFF  }
0x37f: {  	v4 =	vld [tilespmem:s6+$0x7800];
	_ =	sdelay $0x4  }
0x380: {  	[tilespmem:$0xA000] =	vst v4  }
0x381: {  	v4 =	vld [tilespmem:s6+$0x7810];
	_ =	sdelay $0x4  }
0x382: {  	[tilespmem:$0xA010] =	vst v4  }
0x383: {  	v4 =	vld [tilespmem:s6+$0x7820];
	_ =	sdelay $0x4  }
0x384: {  	[tilespmem:$0xA020] =	vst v4  }
0x385: {  	v4 =	vld [tilespmem:s6+$0x7830];
	_ =	sdelay $0x4  }
0x386: {  	[tilespmem:$0xA030] =	vst v4  }
0x387: {  	v4 =	vld [tilespmem:s6+$0x7840];
	_ =	sdelay $0x4  }
0x388: {  	[tilespmem:$0xA040] =	vst v4  }
0x389: {  	v4 =	vld [tilespmem:s6+$0x7850];
	_ =	sdelay $0x4  }
0x38a: {  	[tilespmem:$0xA050] =	vst v4  }
0x38b: {  	v4 =	vld [tilespmem:s6+$0x7860];
	_ =	sdelay $0x4  }
0x38c: {  	[tilespmem:$0xA060] =	vst v4  }
0x38d: {  	v4 =	vld [tilespmem:s6+$0x7870];
	_ =	sdelay $0x4  }
0x38e: {  	s7 =	simm.s32 $0x5000;
	[tilespmem:$0xA070] =	vst v4  }
0x38f: {  	[tilespmem:s13], [sflag:$0x1] =	stream.indirect.gather [hbm4b:s18+s14], $0x40, s7, s14, $0xb8;
	[tilespmem:$0x1FC80] =	vst v63  }
0x390: {  	_ =	swait.ge [sflag:s16], $0x2000  }
0x391: {  	[sflag:s16] =	ssyncset.done $0x0  }
0x392: {  	[sflag:s16] =	ssyncadd.s32 $0xFFFFE000  }
0x393: {  	[spmem:s15] =	stream.indirect.scatter.add.f32 [tilespmem:s13], [sflag:$0x2], $0x40, s17, s14, $0xb8;
	[tilespmem:$0x1FC80] =	vst v63  }
0x394: {  	_ =	swait.ge [sflag:s12], $0x2000  }
0x395: {  	s4 =	simm.s32 $0x200;
	s5 =	simm.s32 $0x400;
	[sflag:s12] =	ssyncset.done $0x0  }
.LBB2_14:
0x396: {  	s6 =	sshra.s32 s4, $0x2  }
0x397: {  	[sflag:s12] =	ssyncadd.s32 $0xFFFFE000;
	s4 =	smov.u32 s5;
	s7 =	sadd.s32 $0x200, s5  }
0x398: {  	p0 =	sne.s32 s5, $0x9E00;
	v4 =	vld [tilespmem:s6+$0x7800];
	_ =	sdelay $0x4  }
0x399: {  	[tilespmem:$0xA000] =	vst v4  }
0x39a: {  	v4 =	vld [tilespmem:s6+$0x7810];
	_ =	sdelay $0x4  }
0x39b: {  	[tilespmem:$0xA010] =	vst v4  }
0x39c: {  	v4 =	vld [tilespmem:s6+$0x7820];
	_ =	sdelay $0x4  }
0x39d: {  	[tilespmem:$0xA020] =	vst v4  }
0x39e: {  	v4 =	vld [tilespmem:s6+$0x7830];
	_ =	sdelay $0x4  }
0x39f: {  	[tilespmem:$0xA030] =	vst v4  }
0x3a0: {  	v4 =	vld [tilespmem:s6+$0x7840];
	_ =	sdelay $0x4  }
0x3a1: {  	[tilespmem:$0xA040] =	vst v4  }
0x3a2: {  	v4 =	vld [tilespmem:s6+$0x7850];
	_ =	sdelay $0x4  }
0x3a3: {  	[tilespmem:$0xA050] =	vst v4  }
0x3a4: {  	v4 =	vld [tilespmem:s6+$0x7860];
	_ =	sdelay $0x4  }
0x3a5: {  	[tilespmem:$0xA060] =	vst v4  }
0x3a6: {  	v4 =	vld [tilespmem:s6+$0x7870];
	_ =	sdelay $0x4  }
0x3a7: {  	s5 =	sadd.s32 $0x5000, s6;
	[tilespmem:$0xA070] =	vst v4  }
0x3a8: {  	[tilespmem:s13], [sflag:$0x1] =	stream.indirect.gather [hbm4b:s18+s14], $0x40, s5, s14, $0xb8;
	[tilespmem:$0x1FC80] =	vst v63  }
0x3a9: {  	_ =	swait.ge [sflag:s16], $0x2000  }
.Ltmp6:
0x3aa: {  	[sflag:s16] =	ssyncset.done $0x0;
	(pc) =	sbr.rel @p0 .LBB2_14-.Ltmp6, $4  }
0x3ab: {  	[sflag:s16] =	ssyncadd.s32 $0xFFFFE000  }
0x3ac: {  	[spmem:s15] =	stream.indirect.scatter.add.f32 [tilespmem:s13], [sflag:$0x2], $0x40, s17, s14, $0xb8;
	[tilespmem:$0x1FC80] =	vst v63  }
0x3ad: {  	_ =	swait.ge [sflag:s12], $0x2000  }
0x3ae: {  	s5 =	smov.u32 s7;
	[sflag:s12] =	ssyncset.done $0x0  }
0x3af: {  	s4 =	sshra.s32 s4, $0x2;
	[sflag:s12] =	ssyncadd.s32 $0xFFFFE000  }
0x3b0: {  	v4 =	vld [tilespmem:s4+$0x7800];
	_ =	sdelay $0x4  }
0x3b1: {  	[tilespmem:$0xA000] =	vst v4  }
0x3b2: {  	v4 =	vld [tilespmem:s4+$0x7810];
	_ =	sdelay $0x4  }
0x3b3: {  	[tilespmem:$0xA010] =	vst v4  }
0x3b4: {  	v4 =	vld [tilespmem:s4+$0x7820];
	_ =	sdelay $0x4  }
0x3b5: {  	[tilespmem:$0xA020] =	vst v4  }
0x3b6: {  	v4 =	vld [tilespmem:s4+$0x7830];
	_ =	sdelay $0x4  }
0x3b7: {  	[tilespmem:$0xA030] =	vst v4  }
0x3b8: {  	v4 =	vld [tilespmem:s4+$0x7840];
	_ =	sdelay $0x4  }
0x3b9: {  	[tilespmem:$0xA040] =	vst v4  }
0x3ba: {  	v4 =	vld [tilespmem:s4+$0x7850];
	_ =	sdelay $0x4  }
0x3bb: {  	[tilespmem:$0xA050] =	vst v4  }
0x3bc: {  	v4 =	vld [tilespmem:s4+$0x7860];
	_ =	sdelay $0x4  }
0x3bd: {  	[tilespmem:$0xA060] =	vst v4  }
0x3be: {  	v4 =	vld [tilespmem:s4+$0x7870];
	_ =	sdelay $0x4  }
0x3bf: {  	s4 =	sadd.s32 $0x5000, s4;
	[tilespmem:$0xA070] =	vst v4  }
0x3c0: {  	[tilespmem:s13], [sflag:$0x1] =	stream.indirect.gather [hbm4b:s18+s14], $0x40, s4, s14, $0xb8;
	[tilespmem:$0x1FC80] =	vst v63  }
0x3c1: {  	_ =	swait.ge [sflag:s16], $0x2000  }
0x3c2: {  	[sflag:s16] =	ssyncset.done $0x0  }
0x3c3: {  	[sflag:s16] =	ssyncadd.s32 $0xFFFFE000  }
0x3c4: {  	[spmem:s15] =	stream.indirect.scatter.add.f32 [tilespmem:s13], [sflag:$0x2], $0x40, s17, s14, $0xb8;
	[tilespmem:$0x1FC80] =	vst v63  }
0x3c5: {  	_ =	swait.ge [sflag:s12], $0x2000  }
0x3c6: {  	[sflag:s12] =	ssyncset.done $0x0  }
0x3c7: {  	[sflag:s12] =	ssyncadd.s32 $0xFFFFE000  }
0x3c8: {  	[bflag:$0x0] =	sbarrier.arrive $0xFFFF  }
0x3c9: {  	s7 =	rddreg [dreg:$0x10]  }
0x3ca: {  	[hbm:s7], [sflag:s29] =	dma.local [spmem:s30], $0x400  }
0x3cb: {  	_ =	swait.ge [sflag:s12], $0x400  }
0x3cc: {  	[sflag:s12] =	ssyncset.done $0x0  }
0x3cd: {  	s5 =	rddreg [dreg:$0x11];
	[sflag:s12] =	ssyncadd.s32 $0xFFFFFC00  }
0x3ce: {  	[hbm:s5], [sflag:s29] =	dma.local [spmem:s31], $0x400  }
0x3cf: {  	_ =	swait.ge [sflag:s12], $0x400  }
0x3d0: {  	[sflag:s12] =	ssyncset.done $0x0  }
0x3d1: {  	s6 =	rddreg [dreg:$0x12];
	[sflag:s12] =	ssyncadd.s32 $0xFFFFFC00  }
0x3d2: {  	[hbm:s6], [sflag:s29] =	dma.local [spmem:s1], $0x400  }
0x3d3: {  	_ =	swait.ge [sflag:s12], $0x400  }
0x3d4: {  	[sflag:s12] =	ssyncset.done $0x0  }
0x3d5: {  	s7 =	rddreg [dreg:$0x13];
	[sflag:s12] =	ssyncadd.s32 $0xFFFFFC00  }
0x3d6: {  	[hbm:s7], [sflag:s29] =	dma.local [spmem:s2], $0x400  }
0x3d7: {  	_ =	swait.ge [sflag:s12], $0x400  }
0x3d8: {  	[sflag:s12] =	ssyncset.done $0x0  }
0x3d9: {  	s5 =	rddreg [dreg:$0x14];
	[sflag:s12] =	ssyncadd.s32 $0xFFFFFC00  }
0x3da: {  	[hbm:s5], [sflag:s29] =	dma.local [spmem:s3], $0x400  }
0x3db: {  	_ =	swait.ge [sflag:s12], $0x400  }
0x3dc: {  	[sflag:s12] =	ssyncset.done $0x0  }
0x3dd: {  	s6 =	rddreg [dreg:$0x15];
	[sflag:s12] =	ssyncadd.s32 $0xFFFFFC00  }
0x3de: {  	[hbm:s6], [sflag:s29] =	dma.local [spmem:s19], $0x400  }
0x3df: {  	_ =	swait.ge [sflag:s12], $0x400  }
0x3e0: {  	[sflag:s12] =	ssyncset.done $0x0  }
0x3e1: {  	s7 =	rddreg [dreg:$0x16];
	[sflag:s12] =	ssyncadd.s32 $0xFFFFFC00  }
0x3e2: {  	[hbm:s7], [sflag:s29] =	dma.local [spmem:s20], $0x400  }
0x3e3: {  	_ =	swait.ge [sflag:s12], $0x400  }
0x3e4: {  	[sflag:s12] =	ssyncset.done $0x0  }
0x3e5: {  	s5 =	rddreg [dreg:$0x17];
	[sflag:s12] =	ssyncadd.s32 $0xFFFFFC00  }
0x3e6: {  	[hbm:s5], [sflag:s29] =	dma.local [spmem:s24], $0x400  }
0x3e7: {  	_ =	swait.ge [sflag:s12], $0x400  }
0x3e8: {  	[sflag:s12] =	ssyncset.done $0x0  }
0x3e9: {  	s6 =	rddreg [dreg:$0x18];
	[sflag:s12] =	ssyncadd.s32 $0xFFFFFC00  }
0x3ea: {  	[hbm:s6], [sflag:s29] =	dma.local [spmem:s25], $0x400  }
0x3eb: {  	_ =	swait.ge [sflag:s12], $0x400  }
0x3ec: {  	[sflag:s12] =	ssyncset.done $0x0  }
0x3ed: {  	s7 =	rddreg [dreg:$0x5];
	[sflag:s12] =	ssyncadd.s32 $0xFFFFFC00  }
0x3ee: {  	[hbm:s7], [sflag:s29] =	dma.local [spmem:s26], $0x380  }
0x3ef: {  	_ =	swait.ge [sflag:s12], $0x380  }
0x3f0: {  	[sflag:s12] =	ssyncset.done $0x0  }
0x3f1: {  	s5 =	simm.s32 $0x280;
	[sflag:s12] =	ssyncadd.s32 $0xFFFFFC80  }
0x3f2: {  	[tilespmem:s13], [sflag:$0x1] =	stream.indirect.gather [hbm4b:s18+s14], $0x40, s5, s14, $0xb8;
	[tilespmem:$0x1FC80] =	vst v63  }
0x3f3: {  	_ =	swait.ge [sflag:s16], $0x2000  }
0x3f4: {  	s5 =	sld [smem:$0x7E2]  }
0x3f5: {  	[sflag:s16] =	ssyncset.done $0x0  }
0x3f6: {  	s4 =	simm.s32 $0x0;
	[sflag:s16] =	ssyncadd.s32 $0xFFFFE000  }
0x3f7: {  	[hbm4b:s5+s4] =	stream.linear.scatter [tilespmem:s13], [sflag:$0x2], $0x2000, $0x38;
	[tilespmem:$0x1FC80] =	vst v63  }
0x3f8: {  	_ =	swait.ge [sflag:s12], $0x2000  }
0x3f9: {  	[sflag:s12] =	ssyncset.done $0x0  }
0x3fa: {  	s6 =	simm.s32 $0x300;
	[sflag:s12] =	ssyncadd.s32 $0xFFFFE000  }
0x3fb: {  	[tilespmem:s13], [sflag:$0x1] =	stream.indirect.gather [hbm4b:s18+s14], $0x40, s6, s14, $0xb8;
	[tilespmem:$0x1FC80] =	vst v63  }
0x3fc: {  	_ =	swait.ge [sflag:s16], $0x2000  }
0x3fd: {  	s7 =	sld [smem:$0x7E3]  }
0x3fe: {  	[sflag:s16] =	ssyncset.done $0x0  }
0x3ff: {  	[sflag:s16] =	ssyncadd.s32 $0xFFFFE000  }
0x400: {  	[hbm4b:s7+s4] =	stream.linear.scatter [tilespmem:s13], [sflag:$0x2], $0x2000, $0x38;
	[tilespmem:$0x1FC80] =	vst v63  }
0x401: {  	_ =	swait.ge [sflag:s12], $0x2000  }
0x402: {  	[sflag:s12] =	ssyncset.done $0x0  }
0x403: {  	s6 =	simm.s32 $0x380;
	[sflag:s12] =	ssyncadd.s32 $0xFFFFE000  }
0x404: {  	[tilespmem:s13], [sflag:$0x1] =	stream.indirect.gather [hbm4b:s18+s14], $0x40, s6, s14, $0xb8;
	[tilespmem:$0x1FC80] =	vst v63  }
0x405: {  	_ =	swait.ge [sflag:s16], $0x2000  }
0x406: {  	s7 =	sld [smem:$0x7E4]  }
0x407: {  	[sflag:s16] =	ssyncset.done $0x0  }
0x408: {  	[sflag:s16] =	ssyncadd.s32 $0xFFFFE000  }
0x409: {  	[hbm4b:s7+s4] =	stream.linear.scatter [tilespmem:s13], [sflag:$0x2], $0x2000, $0x38;
	[tilespmem:$0x1FC80] =	vst v63  }
0x40a: {  	_ =	swait.ge [sflag:s12], $0x2000  }
0x40b: {  	[sflag:s12] =	ssyncset.done $0x0  }
0x40c: {  	s6 =	simm.s32 $0x400;
	[sflag:s12] =	ssyncadd.s32 $0xFFFFE000  }
0x40d: {  	[tilespmem:s13], [sflag:$0x1] =	stream.indirect.gather [hbm4b:s18+s14], $0x40, s6, s14, $0xb8;
	[tilespmem:$0x1FC80] =	vst v63  }
0x40e: {  	_ =	swait.ge [sflag:s16], $0x2000  }
0x40f: {  	s7 =	sld [smem:$0x7E5]  }
0x410: {  	[sflag:s16] =	ssyncset.done $0x0  }
0x411: {  	[sflag:s16] =	ssyncadd.s32 $0xFFFFE000  }
0x412: {  	[hbm4b:s7+s4] =	stream.linear.scatter [tilespmem:s13], [sflag:$0x2], $0x2000, $0x38;
	[tilespmem:$0x1FC80] =	vst v63  }
0x413: {  	_ =	swait.ge [sflag:s12], $0x2000  }
0x414: {  	[sflag:s12] =	ssyncset.done $0x0  }
0x415: {  	s6 =	simm.s32 $0x480;
	[sflag:s12] =	ssyncadd.s32 $0xFFFFE000  }
0x416: {  	[tilespmem:s13], [sflag:$0x1] =	stream.indirect.gather [hbm4b:s18+s14], $0x40, s6, s14, $0xb8;
	[tilespmem:$0x1FC80] =	vst v63  }
0x417: {  	_ =	swait.ge [sflag:s16], $0x2000  }
0x418: {  	s7 =	sld [smem:$0x7E6]  }
0x419: {  	[sflag:s16] =	ssyncset.done $0x0  }
0x41a: {  	[sflag:s16] =	ssyncadd.s32 $0xFFFFE000  }
0x41b: {  	[hbm4b:s7+s4] =	stream.linear.scatter [tilespmem:s13], [sflag:$0x2], $0x2000, $0x38;
	[tilespmem:$0x1FC80] =	vst v63  }
0x41c: {  	_ =	swait.ge [sflag:s12], $0x2000  }
0x41d: {  	[sflag:s12] =	ssyncset.done $0x0  }
0x41e: {  	s5 =	simm.s32 $0x0;
	[sflag:s12] =	ssyncadd.s32 $0xFFFFE000  }
0x41f: {  	v5 =	vld [tilespmem:s5+$0x2870]  }
0x420: {  	v8 =	vld [tilespmem:s5+$0x2800]  }
0x421: {  	v9 =	vld [tilespmem:s5+$0x2810]  }
0x422: {  	v7 =	vld [tilespmem:s5+$0x2820]  }
0x423: {  	v6 =	vld [tilespmem:s5+$0x2830]  }
0x424: {  	v4 =	vld [tilespmem:s5+$0x2840];
	v10 =	vadd.s32 v2, v5  }
0x425: {  	v5 =	vld [tilespmem:s5+$0x2850];
	v8 =	vadd.s32 v2, v8;
	[tilespmem:s5+$0x5070] =	vst v10  }
0x426: {  	s6 =	simm.s32 $0x400;
	s4 =	simm.s32 $0x80;
	v9 =	vadd.s32 v2, v9;
	[tilespmem:s5+$0x5000] =	vst v8;
	v8 =	vld [tilespmem:s5+$0x2860]  }
.LBB2_16:
0x427: {  	p0 =	sne.s32 s6, $0x9E00;
	v10 =	vld [tilespmem:s4+$0x2870];
	[tilespmem:s5+$0x5010] =	vst v9;
	v7 =	vadd.s32 v2, v7  }
0x428: {  	v9 =	vld [tilespmem:s4+$0x2800];
	[tilespmem:s5+$0x5020] =	vst v7;
	v6 =	vadd.s32 v2, v6  }
0x429: {  	v11 =	vld [tilespmem:s4+$0x2810];
	[tilespmem:s5+$0x5030] =	vst v6;
	v4 =	vadd.s32 v2, v4  }
.Ltmp7:
0x42a: {  	v7 =	vld [tilespmem:s4+$0x2820];
	[tilespmem:s5+$0x5040] =	vst v4;
	v4 =	vadd.s32 v2, v5;
	(pc) =	sbr.rel @p0 .LBB2_16-.Ltmp7, $4  }
0x42b: {  	v6 =	vld [tilespmem:s4+$0x2830];
	[tilespmem:s5+$0x5050] =	vst v4;
	v5 =	vadd.s32 v2, v8  }
0x42c: {  	v4 =	vld [tilespmem:s4+$0x2840];
	v8 =	vadd.s32 v2, v10;
	[tilespmem:s5+$0x5060] =	vst v5;
	s5 =	smov.u32 s4  }
0x42d: {  	v9 =	vadd.s32 v2, v9;
	v5 =	vld [tilespmem:s5+$0x2850];
	[tilespmem:s5+$0x5070] =	vst v8  }
0x42e: {  	s4 =	sshra.s32 s6, $0x2;
	s6 =	sadd.s32 $0x200, s6;
	[tilespmem:s5+$0x5000] =	vst v9;
	v9 =	vadd.s32 v2, v11;
	v8 =	vld [tilespmem:s5+$0x2860]  }
0x42f: {  	v10 =	vld [tilespmem:s4+$0x2870];
	[tilespmem:s5+$0x5010] =	vst v9;
	v7 =	vadd.s32 v2, v7  }
0x430: {  	v9 =	vld [tilespmem:s4+$0x2800];
	[tilespmem:s5+$0x5020] =	vst v7;
	v6 =	vadd.s32 v2, v6  }
0x431: {  	v7 =	vld [tilespmem:s4+$0x2810];
	[tilespmem:s5+$0x5030] =	vst v6;
	v4 =	vadd.s32 v2, v4  }
0x432: {  	v6 =	vld [tilespmem:s4+$0x2820];
	[tilespmem:s5+$0x5040] =	vst v4;
	v4 =	vadd.s32 v2, v5  }
0x433: {  	v5 =	vld [tilespmem:s4+$0x2830];
	[tilespmem:s5+$0x5050] =	vst v4;
	v4 =	vadd.s32 v2, v8  }
0x434: {  	v31 =	vld [tilespmem:s4+$0x2840];
	[tilespmem:s5+$0x5060] =	vst v4;
	v4 =	vadd.s32 v2, v10  }
0x435: {  	v32 =	vld [tilespmem:s4+$0x2850];
	v9 =	vadd.s32 v2, v9;
	[tilespmem:s4+$0x5070] =	vst v4  }
0x436: {  	v33 =	vld [tilespmem:s4+$0x2860];
	[tilespmem:s4+$0x5000] =	vst v9;
	v4 =	vadd.s32 v2, v7  }
0x437: {  	[tilespmem:s4+$0x5010] =	vst v4;
	v4 =	vadd.s32 v2, v6  }
0x438: {  	[tilespmem:s4+$0x5020] =	vst v4;
	v4 =	vadd.s32 v2, v5  }
0x439: {  	[tilespmem:s4+$0x5030] =	vst v4;
	v4 =	vadd.s32 v2, v31  }
0x43a: {  	[tilespmem:s4+$0x5040] =	vst v4;
	v4 =	vadd.s32 v2, v32  }
0x43b: {  	[tilespmem:s4+$0x5050] =	vst v4;
	v4 =	vadd.s32 v2, v33  }
0x43c: {  	[tilespmem:s4+$0x5060] =	vst v4  }
0x43d: {  	v4 =	vld [tilespmem:$0x0]  }
0x43e: {  	v5 =	vld [tilespmem:$0x10]  }
0x43f: {  	v34 =	vld [tilespmem:$0x20]  }
0x440: {  	v35 =	vld [tilespmem:$0x30]  }
0x441: {  	v36 =	vld [tilespmem:$0x40]  }
0x442: {  	v9 =	vld [tilespmem:$0x50];
	v4 =	vadd.s32 v2, v4  }
0x443: {  	[tilespmem:$0x280] =	vst v4;
	v4 =	vadd.s32 v2, v5;
	v5 =	vld [tilespmem:$0x60]  }
0x444: {  	v37 =	vld [tilespmem:$0x70];
	[tilespmem:$0x290] =	vst v4;
	v4 =	vadd.s32 v2, v34  }
0x445: {  	v38 =	vld [tilespmem:$0x80];
	[tilespmem:$0x2A0] =	vst v4;
	v4 =	vadd.s32 v2, v35  }
0x446: {  	v39 =	vld [tilespmem:$0x90];
	[tilespmem:$0x2B0] =	vst v4;
	v4 =	vadd.s32 v2, v36  }
0x447: {  	v40 =	vld [tilespmem:$0xA0];
	[tilespmem:$0x2C0] =	vst v4;
	v4 =	vadd.s32 v2, v9  }
0x448: {  	[tilespmem:$0x2D0] =	vst v4;
	v4 =	vadd.s32 v2, v5;
	v5 =	vld [tilespmem:$0xB0]  }
0x449: {  	v41 =	vld [tilespmem:$0xC0];
	[tilespmem:$0x2E0] =	vst v4;
	v4 =	vadd.s32 v2, v37  }
0x44a: {  	v42 =	vld [tilespmem:$0xD0];
	[tilespmem:$0x2F0] =	vst v4;
	v4 =	vadd.s32 v2, v38  }
0x44b: {  	v43 =	vld [tilespmem:$0xE0];
	[tilespmem:$0x300] =	vst v4;
	v4 =	vadd.s32 v2, v39  }
0x44c: {  	v44 =	vld [tilespmem:$0xF0];
	[tilespmem:$0x310] =	vst v4;
	v4 =	vadd.s32 v2, v40  }
0x44d: {  	[tilespmem:$0x320] =	vst v4;
	v4 =	vadd.s32 v2, v5;
	v5 =	vld [tilespmem:$0x100]  }
0x44e: {  	v45 =	vld [tilespmem:$0x110];
	[tilespmem:$0x330] =	vst v4;
	v4 =	vadd.s32 v2, v41  }
0x44f: {  	v46 =	vld [tilespmem:$0x120];
	[tilespmem:$0x340] =	vst v4;
	v4 =	vadd.s32 v2, v42  }
0x450: {  	v47 =	vld [tilespmem:$0x130];
	[tilespmem:$0x350] =	vst v4;
	v4 =	vadd.s32 v2, v43  }
0x451: {  	v48 =	vld [tilespmem:$0x140];
	[tilespmem:$0x360] =	vst v4;
	v4 =	vadd.s32 v2, v44  }
0x452: {  	[tilespmem:$0x370] =	vst v4;
	v4 =	vadd.s32 v2, v5;
	v5 =	vld [tilespmem:$0x150]  }
0x453: {  	v49 =	vld [tilespmem:$0x160];
	[tilespmem:$0x380] =	vst v4;
	v4 =	vadd.s32 v2, v45  }
0x454: {  	v50 =	vld [tilespmem:$0x170];
	[tilespmem:$0x390] =	vst v4;
	v4 =	vadd.s32 v2, v46  }
0x455: {  	v51 =	vld [tilespmem:$0x180];
	[tilespmem:$0x3A0] =	vst v4;
	v4 =	vadd.s32 v2, v47  }
0x456: {  	v52 =	vld [tilespmem:$0x190];
	[tilespmem:$0x3B0] =	vst v4;
	v4 =	vadd.s32 v2, v48  }
0x457: {  	[tilespmem:$0x3C0] =	vst v4;
	v4 =	vadd.s32 v2, v5;
	v5 =	vld [tilespmem:$0x1A0]  }
0x458: {  	v53 =	vld [tilespmem:$0x1B0];
	[tilespmem:$0x3D0] =	vst v4;
	v4 =	vadd.s32 v2, v49  }
0x459: {  	v54 =	vld [tilespmem:$0x1C0];
	[tilespmem:$0x3E0] =	vst v4;
	v4 =	vadd.s32 v2, v50  }
0x45a: {  	v55 =	vld [tilespmem:$0x1D0];
	[tilespmem:$0x3F0] =	vst v4;
	v4 =	vadd.s32 v2, v51  }
0x45b: {  	v56 =	vld [tilespmem:$0x1E0];
	[tilespmem:$0x400] =	vst v4;
	v4 =	vadd.s32 v2, v52  }
0x45c: {  	[tilespmem:$0x410] =	vst v4;
	v4 =	vadd.s32 v2, v5;
	v5 =	vld [tilespmem:$0x1F0]  }
0x45d: {  	v57 =	vld [tilespmem:$0x200];
	[tilespmem:$0x420] =	vst v4;
	v4 =	vadd.s32 v2, v53  }
0x45e: {  	v58 =	vld [tilespmem:$0x210];
	[tilespmem:$0x430] =	vst v4;
	v4 =	vadd.s32 v2, v54  }
0x45f: {  	v59 =	vld [tilespmem:$0x220];
	[tilespmem:$0x440] =	vst v4;
	v4 =	vadd.s32 v2, v55  }
0x460: {  	v60 =	vld [tilespmem:$0x230];
	[tilespmem:$0x450] =	vst v4;
	v4 =	vadd.s32 v2, v56  }
0x461: {  	[tilespmem:$0x460] =	vst v4;
	v4 =	vadd.s32 v2, v5;
	v5 =	vld [tilespmem:$0x240]  }
0x462: {  	v61 =	vld [tilespmem:$0x250];
	[tilespmem:$0x470] =	vst v4;
	v4 =	vadd.s32 v2, v57  }
0x463: {  	v62 =	vld [tilespmem:$0x260];
	[tilespmem:$0x480] =	vst v4;
	v4 =	vadd.s32 v2, v58  }
0x464: {  	v63 =	vld [tilespmem:$0x270];
	[tilespmem:$0x490] =	vst v4;
	v4 =	vadd.s32 v2, v59  }
0x465: {  	[tilespmem:$0x4A0] =	vst v4;
	v4 =	vadd.s32 v2, v60  }
0x466: {  	[tilespmem:$0x4B0] =	vst v4;
	v4 =	vadd.s32 v2, v5  }
0x467: {  	[tilespmem:$0x4C0] =	vst v4;
	v4 =	vadd.s32 v2, v61  }
0x468: {  	[tilespmem:$0x4D0] =	vst v4;
	v4 =	vadd.s32 v2, v62  }
0x469: {  	[tilespmem:$0x4E0] =	vst v4;
	v4 =	vadd.s32 v2, v63  }
0x46a: {  	s5 =	simm.s32 $0x100;
	s4 =	simm.s32 $0x0;
	[tilespmem:$0x4F0] =	vst v4  }
.LBB2_18:
0x46b: {  	p0 =	sne.s32 s5, $0x7F00;
	[tilespmem:s4+$0xA0B0] =	vst v3;
	s6 =	smov.u32 s5;
	s5 =	sadd.s32 $0x100, s5  }
.Ltmp8:
0x46c: {  	[tilespmem:s4+$0xA0A0] =	vst v3;
	(pc) =	sbr.rel @p0 .LBB2_18-.Ltmp8, $3  }
0x46d: {  	[tilespmem:s4+$0xA080] =	vst v3  }
0x46e: {  	[tilespmem:s4+$0xA090] =	vst v3;
	_ =	sdelay $0x1  }
0x46f: {  	s4 =	sshra.s32 s6, $0x2  }
0x470: {  	[tilespmem:s4+$0xA0B0] =	vst v3  }
0x471: {  	[tilespmem:s4+$0xA0A0] =	vst v3  }
0x472: {  	[tilespmem:s4+$0xA080] =	vst v3  }
0x473: {  	[tilespmem:s4+$0xA090] =	vst v3  }
0x474: {  	[spmem:s22] =	stream.linear.scatter [tilespmem:s13], [sflag:$0x2], $0x2000, $0x38;
	[tilespmem:$0x1FC80] =	vst v63  }
0x475: {  	_ =	swait.ge [sflag:s12], $0x2000  }
0x476: {  	s5 =	sld [smem:$0x7FA]  }
0x477: {  	[sflag:s12] =	ssyncset.done $0x0  }
0x478: {  	[sflag:s12] =	ssyncadd.s32 $0xFFFFE000  }
0x479: {  	[spmem:s5] =	stream.linear.scatter [tilespmem:s13], [sflag:$0x2], $0x2000, $0x38;
	[tilespmem:$0x1FC80] =	vst v63  }
0x47a: {  	_ =	swait.ge [sflag:s12], $0x2000  }
0x47b: {  	s6 =	sld [smem:$0x7FB]  }
0x47c: {  	[sflag:s12] =	ssyncset.done $0x0  }
0x47d: {  	[sflag:s12] =	ssyncadd.s32 $0xFFFFE000  }
0x47e: {  	[spmem:s6] =	stream.linear.scatter [tilespmem:s13], [sflag:$0x2], $0x2000, $0x38;
	[tilespmem:$0x1FC80] =	vst v63  }
0x47f: {  	_ =	swait.ge [sflag:s12], $0x2000  }
0x480: {  	s7 =	sld [smem:$0x7FC]  }
0x481: {  	[sflag:s12] =	ssyncset.done $0x0  }
0x482: {  	[sflag:s12] =	ssyncadd.s32 $0xFFFFE000  }
0x483: {  	[spmem:s7] =	stream.linear.scatter [tilespmem:s13], [sflag:$0x2], $0x2000, $0x38;
	[tilespmem:$0x1FC80] =	vst v63  }
0x484: {  	_ =	swait.ge [sflag:s12], $0x2000  }
0x485: {  	s5 =	sld [smem:$0x7FD]  }
0x486: {  	[sflag:s12] =	ssyncset.done $0x0  }
0x487: {  	[sflag:s12] =	ssyncadd.s32 $0xFFFFE000  }
0x488: {  	[spmem:s5] =	stream.linear.scatter [tilespmem:s13], [sflag:$0x2], $0x2000, $0x38;
	[tilespmem:$0x1FC80] =	vst v63  }
0x489: {  	_ =	swait.ge [sflag:s12], $0x2000  }
0x48a: {  	[sflag:s12] =	ssyncset.done $0x0  }
0x48b: {  	[sflag:s12] =	ssyncadd.s32 $0xFFFFE000  }
0x48c: {  	[spmem:s8] =	stream.linear.scatter [tilespmem:s13], [sflag:$0x2], $0x2000, $0x38;
	[tilespmem:$0x1FC80] =	vst v63  }
0x48d: {  	_ =	swait.ge [sflag:s12], $0x2000  }
0x48e: {  	[sflag:s12] =	ssyncset.done $0x0  }
0x48f: {  	[sflag:s12] =	ssyncadd.s32 $0xFFFFE000  }
0x490: {  	[spmem:s9] =	stream.linear.scatter [tilespmem:s13], [sflag:$0x2], $0x2000, $0x38;
	[tilespmem:$0x1FC80] =	vst v63  }
0x491: {  	_ =	swait.ge [sflag:s12], $0x2000  }
0x492: {  	[sflag:s12] =	ssyncset.done $0x0  }
0x493: {  	[sflag:s12] =	ssyncadd.s32 $0xFFFFE000  }
0x494: {  	[spmem:s10] =	stream.linear.scatter [tilespmem:s13], [sflag:$0x2], $0x2000, $0x38;
	[tilespmem:$0x1FC80] =	vst v63  }
0x495: {  	_ =	swait.ge [sflag:s12], $0x2000  }
0x496: {  	[sflag:s12] =	ssyncset.done $0x0  }
0x497: {  	[sflag:s12] =	ssyncadd.s32 $0xFFFFE000  }
0x498: {  	[spmem:s11] =	stream.linear.scatter [tilespmem:s13], [sflag:$0x2], $0x2000, $0x38;
	[tilespmem:$0x1FC80] =	vst v63  }
0x499: {  	_ =	swait.ge [sflag:s12], $0x2000  }
0x49a: {  	[sflag:s12] =	ssyncset.done $0x0  }
0x49b: {  	[sflag:s12] =	ssyncadd.s32 $0xFFFFE000  }
0x49c: {  	[spmem:s23] =	stream.linear.scatter [tilespmem:s13], [sflag:$0x2], $0x1C00, $0x38;
	[tilespmem:$0x1FC80] =	vst v63  }
0x49d: {  	_ =	swait.ge [sflag:s12], $0x1C00  }
0x49e: {  	[sflag:s12] =	ssyncset.done $0x0  }
0x49f: {  	[sflag:s12] =	ssyncadd.s32 $0xFFFFE400  }
0x4a0: {  	s6 =	simm.s32 $0x0;
	[bflag:$0x0] =	sbarrier.arrive $0xFFFF  }
0x4a1: {  	v4 =	vld [tilespmem:s6+$0x7800];
	_ =	sdelay $0x4  }
0x4a2: {  	[tilespmem:$0xA000] =	vst v4  }
0x4a3: {  	v4 =	vld [tilespmem:s6+$0x7810];
	_ =	sdelay $0x4  }
0x4a4: {  	[tilespmem:$0xA010] =	vst v4  }
0x4a5: {  	v4 =	vld [tilespmem:s6+$0x7820];
	_ =	sdelay $0x4  }
0x4a6: {  	[tilespmem:$0xA020] =	vst v4  }
0x4a7: {  	v4 =	vld [tilespmem:s6+$0x7830];
	_ =	sdelay $0x4  }
0x4a8: {  	[tilespmem:$0xA030] =	vst v4  }
0x4a9: {  	v4 =	vld [tilespmem:s6+$0x7840];
	_ =	sdelay $0x4  }
0x4aa: {  	[tilespmem:$0xA040] =	vst v4  }
0x4ab: {  	v4 =	vld [tilespmem:s6+$0x7850];
	_ =	sdelay $0x4  }
0x4ac: {  	[tilespmem:$0xA050] =	vst v4  }
0x4ad: {  	v4 =	vld [tilespmem:s6+$0x7860];
	_ =	sdelay $0x4  }
0x4ae: {  	[tilespmem:$0xA060] =	vst v4  }
0x4af: {  	v4 =	vld [tilespmem:s6+$0x7870];
	_ =	sdelay $0x4  }
0x4b0: {  	s7 =	simm.s32 $0x5000;
	[tilespmem:$0xA070] =	vst v4  }
0x4b1: {  	[tilespmem:s13], [sflag:$0x1] =	stream.indirect.gather [hbm4b:s18+s14], $0x40, s7, s14, $0xb8;
	[tilespmem:$0x1FC80] =	vst v63  }
0x4b2: {  	_ =	swait.ge [sflag:s16], $0x2000  }
0x4b3: {  	[sflag:s16] =	ssyncset.done $0x0  }
0x4b4: {  	[sflag:s16] =	ssyncadd.s32 $0xFFFFE000  }
0x4b5: {  	[spmem:s15] =	stream.indirect.scatter.add.f32 [tilespmem:s13], [sflag:$0x2], $0x40, s17, s14, $0xb8;
	[tilespmem:$0x1FC80] =	vst v63  }
0x4b6: {  	_ =	swait.ge [sflag:s12], $0x2000  }
0x4b7: {  	s4 =	simm.s32 $0x200;
	s7 =	simm.s32 $0x400;
	[sflag:s12] =	ssyncset.done $0x0  }
.LBB2_20:
0x4b8: {  	s6 =	sshra.s32 s4, $0x2  }
0x4b9: {  	[sflag:s12] =	ssyncadd.s32 $0xFFFFE000;
	s4 =	smov.u32 s7;
	s5 =	sadd.s32 $0x200, s7  }
0x4ba: {  	p0 =	sne.s32 s7, $0x9E00;
	v4 =	vld [tilespmem:s6+$0x7800];
	_ =	sdelay $0x4  }
0x4bb: {  	[tilespmem:$0xA000] =	vst v4  }
0x4bc: {  	v4 =	vld [tilespmem:s6+$0x7810];
	_ =	sdelay $0x4  }
0x4bd: {  	[tilespmem:$0xA010] =	vst v4  }
0x4be: {  	v4 =	vld [tilespmem:s6+$0x7820];
	_ =	sdelay $0x4  }
0x4bf: {  	[tilespmem:$0xA020] =	vst v4  }
0x4c0: {  	v4 =	vld [tilespmem:s6+$0x7830];
	_ =	sdelay $0x4  }
0x4c1: {  	[tilespmem:$0xA030] =	vst v4  }
0x4c2: {  	v4 =	vld [tilespmem:s6+$0x7840];
	_ =	sdelay $0x4  }
0x4c3: {  	[tilespmem:$0xA040] =	vst v4  }
0x4c4: {  	v4 =	vld [tilespmem:s6+$0x7850];
	_ =	sdelay $0x4  }
0x4c5: {  	[tilespmem:$0xA050] =	vst v4  }
0x4c6: {  	v4 =	vld [tilespmem:s6+$0x7860];
	_ =	sdelay $0x4  }
0x4c7: {  	[tilespmem:$0xA060] =	vst v4  }
0x4c8: {  	v4 =	vld [tilespmem:s6+$0x7870];
	_ =	sdelay $0x4  }
0x4c9: {  	s6 =	sadd.s32 $0x5000, s6;
	[tilespmem:$0xA070] =	vst v4  }
0x4ca: {  	[tilespmem:s13], [sflag:$0x1] =	stream.indirect.gather [hbm4b:s18+s14], $0x40, s6, s14, $0xb8;
	[tilespmem:$0x1FC80] =	vst v63  }
0x4cb: {  	_ =	swait.ge [sflag:s16], $0x2000  }
.Ltmp9:
0x4cc: {  	[sflag:s16] =	ssyncset.done $0x0;
	(pc) =	sbr.rel @p0 .LBB2_20-.Ltmp9, $4  }
0x4cd: {  	[sflag:s16] =	ssyncadd.s32 $0xFFFFE000  }
0x4ce: {  	[spmem:s15] =	stream.indirect.scatter.add.f32 [tilespmem:s13], [sflag:$0x2], $0x40, s17, s14, $0xb8;
	[tilespmem:$0x1FC80] =	vst v63  }
0x4cf: {  	_ =	swait.ge [sflag:s12], $0x2000  }
0x4d0: {  	s7 =	smov.u32 s5;
	[sflag:s12] =	ssyncset.done $0x0  }
0x4d1: {  	s4 =	sshra.s32 s4, $0x2;
	[sflag:s12] =	ssyncadd.s32 $0xFFFFE000  }
0x4d2: {  	v4 =	vld [tilespmem:s4+$0x7800];
	_ =	sdelay $0x4  }
0x4d3: {  	[tilespmem:$0xA000] =	vst v4  }
0x4d4: {  	v4 =	vld [tilespmem:s4+$0x7810];
	_ =	sdelay $0x4  }
0x4d5: {  	[tilespmem:$0xA010] =	vst v4  }
0x4d6: {  	v4 =	vld [tilespmem:s4+$0x7820];
	_ =	sdelay $0x4  }
0x4d7: {  	[tilespmem:$0xA020] =	vst v4  }
0x4d8: {  	v4 =	vld [tilespmem:s4+$0x7830];
	_ =	sdelay $0x4  }
0x4d9: {  	[tilespmem:$0xA030] =	vst v4  }
0x4da: {  	v4 =	vld [tilespmem:s4+$0x7840];
	_ =	sdelay $0x4  }
0x4db: {  	[tilespmem:$0xA040] =	vst v4  }
0x4dc: {  	v4 =	vld [tilespmem:s4+$0x7850];
	_ =	sdelay $0x4  }
0x4dd: {  	[tilespmem:$0xA050] =	vst v4  }
0x4de: {  	v4 =	vld [tilespmem:s4+$0x7860];
	_ =	sdelay $0x4  }
0x4df: {  	[tilespmem:$0xA060] =	vst v4  }
0x4e0: {  	v4 =	vld [tilespmem:s4+$0x7870];
	_ =	sdelay $0x4  }
0x4e1: {  	s4 =	sadd.s32 $0x5000, s4;
	[tilespmem:$0xA070] =	vst v4  }
0x4e2: {  	[tilespmem:s13], [sflag:$0x1] =	stream.indirect.gather [hbm4b:s18+s14], $0x40, s4, s14, $0xb8;
	[tilespmem:$0x1FC80] =	vst v63  }
0x4e3: {  	_ =	swait.ge [sflag:s16], $0x2000  }
0x4e4: {  	[sflag:s16] =	ssyncset.done $0x0  }
0x4e5: {  	[sflag:s16] =	ssyncadd.s32 $0xFFFFE000  }
0x4e6: {  	[spmem:s15] =	stream.indirect.scatter.add.f32 [tilespmem:s13], [sflag:$0x2], $0x40, s17, s14, $0xb8;
	[tilespmem:$0x1FC80] =	vst v63  }
0x4e7: {  	_ =	swait.ge [sflag:s12], $0x2000  }
0x4e8: {  	[sflag:s12] =	ssyncset.done $0x0  }
0x4e9: {  	[sflag:s12] =	ssyncadd.s32 $0xFFFFE000  }
0x4ea: {  	[bflag:$0x0] =	sbarrier.arrive $0xFFFF  }
0x4eb: {  	s7 =	rddreg [dreg:$0x19]  }
0x4ec: {  	[hbm:s7], [sflag:s29] =	dma.local [spmem:s30], $0x400  }
0x4ed: {  	_ =	swait.ge [sflag:s12], $0x400  }
0x4ee: {  	[sflag:s12] =	ssyncset.done $0x0  }
0x4ef: {  	s30 =	rddreg [dreg:$0x1a];
	[sflag:s12] =	ssyncadd.s32 $0xFFFFFC00  }
0x4f0: {  	[hbm:s30], [sflag:s29] =	dma.local [spmem:s31], $0x400  }
0x4f1: {  	_ =	swait.ge [sflag:s12], $0x400  }
0x4f2: {  	[sflag:s12] =	ssyncset.done $0x0  }
0x4f3: {  	s5 =	rddreg [dreg:$0x1b];
	[sflag:s12] =	ssyncadd.s32 $0xFFFFFC00  }
0x4f4: {  	[hbm:s5], [sflag:s29] =	dma.local [spmem:s1], $0x400  }
0x4f5: {  	_ =	swait.ge [sflag:s12], $0x400  }
0x4f6: {  	[sflag:s12] =	ssyncset.done $0x0  }
0x4f7: {  	s6 =	rddreg [dreg:$0x1c];
	[sflag:s12] =	ssyncadd.s32 $0xFFFFFC00  }
0x4f8: {  	[hbm:s6], [sflag:s29] =	dma.local [spmem:s2], $0x400  }
0x4f9: {  	_ =	swait.ge [sflag:s12], $0x400  }
0x4fa: {  	[sflag:s12] =	ssyncset.done $0x0  }
0x4fb: {  	s7 =	rddreg [dreg:$0x1d];
	[sflag:s12] =	ssyncadd.s32 $0xFFFFFC00  }
0x4fc: {  	[hbm:s7], [sflag:s29] =	dma.local [spmem:s3], $0x400  }
0x4fd: {  	_ =	swait.ge [sflag:s12], $0x400  }
0x4fe: {  	[sflag:s12] =	ssyncset.done $0x0  }
0x4ff: {  	s30 =	rddreg [dreg:$0x1e];
	[sflag:s12] =	ssyncadd.s32 $0xFFFFFC00  }
0x500: {  	[hbm:s30], [sflag:s29] =	dma.local [spmem:s19], $0x400  }
0x501: {  	_ =	swait.ge [sflag:s12], $0x400  }
0x502: {  	[sflag:s12] =	ssyncset.done $0x0  }
0x503: {  	s31 =	rddreg [dreg:$0x1f];
	[sflag:s12] =	ssyncadd.s32 $0xFFFFFC00  }
0x504: {  	[hbm:s31], [sflag:s29] =	dma.local [spmem:s20], $0x400  }
0x505: {  	_ =	swait.ge [sflag:s12], $0x400  }
0x506: {  	s2 =	sld [smem:$0x7DB]  }
0x507: {  	[sflag:s12] =	ssyncset.done $0x0  }
0x508: {  	[sflag:s12] =	ssyncadd.s32 $0xFFFFFC00  }
0x509: {  	[hbm:s2], [sflag:s29] =	dma.local [spmem:s24], $0x400  }
0x50a: {  	_ =	swait.ge [sflag:s12], $0x400  }
0x50b: {  	s3 =	sld [smem:$0x7DC]  }
0x50c: {  	[sflag:s12] =	ssyncset.done $0x0  }
0x50d: {  	[sflag:s12] =	ssyncadd.s32 $0xFFFFFC00  }
0x50e: {  	[hbm:s3], [sflag:s29] =	dma.local [spmem:s25], $0x400  }
0x50f: {  	_ =	swait.ge [sflag:s12], $0x400  }
0x510: {  	[sflag:s12] =	ssyncset.done $0x0  }
0x511: {  	s4 =	rddreg [dreg:$0x6];
	[sflag:s12] =	ssyncadd.s32 $0xFFFFFC00  }
0x512: {  	[hbm:s4], [sflag:s29] =	dma.local [spmem:s26], $0x380  }
0x513: {  	_ =	swait.ge [sflag:s12], $0x380  }
0x514: {  	[sflag:s12] =	ssyncset.done $0x0  }
0x515: {  	s5 =	simm.s32 $0x280;
	[sflag:s12] =	ssyncadd.s32 $0xFFFFFC80  }
0x516: {  	[tilespmem:s13], [sflag:$0x1] =	stream.indirect.gather [hbm4b:s18+s14], $0x40, s5, s14, $0xb8;
	[tilespmem:$0x1FC80] =	vst v63  }
0x517: {  	_ =	swait.ge [sflag:s16], $0x2000  }
0x518: {  	s6 =	sld [smem:$0x7E7]  }
0x519: {  	[sflag:s16] =	ssyncset.done $0x0  }
0x51a: {  	[sflag:s16] =	ssyncadd.s32 $0xFFFFE000  }
0x51b: {  	[hbm4b:s6+s0] =	stream.linear.scatter [tilespmem:s13], [sflag:$0x2], $0x2000, $0x38;
	[tilespmem:$0x1FC80] =	vst v63  }
0x51c: {  	_ =	swait.ge [sflag:s12], $0x2000  }
0x51d: {  	[sflag:s12] =	ssyncset.done $0x0  }
0x51e: {  	s7 =	simm.s32 $0x300;
	[sflag:s12] =	ssyncadd.s32 $0xFFFFE000  }
0x51f: {  	[tilespmem:s13], [sflag:$0x1] =	stream.indirect.gather [hbm4b:s18+s14], $0x40, s7, s14, $0xb8;
	[tilespmem:$0x1FC80] =	vst v63  }
0x520: {  	_ =	swait.ge [sflag:s16], $0x2000  }
0x521: {  	s19 =	sld [smem:$0x7E8]  }
0x522: {  	[sflag:s16] =	ssyncset.done $0x0  }
0x523: {  	[sflag:s16] =	ssyncadd.s32 $0xFFFFE000  }
0x524: {  	[hbm4b:s19+s0] =	stream.linear.scatter [tilespmem:s13], [sflag:$0x2], $0x2000, $0x38;
	[tilespmem:$0x1FC80] =	vst v63  }
0x525: {  	_ =	swait.ge [sflag:s12], $0x2000  }
0x526: {  	[sflag:s12] =	ssyncset.done $0x0  }
0x527: {  	s20 =	simm.s32 $0x380;
	[sflag:s12] =	ssyncadd.s32 $0xFFFFE000  }
0x528: {  	[tilespmem:s13], [sflag:$0x1] =	stream.indirect.gather [hbm4b:s18+s14], $0x40, s20, s14, $0xb8;
	[tilespmem:$0x1FC80] =	vst v63  }
0x529: {  	_ =	swait.ge [sflag:s16], $0x2000  }
0x52a: {  	s24 =	sld [smem:$0x7E9]  }
0x52b: {  	[sflag:s16] =	ssyncset.done $0x0  }
0x52c: {  	[sflag:s16] =	ssyncadd.s32 $0xFFFFE000  }
0x52d: {  	[hbm4b:s24+s0] =	stream.linear.scatter [tilespmem:s13], [sflag:$0x2], $0x2000, $0x38;
	[tilespmem:$0x1FC80] =	vst v63  }
0x52e: {  	_ =	swait.ge [sflag:s12], $0x2000  }
0x52f: {  	[sflag:s12] =	ssyncset.done $0x0  }
0x530: {  	s25 =	simm.s32 $0x400;
	[sflag:s12] =	ssyncadd.s32 $0xFFFFE000  }
0x531: {  	[tilespmem:s13], [sflag:$0x1] =	stream.indirect.gather [hbm4b:s18+s14], $0x40, s25, s14, $0xb8;
	[tilespmem:$0x1FC80] =	vst v63  }
0x532: {  	_ =	swait.ge [sflag:s16], $0x2000  }
0x533: {  	s26 =	sld [smem:$0x7EA]  }
0x534: {  	[sflag:s16] =	ssyncset.done $0x0  }
0x535: {  	[sflag:s16] =	ssyncadd.s32 $0xFFFFE000  }
0x536: {  	[hbm4b:s26+s0] =	stream.linear.scatter [tilespmem:s13], [sflag:$0x2], $0x2000, $0x38;
	[tilespmem:$0x1FC80] =	vst v63  }
0x537: {  	_ =	swait.ge [sflag:s12], $0x2000  }
0x538: {  	[sflag:s12] =	ssyncset.done $0x0  }
0x539: {  	s29 =	simm.s32 $0x480;
	[sflag:s12] =	ssyncadd.s32 $0xFFFFE000  }
0x53a: {  	[tilespmem:s13], [sflag:$0x1] =	stream.indirect.gather [hbm4b:s18+s14], $0x40, s29, s14, $0xb8;
	[tilespmem:$0x1FC80] =	vst v63  }
0x53b: {  	_ =	swait.ge [sflag:s16], $0x2000  }
0x53c: {  	s30 =	sld [smem:$0x7EB]  }
0x53d: {  	[sflag:s16] =	ssyncset.done $0x0  }
0x53e: {  	[sflag:s16] =	ssyncadd.s32 $0xFFFFE000  }
0x53f: {  	[hbm4b:s30+s0] =	stream.linear.scatter [tilespmem:s13], [sflag:$0x2], $0x2000, $0x38;
	[tilespmem:$0x1FC80] =	vst v63  }
0x540: {  	_ =	swait.ge [sflag:s12], $0x2000  }
0x541: {  	s31 =	sld [smem:$0x7EF];
	_ =	sdelay $0x1  }
0x542: {  	s28 =	sadd.s32 $0x1, s28  }
0x543: {  	p0 =	sne.s32 s28, s31  }
.Ltmp10:
0x544: {  	_ = 	snop;
	(pc) =	sbr.rel @p0 .LBB2_1-.Ltmp10, $3  }
0x545: {  	_ =	sdelay $0x1  }
0x546: {  	[sflag:s12] =	ssyncset.done $0x0  }
0x547: {  	[sflag:s12] =	ssyncadd.s32 $0xFFFFE000  }
0x548: {  	_ =	sfence.sel $0x180000  }
0x549: {  	[bflag:$0x0] =	sbarrier.arrive $0xFFFF  }
0x54a: {  	_ =	strace $0x9000004A  }
0x54b: {  	s0 =	stileid.u32;
	[bflag:$0x2] =	sbarrier.arrive $0xFFFF  }
0x54c: {  	p0 =	sne.s32 s0, $0x0;
	s0 =	rddreg [dreg:$0x3]  }
0x54d: {  	s0 =	sadd.s32 @!p0 $0x100000, s0  }
0x54e: {  	[sflag:s0] =	ssyncadd.tile.s32 @!p0 $0x1;
	_ =	shalt  }
.Lfunc_end2:
_tile_overlayer_lowered:
.L_overlay_start_2:
0x54f: {  	(tag) =	ssettag $0x2  }
0x550: {  	s0 =	rddreg [dreg:$0x0];
	s2 =	stileid.u32  }
0x551: {  	s1 =	rddreg [dreg:$0x1];
	p0 =	sne.s32 s2, $0x0  }
0x552: {  	s3 =	rddreg [dreg:$0x2];
	[bflag:$0x3] =	sbarrier.arrive $0xFFFF;
	s2 =	simm.s32 @!p0 $0x1C02  }
0x553: {  	[timem:s3], [sflag:s2] =	dma.local @!p0 [hbm:s0], s1  }
0x554: {  	s0 =	simm.s32 @!p0 $0x2  }
0x555: {  	_ =	swait.ge @!p0 [sflag:s0], s1  }
0x556: {  	s1 =	ssub.s32 @!p0 $0x0, s1;
	[sflag:s0] =	ssyncset.done @!p0 $0x0  }
0x557: {  	[sflag:s0] =	ssyncadd.s32 @!p0 s1  }
0x558: {  	[bflag:$0x3] =	sbarrier.arrive $0xFFFF  }
0x559: {  	_ =	shalt  }

// kernel: sparse-core-data-format-call.cloned.1.call-start
scs
called_computation_lowered:
.L_overlay_start_0:
0x0: {  	s1 =	sld [smem:$0x3FD9]  }
0x1: {  	s2 =	sld [smem:$0x3FFE];
	_ =	sdelay $0x1  }
0x2: {  	s3 =	srdreg.scid  }
0x3: {  	s0 =	sand.u32 $0x1, s3  }
0x4: {  	s17 =	sshll.u32 s0, $0xA;
	s1 =	sadd.s32 s2, s1  }
0x5: {  	s1 =	sadd.s32 s1, s17  }
0x6: {  	[smem:$0x3FC2] =	sst s1  }
0x7: {  	_ = 	snop  }
0x8: {  	(tm) =	ssettm $0x1  }
0x9: {  	s18 =	sld [smem:$0x3FFB];
	_ =	sdelay $0x3  }
0xa: {  	_ =	strace s18  }
0xb: {  	s1 =	sld [smem:$0x3FFC];
	_ =	sdelay $0x3  }
0xc: {  	_ =	strace s1  }
0xd: {  	s1 =	sld [smem:$0x3FFD];
	_ =	sdelay $0x3  }
0xe: {  	_ =	strace s1  }
0xf: {  	_ =	strace $0x8FFFFFFF  }
0x10: {  	s19 =	sld [smem:$0x3FDB];
	_ =	sdelay $0x1  }
0x11: {  	s20 =	simm.s32 $_scs_section_size  }
0x12: {  	s4 =	simm.s32 $_size__tile_overlayer_lowered;
	s5 =	simm.s32 $_tile_overlayer_lowered  }
0x13: {  	s23 =	simm.s32 $0x1BFF;
	s22 =	sshll.u32 s5, $0x1;
	s1 =	sadd.s32 s20, s19  }
0x14: {  	s6 =	simm.s32 $0x0;
	s21 =	sshll.u32 s4, $0x1;
	s4 =	sadd.s32 s22, s1  }
0x15: {  	[timem:s6], [sflag:s23] =	dma.local [hbm:s4], s21  }
0x16: {  	_ =	swait.ge [sflag:s23], s21  }
0x17: {  	s2 =	ssub.s32 $0x0, s21;
	[sflag:s23] =	ssyncset.done $0x0  }
0x18: {  	[sflag:s23] =	ssyncadd.s32 s2;
	_ =	sdelay $0x1  }
0x19: {  	s24 =	simm.s32 $0x1B8B  }
0x1a: {  	_ =	swait.ge [sflag:s24], $0x1  }
0x1b: {  	[sflag:s24] =	ssyncset.done $0x0  }
0x1c: {  	s26 =	simm.s32 $0x1B8E;
	s25 =	sld [smem:$0x3FFE];
	[sflag:s24] =	ssyncadd.s32 $0xFFFFFFFF  }
0x1d: {  	s27 =	simm.s32 $execute0_lowered;
	[smem:$0x3FD2] =	sst s26  }
0x1e: {  	s4 =	sshll.u32 s27, $0x1;
	_ =	strace $0x80000046;
	[dreg:$0x1] =	wrdreg $0xFFFFFFFF  }
0x1f: {  	s28 =	simm.s32 $_size_execute0_lowered;
	s1 =	sadd.s32 s1, s4;
	[dreg:$0x0] =	wrdreg $0x0  }
0x20: {  	s4 =	sshll.u32 s28, $0x1;
	[dreg:$0x2] =	wrdreg s1  }
0x21: {  	[dreg:$0x3] =	wrdreg s4  }
0x22: {  	[dreg:$0x4] =	wrdreg $0xC0  }
0x23: {  	_ =	task [dreg:s6], $0x5FFFF  }
0x24: {  	[dreg:$0x1] =	wrdreg $0xFFFFFFFF  }
0x25: {  	[dreg:$0x0] =	wrdreg $0x60  }
0x26: {  	[dreg:$0x2] =	wrdreg s25  }
0x27: {  	[dreg:$0x3] =	wrdreg $0x9  }
0x28: {  	_ =	task.clear_ibuf [dreg:s6], $0x4FFFF;
	_ =	strace $0x90000046  }
0x29: {  	s29 =	simm.s32 $0x9;
	_ =	strace $0x80000048  }
0x2a: {  	_ =	swait.ge [sflag:s29], $0x1  }
0x2b: {  	[sflag:s29] =	ssyncadd.s32 $0xFFFFFFFF  }
0x2c: {  	_ =	strace $0x90000048  }
0x2d: {  	_ =	sfence  }
0x2e: {  	s30 =	sld [smem:$0x0];
	_ =	sdelay $0x2  }
0x2f: {  	s31 =	sshll.u32 s3, $0xD;
	s3 =	sshrl.u32 s3, $0x2  }
0x30: {  	s2 =	sand.u32 $0x4000, s31;
	s1 =	sadd.s32 s3, s30  }
0x31: {  	s0 =	sor.u32 s2, s0;
	s1 =	sshll.u32 s1, $0x11  }
0x32: {  	s0 =	sor.u32 s1, s0  }
0x33: {  	s0 =	sadd.s32 $0x8F2B, s0  }
0x34: {  	[sflag:s0] =	ssyncadd.remote.s32 $0x1  }
0x35: {  	_ =	sfence.sel $0xFFFF  }
0x36: {  	[dreg:$0x0] =	wrdreg $0xFFFFFFFF;
	(pc) =	sbr.abs _section_cstart, $3  }
0x37: {  	[dreg:$0x1] =	wrdreg $0xFFFFFFFF  }
0x38: {  	_ =	task.clear_ibuf [dreg:s6], $0x2FFFF;
	_ =	strace $0x9FFFFFFF  }
0x39: {  	(tm) =	ssettm $0x7FFFFFFF  }
tec
execute0_lowered:
.L_overlay_start_1:
0x0: {  	(tag) =	ssettag $0x1  }
0x1: {  	s0 =	srdreg.scid;
	s5 =	rddreg [dreg:$0x0];
	s6 =	simm.s32 $0x2  }
0x2: {  	s15 =	simm.s32 $0x0;
	p0 =	por $0x0, $0x0;
	s1 =	sshll.u32 s0, $0x4  }
0x3: {  	s8 =	simm.s32 $0xC00;
	s0 =	stileid.u32;
	s1 =	sand.u32 $0x10, s1  }
0x4: {  	s14 =	simm.s32 $0x0;
	s9 =	simm.s32 $0x0;
	s1 =	sor.u32 s0, s1  }
0x5: {  	s10 =	simm.s32 $0x0;
	s12 =	simm.s32 $0x0;
	s2 =	sshll.u32 s1, $0x7  }
.Ltmp0:
0x6: {  	s13 =	simm.s32 $0x0;
	s3 =	ssub.s32 $0xC300, s2;
	(pc) =	sbr.rel .LBB1_1-.Ltmp0, $4  }
0x7: {  	s1 =	rddreg [dreg:$0x1];
	_ =	strace $0x80000047;
	s4 =	sshrl.u32 s3, $0xC  }
0x8: {  	s11 =	smov.u32 s2;
	s3 =	simm.s32 $0x1;
	s7 =	smul.u32 $0x3, s4  }
0x9: {  	s4 =	sadd.s32 $0x1600, s5;
	[sflag:s3] =	ssyncpa.u1 $0x0;
	s5 =	sadd.s32 $0x24BE00, s5  }
0xa: {  	[sflag:s6] =	ssyncpa.u1 $0x0;
	s6 =	sadd.s32 $0x3, s7;
	s7 =	sadd.s32 $0x4, s7  }
.LBB1_5:
0xb: {  	p1 =	slt.u32 s13, $0x2  }
0xc: {  	s17 =	smov.u32 s15;
	p2 =	sgt.s32 @!p1 s15, $0xC2D0;
	s16 =	sshra.s32 @!p1 s15, $0x1F  }
0xd: {  	p3 =	sgt.s32 @!p1 s14, $0x100;
	s18 =	sshra.s32 @!p1 s14, $0x1F;
	p2 =	por !p2, p1  }
0xe: {  	s15 =	sand.u32 @!p1 s16, s15;
	p3 =	por !p3, p1;
	s16 =	smov.u32 s14  }
0xf: {  	s14 =	sand.u32 @!p1 s18, s14;
	s17 =	simm.s32 @p2 $0xC2D0;
	s16 =	simm.s32 @p3 $0x100  }
0x10: {  	s15 =	ssub.s32 @!p1 s17, s15;
	s14 =	ssub.s32 @!p1 s16, s14  }
0x11: {  	s18 =	smov.u32 s12;
	s16 =	sadd.s32 @!p1 $0xFFFF3D30, s15;
	s17 =	sadd.s32 @!p1 $0xFFFFFF00, s14  }
0x12: {  	s15 =	ssub.s32 @!p1 $0xC350, s15;
	p2 =	sgt.s32 @!p1 s16, $0x7F;
	p3 =	sgt.s32 @!p1 s17, $0x7F  }
0x13: {  	s14 =	ssub.s32 @!p1 $0x180, s14;
	p2 =	por !p2, p1;
	p3 =	por !p3, p1  }
0x14: {  	s16 =	sadd.s32 $0x1000, s11;
	s15 =	simm.s32 @!p2 $0x0;
	s14 =	simm.s32 @!p3 $0x0  }
0x15: {  	p2 =	sgt.s32 s16, $0xC34F;
	s14 =	smul.u32 @!p1 s14, s15;
	s15 =	sadd.s32 $0x80, s12  }
0x16: {  	s18 =	smov.u32 @p2 s15  }
0x17: {  	s16 =	smov.u32 @p2 s2;
	p2 =	sgt.s32 s18, $0x17F  }
0x18: {  	s18 =	simm.s32 @p2 $0x0;
	p2 =	sne.s32 s13, s7  }
.Ltmp1:
0x19: {  	p0 =	por !p0, !p0;
	s17 =	simm.s32 @!p1 $0x2;
	(pc) =	sbr.rel @!p2 .LBB1_6-.Ltmp1, $4  }
0x1a: {  	s15 =	smov.u32 s9;
	s9 =	smov.u32 s11;
	s14 =	sand.u32 @!p1 $0x3FFFFFFF, s14  }
0x1b: {  	s11 =	smov.u32 s16;
	_ =	swait.ge @!p1 [sflag:s17], s14;
	s19 =	ssub.s32 @!p1 $0x0, s14  }
0x1c: {  	s14 =	smov.u32 s10;
	s13 =	sadd.s32 $0x1, s13;
	[sflag:s17] =	ssyncset.done @!p1 $0x0  }
0x1d: {  	s10 =	smov.u32 s12;
	s12 =	smov.u32 s18;
	[sflag:s17] =	ssyncadd.s32 @!p1 s19  }
.LBB1_1:
0x1e: {  	p1 =	sge.u32 s13, s6  }
0x1f: {  	s16 =	sshrl.u32 @!p1 s12, $0x3  }
0x20: {  	s17 =	sshll.u32 @!p1 s11, $0x3;
	s16 =	smul.u32 @!p1 $0x61C00, s16  }
0x21: {  	s18 =	sshll.u32 @!p1 s12, $0x7;
	s17 =	sand.u32 @!p1 $0xFFFFFC00, s17  }
0x22: {  	s16 =	sadd.s32 @!p1 s16, s17;
	s17 =	sand.u32 @!p1 $0x380, s18  }
0x23: {  	s18 =	sand.u32 @!p1 $0x7F, s11;
	s16 =	sor.u32 @!p1 s17, s16  }
0x24: {  	s17 =	sor.u32 @!p1 s18, s16;
	s16 =	smulhi.u32 @!p1 $0xA79C7B17, s16  }
0x25: {  	s18 =	smulhi.u32 @!p1 $0xA79C7B17, s17  }
0x26: {  	s16 =	sshrl.u32 @!p1 s16, $0xF  }
0x27: {  	s18 =	sshrl.u32 @!p1 s18, $0xF;
	s19 =	smulhi.u32 @!p1 $0xAAAAAB, s16  }
0x28: {  	s18 =	smul.u32 @!p1 $0xC380, s18  }
0x29: {  	s19 =	smul.u32 @!p1 $0x180, s19  }
0x2a: {  	s20 =	sxor.u32 @!p1 $0xFFFFFFFF, s13  }
0x2b: {  	s17 =	ssub.s32 @!p1 s17, s18;
	s18 =	sshll.u32 @!p1 s20, $0xE;
	s16 =	ssub.s32 @!p1 s16, s19  }
0x2c: {  	s19 =	sshrl.u32 @!p1 s17, $0x3;
	s17 =	sand.u32 @!p1 $0x7, s17;
	s16 =	smul.u32 @!p1 $0x1870, s16  }
0x2d: {  	s18 =	sand.u32 @!p1 $0x4000, s18;
	s19 =	sadd.s32 @!p1 s4, s19;
	s17 =	sshll.u32 @!p1 s17, $0x12  }
0x2e: {  	s17 =	sor.u32 @!p1 $0x400, s17;
	s16 =	sadd.s32 @!p1 s16, s19;
	s19 =	simm.s32 @!p1 $0x61C00  }
0x2f: {  	[tilespmem:s18], [sflag:$0x1] =	stream.strided.gather @!p1 [hbm4b:s16+s17], $0x4000, s19, s17, $0x38;
	[tilespmem:$0x10100] =	vst v63  }
0x30: {  	p1 =	seq.s32 s13, $0x0  }
0x31: {  	p2 =	sge.u32 @!p1 s13, s7  }
0x32: {  	p1 =	por p1, p2  }
.Ltmp2:
0x33: {  	_ = 	snop;
	(pc) =	sbr.rel @p1 .LBB1_5-.Ltmp2, $1  }
0x34: {  	_ =	sdelay $0x3  }
0x35: {  	s16 =	simm.s32 $0x1  }
0x36: {  	_ =	swait.ge [sflag:s3], $0x4000;
	s16 =	simm.s32 @!p0 $0x0  }
0x37: {  	[sflag:s3] =	ssyncset.done $0x0;
	s17 =	sshll.u32 s16, $0xE  }
0x38: {  	[sflag:s3] =	ssyncadd.s32 $0xFFFFC000;
	s17 =	sor.u32 $0x40, s17  }
0x39: {  	s16 =	smul.u32 $0x10200, s16;
	v0 =	vld [tilespmem:s17+$0x30]  }
0x3a: {  	v1 =	vld [tilespmem:s17+$0xFFFFFFD0]  }
0x3b: {  	s16 =	sshrl.u32 s16, $0x2;
	v5 =	vld [tilespmem:s17+$0xFFFFFFE0]  }
0x3c: {  	v6 =	vld [tilespmem:s17+$0xFFFFFFF0];
	s19 =	sor.u32 $0x8000, s16  }
0x3d: {  	s31 =	sand.u32 $0x1, s13;
	v4 =	vld [tilespmem:s17+$0x0];
	s18 =	sadd.s32 $0x0, s19  }
0x3e: {  	v3 =	vld [tilespmem:s17+$0x10];
	s16 =	smul.u32 $0x10200, s31;
	[tilespmem:s18+$0x3870 ss:$0x81] =	vst.msk $0xffff, v0  }
0x3f: {  	v2 =	vld [tilespmem:s17+$0x20];
	[tilespmem:s18+$0x810 ss:$0x81] =	vst.msk $0xffff, v1  }
0x40: {  	s16 =	sshrl.u32 s16, $0x2;
	v0 =	vld [tilespmem:s17+$0xFFFFFFC0];
	[tilespmem:s18+$0x1020 ss:$0x81] =	vst.msk $0xffff, v5;
	s17 =	sadd.s32 $0x80, s17  }
0x41: {  	s20 =	simm.s32 $0x4;
	s21 =	simm.s32 $0x8;
	s16 =	sor.u32 $0x8000, s16;
	[tilespmem:s18+$0x1830 ss:$0x81] =	vst.msk $0xffff, v6;
	v1 =	vld [tilespmem:s17+$0x30]  }
.LBB1_3:
0x42: {  	p1 =	sne.s32 s21, $0x1FC;
	v5 =	vld [tilespmem:s17+$0xFFFFFFD0];
	[tilespmem:s18+$0x2040 ss:$0x81] =	vst.msk $0xffff, v4  }
0x43: {  	v6 =	vld [tilespmem:s17+$0xFFFFFFE0];
	[tilespmem:s18+$0x2850 ss:$0x81] =	vst.msk $0xffff, v3  }
0x44: {  	s22 =	sshra.s32 s20, $0x2;
	s20 =	smov.u32 s21;
	v7 =	vld [tilespmem:s17+$0xFFFFFFF0];
	[tilespmem:s18+$0x3060 ss:$0x81] =	vst.msk $0xffff, v2  }
.Ltmp3:
0x45: {  	v4 =	vld [tilespmem:s17+$0x0];
	[tilespmem:s18+$0x0 ss:$0x81] =	vst.msk $0xffff, v0;
	s18 =	sadd.s32 s22, s19;
	(pc) =	sbr.rel @p1 .LBB1_3-.Ltmp3, $4  }
0x46: {  	v3 =	vld [tilespmem:s17+$0x10];
	[tilespmem:s18+$0x3870 ss:$0x81] =	vst.msk $0xffff, v1  }
0x47: {  	[tilespmem:s18+$0x810 ss:$0x81] =	vst.msk $0xffff, v5;
	v2 =	vld [tilespmem:s17+$0x20]  }
0x48: {  	v0 =	vld [tilespmem:s17+$0xFFFFFFC0];
	[tilespmem:s18+$0x1020 ss:$0x81] =	vst.msk $0xffff, v6;
	s17 =	sadd.s32 $0x80, s17  }
0x49: {  	s21 =	sadd.s32 $0x4, s21;
	v1 =	vld [tilespmem:s17+$0x30];
	[tilespmem:s18+$0x1830 ss:$0x81] =	vst.msk $0xffff, v7  }
0x4a: {  	s21 =	sshrl.u32 s9, $0x3  }
0x4b: {  	s22 =	sshll.u32 s10, $0x3;
	s23 =	sshll.u32 s9, $0x7;
	s20 =	sshra.s32 s20, $0x2  }
0x4c: {  	s29 =	sand.u32 $0x7F, s10;
	p1 =	sgt.s32 s9, $0xC2D0;
	s21 =	smul.u32 $0xC00, s21  }
0x4d: {  	s24 =	sshra.s32 s9, $0x1F;
	s25 =	sshra.s32 s10, $0x1F;
	s22 =	sand.u32 $0xFFFFFC00, s22  }
0x4e: {  	s28 =	sand.u32 $0x380, s23;
	s23 =	smov.u32 s9;
	s21 =	sadd.s32 s22, s21  }
0x4f: {  	s24 =	sand.u32 s24, s9;
	s25 =	sand.u32 s25, s10;
	s21 =	sor.u32 s28, s21  }
0x50: {  	s23 =	simm.s32 @!p1 $0xC2D0;
	s30 =	sor.u32 s29, s21;
	s21 =	smulhi.u32 $0xAAAAAAAB, s21  }
0x51: {  	v5 =	vld [tilespmem:s17+$0xFFFFFFD0];
	[tilespmem:s18+$0x2040 ss:$0x81] =	vst.msk $0xffff, v4;
	p1 =	sgt.s32 s10, $0x100;
	s23 =	ssub.s32 s23, s24;
	s24 =	smov.u32 s10  }
0x52: {  	v58 =	vld [tilespmem:s17+$0xFFFFFFE0];
	[tilespmem:s18+$0x2850 ss:$0x81] =	vst.msk $0xffff, v3;
	s24 =	simm.s32 @!p1 $0x100;
	s31 =	smulhi.u32 $0xAAAAAAAB, s30;
	s21 =	sshrl.u32 s21, $0x8  }
0x53: {  	v59 =	vld [tilespmem:s17+$0xFFFFFFF0];
	[tilespmem:s18+$0x3060 ss:$0x81] =	vst.msk $0xffff, v2;
	s27 =	sadd.s32 $0xFFFF3D30, s23;
	s24 =	ssub.s32 s24, s25;
	s26 =	smulhi.u32 $0x14F8B59, s21  }
0x54: {  	v60 =	vld [tilespmem:s17+$0x0];
	s19 =	sadd.s32 s20, s19;
	[tilespmem:s18+$0x0 ss:$0x81] =	vst.msk $0xffff, v0;
	p1 =	sgt.s32 s27, $0x7F;
	s28 =	sadd.s32 $0xFFFFFF00, s24  }
0x55: {  	v61 =	vld [tilespmem:s17+$0x10];
	[tilespmem:s19+$0x3870 ss:$0x81] =	vst.msk $0xffff, v1;
	p2 =	sgt.s32 s28, $0x7F;
	s22 =	sshrl.u32 s31, $0x8;
	s18 =	sshrl.u32 s26, $0x8  }
0x56: {  	v62 =	vld [tilespmem:s17+$0x20];
	[tilespmem:s19+$0x810 ss:$0x81] =	vst.msk $0xffff, v5;
	s29 =	smul.u32 $0xC350, s18;
	s18 =	ssub.s32 $0xC350, s23;
	s23 =	ssub.s32 $0x180, s24  }
0x57: {  	v63 =	vld [tilespmem:s17+$0xFFFFFFC0];
	[tilespmem:s19+$0x1020 ss:$0x81] =	vst.msk $0xffff, v58;
	s22 =	smul.u32 $0x180, s22;
	s18 =	simm.s32 @p1 $0x0;
	s23 =	simm.s32 @p2 $0x0  }
0x58: {  	[tilespmem:s19+$0x1830 ss:$0x81] =	vst.msk $0xffff, v59;
	s18 =	smul.u32 s23, s18  }
.Ltmp4:
0x59: {  	[tilespmem:s19+$0x2040 ss:$0x81] =	vst.msk $0xffff, v60;
	s20 =	ssub.s32 s30, s22;
	s17 =	ssub.s32 s21, s29;
	(pc) =	sbr.rel .LBB1_5-.Ltmp4, $4  }
0x5a: {  	[tilespmem:s19+$0x2850 ss:$0x81] =	vst.msk $0xffff, v61;
	s30 =	sshrl.u32 s20, $0x3;
	s20 =	sand.u32 $0x7, s20;
	s17 =	smul.u32 $0x30, s17  }
0x5b: {  	[tilespmem:s19+$0x3060 ss:$0x81] =	vst.msk $0xffff, v62;
	s21 =	sadd.s32 s5, s30;
	s20 =	sshll.u32 s20, $0x12  }
0x5c: {  	[tilespmem:s19+$0x0 ss:$0x81] =	vst.msk $0xffff, v63;
	s31 =	sor.u32 $0x400, s20;
	s18 =	sand.u32 $0x3FFFFFFF, s18;
	s17 =	sadd.s32 s17, s21  }
0x5d: {  	[hbm4b:s17+s31] =	stream.strided.scatter [tilespmem:s16], [sflag:$0x2], s18, s8, s31, $0x20;
	[tilespmem:$0x10100] =	vst v63  }
.LBB1_6:
0x5e: {  	_ =	sfence.sel $0x180000  }
0x5f: {  	s2 =	simm.s32 $0x1;
	[bflag:$0x0] =	sbarrier.arrive $0xFFFF  }
0x60: {  	s31 =	simm.s32 $0x2;
	[sflag:s2] =	ssyncpa.u1 $0x1  }
0x61: {  	[sflag:s31] =	ssyncpa.u1 $0x1  }
0x62: {  	p0 =	sne.s32 s0, $0x0;
	_ =	strace $0x90000047  }
0x63: {  	s0 =	sadd.s32 @!p0 $0x100000, s1;
	[bflag:$0x2] =	sbarrier.arrive $0xFFFF  }
0x64: {  	[sflag:s0] =	ssyncadd.tile.s32 @!p0 $0x1;
	_ =	shalt  }
.Lfunc_end1:
_tile_overlayer_lowered:
.L_overlay_start_2:
0x65: {  	(tag) =	ssettag $0x2  }
0x66: {  	s0 =	rddreg [dreg:$0x0];
	s2 =	stileid.u32  }
0x67: {  	s1 =	rddreg [dreg:$0x1];
	p0 =	sne.s32 s2, $0x0  }
0x68: {  	s3 =	rddreg [dreg:$0x2];
	[bflag:$0x3] =	sbarrier.arrive $0xFFFF;
	s2 =	simm.s32 @!p0 $0x1C01  }
0x69: {  	[timem:s3], [sflag:s2] =	dma.local @!p0 [hbm:s0], s1  }
0x6a: {  	s0 =	simm.s32 @!p0 $0x1  }
0x6b: {  	_ =	swait.ge @!p0 [sflag:s0], s1  }
0x6c: {  	s1 =	ssub.s32 @!p0 $0x0, s1;
	[sflag:s0] =	ssyncset.done @!p0 $0x0  }
0x6d: {  	[sflag:s0] =	ssyncadd.s32 @!p0 s1  }
0x6e: {  	[bflag:$0x3] =	sbarrier.arrive $0xFFFF  }
0x6f: {  	_ =	shalt  }

</sc_bundles>
